<compile_context>
chip_gen: v7x
topology: tpu7x:2x2x1
jax: 0.10.2.dev20260603
libtpu: 0.0.44.dev20260713+nightly
codegen_flags: <defaults>
</compile_context>

<pallas_src>
import functools

import jax
import jax.numpy as jnp
import numpy as np
from jax import lax
from jax.experimental import pallas as pl
from jax.experimental.pallas import tpu as pltpu
from jax.experimental.pallas import tpu_sc as plsc

NC = 2
NS = 16
NW = NC * NS
CHUNK = 128
CW = 80
NBUF = 4
AHEAD = 2
RB = 1280


def _sc_segment_sum(dim, with_count):

  def body(h_hbm, src_hbm, dst_hbm, *rest):
    if with_count:
      agg_out, cnt_out = rest[0], rest[1]
      rest = rest[2:]
    else:
      agg_out = rest[0]
      cnt_out = None
      rest = rest[1:]
    idx_src, idx_dst, rows_v, ones_v, zcnt_v = rest[:5]
    gsem = rest[5:5 + NBUF]
    ssem = rest[5 + NBUF:5 + 2 * NBUF]
    csem = rest[5 + 2 * NBUF]
    acc_sh = rest[6 + 2 * NBUF]
    cnt_sh = rest[7 + 2 * NBUF] if with_count else None

    np_rows = h_hbm.shape[0]
    rows_per_tile = np_rows // NS

    c = lax.axis_index("c")
    s = lax.axis_index("s")
    wid = s * NC + c

    def gather_start(i, b):
      pltpu.async_copy(h_hbm.at[idx_src.at[i]], rows_v.at[b], gsem[b])

    def gather_wait(i, b):
      pltpu.make_async_copy(h_hbm.at[idx_src.at[i]], rows_v.at[b],
                            gsem[b]).wait()

    def scatter_start(i, b):
      pltpu.async_copy(rows_v.at[b], acc_sh.at[idx_dst.at[i]], ssem[b],
                       add=True)

    def scatter_wait(i, b):
      pltpu.make_async_copy(rows_v.at[b], acc_sh.at[idx_dst.at[i]],
                            ssem[b]).wait()

    src_cp = pltpu.make_async_copy(src_hbm.at[pl.ds(wid * CW, CW), :],
                                   idx_src, gsem[2])
    dst_cp = pltpu.make_async_copy(dst_hbm.at[pl.ds(wid * CW, CW), :],
                                   idx_dst, gsem[3])
    pltpu.async_copy(src_hbm.at[pl.ds(wid * CW, CW), :], idx_src, gsem[2])
    pltpu.async_copy(dst_hbm.at[pl.ds(wid * CW, CW), :], idx_dst, gsem[3])

    zf = jnp.zeros((16,), jnp.float32)
    of = jnp.ones((16,), jnp.float32)

    def init_row(r, carry):
      for j in range(dim // 16):
        rows_v[NBUF - 1, r, pl.ds(j * 16, 16)] = zf
      ones_v[r, pl.ds(0, 16)] = of
      zcnt_v[r, pl.ds(0, 16)] = zf
      return carry

    lax.fori_loop(0, CHUNK, init_row, 0)

    src_cp.wait()
    for i in range(AHEAD):
      gather_start(i, i % NBUF)

    tbase = s * rows_per_tile
    for k in range(rows_per_tile // CHUNK):
      pltpu.async_copy(rows_v.at[NBUF - 1],
                       acc_sh.at[pl.ds(tbase + k * CHUNK, CHUNK), :], ssem[0])
      if with_count:
        pltpu.async_copy(zcnt_v,
                         cnt_sh.at[pl.ds(tbase + k * CHUNK, CHUNK), :],
                         ssem[1])
    dst_cp.wait()
    for k in range(rows_per_tile // CHUNK):
      pltpu.make_async_copy(
          rows_v.at[NBUF - 1],
          acc_sh.at[pl.ds(tbase + k * CHUNK, CHUNK), :], ssem[0]).wait()
      if with_count:
        pltpu.make_async_copy(
            zcnt_v, cnt_sh.at[pl.ds(tbase + k * CHUNK, CHUNK), :],
            ssem[1]).wait()
    plsc.subcore_barrier()

    def step(i, b, first, last):
      j = i + AHEAD
      bj = (b + AHEAD) % NBUF
      if not first and not last:
        scatter_wait(j - NBUF, bj)
      if not last:
        gather_start(j, bj)
      gather_wait(i, b)
      scatter_start(i, b)
      if with_count:
        pltpu.async_copy(ones_v, cnt_sh.at[idx_dst.at[i]], csem, add=True)

    for b in range(NBUF):
      step(b, b, first=(b < NBUF - AHEAD), last=False)

    def group(g, carry):
      for b in range(NBUF):
        step(g * NBUF + b, b, first=False, last=False)
      return carry

    lax.fori_loop(1, CW // NBUF - 1, group, 0)

    g = CW // NBUF - 1
    for b in range(NBUF):
      i = g * NBUF + b
      step(i, b, first=False, last=(i + AHEAD >= CW))

    for i in range(CW - NBUF, CW):
      scatter_wait(i, i % NBUF)

    if with_count:
      def drain_cnt(i, carry):
        pltpu.make_async_copy(ones_v, cnt_sh.at[idx_dst.at[0]], csem).wait()
        return carry
      lax.fori_loop(0, CW, drain_cnt, 0)

    plsc.subcore_barrier()

    pltpu.sync_copy(acc_sh.at[pl.ds(tbase, rows_per_tile), :],
                    agg_out.at[c, pl.ds(tbase, rows_per_tile), :])
    if with_count:
      pltpu.sync_copy(cnt_sh.at[pl.ds(tbase, rows_per_tile), :],
                      cnt_out.at[c, pl.ds(tbase, rows_per_tile), :])

  def call(h, src2d, dst2d):
    np_rows = h.shape[0]
    out_type = [jax.ShapeDtypeStruct((NC, np_rows, dim), jnp.float32)]
    if with_count:
      out_type.append(jax.ShapeDtypeStruct((NC, np_rows, 16), jnp.float32))
    scratch = [
        pltpu.VMEM((CW, CHUNK), jnp.int32),
        pltpu.VMEM((CW, CHUNK), jnp.int32),
        pltpu.VMEM((NBUF, CHUNK, dim), jnp.float32),
        pltpu.VMEM((CHUNK, 16), jnp.float32),
        pltpu.VMEM((CHUNK, 16), jnp.float32),
    ]
    scratch += [pltpu.SemaphoreType.DMA] * (2 * NBUF + 1)
    scratch.append(pltpu.VMEM_SHARED((np_rows, dim), jnp.float32))
    if with_count:
      scratch.append(pltpu.VMEM_SHARED((np_rows, 16), jnp.float32))
    fn = pl.kernel(
        body,
        out_type=tuple(out_type),
        mesh=plsc.VectorSubcoreMesh(core_axis_name="c", subcore_axis_name="s",
                                    num_cores=NC, num_subcores=NS),
        scratch_types=tuple(scratch),
        compiler_params=pltpu.CompilerParams(use_tc_tiling_on_sc=False),
    )
    return fn(h, src2d, dst2d)

  return call


def _tc_project(x, wl, wr, b):
  rows, d = x.shape
  h = wl.shape[1]
  hh = h // 2

  def body(x_ref, wl_ref, wr_ref, b_ref, ha_ref, hb_ref, r_ref):
    xb = x_ref[...]
    hv = jnp.dot(xb, wl_ref[...], preferred_element_type=jnp.float32)
    ha_ref[...] = _pack2(hv[:, :hh])
    hb_ref[...] = _pack2(hv[:, hh:])
    r_ref[...] = (jnp.dot(xb, wr_ref[...], preferred_element_type=jnp.float32)
                  + b_ref[...])

  return pl.pallas_call(
      body,
      grid=(rows // RB,),
      in_specs=[
          pl.BlockSpec((RB, d), lambda i: (i, 0)),
          pl.BlockSpec((d, h), lambda i: (0, 0)),
          pl.BlockSpec((d, h), lambda i: (0, 0)),
          pl.BlockSpec((1, h), lambda i: (0, 0)),
      ],
      out_specs=[
          pl.BlockSpec((RB // 2, 2 * hh), lambda i: (i, 0)),
          pl.BlockSpec((RB // 2, 2 * hh), lambda i: (i, 0)),
          pl.BlockSpec((RB, h), lambda i: (i, 0)),
      ],
      out_shape=[
          jax.ShapeDtypeStruct((rows // 2, 2 * hh), jnp.float32),
          jax.ShapeDtypeStruct((rows // 2, 2 * hh), jnp.float32),
          jax.ShapeDtypeStruct((rows, h), jnp.float32),
      ],
  )(x, wl, wr, b)


def _pack2(v):
  m2, w = v.shape
  t = v.reshape(m2 // 2, 2, w)
  return jnp.concatenate([t[:, 0, :], t[:, 1, :]], axis=1)


def _unpack2(v, w):
  s = jnp.concatenate([v[:, :w][:, None, :], v[:, w:][:, None, :]], axis=1)
  return s.reshape(2 * v.shape[0], w)



def _tc_mid(agga, aggb, cnt, r1, wl, wr, b):
  rows, d = r1.shape
  dh = d // 2
  h = wl.shape[1]

  def body(agga_ref, aggb_ref, cnt_ref, r1_ref, wl_ref, wr_ref, b_ref,
           h_ref, r_ref):
    cb = cnt_ref[0] + cnt_ref[1]
    inv = 1.0 / jnp.maximum(cb[:, :1], 1.0)
    mean = jnp.concatenate(
        [_unpack2(agga_ref[0] + agga_ref[1], dh),
         _unpack2(aggb_ref[0] + aggb_ref[1], dh)], axis=1) * inv
    z = jnp.maximum(mean + r1_ref[...], 0.0)
    h_ref[...] = _pack2(
        jnp.dot(z, wl_ref[...], preferred_element_type=jnp.float32))
    r_ref[...] = (jnp.dot(z, wr_ref[...], preferred_element_type=jnp.float32)
                  + b_ref[...])

  return pl.pallas_call(
      body,
      grid=(rows // RB,),
      in_specs=[
          pl.BlockSpec((NC, RB // 2, 2 * dh), lambda i: (0, i, 0)),
          pl.BlockSpec((NC, RB // 2, 2 * dh), lambda i: (0, i, 0)),
          pl.BlockSpec((NC, RB, 16), lambda i: (0, i, 0)),
          pl.BlockSpec((RB, d), lambda i: (i, 0)),
          pl.BlockSpec((d, h), lambda i: (0, 0)),
          pl.BlockSpec((d, h), lambda i: (0, 0)),
          pl.BlockSpec((1, h), lambda i: (0, 0)),
      ],
      out_specs=[
          pl.BlockSpec((RB // 2, 2 * h), lambda i: (i, 0)),
          pl.BlockSpec((RB, h), lambda i: (i, 0)),
      ],
      out_shape=[
          jax.ShapeDtypeStruct((rows // 2, 2 * h), jnp.float32),
          jax.ShapeDtypeStruct((rows, h), jnp.float32),
      ],
  )(agga, aggb, cnt, r1, wl, wr, b)


def _tc_final(agg, cnt, r2, n):
  h = r2.shape[1]
  rb = n // 5

  def body(agg_ref, cnt_ref, r2_ref, o_ref):
    cb = cnt_ref[0] + cnt_ref[1]
    inv = 1.0 / jnp.maximum(cb[:, :1], 1.0)
    o_ref[...] = _unpack2(agg_ref[0] + agg_ref[1], h) * inv + r2_ref[...]

  return pl.pallas_call(
      body,
      grid=(5,),
      in_specs=[
          pl.BlockSpec((NC, rb // 2, 2 * h), lambda i: (0, i, 0)),
          pl.BlockSpec((NC, rb, 16), lambda i: (0, i, 0)),
          pl.BlockSpec((rb, h), lambda i: (i, 0)),
      ],
      out_specs=pl.BlockSpec((rb, h), lambda i: (i, 0)),
      out_shape=jax.ShapeDtypeStruct((n, h), jnp.float32),
  )(agg, cnt, r2)


@jax.jit
def kernel(x, edge_index, W1_l, b1, W1_r, W2_l, b2, W2_r):
  n, d = x.shape
  e = edge_index.shape[1]

  np_rows = ((n + 240 + NS * CHUNK - 1) // (NS * CHUNK)) * (NS * CHUNK)
  ep = ((e + NW * CW * CHUNK - 1) // (NW * CW * CHUNK)) * (NW * CW * CHUNK)
  pad_e = ep - e
  n_dummy = np_rows - n

  src = edge_index[0]
  dst = edge_index[1]
  pad_ids = np.arange(pad_e, dtype=np.int32)
  src_p = jnp.concatenate([src, jnp.asarray(pad_ids % n)])
  dst_p = jnp.concatenate([dst, jnp.asarray(n + pad_ids % n_dummy)])
  src2d = src_p.reshape(NW * CW * (ep // (NW * CW * CHUNK)), CHUNK)
  dst2d = dst_p.reshape(src2d.shape)

  x_p = jnp.pad(x, ((0, np_rows - n), (0, 0)))
  b1r = b1.reshape(1, -1)
  b2r = b2.reshape(1, -1)

  h1a, h1b, r1 = _tc_project(x_p, W1_l.T, W1_r.T, b1r)
  seg = _sc_segment_sum(d // 2, True)
  seg_nc = _sc_segment_sum(d // 2, False)
  (agg1b,) = seg_nc(h1b.reshape(np_rows, d // 2), src2d, dst2d)
  agg1a, cnt = seg(h1a.reshape(np_rows, d // 2), src2d, dst2d)
  h2, r2 = _tc_mid(agg1a.reshape(NC, np_rows // 2, 128),
                   agg1b.reshape(NC, np_rows // 2, 128),
                   cnt, r1, W2_l.T, W2_r.T, b2r)
  (agg2,) = seg_nc(h2.reshape(np_rows, h2.shape[1] // 2), src2d, dst2d)
  return _tc_final(agg2.reshape(NC, np_rows // 2, 128), cnt, r2, n)

# --- scband reference (transcript-rebuilt; emitter-appended) ---
"""Pipeline reference for scband-recon-encoder-26680336843514 (READ-ONLY COPY).

The authoritative reference and input builder live on the scoring server;
editing this copy changes nothing except your own understanding.
"""

import jax, jax.numpy as jnp
import numpy as np

N = 10000
E = 320000
D = 128
H = 128
L = 64


def setup_inputs(seed: int = 0) -> dict:
    key = jax.random.key(seed)
    ks = jax.random.split(key, 10)
    x = jax.random.normal(ks[0], (N, D), dtype=jnp.float32)
    edge_index = jax.random.randint(ks[1], (2, E), 0, N, dtype=jnp.int32)
    # SAGEConv layer 1 params (PyG: lin_l has bias, lin_r has no bias)
    W1_l = jax.random.normal(ks[2], (H, D), dtype=jnp.float32) * (1.0 / np.sqrt(D))
    b1 = jnp.zeros((H,), dtype=jnp.float32)
    W1_r = jax.random.normal(ks[3], (H, D), dtype=jnp.float32) * (1.0 / np.sqrt(D))
    # SAGEConv layer 2 params
    W2_l = jax.random.normal(ks[4], (L, H), dtype=jnp.float32) * (1.0 / np.sqrt(H))
    b2 = jnp.zeros((L,), dtype=jnp.float32)
    W2_r = jax.random.normal(ks[5], (L, H), dtype=jnp.float32) * (1.0 / np.sqrt(H))
    return {"x": x, "edge_index": edge_index, "W1_l": W1_l, "b1": b1,
            "W1_r": W1_r, "W2_l": W2_l, "b2": b2, "W2_r": W2_r}


def _sage_conv(x, src, dst, W_l, b_l, W_r, n_nodes):
    # PyG SAGEConv with mean aggregation:
    # out = lin_l(mean_{j in N(i)} x_j) + lin_r(x_i)
    msgs = jnp.take(x, src, axis=0)                                   # gather  [E, d]
    agg = jax.ops.segment_sum(msgs, dst, num_segments=n_nodes)        # scatter-add
    cnt = jax.ops.segment_sum(jnp.ones((src.shape[0],), x.dtype), dst,
                              num_segments=n_nodes)
    mean = agg / jnp.clip(cnt, 1.0, None)[:, None]
    return mean @ W_l.T + b_l + x @ W_r.T


def reference(x, edge_index, W1_l, b1, W1_r, W2_l, b2, W2_r):
    src = edge_index[0]
    dst = edge_index[1]
    n = x.shape[0]
    z = _sage_conv(x, src, dst, W1_l, b1, W1_r, n)
    z = jax.nn.relu(z)
    z = _sage_conv(z, src, dst, W2_l, b2, W2_r, n)
    return z

if __name__ == "__main__":
    import jax
    _d = setup_inputs()
    print(jax.jit(kernel)(*tuple(_d.values())))

</pallas_src>

<mosaic_0001>
#map = affine_map<(d0, d1) -> (0, 0)>
#map1 = affine_map<(d0, d1) -> (0, 0, 0)>
module attributes {stable_mosaic.version = 14 : i64} {
  func.func @body(%arg0: i32, %arg1: i32, %arg2: memref<10240x64xf32, #tpu.memory_space<hbm>>, %arg3: memref<2560x128xi32, #tpu.memory_space<hbm>>, %arg4: memref<2560x128xi32, #tpu.memory_space<hbm>>, %arg5: memref<2x10240x64xf32, #tpu.memory_space<hbm>>, %arg6: memref<80x128xi32, #tpu.memory_space<vmem>>, %arg7: memref<80x128xi32, #tpu.memory_space<vmem>>, %arg8: memref<4x128x64xf32, #tpu.memory_space<vmem>>, %arg9: memref<128x16xf32, #tpu.memory_space<vmem>>, %arg10: memref<128x16xf32, #tpu.memory_space<vmem>>, %arg11: memref<!tpu.dma_semaphore, #tpu.memory_space<semaphore_mem>>, %arg12: memref<!tpu.dma_semaphore, #tpu.memory_space<semaphore_mem>>, %arg13: memref<!tpu.dma_semaphore, #tpu.memory_space<semaphore_mem>>, %arg14: memref<!tpu.dma_semaphore, #tpu.memory_space<semaphore_mem>>, %arg15: memref<!tpu.dma_semaphore, #tpu.memory_space<semaphore_mem>>, %arg16: memref<!tpu.dma_semaphore, #tpu.memory_space<semaphore_mem>>, %arg17: memref<!tpu.dma_semaphore, #tpu.memory_space<semaphore_mem>>, %arg18: memref<!tpu.dma_semaphore, #tpu.memory_space<semaphore_mem>>, %arg19: memref<!tpu.dma_semaphore, #tpu.memory_space<semaphore_mem>>, %arg20: memref<10240x64xf32, #tpu.memory_space<vmem_shared>>) attributes {dimension_semantics = [#tpu.dimension_semantics<core_parallel>, #tpu.dimension_semantics<subcore_parallel>], iteration_bounds = array<i64: 2, 16>, scalar_prefetch = 0 : i64, scratch_operands = 15 : i64, tpu.core_type = #tpu.core_type<sc_vector_subcore>, window_params = [{transform_indices = #map}, {transform_indices = #map}, {transform_indices = #map}, {transform_indices = #map1}]} {
    %mul3A = arith.constant 2 : i32
    %mul3A_0 = arith.muli %arg1, %mul3A : i32
    %add3A = arith.addi %mul3A_0, %arg0 : i32
    %mul3A_1 = arith.constant 80 : i32
    %mul3A_2 = arith.muli %add3A, %mul3A_1 : i32
    %mul3A_3 = arith.constant 80 : i32
    %mul3A_4 = arith.muli %add3A, %mul3A_3 : i32
    %mul3A_5 = arith.constant 80 : i32
    %mul3A_6 = arith.muli %add3A, %mul3A_5 : i32
    %dma_start3A = arith.constant 0 : i32
    %dma_start3A_7 = tpu.memref_slice %arg3[%mul3A_6, %dma_start3A] : memref<2560x128xi32, #tpu.memory_space<hbm>> -> memref<80x128xi32, #tpu.memory_space<hbm>>
    %dma_start3A_8 = arith.constant 0 : i32
    %dma_start3A_9 = tpu.memref_slice %arg3[%mul3A_6, %dma_start3A_8] : memref<2560x128xi32, #tpu.memory_space<hbm>> -> memref<80x128xi32, #tpu.memory_space<hbm>>
    tpu.enqueue_dma source(%dma_start3A_9 : memref<80x128xi32, #tpu.memory_space<hbm>>) target(%arg6 : memref<80x128xi32, #tpu.memory_space<vmem>>) target_semaphore(%arg13 : memref<!tpu.dma_semaphore, #tpu.memory_space<semaphore_mem>>)
    %mul3A_10 = arith.constant 80 : i32
    %mul3A_11 = arith.muli %add3A, %mul3A_10 : i32
    %dma_start3A_12 = arith.constant 0 : i32
    %dma_start3A_13 = tpu.memref_slice %arg4[%mul3A_11, %dma_start3A_12] : memref<2560x128xi32, #tpu.memory_space<hbm>> -> memref<80x128xi32, #tpu.memory_space<hbm>>
    %dma_start3A_14 = arith.constant 0 : i32
    %dma_start3A_15 = tpu.memref_slice %arg4[%mul3A_11, %dma_start3A_14] : memref<2560x128xi32, #tpu.memory_space<hbm>> -> memref<80x128xi32, #tpu.memory_space<hbm>>
    tpu.enqueue_dma source(%dma_start3A_15 : memref<80x128xi32, #tpu.memory_space<hbm>>) target(%arg7 : memref<80x128xi32, #tpu.memory_space<vmem>>) target_semaphore(%arg14 : memref<!tpu.dma_semaphore, #tpu.memory_space<semaphore_mem>>)
    %broadcast_in_dim3A = arith.constant 0.000000e+00 : f32
    %broadcast_in_dim3A_16 = vector.broadcast %broadcast_in_dim3A : f32 to vector<16xf32>
    %broadcast_in_dim3A_17 = arith.constant 1.000000e+00 : f32
    %broadcast_in_dim3A_18 = vector.broadcast %broadcast_in_dim3A_17 : f32 to vector<16xf32>
    %scan3A = arith.constant 0 : i32
    %scan3A_19 = arith.constant 0 : i32
    %scan3A_20 = arith.constant 128 : i32
    %scan3A_21 = arith.addi %scan3A_19, %scan3A_20 : i32
    %scan3A_22 = arith.constant 1 : i32
    scf.for %scan3A_574 = %scan3A_19 to %scan3A_21 step %scan3A_22  : i32 {
      %swap3A = arith.constant 3 : i32
      %swap3A_575 = arith.index_cast %swap3A : i32 to index
      %swap3A_576 = arith.index_cast %scan3A_574 : i32 to index
      %swap3A_577 = arith.constant 0 : index
      %swap3A_578 = tpu.vector_load %arg8[%swap3A_575, %swap3A_576, %swap3A_577] {strides = array<i32>} : memref<4x128x64xf32, #tpu.memory_space<vmem>>, vector<1x1x16xf32>,
      %swap3A_579 = vector.shape_cast %swap3A_578 : vector<1x1x16xf32> to vector<16xf32>
      %swap3A_580 = vector.shape_cast %broadcast_in_dim3A_16 : vector<16xf32> to vector<1x1x16xf32>
      tpu.vector_store %arg8[%swap3A_575, %swap3A_576, %swap3A_577], %swap3A_580 {strides = array<i32>} : memref<4x128x64xf32, #tpu.memory_space<vmem>>, vector<1x1x16xf32>,
      %swap3A_581 = arith.constant 3 : i32
      %swap3A_582 = arith.index_cast %swap3A_581 : i32 to index
      %swap3A_583 = arith.index_cast %scan3A_574 : i32 to index
      %swap3A_584 = arith.constant 16 : index
      %swap3A_585 = tpu.vector_load %arg8[%swap3A_582, %swap3A_583, %swap3A_584] {strides = array<i32>} : memref<4x128x64xf32, #tpu.memory_space<vmem>>, vector<1x1x16xf32>,
      %swap3A_586 = vector.shape_cast %swap3A_585 : vector<1x1x16xf32> to vector<16xf32>
      %swap3A_587 = vector.shape_cast %broadcast_in_dim3A_16 : vector<16xf32> to vector<1x1x16xf32>
      tpu.vector_store %arg8[%swap3A_582, %swap3A_583, %swap3A_584], %swap3A_587 {strides = array<i32>} : memref<4x128x64xf32, #tpu.memory_space<vmem>>, vector<1x1x16xf32>,
      %swap3A_588 = arith.constant 3 : i32
      %swap3A_589 = arith.index_cast %swap3A_588 : i32 to index
      %swap3A_590 = arith.index_cast %scan3A_574 : i32 to index
      %swap3A_591 = arith.constant 32 : index
      %swap3A_592 = tpu.vector_load %arg8[%swap3A_589, %swap3A_590, %swap3A_591] {strides = array<i32>} : memref<4x128x64xf32, #tpu.memory_space<vmem>>, vector<1x1x16xf32>,
      %swap3A_593 = vector.shape_cast %swap3A_592 : vector<1x1x16xf32> to vector<16xf32>
      %swap3A_594 = vector.shape_cast %broadcast_in_dim3A_16 : vector<16xf32> to vector<1x1x16xf32>
      tpu.vector_store %arg8[%swap3A_589, %swap3A_590, %swap3A_591], %swap3A_594 {strides = array<i32>} : memref<4x128x64xf32, #tpu.memory_space<vmem>>, vector<1x1x16xf32>,
      %swap3A_595 = arith.constant 3 : i32
      %swap3A_596 = arith.index_cast %swap3A_595 : i32 to index
      %swap3A_597 = arith.index_cast %scan3A_574 : i32 to index
      %swap3A_598 = arith.constant 48 : index
      %swap3A_599 = tpu.vector_load %arg8[%swap3A_596, %swap3A_597, %swap3A_598] {strides = array<i32>} : memref<4x128x64xf32, #tpu.memory_space<vmem>>, vector<1x1x16xf32>,
      %swap3A_600 = vector.shape_cast %swap3A_599 : vector<1x1x16xf32> to vector<16xf32>
      %swap3A_601 = vector.shape_cast %broadcast_in_dim3A_16 : vector<16xf32> to vector<1x1x16xf32>
      tpu.vector_store %arg8[%swap3A_596, %swap3A_597, %swap3A_598], %swap3A_601 {strides = array<i32>} : memref<4x128x64xf32, #tpu.memory_space<vmem>>, vector<1x1x16xf32>,
      %swap3A_602 = arith.index_cast %scan3A_574 : i32 to index
      %swap3A_603 = arith.constant 0 : index
      %swap3A_604 = tpu.vector_load %arg9[%swap3A_602, %swap3A_603] {strides = array<i32>} : memref<128x16xf32, #tpu.memory_space<vmem>>, vector<1x16xf32>,
      %swap3A_605 = vector.shape_cast %swap3A_604 : vector<1x16xf32> to vector<16xf32>
      %swap3A_606 = vector.shape_cast %broadcast_in_dim3A_18 : vector<16xf32> to vector<1x16xf32>
      tpu.vector_store %arg9[%swap3A_602, %swap3A_603], %swap3A_606 {strides = array<i32>} : memref<128x16xf32, #tpu.memory_space<vmem>>, vector<1x16xf32>,
      %swap3A_607 = arith.index_cast %scan3A_574 : i32 to index
      %swap3A_608 = arith.constant 0 : index
      %swap3A_609 = tpu.vector_load %arg10[%swap3A_607, %swap3A_608] {strides = array<i32>} : memref<128x16xf32, #tpu.memory_space<vmem>>, vector<1x16xf32>,
      %swap3A_610 = vector.shape_cast %swap3A_609 : vector<1x16xf32> to vector<16xf32>
      %swap3A_611 = vector.shape_cast %broadcast_in_dim3A_16 : vector<16xf32> to vector<1x16xf32>
      tpu.vector_store %arg10[%swap3A_607, %swap3A_608], %swap3A_611 {strides = array<i32>} : memref<128x16xf32, #tpu.memory_space<vmem>>, vector<1x16xf32>,
    }
    %scan3A_23 = arith.constant 128 : i32
    %dma_wait3A = arith.constant 0 : i32
    %dma_wait3A_24 = tpu.memref_slice %arg3[%mul3A_2, %dma_wait3A] : memref<2560x128xi32, #tpu.memory_space<hbm>> -> memref<80x128xi32, #tpu.memory_space<hbm>>
    %dma_wait3A_25 = arith.constant 0 : i32
    %dma_wait3A_26 = tpu.memref_slice %arg3[%mul3A_2, %dma_wait3A_25] : memref<2560x128xi32, #tpu.memory_space<hbm>> -> memref<80x128xi32, #tpu.memory_space<hbm>>
    tpu.wait_dma2 semaphore(%arg13 : memref<!tpu.dma_semaphore, #tpu.memory_space<semaphore_mem>>) src(%dma_wait3A_26 : memref<80x128xi32, #tpu.memory_space<hbm>>) dst(%arg6 : memref<80x128xi32, #tpu.memory_space<vmem>>)
    %dma_start3A_27 = arith.constant 0 : i32
    %dma_start3A_28 = arith.constant 0 : i32
    %dma_start3A_29 = arith.constant 0 : i32
    %dma_start3A_30 = arith.constant 0 : i32
    %dma_start3A_31 = tpu.memref_slice %arg8[%dma_start3A_28, %dma_start3A_29, %dma_start3A_30] : memref<4x128x64xf32, #tpu.memory_space<vmem>> -> memref<1x128x64xf32, #tpu.memory_space<vmem>>
    %dma_start3A_32 = tpu.memref_squeeze %dma_start3A_31 : memref<1x128x64xf32, #tpu.memory_space<vmem>> -> memref<128x64xf32, #tpu.memory_space<vmem>>
    %dma_start3A_33 = arith.constant 0 : i32
    %dma_start3A_34 = tpu.memref_slice %arg6[%dma_start3A_27, %dma_start3A_33] : memref<80x128xi32, #tpu.memory_space<vmem>> -> memref<1x128xi32, #tpu.memory_space<vmem>>
    %dma_start3A_35 = tpu.memref_squeeze %dma_start3A_34 : memref<1x128xi32, #tpu.memory_space<vmem>> -> memref<128xi32, #tpu.memory_space<vmem>>
    %dma_start3A_36 = arith.constant 0 : i32
    %dma_start3A_37 = arith.constant 0 : i32
    %dma_start3A_38 = tpu.memref_slice %arg2[%dma_start3A_36, %dma_start3A_37] : memref<10240x64xf32, #tpu.memory_space<hbm>> -> memref<10240x64xf32, #tpu.memory_space<hbm>>
    tpu.enqueue_indirect_dma source(%dma_start3A_38 : memref<10240x64xf32, #tpu.memory_space<hbm>>) target(%dma_start3A_32 : memref<128x64xf32, #tpu.memory_space<vmem>>) offsets(%dma_start3A_35 : memref<128xi32, #tpu.memory_space<vmem>>) semaphore(%arg11 : memref<!tpu.dma_semaphore, #tpu.memory_space<semaphore_mem>>)
    %dma_start3A_39 = arith.constant 1 : i32
    %dma_start3A_40 = arith.constant 1 : i32
    %dma_start3A_41 = arith.constant 0 : i32
    %dma_start3A_42 = arith.constant 0 : i32
    %dma_start3A_43 = tpu.memref_slice %arg8[%dma_start3A_40, %dma_start3A_41, %dma_start3A_42] : memref<4x128x64xf32, #tpu.memory_space<vmem>> -> memref<1x128x64xf32, #tpu.memory_space<vmem>>
    %dma_start3A_44 = tpu.memref_squeeze %dma_start3A_43 : memref<1x128x64xf32, #tpu.memory_space<vmem>> -> memref<128x64xf32, #tpu.memory_space<vmem>>
    %dma_start3A_45 = arith.constant 0 : i32
    %dma_start3A_46 = tpu.memref_slice %arg6[%dma_start3A_39, %dma_start3A_45] : memref<80x128xi32, #tpu.memory_space<vmem>> -> memref<1x128xi32, #tpu.memory_space<vmem>>
    %dma_start3A_47 = tpu.memref_squeeze %dma_start3A_46 : memref<1x128xi32, #tpu.memory_space<vmem>> -> memref<128xi32, #tpu.memory_space<vmem>>
    %dma_start3A_48 = arith.constant 0 : i32
    %dma_start3A_49 = arith.constant 0 : i32
    %dma_start3A_50 = tpu.memref_slice %arg2[%dma_start3A_48, %dma_start3A_49] : memref<10240x64xf32, #tpu.memory_space<hbm>> -> memref<10240x64xf32, #tpu.memory_space<hbm>>
    tpu.enqueue_indirect_dma source(%dma_start3A_50 : memref<10240x64xf32, #tpu.memory_space<hbm>>) target(%dma_start3A_44 : memref<128x64xf32, #tpu.memory_space<vmem>>) offsets(%dma_start3A_47 : memref<128xi32, #tpu.memory_space<vmem>>) semaphore(%arg12 : memref<!tpu.dma_semaphore, #tpu.memory_space<semaphore_mem>>)
    %mul3A_51 = arith.constant 640 : i32
    %mul3A_52 = arith.muli %arg1, %mul3A_51 : i32
    %add3A_53 = arith.constant 0 : i32
    %add3A_54 = arith.addi %mul3A_52, %add3A_53 : i32
    %dma_start3A_55 = arith.constant 3 : i32
    %dma_start3A_56 = arith.constant 0 : i32
    %dma_start3A_57 = arith.constant 0 : i32
    %dma_start3A_58 = tpu.memref_slice %arg8[%dma_start3A_55, %dma_start3A_56, %dma_start3A_57] : memref<4x128x64xf32, #tpu.memory_space<vmem>> -> memref<1x128x64xf32, #tpu.memory_space<vmem>>
    %dma_start3A_59 = tpu.memref_squeeze %dma_start3A_58 : memref<1x128x64xf32, #tpu.memory_space<vmem>> -> memref<128x64xf32, #tpu.memory_space<vmem>>
    %dma_start3A_60 = arith.constant 0 : i32
    %dma_start3A_61 = tpu.memref_slice %arg20[%add3A_54, %dma_start3A_60] : memref<10240x64xf32, #tpu.memory_space<vmem_shared>> -> memref<128x64xf32, #tpu.memory_space<vmem_shared>>
    %dma_start3A_62 = arith.constant 0 : i32
    %dma_start3A_63 = tpu.memref_slice %arg20[%add3A_54, %dma_start3A_62] : memref<10240x64xf32, #tpu.memory_space<vmem_shared>> -> memref<128x64xf32, #tpu.memory_space<vmem_shared>>
    %dma_start3A_64 = arith.constant 0 : i32
    %dma_start3A_65 = arith.constant 0 : i32
    %dma_start3A_66 = tpu.memref_slice %arg8[%dma_start3A_55, %dma_start3A_64, %dma_start3A_65] : memref<4x128x64xf32, #tpu.memory_space<vmem>> -> memref<1x128x64xf32, #tpu.memory_space<vmem>>
    %dma_start3A_67 = tpu.memref_squeeze %dma_start3A_66 : memref<1x128x64xf32, #tpu.memory_space<vmem>> -> memref<128x64xf32, #tpu.memory_space<vmem>>
    tpu.enqueue_dma source(%dma_start3A_67 : memref<128x64xf32, #tpu.memory_space<vmem>>) target(%dma_start3A_63 : memref<128x64xf32, #tpu.memory_space<vmem_shared>>) target_semaphore(%arg15 : memref<!tpu.dma_semaphore, #tpu.memory_space<semaphore_mem>>)
    %add3A_68 = arith.constant 128 : i32
    %add3A_69 = arith.addi %mul3A_52, %add3A_68 : i32
    %dma_start3A_70 = arith.constant 3 : i32
    %dma_start3A_71 = arith.constant 0 : i32
    %dma_start3A_72 = arith.constant 0 : i32
    %dma_start3A_73 = tpu.memref_slice %arg8[%dma_start3A_70, %dma_start3A_71, %dma_start3A_72] : memref<4x128x64xf32, #tpu.memory_space<vmem>> -> memref<1x128x64xf32, #tpu.memory_space<vmem>>
    %dma_start3A_74 = tpu.memref_squeeze %dma_start3A_73 : memref<1x128x64xf32, #tpu.memory_space<vmem>> -> memref<128x64xf32, #tpu.memory_space<vmem>>
    %dma_start3A_75 = arith.constant 0 : i32
    %dma_start3A_76 = tpu.memref_slice %arg20[%add3A_69, %dma_start3A_75] : memref<10240x64xf32, #tpu.memory_space<vmem_shared>> -> memref<128x64xf32, #tpu.memory_space<vmem_shared>>
    %dma_start3A_77 = arith.constant 0 : i32
    %dma_start3A_78 = tpu.memref_slice %arg20[%add3A_69, %dma_start3A_77] : memref<10240x64xf32, #tpu.memory_space<vmem_shared>> -> memref<128x64xf32, #tpu.memory_space<vmem_shared>>
    %dma_start3A_79 = arith.constant 0 : i32
    %dma_start3A_80 = arith.constant 0 : i32
    %dma_start3A_81 = tpu.memref_slice %arg8[%dma_start3A_70, %dma_start3A_79, %dma_start3A_80] : memref<4x128x64xf32, #tpu.memory_space<vmem>> -> memref<1x128x64xf32, #tpu.memory_space<vmem>>
    %dma_start3A_82 = tpu.memref_squeeze %dma_start3A_81 : memref<1x128x64xf32, #tpu.memory_space<vmem>> -> memref<128x64xf32, #tpu.memory_space<vmem>>
    tpu.enqueue_dma source(%dma_start3A_82 : memref<128x64xf32, #tpu.memory_space<vmem>>) target(%dma_start3A_78 : memref<128x64xf32, #tpu.memory_space<vmem_shared>>) target_semaphore(%arg15 : memref<!tpu.dma_semaphore, #tpu.memory_space<semaphore_mem>>)
    %add3A_83 = arith.constant 256 : i32
    %add3A_84 = arith.addi %mul3A_52, %add3A_83 : i32
    %dma_start3A_85 = arith.constant 3 : i32
    %dma_start3A_86 = arith.constant 0 : i32
    %dma_start3A_87 = arith.constant 0 : i32
    %dma_start3A_88 = tpu.memref_slice %arg8[%dma_start3A_85, %dma_start3A_86, %dma_start3A_87] : memref<4x128x64xf32, #tpu.memory_space<vmem>> -> memref<1x128x64xf32, #tpu.memory_space<vmem>>
    %dma_start3A_89 = tpu.memref_squeeze %dma_start3A_88 : memref<1x128x64xf32, #tpu.memory_space<vmem>> -> memref<128x64xf32, #tpu.memory_space<vmem>>
    %dma_start3A_90 = arith.constant 0 : i32
    %dma_start3A_91 = tpu.memref_slice %arg20[%add3A_84, %dma_start3A_90] : memref<10240x64xf32, #tpu.memory_space<vmem_shared>> -> memref<128x64xf32, #tpu.memory_space<vmem_shared>>
    %dma_start3A_92 = arith.constant 0 : i32
    %dma_start3A_93 = tpu.memref_slice %arg20[%add3A_84, %dma_start3A_92] : memref<10240x64xf32, #tpu.memory_space<vmem_shared>> -> memref<128x64xf32, #tpu.memory_space<vmem_shared>>
    %dma_start3A_94 = arith.constant 0 : i32
    %dma_start3A_95 = arith.constant 0 : i32
    %dma_start3A_96 = tpu.memref_slice %arg8[%dma_start3A_85, %dma_start3A_94, %dma_start3A_95] : memref<4x128x64xf32, #tpu.memory_space<vmem>> -> memref<1x128x64xf32, #tpu.memory_space<vmem>>
    %dma_start3A_97 = tpu.memref_squeeze %dma_start3A_96 : memref<1x128x64xf32, #tpu.memory_space<vmem>> -> memref<128x64xf32, #tpu.memory_space<vmem>>
    tpu.enqueue_dma source(%dma_start3A_97 : memref<128x64xf32, #tpu.memory_space<vmem>>) target(%dma_start3A_93 : memref<128x64xf32, #tpu.memory_space<vmem_shared>>) target_semaphore(%arg15 : memref<!tpu.dma_semaphore, #tpu.memory_space<semaphore_mem>>)
    %add3A_98 = arith.constant 384 : i32
    %add3A_99 = arith.addi %mul3A_52, %add3A_98 : i32
    %dma_start3A_100 = arith.constant 3 : i32
    %dma_start3A_101 = arith.constant 0 : i32
    %dma_start3A_102 = arith.constant 0 : i32
    %dma_start3A_103 = tpu.memref_slice %arg8[%dma_start3A_100, %dma_start3A_101, %dma_start3A_102] : memref<4x128x64xf32, #tpu.memory_space<vmem>> -> memref<1x128x64xf32, #tpu.memory_space<vmem>>
    %dma_start3A_104 = tpu.memref_squeeze %dma_start3A_103 : memref<1x128x64xf32, #tpu.memory_space<vmem>> -> memref<128x64xf32, #tpu.memory_space<vmem>>
    %dma_start3A_105 = arith.constant 0 : i32
    %dma_start3A_106 = tpu.memref_slice %arg20[%add3A_99, %dma_start3A_105] : memref<10240x64xf32, #tpu.memory_space<vmem_shared>> -> memref<128x64xf32, #tpu.memory_space<vmem_shared>>
    %dma_start3A_107 = arith.constant 0 : i32
    %dma_start3A_108 = tpu.memref_slice %arg20[%add3A_99, %dma_start3A_107] : memref<10240x64xf32, #tpu.memory_space<vmem_shared>> -> memref<128x64xf32, #tpu.memory_space<vmem_shared>>
    %dma_start3A_109 = arith.constant 0 : i32
    %dma_start3A_110 = arith.constant 0 : i32
    %dma_start3A_111 = tpu.memref_slice %arg8[%dma_start3A_100, %dma_start3A_109, %dma_start3A_110] : memref<4x128x64xf32, #tpu.memory_space<vmem>> -> memref<1x128x64xf32, #tpu.memory_space<vmem>>
    %dma_start3A_112 = tpu.memref_squeeze %dma_start3A_111 : memref<1x128x64xf32, #tpu.memory_space<vmem>> -> memref<128x64xf32, #tpu.memory_space<vmem>>
    tpu.enqueue_dma source(%dma_start3A_112 : memref<128x64xf32, #tpu.memory_space<vmem>>) target(%dma_start3A_108 : memref<128x64xf32, #tpu.memory_space<vmem_shared>>) target_semaphore(%arg15 : memref<!tpu.dma_semaphore, #tpu.memory_space<semaphore_mem>>)
    %add3A_113 = arith.constant 512 : i32
    %add3A_114 = arith.addi %mul3A_52, %add3A_113 : i32
    %dma_start3A_115 = arith.constant 3 : i32
    %dma_start3A_116 = arith.constant 0 : i32
    %dma_start3A_117 = arith.constant 0 : i32
    %dma_start3A_118 = tpu.memref_slice %arg8[%dma_start3A_115, %dma_start3A_116, %dma_start3A_117] : memref<4x128x64xf32, #tpu.memory_space<vmem>> -> memref<1x128x64xf32, #tpu.memory_space<vmem>>
    %dma_start3A_119 = tpu.memref_squeeze %dma_start3A_118 : memref<1x128x64xf32, #tpu.memory_space<vmem>> -> memref<128x64xf32, #tpu.memory_space<vmem>>
    %dma_start3A_120 = arith.constant 0 : i32
    %dma_start3A_121 = tpu.memref_slice %arg20[%add3A_114, %dma_start3A_120] : memref<10240x64xf32, #tpu.memory_space<vmem_shared>> -> memref<128x64xf32, #tpu.memory_space<vmem_shared>>
    %dma_start3A_122 = arith.constant 0 : i32
    %dma_start3A_123 = tpu.memref_slice %arg20[%add3A_114, %dma_start3A_122] : memref<10240x64xf32, #tpu.memory_space<vmem_shared>> -> memref<128x64xf32, #tpu.memory_space<vmem_shared>>
    %dma_start3A_124 = arith.constant 0 : i32
    %dma_start3A_125 = arith.constant 0 : i32
    %dma_start3A_126 = tpu.memref_slice %arg8[%dma_start3A_115, %dma_start3A_124, %dma_start3A_125] : memref<4x128x64xf32, #tpu.memory_space<vmem>> -> memref<1x128x64xf32, #tpu.memory_space<vmem>>
    %dma_start3A_127 = tpu.memref_squeeze %dma_start3A_126 : memref<1x128x64xf32, #tpu.memory_space<vmem>> -> memref<128x64xf32, #tpu.memory_space<vmem>>
    tpu.enqueue_dma source(%dma_start3A_127 : memref<128x64xf32, #tpu.memory_space<vmem>>) target(%dma_start3A_123 : memref<128x64xf32, #tpu.memory_space<vmem_shared>>) target_semaphore(%arg15 : memref<!tpu.dma_semaphore, #tpu.memory_space<semaphore_mem>>)
    %dma_wait3A_128 = arith.constant 0 : i32
    %dma_wait3A_129 = tpu.memref_slice %arg4[%mul3A_4, %dma_wait3A_128] : memref<2560x128xi32, #tpu.memory_space<hbm>> -> memref<80x128xi32, #tpu.memory_space<hbm>>
    %dma_wait3A_130 = arith.constant 0 : i32
    %dma_wait3A_131 = tpu.memref_slice %arg4[%mul3A_4, %dma_wait3A_130] : memref<2560x128xi32, #tpu.memory_space<hbm>> -> memref<80x128xi32, #tpu.memory_space<hbm>>
    tpu.wait_dma2 semaphore(%arg14 : memref<!tpu.dma_semaphore, #tpu.memory_space<semaphore_mem>>) src(%dma_wait3A_131 : memref<80x128xi32, #tpu.memory_space<hbm>>) dst(%arg7 : memref<80x128xi32, #tpu.memory_space<vmem>>)
    %add3A_132 = arith.constant 0 : i32
    %add3A_133 = arith.addi %mul3A_52, %add3A_132 : i32
    %dma_wait3A_134 = arith.constant 3 : i32
    %dma_wait3A_135 = arith.constant 0 : i32
    %dma_wait3A_136 = arith.constant 0 : i32
    %dma_wait3A_137 = tpu.memref_slice %arg8[%dma_wait3A_134, %dma_wait3A_135, %dma_wait3A_136] : memref<4x128x64xf32, #tpu.memory_space<vmem>> -> memref<1x128x64xf32, #tpu.memory_space<vmem>>
    %dma_wait3A_138 = tpu.memref_squeeze %dma_wait3A_137 : memref<1x128x64xf32, #tpu.memory_space<vmem>> -> memref<128x64xf32, #tpu.memory_space<vmem>>
    %dma_wait3A_139 = arith.constant 0 : i32
    %dma_wait3A_140 = tpu.memref_slice %arg20[%add3A_133, %dma_wait3A_139] : memref<10240x64xf32, #tpu.memory_space<vmem_shared>> -> memref<128x64xf32, #tpu.memory_space<vmem_shared>>
    %dma_wait3A_141 = arith.constant 0 : i32
    %dma_wait3A_142 = tpu.memref_slice %arg20[%add3A_133, %dma_wait3A_141] : memref<10240x64xf32, #tpu.memory_space<vmem_shared>> -> memref<128x64xf32, #tpu.memory_space<vmem_shared>>
    %dma_wait3A_143 = arith.constant 0 : i32
    %dma_wait3A_144 = arith.constant 0 : i32
    %dma_wait3A_145 = tpu.memref_slice %arg8[%dma_wait3A_134, %dma_wait3A_143, %dma_wait3A_144] : memref<4x128x64xf32, #tpu.memory_space<vmem>> -> memref<1x128x64xf32, #tpu.memory_space<vmem>>
    %dma_wait3A_146 = tpu.memref_squeeze %dma_wait3A_145 : memref<1x128x64xf32, #tpu.memory_space<vmem>> -> memref<128x64xf32, #tpu.memory_space<vmem>>
    tpu.wait_dma2 semaphore(%arg15 : memref<!tpu.dma_semaphore, #tpu.memory_space<semaphore_mem>>) src(%dma_wait3A_146 : memref<128x64xf32, #tpu.memory_space<vmem>>) dst(%dma_wait3A_142 : memref<128x64xf32, #tpu.memory_space<vmem_shared>>)
    %add3A_147 = arith.constant 128 : i32
    %add3A_148 = arith.addi %mul3A_52, %add3A_147 : i32
    %dma_wait3A_149 = arith.constant 3 : i32
    %dma_wait3A_150 = arith.constant 0 : i32
    %dma_wait3A_151 = arith.constant 0 : i32
    %dma_wait3A_152 = tpu.memref_slice %arg8[%dma_wait3A_149, %dma_wait3A_150, %dma_wait3A_151] : memref<4x128x64xf32, #tpu.memory_space<vmem>> -> memref<1x128x64xf32, #tpu.memory_space<vmem>>
    %dma_wait3A_153 = tpu.memref_squeeze %dma_wait3A_152 : memref<1x128x64xf32, #tpu.memory_space<vmem>> -> memref<128x64xf32, #tpu.memory_space<vmem>>
    %dma_wait3A_154 = arith.constant 0 : i32
    %dma_wait3A_155 = tpu.memref_slice %arg20[%add3A_148, %dma_wait3A_154] : memref<10240x64xf32, #tpu.memory_space<vmem_shared>> -> memref<128x64xf32, #tpu.memory_space<vmem_shared>>
    %dma_wait3A_156 = arith.constant 0 : i32
    %dma_wait3A_157 = tpu.memref_slice %arg20[%add3A_148, %dma_wait3A_156] : memref<10240x64xf32, #tpu.memory_space<vmem_shared>> -> memref<128x64xf32, #tpu.memory_space<vmem_shared>>
    %dma_wait3A_158 = arith.constant 0 : i32
    %dma_wait3A_159 = arith.constant 0 : i32
    %dma_wait3A_160 = tpu.memref_slice %arg8[%dma_wait3A_149, %dma_wait3A_158, %dma_wait3A_159] : memref<4x128x64xf32, #tpu.memory_space<vmem>> -> memref<1x128x64xf32, #tpu.memory_space<vmem>>
    %dma_wait3A_161 = tpu.memref_squeeze %dma_wait3A_160 : memref<1x128x64xf32, #tpu.memory_space<vmem>> -> memref<128x64xf32, #tpu.memory_space<vmem>>
    tpu.wait_dma2 semaphore(%arg15 : memref<!tpu.dma_semaphore, #tpu.memory_space<semaphore_mem>>) src(%dma_wait3A_161 : memref<128x64xf32, #tpu.memory_space<vmem>>) dst(%dma_wait3A_157 : memref<128x64xf32, #tpu.memory_space<vmem_shared>>)
    %add3A_162 = arith.constant 256 : i32
    %add3A_163 = arith.addi %mul3A_52, %add3A_162 : i32
    %dma_wait3A_164 = arith.constant 3 : i32
    %dma_wait3A_165 = arith.constant 0 : i32
    %dma_wait3A_166 = arith.constant 0 : i32
    %dma_wait3A_167 = tpu.memref_slice %arg8[%dma_wait3A_164, %dma_wait3A_165, %dma_wait3A_166] : memref<4x128x64xf32, #tpu.memory_space<vmem>> -> memref<1x128x64xf32, #tpu.memory_space<vmem>>
    %dma_wait3A_168 = tpu.memref_squeeze %dma_wait3A_167 : memref<1x128x64xf32, #tpu.memory_space<vmem>> -> memref<128x64xf32, #tpu.memory_space<vmem>>
    %dma_wait3A_169 = arith.constant 0 : i32
    %dma_wait3A_170 = tpu.memref_slice %arg20[%add3A_163, %dma_wait3A_169] : memref<10240x64xf32, #tpu.memory_space<vmem_shared>> -> memref<128x64xf32, #tpu.memory_space<vmem_shared>>
    %dma_wait3A_171 = arith.constant 0 : i32
    %dma_wait3A_172 = tpu.memref_slice %arg20[%add3A_163, %dma_wait3A_171] : memref<10240x64xf32, #tpu.memory_space<vmem_shared>> -> memref<128x64xf32, #tpu.memory_space<vmem_shared>>
    %dma_wait3A_173 = arith.constant 0 : i32
    %dma_wait3A_174 = arith.constant 0 : i32
    %dma_wait3A_175 = tpu.memref_slice %arg8[%dma_wait3A_164, %dma_wait3A_173, %dma_wait3A_174] : memref<4x128x64xf32, #tpu.memory_space<vmem>> -> memref<1x128x64xf32, #tpu.memory_space<vmem>>
    %dma_wait3A_176 = tpu.memref_squeeze %dma_wait3A_175 : memref<1x128x64xf32, #tpu.memory_space<vmem>> -> memref<128x64xf32, #tpu.memory_space<vmem>>
    tpu.wait_dma2 semaphore(%arg15 : memref<!tpu.dma_semaphore, #tpu.memory_space<semaphore_mem>>) src(%dma_wait3A_176 : memref<128x64xf32, #tpu.memory_space<vmem>>) dst(%dma_wait3A_172 : memref<128x64xf32, #tpu.memory_space<vmem_shared>>)
    %add3A_177 = arith.constant 384 : i32
    %add3A_178 = arith.addi %mul3A_52, %add3A_177 : i32
    %dma_wait3A_179 = arith.constant 3 : i32
    %dma_wait3A_180 = arith.constant 0 : i32
    %dma_wait3A_181 = arith.constant 0 : i32
    %dma_wait3A_182 = tpu.memref_slice %arg8[%dma_wait3A_179, %dma_wait3A_180, %dma_wait3A_181] : memref<4x128x64xf32, #tpu.memory_space<vmem>> -> memref<1x128x64xf32, #tpu.memory_space<vmem>>
    %dma_wait3A_183 = tpu.memref_squeeze %dma_wait3A_182 : memref<1x128x64xf32, #tpu.memory_space<vmem>> -> memref<128x64xf32, #tpu.memory_space<vmem>>
    %dma_wait3A_184 = arith.constant 0 : i32
    %dma_wait3A_185 = tpu.memref_slice %arg20[%add3A_178, %dma_wait3A_184] : memref<10240x64xf32, #tpu.memory_space<vmem_shared>> -> memref<128x64xf32, #tpu.memory_space<vmem_shared>>
    %dma_wait3A_186 = arith.constant 0 : i32
    %dma_wait3A_187 = tpu.memref_slice %arg20[%add3A_178, %dma_wait3A_186] : memref<10240x64xf32, #tpu.memory_space<vmem_shared>> -> memref<128x64xf32, #tpu.memory_space<vmem_shared>>
    %dma_wait3A_188 = arith.constant 0 : i32
    %dma_wait3A_189 = arith.constant 0 : i32
    %dma_wait3A_190 = tpu.memref_slice %arg8[%dma_wait3A_179, %dma_wait3A_188, %dma_wait3A_189] : memref<4x128x64xf32, #tpu.memory_space<vmem>> -> memref<1x128x64xf32, #tpu.memory_space<vmem>>
    %dma_wait3A_191 = tpu.memref_squeeze %dma_wait3A_190 : memref<1x128x64xf32, #tpu.memory_space<vmem>> -> memref<128x64xf32, #tpu.memory_space<vmem>>
    tpu.wait_dma2 semaphore(%arg15 : memref<!tpu.dma_semaphore, #tpu.memory_space<semaphore_mem>>) src(%dma_wait3A_191 : memref<128x64xf32, #tpu.memory_space<vmem>>) dst(%dma_wait3A_187 : memref<128x64xf32, #tpu.memory_space<vmem_shared>>)
    %add3A_192 = arith.constant 512 : i32
    %add3A_193 = arith.addi %mul3A_52, %add3A_192 : i32
    %dma_wait3A_194 = arith.constant 3 : i32
    %dma_wait3A_195 = arith.constant 0 : i32
    %dma_wait3A_196 = arith.constant 0 : i32
    %dma_wait3A_197 = tpu.memref_slice %arg8[%dma_wait3A_194, %dma_wait3A_195, %dma_wait3A_196] : memref<4x128x64xf32, #tpu.memory_space<vmem>> -> memref<1x128x64xf32, #tpu.memory_space<vmem>>
    %dma_wait3A_198 = tpu.memref_squeeze %dma_wait3A_197 : memref<1x128x64xf32, #tpu.memory_space<vmem>> -> memref<128x64xf32, #tpu.memory_space<vmem>>
    %dma_wait3A_199 = arith.constant 0 : i32
    %dma_wait3A_200 = tpu.memref_slice %arg20[%add3A_193, %dma_wait3A_199] : memref<10240x64xf32, #tpu.memory_space<vmem_shared>> -> memref<128x64xf32, #tpu.memory_space<vmem_shared>>
    %dma_wait3A_201 = arith.constant 0 : i32
    %dma_wait3A_202 = tpu.memref_slice %arg20[%add3A_193, %dma_wait3A_201] : memref<10240x64xf32, #tpu.memory_space<vmem_shared>> -> memref<128x64xf32, #tpu.memory_space<vmem_shared>>
    %dma_wait3A_203 = arith.constant 0 : i32
    %dma_wait3A_204 = arith.constant 0 : i32
    %dma_wait3A_205 = tpu.memref_slice %arg8[%dma_wait3A_194, %dma_wait3A_203, %dma_wait3A_204] : memref<4x128x64xf32, #tpu.memory_space<vmem>> -> memref<1x128x64xf32, #tpu.memory_space<vmem>>
    %dma_wait3A_206 = tpu.memref_squeeze %dma_wait3A_205 : memref<1x128x64xf32, #tpu.memory_space<vmem>> -> memref<128x64xf32, #tpu.memory_space<vmem>>
    tpu.wait_dma2 semaphore(%arg15 : memref<!tpu.dma_semaphore, #tpu.memory_space<semaphore_mem>>) src(%dma_wait3A_206 : memref<128x64xf32, #tpu.memory_space<vmem>>) dst(%dma_wait3A_202 : memref<128x64xf32, #tpu.memory_space<vmem_shared>>)
    %barrier3A = arith.constant 0 : index
    tpu.barrier barrier_id(%barrier3A)
    %dma_start3A_207 = arith.constant 2 : i32
    %dma_start3A_208 = arith.constant 2 : i32
    %dma_start3A_209 = arith.constant 0 : i32
    %dma_start3A_210 = arith.constant 0 : i32
    %dma_start3A_211 = tpu.memref_slice %arg8[%dma_start3A_208, %dma_start3A_209, %dma_start3A_210] : memref<4x128x64xf32, #tpu.memory_space<vmem>> -> memref<1x128x64xf32, #tpu.memory_space<vmem>>
    %dma_start3A_212 = tpu.memref_squeeze %dma_start3A_211 : memref<1x128x64xf32, #tpu.memory_space<vmem>> -> memref<128x64xf32, #tpu.memory_space<vmem>>
    %dma_start3A_213 = arith.constant 0 : i32
    %dma_start3A_214 = tpu.memref_slice %arg6[%dma_start3A_207, %dma_start3A_213] : memref<80x128xi32, #tpu.memory_space<vmem>> -> memref<1x128xi32, #tpu.memory_space<vmem>>
    %dma_start3A_215 = tpu.memref_squeeze %dma_start3A_214 : memref<1x128xi32, #tpu.memory_space<vmem>> -> memref<128xi32, #tpu.memory_space<vmem>>
    %dma_start3A_216 = arith.constant 0 : i32
    %dma_start3A_217 = arith.constant 0 : i32
    %dma_start3A_218 = tpu.memref_slice %arg2[%dma_start3A_216, %dma_start3A_217] : memref<10240x64xf32, #tpu.memory_space<hbm>> -> memref<10240x64xf32, #tpu.memory_space<hbm>>
    tpu.enqueue_indirect_dma source(%dma_start3A_218 : memref<10240x64xf32, #tpu.memory_space<hbm>>) target(%dma_start3A_212 : memref<128x64xf32, #tpu.memory_space<vmem>>) offsets(%dma_start3A_215 : memref<128xi32, #tpu.memory_space<vmem>>) semaphore(%arg13 : memref<!tpu.dma_semaphore, #tpu.memory_space<semaphore_mem>>)
    %dma_wait3A_219 = arith.constant 0 : i32
    %dma_wait3A_220 = arith.constant 0 : i32
    %dma_wait3A_221 = arith.constant 0 : i32
    %dma_wait3A_222 = arith.constant 0 : i32
    %dma_wait3A_223 = tpu.memref_slice %arg8[%dma_wait3A_220, %dma_wait3A_221, %dma_wait3A_222] : memref<4x128x64xf32, #tpu.memory_space<vmem>> -> memref<1x128x64xf32, #tpu.memory_space<vmem>>
    %dma_wait3A_224 = tpu.memref_squeeze %dma_wait3A_223 : memref<1x128x64xf32, #tpu.memory_space<vmem>> -> memref<128x64xf32, #tpu.memory_space<vmem>>
    %dma_wait3A_225 = arith.constant 0 : i32
    %dma_wait3A_226 = tpu.memref_slice %arg6[%dma_wait3A_219, %dma_wait3A_225] : memref<80x128xi32, #tpu.memory_space<vmem>> -> memref<1x128xi32, #tpu.memory_space<vmem>>
    %dma_wait3A_227 = tpu.memref_squeeze %dma_wait3A_226 : memref<1x128xi32, #tpu.memory_space<vmem>> -> memref<128xi32, #tpu.memory_space<vmem>>
    %dma_wait3A_228 = arith.constant 0 : i32
    %dma_wait3A_229 = arith.constant 0 : i32
    %dma_wait3A_230 = tpu.memref_slice %arg2[%dma_wait3A_228, %dma_wait3A_229] : memref<10240x64xf32, #tpu.memory_space<hbm>> -> memref<10240x64xf32, #tpu.memory_space<hbm>>
    tpu.wait_indirect_dma semaphore(%arg11 : memref<!tpu.dma_semaphore, #tpu.memory_space<semaphore_mem>>) src(%dma_wait3A_230 : memref<10240x64xf32, #tpu.memory_space<hbm>>) dst(%dma_wait3A_224 : memref<128x64xf32, #tpu.memory_space<vmem>>)
    %dma_start3A_231 = arith.constant 0 : i32
    %dma_start3A_232 = arith.constant 0 : i32
    %dma_start3A_233 = arith.constant 0 : i32
    %dma_start3A_234 = arith.constant 0 : i32
    %dma_start3A_235 = tpu.memref_slice %arg8[%dma_start3A_231, %dma_start3A_233, %dma_start3A_234] : memref<4x128x64xf32, #tpu.memory_space<vmem>> -> memref<1x128x64xf32, #tpu.memory_space<vmem>>
    %dma_start3A_236 = tpu.memref_squeeze %dma_start3A_235 : memref<1x128x64xf32, #tpu.memory_space<vmem>> -> memref<128x64xf32, #tpu.memory_space<vmem>>
    %dma_start3A_237 = arith.constant 0 : i32
    %dma_start3A_238 = tpu.memref_slice %arg7[%dma_start3A_232, %dma_start3A_237] : memref<80x128xi32, #tpu.memory_space<vmem>> -> memref<1x128xi32, #tpu.memory_space<vmem>>
    %dma_start3A_239 = tpu.memref_squeeze %dma_start3A_238 : memref<1x128xi32, #tpu.memory_space<vmem>> -> memref<128xi32, #tpu.memory_space<vmem>>
    %dma_start3A_240 = arith.constant 0 : i32
    %dma_start3A_241 = arith.constant 0 : i32
    %dma_start3A_242 = tpu.memref_slice %arg20[%dma_start3A_240, %dma_start3A_241] : memref<10240x64xf32, #tpu.memory_space<vmem_shared>> -> memref<10240x64xf32, #tpu.memory_space<vmem_shared>>
    tpu.enqueue_indirect_dma source(%dma_start3A_236 : memref<128x64xf32, #tpu.memory_space<vmem>>) target(%dma_start3A_242 : memref<10240x64xf32, #tpu.memory_space<vmem_shared>>) offsets(%dma_start3A_239 : memref<128xi32, #tpu.memory_space<vmem>>) semaphore(%arg15 : memref<!tpu.dma_semaphore, #tpu.memory_space<semaphore_mem>>) {add = true}
    %dma_start3A_243 = arith.constant 3 : i32
    %dma_start3A_244 = arith.constant 3 : i32
    %dma_start3A_245 = arith.constant 0 : i32
    %dma_start3A_246 = arith.constant 0 : i32
    %dma_start3A_247 = tpu.memref_slice %arg8[%dma_start3A_244, %dma_start3A_245, %dma_start3A_246] : memref<4x128x64xf32, #tpu.memory_space<vmem>> -> memref<1x128x64xf32, #tpu.memory_space<vmem>>
    %dma_start3A_248 = tpu.memref_squeeze %dma_start3A_247 : memref<1x128x64xf32, #tpu.memory_space<vmem>> -> memref<128x64xf32, #tpu.memory_space<vmem>>
    %dma_start3A_249 = arith.constant 0 : i32
    %dma_start3A_250 = tpu.memref_slice %arg6[%dma_start3A_243, %dma_start3A_249] : memref<80x128xi32, #tpu.memory_space<vmem>> -> memref<1x128xi32, #tpu.memory_space<vmem>>
    %dma_start3A_251 = tpu.memref_squeeze %dma_start3A_250 : memref<1x128xi32, #tpu.memory_space<vmem>> -> memref<128xi32, #tpu.memory_space<vmem>>
    %dma_start3A_252 = arith.constant 0 : i32
    %dma_start3A_253 = arith.constant 0 : i32
    %dma_start3A_254 = tpu.memref_slice %arg2[%dma_start3A_252, %dma_start3A_253] : memref<10240x64xf32, #tpu.memory_space<hbm>> -> memref<10240x64xf32, #tpu.memory_space<hbm>>
    tpu.enqueue_indirect_dma source(%dma_start3A_254 : memref<10240x64xf32, #tpu.memory_space<hbm>>) target(%dma_start3A_248 : memref<128x64xf32, #tpu.memory_space<vmem>>) offsets(%dma_start3A_251 : memref<128xi32, #tpu.memory_space<vmem>>) semaphore(%arg14 : memref<!tpu.dma_semaphore, #tpu.memory_space<semaphore_mem>>)
    %dma_wait3A_255 = arith.constant 1 : i32
    %dma_wait3A_256 = arith.constant 1 : i32
    %dma_wait3A_257 = arith.constant 0 : i32
    %dma_wait3A_258 = arith.constant 0 : i32
    %dma_wait3A_259 = tpu.memref_slice %arg8[%dma_wait3A_256, %dma_wait3A_257, %dma_wait3A_258] : memref<4x128x64xf32, #tpu.memory_space<vmem>> -> memref<1x128x64xf32, #tpu.memory_space<vmem>>
    %dma_wait3A_260 = tpu.memref_squeeze %dma_wait3A_259 : memref<1x128x64xf32, #tpu.memory_space<vmem>> -> memref<128x64xf32, #tpu.memory_space<vmem>>
    %dma_wait3A_261 = arith.constant 0 : i32
    %dma_wait3A_262 = tpu.memref_slice %arg6[%dma_wait3A_255, %dma_wait3A_261] : memref<80x128xi32, #tpu.memory_space<vmem>> -> memref<1x128xi32, #tpu.memory_space<vmem>>
    %dma_wait3A_263 = tpu.memref_squeeze %dma_wait3A_262 : memref<1x128xi32, #tpu.memory_space<vmem>> -> memref<128xi32, #tpu.memory_space<vmem>>
    %dma_wait3A_264 = arith.constant 0 : i32
    %dma_wait3A_265 = arith.constant 0 : i32
    %dma_wait3A_266 = tpu.memref_slice %arg2[%dma_wait3A_264, %dma_wait3A_265] : memref<10240x64xf32, #tpu.memory_space<hbm>> -> memref<10240x64xf32, #tpu.memory_space<hbm>>
    tpu.wait_indirect_dma semaphore(%arg12 : memref<!tpu.dma_semaphore, #tpu.memory_space<semaphore_mem>>) src(%dma_wait3A_266 : memref<10240x64xf32, #tpu.memory_space<hbm>>) dst(%dma_wait3A_260 : memref<128x64xf32, #tpu.memory_space<vmem>>)
    %dma_start3A_267 = arith.constant 1 : i32
    %dma_start3A_268 = arith.constant 1 : i32
    %dma_start3A_269 = arith.constant 0 : i32
    %dma_start3A_270 = arith.constant 0 : i32
    %dma_start3A_271 = tpu.memref_slice %arg8[%dma_start3A_267, %dma_start3A_269, %dma_start3A_270] : memref<4x128x64xf32, #tpu.memory_space<vmem>> -> memref<1x128x64xf32, #tpu.memory_space<vmem>>
    %dma_start3A_272 = tpu.memref_squeeze %dma_start3A_271 : memref<1x128x64xf32, #tpu.memory_space<vmem>> -> memref<128x64xf32, #tpu.memory_space<vmem>>
    %dma_start3A_273 = arith.constant 0 : i32
    %dma_start3A_274 = tpu.memref_slice %arg7[%dma_start3A_268, %dma_start3A_273] : memref<80x128xi32, #tpu.memory_space<vmem>> -> memref<1x128xi32, #tpu.memory_space<vmem>>
    %dma_start3A_275 = tpu.memref_squeeze %dma_start3A_274 : memref<1x128xi32, #tpu.memory_space<vmem>> -> memref<128xi32, #tpu.memory_space<vmem>>
    %dma_start3A_276 = arith.constant 0 : i32
    %dma_start3A_277 = arith.constant 0 : i32
    %dma_start3A_278 = tpu.memref_slice %arg20[%dma_start3A_276, %dma_start3A_277] : memref<10240x64xf32, #tpu.memory_space<vmem_shared>> -> memref<10240x64xf32, #tpu.memory_space<vmem_shared>>
    tpu.enqueue_indirect_dma source(%dma_start3A_272 : memref<128x64xf32, #tpu.memory_space<vmem>>) target(%dma_start3A_278 : memref<10240x64xf32, #tpu.memory_space<vmem_shared>>) offsets(%dma_start3A_275 : memref<128xi32, #tpu.memory_space<vmem>>) semaphore(%arg16 : memref<!tpu.dma_semaphore, #tpu.memory_space<semaphore_mem>>) {add = true}
    %dma_wait3A_279 = arith.constant 0 : i32
    %dma_wait3A_280 = arith.constant 0 : i32
    %dma_wait3A_281 = arith.constant 0 : i32
    %dma_wait3A_282 = arith.constant 0 : i32
    %dma_wait3A_283 = tpu.memref_slice %arg8[%dma_wait3A_279, %dma_wait3A_281, %dma_wait3A_282] : memref<4x128x64xf32, #tpu.memory_space<vmem>> -> memref<1x128x64xf32, #tpu.memory_space<vmem>>
    %dma_wait3A_284 = tpu.memref_squeeze %dma_wait3A_283 : memref<1x128x64xf32, #tpu.memory_space<vmem>> -> memref<128x64xf32, #tpu.memory_space<vmem>>
    %dma_wait3A_285 = arith.constant 0 : i32
    %dma_wait3A_286 = tpu.memref_slice %arg7[%dma_wait3A_280, %dma_wait3A_285] : memref<80x128xi32, #tpu.memory_space<vmem>> -> memref<1x128xi32, #tpu.memory_space<vmem>>
    %dma_wait3A_287 = tpu.memref_squeeze %dma_wait3A_286 : memref<1x128xi32, #tpu.memory_space<vmem>> -> memref<128xi32, #tpu.memory_space<vmem>>
    %dma_wait3A_288 = arith.constant 0 : i32
    %dma_wait3A_289 = arith.constant 0 : i32
    %dma_wait3A_290 = tpu.memref_slice %arg20[%dma_wait3A_288, %dma_wait3A_289] : memref<10240x64xf32, #tpu.memory_space<vmem_shared>> -> memref<10240x64xf32, #tpu.memory_space<vmem_shared>>
    tpu.wait_indirect_dma semaphore(%arg15 : memref<!tpu.dma_semaphore, #tpu.memory_space<semaphore_mem>>) src(%dma_wait3A_284 : memref<128x64xf32, #tpu.memory_space<vmem>>) dst(%dma_wait3A_290 : memref<10240x64xf32, #tpu.memory_space<vmem_shared>>)
    %dma_start3A_291 = arith.constant 4 : i32
    %dma_start3A_292 = arith.constant 0 : i32
    %dma_start3A_293 = arith.constant 0 : i32
    %dma_start3A_294 = arith.constant 0 : i32
    %dma_start3A_295 = tpu.memref_slice %arg8[%dma_start3A_292, %dma_start3A_293, %dma_start3A_294] : memref<4x128x64xf32, #tpu.memory_space<vmem>> -> memref<1x128x64xf32, #tpu.memory_space<vmem>>
    %dma_start3A_296 = tpu.memref_squeeze %dma_start3A_295 : memref<1x128x64xf32, #tpu.memory_space<vmem>> -> memref<128x64xf32, #tpu.memory_space<vmem>>
    %dma_start3A_297 = arith.constant 0 : i32
    %dma_start3A_298 = tpu.memref_slice %arg6[%dma_start3A_291, %dma_start3A_297] : memref<80x128xi32, #tpu.memory_space<vmem>> -> memref<1x128xi32, #tpu.memory_space<vmem>>
    %dma_start3A_299 = tpu.memref_squeeze %dma_start3A_298 : memref<1x128xi32, #tpu.memory_space<vmem>> -> memref<128xi32, #tpu.memory_space<vmem>>
    %dma_start3A_300 = arith.constant 0 : i32
    %dma_start3A_301 = arith.constant 0 : i32
    %dma_start3A_302 = tpu.memref_slice %arg2[%dma_start3A_300, %dma_start3A_301] : memref<10240x64xf32, #tpu.memory_space<hbm>> -> memref<10240x64xf32, #tpu.memory_space<hbm>>
    tpu.enqueue_indirect_dma source(%dma_start3A_302 : memref<10240x64xf32, #tpu.memory_space<hbm>>) target(%dma_start3A_296 : memref<128x64xf32, #tpu.memory_space<vmem>>) offsets(%dma_start3A_299 : memref<128xi32, #tpu.memory_space<vmem>>) semaphore(%arg11 : memref<!tpu.dma_semaphore, #tpu.memory_space<semaphore_mem>>)
    %dma_wait3A_303 = arith.constant 2 : i32
    %dma_wait3A_304 = arith.constant 2 : i32
    %dma_wait3A_305 = arith.constant 0 : i32
    %dma_wait3A_306 = arith.constant 0 : i32
    %dma_wait3A_307 = tpu.memref_slice %arg8[%dma_wait3A_304, %dma_wait3A_305, %dma_wait3A_306] : memref<4x128x64xf32, #tpu.memory_space<vmem>> -> memref<1x128x64xf32, #tpu.memory_space<vmem>>
    %dma_wait3A_308 = tpu.memref_squeeze %dma_wait3A_307 : memref<1x128x64xf32, #tpu.memory_space<vmem>> -> memref<128x64xf32, #tpu.memory_space<vmem>>
    %dma_wait3A_309 = arith.constant 0 : i32
    %dma_wait3A_310 = tpu.memref_slice %arg6[%dma_wait3A_303, %dma_wait3A_309] : memref<80x128xi32, #tpu.memory_space<vmem>> -> memref<1x128xi32, #tpu.memory_space<vmem>>
    %dma_wait3A_311 = tpu.memref_squeeze %dma_wait3A_310 : memref<1x128xi32, #tpu.memory_space<vmem>> -> memref<128xi32, #tpu.memory_space<vmem>>
    %dma_wait3A_312 = arith.constant 0 : i32
    %dma_wait3A_313 = arith.constant 0 : i32
    %dma_wait3A_314 = tpu.memref_slice %arg2[%dma_wait3A_312, %dma_wait3A_313] : memref<10240x64xf32, #tpu.memory_space<hbm>> -> memref<10240x64xf32, #tpu.memory_space<hbm>>
    tpu.wait_indirect_dma semaphore(%arg13 : memref<!tpu.dma_semaphore, #tpu.memory_space<semaphore_mem>>) src(%dma_wait3A_314 : memref<10240x64xf32, #tpu.memory_space<hbm>>) dst(%dma_wait3A_308 : memref<128x64xf32, #tpu.memory_space<vmem>>)
    %dma_start3A_315 = arith.constant 2 : i32
    %dma_start3A_316 = arith.constant 2 : i32
    %dma_start3A_317 = arith.constant 0 : i32
    %dma_start3A_318 = arith.constant 0 : i32
    %dma_start3A_319 = tpu.memref_slice %arg8[%dma_start3A_315, %dma_start3A_317, %dma_start3A_318] : memref<4x128x64xf32, #tpu.memory_space<vmem>> -> memref<1x128x64xf32, #tpu.memory_space<vmem>>
    %dma_start3A_320 = tpu.memref_squeeze %dma_start3A_319 : memref<1x128x64xf32, #tpu.memory_space<vmem>> -> memref<128x64xf32, #tpu.memory_space<vmem>>
    %dma_start3A_321 = arith.constant 0 : i32
    %dma_start3A_322 = tpu.memref_slice %arg7[%dma_start3A_316, %dma_start3A_321] : memref<80x128xi32, #tpu.memory_space<vmem>> -> memref<1x128xi32, #tpu.memory_space<vmem>>
    %dma_start3A_323 = tpu.memref_squeeze %dma_start3A_322 : memref<1x128xi32, #tpu.memory_space<vmem>> -> memref<128xi32, #tpu.memory_space<vmem>>
    %dma_start3A_324 = arith.constant 0 : i32
    %dma_start3A_325 = arith.constant 0 : i32
    %dma_start3A_326 = tpu.memref_slice %arg20[%dma_start3A_324, %dma_start3A_325] : memref<10240x64xf32, #tpu.memory_space<vmem_shared>> -> memref<10240x64xf32, #tpu.memory_space<vmem_shared>>
    tpu.enqueue_indirect_dma source(%dma_start3A_320 : memref<128x64xf32, #tpu.memory_space<vmem>>) target(%dma_start3A_326 : memref<10240x64xf32, #tpu.memory_space<vmem_shared>>) offsets(%dma_start3A_323 : memref<128xi32, #tpu.memory_space<vmem>>) semaphore(%arg17 : memref<!tpu.dma_semaphore, #tpu.memory_space<semaphore_mem>>) {add = true}
    %dma_wait3A_327 = arith.constant 1 : i32
    %dma_wait3A_328 = arith.constant 1 : i32
    %dma_wait3A_329 = arith.constant 0 : i32
    %dma_wait3A_330 = arith.constant 0 : i32
    %dma_wait3A_331 = tpu.memref_slice %arg8[%dma_wait3A_327, %dma_wait3A_329, %dma_wait3A_330] : memref<4x128x64xf32, #tpu.memory_space<vmem>> -> memref<1x128x64xf32, #tpu.memory_space<vmem>>
    %dma_wait3A_332 = tpu.memref_squeeze %dma_wait3A_331 : memref<1x128x64xf32, #tpu.memory_space<vmem>> -> memref<128x64xf32, #tpu.memory_space<vmem>>
    %dma_wait3A_333 = arith.constant 0 : i32
    %dma_wait3A_334 = tpu.memref_slice %arg7[%dma_wait3A_328, %dma_wait3A_333] : memref<80x128xi32, #tpu.memory_space<vmem>> -> memref<1x128xi32, #tpu.memory_space<vmem>>
    %dma_wait3A_335 = tpu.memref_squeeze %dma_wait3A_334 : memref<1x128xi32, #tpu.memory_space<vmem>> -> memref<128xi32, #tpu.memory_space<vmem>>
    %dma_wait3A_336 = arith.constant 0 : i32
    %dma_wait3A_337 = arith.constant 0 : i32
    %dma_wait3A_338 = tpu.memref_slice %arg20[%dma_wait3A_336, %dma_wait3A_337] : memref<10240x64xf32, #tpu.memory_space<vmem_shared>> -> memref<10240x64xf32, #tpu.memory_space<vmem_shared>>
    tpu.wait_indirect_dma semaphore(%arg16 : memref<!tpu.dma_semaphore, #tpu.memory_space<semaphore_mem>>) src(%dma_wait3A_332 : memref<128x64xf32, #tpu.memory_space<vmem>>) dst(%dma_wait3A_338 : memref<10240x64xf32, #tpu.memory_space<vmem_shared>>)
    %dma_start3A_339 = arith.constant 5 : i32
    %dma_start3A_340 = arith.constant 1 : i32
    %dma_start3A_341 = arith.constant 0 : i32
    %dma_start3A_342 = arith.constant 0 : i32
    %dma_start3A_343 = tpu.memref_slice %arg8[%dma_start3A_340, %dma_start3A_341, %dma_start3A_342] : memref<4x128x64xf32, #tpu.memory_space<vmem>> -> memref<1x128x64xf32, #tpu.memory_space<vmem>>
    %dma_start3A_344 = tpu.memref_squeeze %dma_start3A_343 : memref<1x128x64xf32, #tpu.memory_space<vmem>> -> memref<128x64xf32, #tpu.memory_space<vmem>>
    %dma_start3A_345 = arith.constant 0 : i32
    %dma_start3A_346 = tpu.memref_slice %arg6[%dma_start3A_339, %dma_start3A_345] : memref<80x128xi32, #tpu.memory_space<vmem>> -> memref<1x128xi32, #tpu.memory_space<vmem>>
    %dma_start3A_347 = tpu.memref_squeeze %dma_start3A_346 : memref<1x128xi32, #tpu.memory_space<vmem>> -> memref<128xi32, #tpu.memory_space<vmem>>
    %dma_start3A_348 = arith.constant 0 : i32
    %dma_start3A_349 = arith.constant 0 : i32
    %dma_start3A_350 = tpu.memref_slice %arg2[%dma_start3A_348, %dma_start3A_349] : memref<10240x64xf32, #tpu.memory_space<hbm>> -> memref<10240x64xf32, #tpu.memory_space<hbm>>
    tpu.enqueue_indirect_dma source(%dma_start3A_350 : memref<10240x64xf32, #tpu.memory_space<hbm>>) target(%dma_start3A_344 : memref<128x64xf32, #tpu.memory_space<vmem>>) offsets(%dma_start3A_347 : memref<128xi32, #tpu.memory_space<vmem>>) semaphore(%arg12 : memref<!tpu.dma_semaphore, #tpu.memory_space<semaphore_mem>>)
    %dma_wait3A_351 = arith.constant 3 : i32
    %dma_wait3A_352 = arith.constant 3 : i32
    %dma_wait3A_353 = arith.constant 0 : i32
    %dma_wait3A_354 = arith.constant 0 : i32
    %dma_wait3A_355 = tpu.memref_slice %arg8[%dma_wait3A_352, %dma_wait3A_353, %dma_wait3A_354] : memref<4x128x64xf32, #tpu.memory_space<vmem>> -> memref<1x128x64xf32, #tpu.memory_space<vmem>>
    %dma_wait3A_356 = tpu.memref_squeeze %dma_wait3A_355 : memref<1x128x64xf32, #tpu.memory_space<vmem>> -> memref<128x64xf32, #tpu.memory_space<vmem>>
    %dma_wait3A_357 = arith.constant 0 : i32
    %dma_wait3A_358 = tpu.memref_slice %arg6[%dma_wait3A_351, %dma_wait3A_357] : memref<80x128xi32, #tpu.memory_space<vmem>> -> memref<1x128xi32, #tpu.memory_space<vmem>>
    %dma_wait3A_359 = tpu.memref_squeeze %dma_wait3A_358 : memref<1x128xi32, #tpu.memory_space<vmem>> -> memref<128xi32, #tpu.memory_space<vmem>>
    %dma_wait3A_360 = arith.constant 0 : i32
    %dma_wait3A_361 = arith.constant 0 : i32
    %dma_wait3A_362 = tpu.memref_slice %arg2[%dma_wait3A_360, %dma_wait3A_361] : memref<10240x64xf32, #tpu.memory_space<hbm>> -> memref<10240x64xf32, #tpu.memory_space<hbm>>
    tpu.wait_indirect_dma semaphore(%arg14 : memref<!tpu.dma_semaphore, #tpu.memory_space<semaphore_mem>>) src(%dma_wait3A_362 : memref<10240x64xf32, #tpu.memory_space<hbm>>) dst(%dma_wait3A_356 : memref<128x64xf32, #tpu.memory_space<vmem>>)
    %dma_start3A_363 = arith.constant 3 : i32
    %dma_start3A_364 = arith.constant 3 : i32
    %dma_start3A_365 = arith.constant 0 : i32
    %dma_start3A_366 = arith.constant 0 : i32
    %dma_start3A_367 = tpu.memref_slice %arg8[%dma_start3A_363, %dma_start3A_365, %dma_start3A_366] : memref<4x128x64xf32, #tpu.memory_space<vmem>> -> memref<1x128x64xf32, #tpu.memory_space<vmem>>
    %dma_start3A_368 = tpu.memref_squeeze %dma_start3A_367 : memref<1x128x64xf32, #tpu.memory_space<vmem>> -> memref<128x64xf32, #tpu.memory_space<vmem>>
    %dma_start3A_369 = arith.constant 0 : i32
    %dma_start3A_370 = tpu.memref_slice %arg7[%dma_start3A_364, %dma_start3A_369] : memref<80x128xi32, #tpu.memory_space<vmem>> -> memref<1x128xi32, #tpu.memory_space<vmem>>
    %dma_start3A_371 = tpu.memref_squeeze %dma_start3A_370 : memref<1x128xi32, #tpu.memory_space<vmem>> -> memref<128xi32, #tpu.memory_space<vmem>>
    %dma_start3A_372 = arith.constant 0 : i32
    %dma_start3A_373 = arith.constant 0 : i32
    %dma_start3A_374 = tpu.memref_slice %arg20[%dma_start3A_372, %dma_start3A_373] : memref<10240x64xf32, #tpu.memory_space<vmem_shared>> -> memref<10240x64xf32, #tpu.memory_space<vmem_shared>>
    tpu.enqueue_indirect_dma source(%dma_start3A_368 : memref<128x64xf32, #tpu.memory_space<vmem>>) target(%dma_start3A_374 : memref<10240x64xf32, #tpu.memory_space<vmem_shared>>) offsets(%dma_start3A_371 : memref<128xi32, #tpu.memory_space<vmem>>) semaphore(%arg18 : memref<!tpu.dma_semaphore, #tpu.memory_space<semaphore_mem>>) {add = true}
    %scan3A_375 = arith.constant 0 : i32
    %scan3A_376 = arith.constant 1 : i32
    %scan3A_377 = arith.constant 18 : i32
    %scan3A_378 = arith.addi %scan3A_376, %scan3A_377 : i32
    %scan3A_379 = arith.constant 1 : i32
    scf.for %scan3A_574 = %scan3A_376 to %scan3A_378 step %scan3A_379  : i32 {
      %mul3A_575 = arith.constant 4 : i32
      %mul3A_576 = arith.muli %scan3A_574, %mul3A_575 : i32
      %add3A_577 = arith.constant 0 : i32
      %add3A_578 = arith.addi %mul3A_576, %add3A_577 : i32
      %add3A_579 = arith.constant 2 : i32
      %add3A_580 = arith.addi %add3A_578, %add3A_579 : i32
      %sub3A = arith.constant 4 : i32
      %sub3A_581 = arith.subi %add3A_580, %sub3A : i32
      %dma_wait3A_582 = arith.constant 2 : i32
      %dma_wait3A_583 = arith.constant 0 : i32
      %dma_wait3A_584 = arith.constant 0 : i32
      %dma_wait3A_585 = tpu.memref_slice %arg8[%dma_wait3A_582, %dma_wait3A_583, %dma_wait3A_584] : memref<4x128x64xf32, #tpu.memory_space<vmem>> -> memref<1x128x64xf32, #tpu.memory_space<vmem>>
      %dma_wait3A_586 = tpu.memref_squeeze %dma_wait3A_585 : memref<1x128x64xf32, #tpu.memory_space<vmem>> -> memref<128x64xf32, #tpu.memory_space<vmem>>
      %dma_wait3A_587 = arith.constant 0 : i32
      %dma_wait3A_588 = tpu.memref_slice %arg7[%sub3A_581, %dma_wait3A_587] : memref<80x128xi32, #tpu.memory_space<vmem>> -> memref<1x128xi32, #tpu.memory_space<vmem>>
      %dma_wait3A_589 = tpu.memref_squeeze %dma_wait3A_588 : memref<1x128xi32, #tpu.memory_space<vmem>> -> memref<128xi32, #tpu.memory_space<vmem>>
      %dma_wait3A_590 = arith.constant 0 : i32
      %dma_wait3A_591 = arith.constant 0 : i32
      %dma_wait3A_592 = tpu.memref_slice %arg20[%dma_wait3A_590, %dma_wait3A_591] : memref<10240x64xf32, #tpu.memory_space<vmem_shared>> -> memref<10240x64xf32, #tpu.memory_space<vmem_shared>>
      tpu.wait_indirect_dma semaphore(%arg17 : memref<!tpu.dma_semaphore, #tpu.memory_space<semaphore_mem>>) src(%dma_wait3A_586 : memref<128x64xf32, #tpu.memory_space<vmem>>) dst(%dma_wait3A_592 : memref<10240x64xf32, #tpu.memory_space<vmem_shared>>)
      %dma_start3A_593 = arith.constant 2 : i32
      %dma_start3A_594 = arith.constant 0 : i32
      %dma_start3A_595 = arith.constant 0 : i32
      %dma_start3A_596 = tpu.memref_slice %arg8[%dma_start3A_593, %dma_start3A_594, %dma_start3A_595] : memref<4x128x64xf32, #tpu.memory_space<vmem>> -> memref<1x128x64xf32, #tpu.memory_space<vmem>>
      %dma_start3A_597 = tpu.memref_squeeze %dma_start3A_596 : memref<1x128x64xf32, #tpu.memory_space<vmem>> -> memref<128x64xf32, #tpu.memory_space<vmem>>
      %dma_start3A_598 = arith.constant 0 : i32
      %dma_start3A_599 = tpu.memref_slice %arg6[%add3A_580, %dma_start3A_598] : memref<80x128xi32, #tpu.memory_space<vmem>> -> memref<1x128xi32, #tpu.memory_space<vmem>>
      %dma_start3A_600 = tpu.memref_squeeze %dma_start3A_599 : memref<1x128xi32, #tpu.memory_space<vmem>> -> memref<128xi32, #tpu.memory_space<vmem>>
      %dma_start3A_601 = arith.constant 0 : i32
      %dma_start3A_602 = arith.constant 0 : i32
      %dma_start3A_603 = tpu.memref_slice %arg2[%dma_start3A_601, %dma_start3A_602] : memref<10240x64xf32, #tpu.memory_space<hbm>> -> memref<10240x64xf32, #tpu.memory_space<hbm>>
      tpu.enqueue_indirect_dma source(%dma_start3A_603 : memref<10240x64xf32, #tpu.memory_space<hbm>>) target(%dma_start3A_597 : memref<128x64xf32, #tpu.memory_space<vmem>>) offsets(%dma_start3A_600 : memref<128xi32, #tpu.memory_space<vmem>>) semaphore(%arg13 : memref<!tpu.dma_semaphore, #tpu.memory_space<semaphore_mem>>)
      %dma_wait3A_604 = arith.constant 0 : i32
      %dma_wait3A_605 = arith.constant 0 : i32
      %dma_wait3A_606 = arith.constant 0 : i32
      %dma_wait3A_607 = tpu.memref_slice %arg8[%dma_wait3A_604, %dma_wait3A_605, %dma_wait3A_606] : memref<4x128x64xf32, #tpu.memory_space<vmem>> -> memref<1x128x64xf32, #tpu.memory_space<vmem>>
      %dma_wait3A_608 = tpu.memref_squeeze %dma_wait3A_607 : memref<1x128x64xf32, #tpu.memory_space<vmem>> -> memref<128x64xf32, #tpu.memory_space<vmem>>
      %dma_wait3A_609 = arith.constant 0 : i32
      %dma_wait3A_610 = tpu.memref_slice %arg6[%add3A_578, %dma_wait3A_609] : memref<80x128xi32, #tpu.memory_space<vmem>> -> memref<1x128xi32, #tpu.memory_space<vmem>>
      %dma_wait3A_611 = tpu.memref_squeeze %dma_wait3A_610 : memref<1x128xi32, #tpu.memory_space<vmem>> -> memref<128xi32, #tpu.memory_space<vmem>>
      %dma_wait3A_612 = arith.constant 0 : i32
      %dma_wait3A_613 = arith.constant 0 : i32
      %dma_wait3A_614 = tpu.memref_slice %arg2[%dma_wait3A_612, %dma_wait3A_613] : memref<10240x64xf32, #tpu.memory_space<hbm>> -> memref<10240x64xf32, #tpu.memory_space<hbm>>
      tpu.wait_indirect_dma semaphore(%arg11 : memref<!tpu.dma_semaphore, #tpu.memory_space<semaphore_mem>>) src(%dma_wait3A_614 : memref<10240x64xf32, #tpu.memory_space<hbm>>) dst(%dma_wait3A_608 : memref<128x64xf32, #tpu.memory_space<vmem>>)
      %dma_start3A_615 = arith.constant 0 : i32
      %dma_start3A_616 = arith.constant 0 : i32
      %dma_start3A_617 = arith.constant 0 : i32
      %dma_start3A_618 = tpu.memref_slice %arg8[%dma_start3A_615, %dma_start3A_616, %dma_start3A_617] : memref<4x128x64xf32, #tpu.memory_space<vmem>> -> memref<1x128x64xf32, #tpu.memory_space<vmem>>
      %dma_start3A_619 = tpu.memref_squeeze %dma_start3A_618 : memref<1x128x64xf32, #tpu.memory_space<vmem>> -> memref<128x64xf32, #tpu.memory_space<vmem>>
      %dma_start3A_620 = arith.constant 0 : i32
      %dma_start3A_621 = tpu.memref_slice %arg7[%add3A_578, %dma_start3A_620] : memref<80x128xi32, #tpu.memory_space<vmem>> -> memref<1x128xi32, #tpu.memory_space<vmem>>
      %dma_start3A_622 = tpu.memref_squeeze %dma_start3A_621 : memref<1x128xi32, #tpu.memory_space<vmem>> -> memref<128xi32, #tpu.memory_space<vmem>>
      %dma_start3A_623 = arith.constant 0 : i32
      %dma_start3A_624 = arith.constant 0 : i32
      %dma_start3A_625 = tpu.memref_slice %arg20[%dma_start3A_623, %dma_start3A_624] : memref<10240x64xf32, #tpu.memory_space<vmem_shared>> -> memref<10240x64xf32, #tpu.memory_space<vmem_shared>>
      tpu.enqueue_indirect_dma source(%dma_start3A_619 : memref<128x64xf32, #tpu.memory_space<vmem>>) target(%dma_start3A_625 : memref<10240x64xf32, #tpu.memory_space<vmem_shared>>) offsets(%dma_start3A_622 : memref<128xi32, #tpu.memory_space<vmem>>) semaphore(%arg15 : memref<!tpu.dma_semaphore, #tpu.memory_space<semaphore_mem>>) {add = true}
      %mul3A_626 = arith.constant 4 : i32
      %mul3A_627 = arith.muli %scan3A_574, %mul3A_626 : i32
      %add3A_628 = arith.constant 1 : i32
      %add3A_629 = arith.addi %mul3A_627, %add3A_628 : i32
      %add3A_630 = arith.constant 2 : i32
      %add3A_631 = arith.addi %add3A_629, %add3A_630 : i32
      %sub3A_632 = arith.constant 4 : i32
      %sub3A_633 = arith.subi %add3A_631, %sub3A_632 : i32
      %dma_wait3A_634 = arith.constant 3 : i32
      %dma_wait3A_635 = arith.constant 0 : i32
      %dma_wait3A_636 = arith.constant 0 : i32
      %dma_wait3A_637 = tpu.memref_slice %arg8[%dma_wait3A_634, %dma_wait3A_635, %dma_wait3A_636] : memref<4x128x64xf32, #tpu.memory_space<vmem>> -> memref<1x128x64xf32, #tpu.memory_space<vmem>>
      %dma_wait3A_638 = tpu.memref_squeeze %dma_wait3A_637 : memref<1x128x64xf32, #tpu.memory_space<vmem>> -> memref<128x64xf32, #tpu.memory_space<vmem>>
      %dma_wait3A_639 = arith.constant 0 : i32
      %dma_wait3A_640 = tpu.memref_slice %arg7[%sub3A_633, %dma_wait3A_639] : memref<80x128xi32, #tpu.memory_space<vmem>> -> memref<1x128xi32, #tpu.memory_space<vmem>>
      %dma_wait3A_641 = tpu.memref_squeeze %dma_wait3A_640 : memref<1x128xi32, #tpu.memory_space<vmem>> -> memref<128xi32, #tpu.memory_space<vmem>>
      %dma_wait3A_642 = arith.constant 0 : i32
      %dma_wait3A_643 = arith.constant 0 : i32
      %dma_wait3A_644 = tpu.memref_slice %arg20[%dma_wait3A_642, %dma_wait3A_643] : memref<10240x64xf32, #tpu.memory_space<vmem_shared>> -> memref<10240x64xf32, #tpu.memory_space<vmem_shared>>
      tpu.wait_indirect_dma semaphore(%arg18 : memref<!tpu.dma_semaphore, #tpu.memory_space<semaphore_mem>>) src(%dma_wait3A_638 : memref<128x64xf32, #tpu.memory_space<vmem>>) dst(%dma_wait3A_644 : memref<10240x64xf32, #tpu.memory_space<vmem_shared>>)
      %dma_start3A_645 = arith.constant 3 : i32
      %dma_start3A_646 = arith.constant 0 : i32
      %dma_start3A_647 = arith.constant 0 : i32
      %dma_start3A_648 = tpu.memref_slice %arg8[%dma_start3A_645, %dma_start3A_646, %dma_start3A_647] : memref<4x128x64xf32, #tpu.memory_space<vmem>> -> memref<1x128x64xf32, #tpu.memory_space<vmem>>
      %dma_start3A_649 = tpu.memref_squeeze %dma_start3A_648 : memref<1x128x64xf32, #tpu.memory_space<vmem>> -> memref<128x64xf32, #tpu.memory_space<vmem>>
      %dma_start3A_650 = arith.constant 0 : i32
      %dma_start3A_651 = tpu.memref_slice %arg6[%add3A_631, %dma_start3A_650] : memref<80x128xi32, #tpu.memory_space<vmem>> -> memref<1x128xi32, #tpu.memory_space<vmem>>
      %dma_start3A_652 = tpu.memref_squeeze %dma_start3A_651 : memref<1x128xi32, #tpu.memory_space<vmem>> -> memref<128xi32, #tpu.memory_space<vmem>>
      %dma_start3A_653 = arith.constant 0 : i32
      %dma_start3A_654 = arith.constant 0 : i32
      %dma_start3A_655 = tpu.memref_slice %arg2[%dma_start3A_653, %dma_start3A_654] : memref<10240x64xf32, #tpu.memory_space<hbm>> -> memref<10240x64xf32, #tpu.memory_space<hbm>>
      tpu.enqueue_indirect_dma source(%dma_start3A_655 : memref<10240x64xf32, #tpu.memory_space<hbm>>) target(%dma_start3A_649 : memref<128x64xf32, #tpu.memory_space<vmem>>) offsets(%dma_start3A_652 : memref<128xi32, #tpu.memory_space<vmem>>) semaphore(%arg14 : memref<!tpu.dma_semaphore, #tpu.memory_space<semaphore_mem>>)
      %dma_wait3A_656 = arith.constant 1 : i32
      %dma_wait3A_657 = arith.constant 0 : i32
      %dma_wait3A_658 = arith.constant 0 : i32
      %dma_wait3A_659 = tpu.memref_slice %arg8[%dma_wait3A_656, %dma_wait3A_657, %dma_wait3A_658] : memref<4x128x64xf32, #tpu.memory_space<vmem>> -> memref<1x128x64xf32, #tpu.memory_space<vmem>>
      %dma_wait3A_660 = tpu.memref_squeeze %dma_wait3A_659 : memref<1x128x64xf32, #tpu.memory_space<vmem>> -> memref<128x64xf32, #tpu.memory_space<vmem>>
      %dma_wait3A_661 = arith.constant 0 : i32
      %dma_wait3A_662 = tpu.memref_slice %arg6[%add3A_629, %dma_wait3A_661] : memref<80x128xi32, #tpu.memory_space<vmem>> -> memref<1x128xi32, #tpu.memory_space<vmem>>
      %dma_wait3A_663 = tpu.memref_squeeze %dma_wait3A_662 : memref<1x128xi32, #tpu.memory_space<vmem>> -> memref<128xi32, #tpu.memory_space<vmem>>
      %dma_wait3A_664 = arith.constant 0 : i32
      %dma_wait3A_665 = arith.constant 0 : i32
      %dma_wait3A_666 = tpu.memref_slice %arg2[%dma_wait3A_664, %dma_wait3A_665] : memref<10240x64xf32, #tpu.memory_space<hbm>> -> memref<10240x64xf32, #tpu.memory_space<hbm>>
      tpu.wait_indirect_dma semaphore(%arg12 : memref<!tpu.dma_semaphore, #tpu.memory_space<semaphore_mem>>) src(%dma_wait3A_666 : memref<10240x64xf32, #tpu.memory_space<hbm>>) dst(%dma_wait3A_660 : memref<128x64xf32, #tpu.memory_space<vmem>>)
      %dma_start3A_667 = arith.constant 1 : i32
      %dma_start3A_668 = arith.constant 0 : i32
      %dma_start3A_669 = arith.constant 0 : i32
      %dma_start3A_670 = tpu.memref_slice %arg8[%dma_start3A_667, %dma_start3A_668, %dma_start3A_669] : memref<4x128x64xf32, #tpu.memory_space<vmem>> -> memref<1x128x64xf32, #tpu.memory_space<vmem>>
      %dma_start3A_671 = tpu.memref_squeeze %dma_start3A_670 : memref<1x128x64xf32, #tpu.memory_space<vmem>> -> memref<128x64xf32, #tpu.memory_space<vmem>>
      %dma_start3A_672 = arith.constant 0 : i32
      %dma_start3A_673 = tpu.memref_slice %arg7[%add3A_629, %dma_start3A_672] : memref<80x128xi32, #tpu.memory_space<vmem>> -> memref<1x128xi32, #tpu.memory_space<vmem>>
      %dma_start3A_674 = tpu.memref_squeeze %dma_start3A_673 : memref<1x128xi32, #tpu.memory_space<vmem>> -> memref<128xi32, #tpu.memory_space<vmem>>
      %dma_start3A_675 = arith.constant 0 : i32
      %dma_start3A_676 = arith.constant 0 : i32
      %dma_start3A_677 = tpu.memref_slice %arg20[%dma_start3A_675, %dma_start3A_676] : memref<10240x64xf32, #tpu.memory_space<vmem_shared>> -> memref<10240x64xf32, #tpu.memory_space<vmem_shared>>
      tpu.enqueue_indirect_dma source(%dma_start3A_671 : memref<128x64xf32, #tpu.memory_space<vmem>>) target(%dma_start3A_677 : memref<10240x64xf32, #tpu.memory_space<vmem_shared>>) offsets(%dma_start3A_674 : memref<128xi32, #tpu.memory_space<vmem>>) semaphore(%arg16 : memref<!tpu.dma_semaphore, #tpu.memory_space<semaphore_mem>>) {add = true}
      %mul3A_678 = arith.constant 4 : i32
      %mul3A_679 = arith.muli %scan3A_574, %mul3A_678 : i32
      %add3A_680 = arith.constant 2 : i32
      %add3A_681 = arith.addi %mul3A_679, %add3A_680 : i32
      %add3A_682 = arith.constant 2 : i32
      %add3A_683 = arith.addi %add3A_681, %add3A_682 : i32
      %sub3A_684 = arith.constant 4 : i32
      %sub3A_685 = arith.subi %add3A_683, %sub3A_684 : i32
      %dma_wait3A_686 = arith.constant 0 : i32
      %dma_wait3A_687 = arith.constant 0 : i32
      %dma_wait3A_688 = arith.constant 0 : i32
      %dma_wait3A_689 = tpu.memref_slice %arg8[%dma_wait3A_686, %dma_wait3A_687, %dma_wait3A_688] : memref<4x128x64xf32, #tpu.memory_space<vmem>> -> memref<1x128x64xf32, #tpu.memory_space<vmem>>
      %dma_wait3A_690 = tpu.memref_squeeze %dma_wait3A_689 : memref<1x128x64xf32, #tpu.memory_space<vmem>> -> memref<128x64xf32, #tpu.memory_space<vmem>>
      %dma_wait3A_691 = arith.constant 0 : i32
      %dma_wait3A_692 = tpu.memref_slice %arg7[%sub3A_685, %dma_wait3A_691] : memref<80x128xi32, #tpu.memory_space<vmem>> -> memref<1x128xi32, #tpu.memory_space<vmem>>
      %dma_wait3A_693 = tpu.memref_squeeze %dma_wait3A_692 : memref<1x128xi32, #tpu.memory_space<vmem>> -> memref<128xi32, #tpu.memory_space<vmem>>
      %dma_wait3A_694 = arith.constant 0 : i32
      %dma_wait3A_695 = arith.constant 0 : i32
      %dma_wait3A_696 = tpu.memref_slice %arg20[%dma_wait3A_694, %dma_wait3A_695] : memref<10240x64xf32, #tpu.memory_space<vmem_shared>> -> memref<10240x64xf32, #tpu.memory_space<vmem_shared>>
      tpu.wait_indirect_dma semaphore(%arg15 : memref<!tpu.dma_semaphore, #tpu.memory_space<semaphore_mem>>) src(%dma_wait3A_690 : memref<128x64xf32, #tpu.memory_space<vmem>>) dst(%dma_wait3A_696 : memref<10240x64xf32, #tpu.memory_space<vmem_shared>>)
      %dma_start3A_697 = arith.constant 0 : i32
      %dma_start3A_698 = arith.constant 0 : i32
      %dma_start3A_699 = arith.constant 0 : i32
      %dma_start3A_700 = tpu.memref_slice %arg8[%dma_start3A_697, %dma_start3A_698, %dma_start3A_699] : memref<4x128x64xf32, #tpu.memory_space<vmem>> -> memref<1x128x64xf32, #tpu.memory_space<vmem>>
      %dma_start3A_701 = tpu.memref_squeeze %dma_start3A_700 : memref<1x128x64xf32, #tpu.memory_space<vmem>> -> memref<128x64xf32, #tpu.memory_space<vmem>>
      %dma_start3A_702 = arith.constant 0 : i32
      %dma_start3A_703 = tpu.memref_slice %arg6[%add3A_683, %dma_start3A_702] : memref<80x128xi32, #tpu.memory_space<vmem>> -> memref<1x128xi32, #tpu.memory_space<vmem>>
      %dma_start3A_704 = tpu.memref_squeeze %dma_start3A_703 : memref<1x128xi32, #tpu.memory_space<vmem>> -> memref<128xi32, #tpu.memory_space<vmem>>
      %dma_start3A_705 = arith.constant 0 : i32
      %dma_start3A_706 = arith.constant 0 : i32
      %dma_start3A_707 = tpu.memref_slice %arg2[%dma_start3A_705, %dma_start3A_706] : memref<10240x64xf32, #tpu.memory_space<hbm>> -> memref<10240x64xf32, #tpu.memory_space<hbm>>
      tpu.enqueue_indirect_dma source(%dma_start3A_707 : memref<10240x64xf32, #tpu.memory_space<hbm>>) target(%dma_start3A_701 : memref<128x64xf32, #tpu.memory_space<vmem>>) offsets(%dma_start3A_704 : memref<128xi32, #tpu.memory_space<vmem>>) semaphore(%arg11 : memref<!tpu.dma_semaphore, #tpu.memory_space<semaphore_mem>>)
      %dma_wait3A_708 = arith.constant 2 : i32
      %dma_wait3A_709 = arith.constant 0 : i32
      %dma_wait3A_710 = arith.constant 0 : i32
      %dma_wait3A_711 = tpu.memref_slice %arg8[%dma_wait3A_708, %dma_wait3A_709, %dma_wait3A_710] : memref<4x128x64xf32, #tpu.memory_space<vmem>> -> memref<1x128x64xf32, #tpu.memory_space<vmem>>
      %dma_wait3A_712 = tpu.memref_squeeze %dma_wait3A_711 : memref<1x128x64xf32, #tpu.memory_space<vmem>> -> memref<128x64xf32, #tpu.memory_space<vmem>>
      %dma_wait3A_713 = arith.constant 0 : i32
      %dma_wait3A_714 = tpu.memref_slice %arg6[%add3A_681, %dma_wait3A_713] : memref<80x128xi32, #tpu.memory_space<vmem>> -> memref<1x128xi32, #tpu.memory_space<vmem>>
      %dma_wait3A_715 = tpu.memref_squeeze %dma_wait3A_714 : memref<1x128xi32, #tpu.memory_space<vmem>> -> memref<128xi32, #tpu.memory_space<vmem>>
      %dma_wait3A_716 = arith.constant 0 : i32
      %dma_wait3A_717 = arith.constant 0 : i32
      %dma_wait3A_718 = tpu.memref_slice %arg2[%dma_wait3A_716, %dma_wait3A_717] : memref<10240x64xf32, #tpu.memory_space<hbm>> -> memref<10240x64xf32, #tpu.memory_space<hbm>>
      tpu.wait_indirect_dma semaphore(%arg13 : memref<!tpu.dma_semaphore, #tpu.memory_space<semaphore_mem>>) src(%dma_wait3A_718 : memref<10240x64xf32, #tpu.memory_space<hbm>>) dst(%dma_wait3A_712 : memref<128x64xf32, #tpu.memory_space<vmem>>)
      %dma_start3A_719 = arith.constant 2 : i32
      %dma_start3A_720 = arith.constant 0 : i32
      %dma_start3A_721 = arith.constant 0 : i32
      %dma_start3A_722 = tpu.memref_slice %arg8[%dma_start3A_719, %dma_start3A_720, %dma_start3A_721] : memref<4x128x64xf32, #tpu.memory_space<vmem>> -> memref<1x128x64xf32, #tpu.memory_space<vmem>>
      %dma_start3A_723 = tpu.memref_squeeze %dma_start3A_722 : memref<1x128x64xf32, #tpu.memory_space<vmem>> -> memref<128x64xf32, #tpu.memory_space<vmem>>
      %dma_start3A_724 = arith.constant 0 : i32
      %dma_start3A_725 = tpu.memref_slice %arg7[%add3A_681, %dma_start3A_724] : memref<80x128xi32, #tpu.memory_space<vmem>> -> memref<1x128xi32, #tpu.memory_space<vmem>>
      %dma_start3A_726 = tpu.memref_squeeze %dma_start3A_725 : memref<1x128xi32, #tpu.memory_space<vmem>> -> memref<128xi32, #tpu.memory_space<vmem>>
      %dma_start3A_727 = arith.constant 0 : i32
      %dma_start3A_728 = arith.constant 0 : i32
      %dma_start3A_729 = tpu.memref_slice %arg20[%dma_start3A_727, %dma_start3A_728] : memref<10240x64xf32, #tpu.memory_space<vmem_shared>> -> memref<10240x64xf32, #tpu.memory_space<vmem_shared>>
      tpu.enqueue_indirect_dma source(%dma_start3A_723 : memref<128x64xf32, #tpu.memory_space<vmem>>) target(%dma_start3A_729 : memref<10240x64xf32, #tpu.memory_space<vmem_shared>>) offsets(%dma_start3A_726 : memref<128xi32, #tpu.memory_space<vmem>>) semaphore(%arg17 : memref<!tpu.dma_semaphore, #tpu.memory_space<semaphore_mem>>) {add = true}
      %mul3A_730 = arith.constant 4 : i32
      %mul3A_731 = arith.muli %scan3A_574, %mul3A_730 : i32
      %add3A_732 = arith.constant 3 : i32
      %add3A_733 = arith.addi %mul3A_731, %add3A_732 : i32
      %add3A_734 = arith.constant 2 : i32
      %add3A_735 = arith.addi %add3A_733, %add3A_734 : i32
      %sub3A_736 = arith.constant 4 : i32
      %sub3A_737 = arith.subi %add3A_735, %sub3A_736 : i32
      %dma_wait3A_738 = arith.constant 1 : i32
      %dma_wait3A_739 = arith.constant 0 : i32
      %dma_wait3A_740 = arith.constant 0 : i32
      %dma_wait3A_741 = tpu.memref_slice %arg8[%dma_wait3A_738, %dma_wait3A_739, %dma_wait3A_740] : memref<4x128x64xf32, #tpu.memory_space<vmem>> -> memref<1x128x64xf32, #tpu.memory_space<vmem>>
      %dma_wait3A_742 = tpu.memref_squeeze %dma_wait3A_741 : memref<1x128x64xf32, #tpu.memory_space<vmem>> -> memref<128x64xf32, #tpu.memory_space<vmem>>
      %dma_wait3A_743 = arith.constant 0 : i32
      %dma_wait3A_744 = tpu.memref_slice %arg7[%sub3A_737, %dma_wait3A_743] : memref<80x128xi32, #tpu.memory_space<vmem>> -> memref<1x128xi32, #tpu.memory_space<vmem>>
      %dma_wait3A_745 = tpu.memref_squeeze %dma_wait3A_744 : memref<1x128xi32, #tpu.memory_space<vmem>> -> memref<128xi32, #tpu.memory_space<vmem>>
      %dma_wait3A_746 = arith.constant 0 : i32
      %dma_wait3A_747 = arith.constant 0 : i32
      %dma_wait3A_748 = tpu.memref_slice %arg20[%dma_wait3A_746, %dma_wait3A_747] : memref<10240x64xf32, #tpu.memory_space<vmem_shared>> -> memref<10240x64xf32, #tpu.memory_space<vmem_shared>>
      tpu.wait_indirect_dma semaphore(%arg16 : memref<!tpu.dma_semaphore, #tpu.memory_space<semaphore_mem>>) src(%dma_wait3A_742 : memref<128x64xf32, #tpu.memory_space<vmem>>) dst(%dma_wait3A_748 : memref<10240x64xf32, #tpu.memory_space<vmem_shared>>)
      %dma_start3A_749 = arith.constant 1 : i32
      %dma_start3A_750 = arith.constant 0 : i32
      %dma_start3A_751 = arith.constant 0 : i32
      %dma_start3A_752 = tpu.memref_slice %arg8[%dma_start3A_749, %dma_start3A_750, %dma_start3A_751] : memref<4x128x64xf32, #tpu.memory_space<vmem>> -> memref<1x128x64xf32, #tpu.memory_space<vmem>>
      %dma_start3A_753 = tpu.memref_squeeze %dma_start3A_752 : memref<1x128x64xf32, #tpu.memory_space<vmem>> -> memref<128x64xf32, #tpu.memory_space<vmem>>
      %dma_start3A_754 = arith.constant 0 : i32
      %dma_start3A_755 = tpu.memref_slice %arg6[%add3A_735, %dma_start3A_754] : memref<80x128xi32, #tpu.memory_space<vmem>> -> memref<1x128xi32, #tpu.memory_space<vmem>>
      %dma_start3A_756 = tpu.memref_squeeze %dma_start3A_755 : memref<1x128xi32, #tpu.memory_space<vmem>> -> memref<128xi32, #tpu.memory_space<vmem>>
      %dma_start3A_757 = arith.constant 0 : i32
      %dma_start3A_758 = arith.constant 0 : i32
      %dma_start3A_759 = tpu.memref_slice %arg2[%dma_start3A_757, %dma_start3A_758] : memref<10240x64xf32, #tpu.memory_space<hbm>> -> memref<10240x64xf32, #tpu.memory_space<hbm>>
      tpu.enqueue_indirect_dma source(%dma_start3A_759 : memref<10240x64xf32, #tpu.memory_space<hbm>>) target(%dma_start3A_753 : memref<128x64xf32, #tpu.memory_space<vmem>>) offsets(%dma_start3A_756 : memref<128xi32, #tpu.memory_space<vmem>>) semaphore(%arg12 : memref<!tpu.dma_semaphore, #tpu.memory_space<semaphore_mem>>)
      %dma_wait3A_760 = arith.constant 3 : i32
      %dma_wait3A_761 = arith.constant 0 : i32
      %dma_wait3A_762 = arith.constant 0 : i32
      %dma_wait3A_763 = tpu.memref_slice %arg8[%dma_wait3A_760, %dma_wait3A_761, %dma_wait3A_762] : memref<4x128x64xf32, #tpu.memory_space<vmem>> -> memref<1x128x64xf32, #tpu.memory_space<vmem>>
      %dma_wait3A_764 = tpu.memref_squeeze %dma_wait3A_763 : memref<1x128x64xf32, #tpu.memory_space<vmem>> -> memref<128x64xf32, #tpu.memory_space<vmem>>
      %dma_wait3A_765 = arith.constant 0 : i32
      %dma_wait3A_766 = tpu.memref_slice %arg6[%add3A_733, %dma_wait3A_765] : memref<80x128xi32, #tpu.memory_space<vmem>> -> memref<1x128xi32, #tpu.memory_space<vmem>>
      %dma_wait3A_767 = tpu.memref_squeeze %dma_wait3A_766 : memref<1x128xi32, #tpu.memory_space<vmem>> -> memref<128xi32, #tpu.memory_space<vmem>>
      %dma_wait3A_768 = arith.constant 0 : i32
      %dma_wait3A_769 = arith.constant 0 : i32
      %dma_wait3A_770 = tpu.memref_slice %arg2[%dma_wait3A_768, %dma_wait3A_769] : memref<10240x64xf32, #tpu.memory_space<hbm>> -> memref<10240x64xf32, #tpu.memory_space<hbm>>
      tpu.wait_indirect_dma semaphore(%arg14 : memref<!tpu.dma_semaphore, #tpu.memory_space<semaphore_mem>>) src(%dma_wait3A_770 : memref<10240x64xf32, #tpu.memory_space<hbm>>) dst(%dma_wait3A_764 : memref<128x64xf32, #tpu.memory_space<vmem>>)
      %dma_start3A_771 = arith.constant 3 : i32
      %dma_start3A_772 = arith.constant 0 : i32
      %dma_start3A_773 = arith.constant 0 : i32
      %dma_start3A_774 = tpu.memref_slice %arg8[%dma_start3A_771, %dma_start3A_772, %dma_start3A_773] : memref<4x128x64xf32, #tpu.memory_space<vmem>> -> memref<1x128x64xf32, #tpu.memory_space<vmem>>
      %dma_start3A_775 = tpu.memref_squeeze %dma_start3A_774 : memref<1x128x64xf32, #tpu.memory_space<vmem>> -> memref<128x64xf32, #tpu.memory_space<vmem>>
      %dma_start3A_776 = arith.constant 0 : i32
      %dma_start3A_777 = tpu.memref_slice %arg7[%add3A_733, %dma_start3A_776] : memref<80x128xi32, #tpu.memory_space<vmem>> -> memref<1x128xi32, #tpu.memory_space<vmem>>
      %dma_start3A_778 = tpu.memref_squeeze %dma_start3A_777 : memref<1x128xi32, #tpu.memory_space<vmem>> -> memref<128xi32, #tpu.memory_space<vmem>>
      %dma_start3A_779 = arith.constant 0 : i32
      %dma_start3A_780 = arith.constant 0 : i32
      %dma_start3A_781 = tpu.memref_slice %arg20[%dma_start3A_779, %dma_start3A_780] : memref<10240x64xf32, #tpu.memory_space<vmem_shared>> -> memref<10240x64xf32, #tpu.memory_space<vmem_shared>>
      tpu.enqueue_indirect_dma source(%dma_start3A_775 : memref<128x64xf32, #tpu.memory_space<vmem>>) target(%dma_start3A_781 : memref<10240x64xf32, #tpu.memory_space<vmem_shared>>) offsets(%dma_start3A_778 : memref<128xi32, #tpu.memory_space<vmem>>) semaphore(%arg18 : memref<!tpu.dma_semaphore, #tpu.memory_space<semaphore_mem>>) {add = true}
    }
    %scan3A_380 = arith.constant 18 : i32
    %dma_wait3A_381 = arith.constant 2 : i32
    %dma_wait3A_382 = arith.constant 74 : i32
    %dma_wait3A_383 = arith.constant 0 : i32
    %dma_wait3A_384 = arith.constant 0 : i32
    %dma_wait3A_385 = tpu.memref_slice %arg8[%dma_wait3A_381, %dma_wait3A_383, %dma_wait3A_384] : memref<4x128x64xf32, #tpu.memory_space<vmem>> -> memref<1x128x64xf32, #tpu.memory_space<vmem>>
    %dma_wait3A_386 = tpu.memref_squeeze %dma_wait3A_385 : memref<1x128x64xf32, #tpu.memory_space<vmem>> -> memref<128x64xf32, #tpu.memory_space<vmem>>
    %dma_wait3A_387 = arith.constant 0 : i32
    %dma_wait3A_388 = tpu.memref_slice %arg7[%dma_wait3A_382, %dma_wait3A_387] : memref<80x128xi32, #tpu.memory_space<vmem>> -> memref<1x128xi32, #tpu.memory_space<vmem>>
    %dma_wait3A_389 = tpu.memref_squeeze %dma_wait3A_388 : memref<1x128xi32, #tpu.memory_space<vmem>> -> memref<128xi32, #tpu.memory_space<vmem>>
    %dma_wait3A_390 = arith.constant 0 : i32
    %dma_wait3A_391 = arith.constant 0 : i32
    %dma_wait3A_392 = tpu.memref_slice %arg20[%dma_wait3A_390, %dma_wait3A_391] : memref<10240x64xf32, #tpu.memory_space<vmem_shared>> -> memref<10240x64xf32, #tpu.memory_space<vmem_shared>>
    tpu.wait_indirect_dma semaphore(%arg17 : memref<!tpu.dma_semaphore, #tpu.memory_space<semaphore_mem>>) src(%dma_wait3A_386 : memref<128x64xf32, #tpu.memory_space<vmem>>) dst(%dma_wait3A_392 : memref<10240x64xf32, #tpu.memory_space<vmem_shared>>)
    %dma_start3A_393 = arith.constant 78 : i32
    %dma_start3A_394 = arith.constant 2 : i32
    %dma_start3A_395 = arith.constant 0 : i32
    %dma_start3A_396 = arith.constant 0 : i32
    %dma_start3A_397 = tpu.memref_slice %arg8[%dma_start3A_394, %dma_start3A_395, %dma_start3A_396] : memref<4x128x64xf32, #tpu.memory_space<vmem>> -> memref<1x128x64xf32, #tpu.memory_space<vmem>>
    %dma_start3A_398 = tpu.memref_squeeze %dma_start3A_397 : memref<1x128x64xf32, #tpu.memory_space<vmem>> -> memref<128x64xf32, #tpu.memory_space<vmem>>
    %dma_start3A_399 = arith.constant 0 : i32
    %dma_start3A_400 = tpu.memref_slice %arg6[%dma_start3A_393, %dma_start3A_399] : memref<80x128xi32, #tpu.memory_space<vmem>> -> memref<1x128xi32, #tpu.memory_space<vmem>>
    %dma_start3A_401 = tpu.memref_squeeze %dma_start3A_400 : memref<1x128xi32, #tpu.memory_space<vmem>> -> memref<128xi32, #tpu.memory_space<vmem>>
    %dma_start3A_402 = arith.constant 0 : i32
    %dma_start3A_403 = arith.constant 0 : i32
    %dma_start3A_404 = tpu.memref_slice %arg2[%dma_start3A_402, %dma_start3A_403] : memref<10240x64xf32, #tpu.memory_space<hbm>> -> memref<10240x64xf32, #tpu.memory_space<hbm>>
    tpu.enqueue_indirect_dma source(%dma_start3A_404 : memref<10240x64xf32, #tpu.memory_space<hbm>>) target(%dma_start3A_398 : memref<128x64xf32, #tpu.memory_space<vmem>>) offsets(%dma_start3A_401 : memref<128xi32, #tpu.memory_space<vmem>>) semaphore(%arg13 : memref<!tpu.dma_semaphore, #tpu.memory_space<semaphore_mem>>)
    %dma_wait3A_405 = arith.constant 76 : i32
    %dma_wait3A_406 = arith.constant 0 : i32
    %dma_wait3A_407 = arith.constant 0 : i32
    %dma_wait3A_408 = arith.constant 0 : i32
    %dma_wait3A_409 = tpu.memref_slice %arg8[%dma_wait3A_406, %dma_wait3A_407, %dma_wait3A_408] : memref<4x128x64xf32, #tpu.memory_space<vmem>> -> memref<1x128x64xf32, #tpu.memory_space<vmem>>
    %dma_wait3A_410 = tpu.memref_squeeze %dma_wait3A_409 : memref<1x128x64xf32, #tpu.memory_space<vmem>> -> memref<128x64xf32, #tpu.memory_space<vmem>>
    %dma_wait3A_411 = arith.constant 0 : i32
    %dma_wait3A_412 = tpu.memref_slice %arg6[%dma_wait3A_405, %dma_wait3A_411] : memref<80x128xi32, #tpu.memory_space<vmem>> -> memref<1x128xi32, #tpu.memory_space<vmem>>
    %dma_wait3A_413 = tpu.memref_squeeze %dma_wait3A_412 : memref<1x128xi32, #tpu.memory_space<vmem>> -> memref<128xi32, #tpu.memory_space<vmem>>
    %dma_wait3A_414 = arith.constant 0 : i32
    %dma_wait3A_415 = arith.constant 0 : i32
    %dma_wait3A_416 = tpu.memref_slice %arg2[%dma_wait3A_414, %dma_wait3A_415] : memref<10240x64xf32, #tpu.memory_space<hbm>> -> memref<10240x64xf32, #tpu.memory_space<hbm>>
    tpu.wait_indirect_dma semaphore(%arg11 : memref<!tpu.dma_semaphore, #tpu.memory_space<semaphore_mem>>) src(%dma_wait3A_416 : memref<10240x64xf32, #tpu.memory_space<hbm>>) dst(%dma_wait3A_410 : memref<128x64xf32, #tpu.memory_space<vmem>>)
    %dma_start3A_417 = arith.constant 0 : i32
    %dma_start3A_418 = arith.constant 76 : i32
    %dma_start3A_419 = arith.constant 0 : i32
    %dma_start3A_420 = arith.constant 0 : i32
    %dma_start3A_421 = tpu.memref_slice %arg8[%dma_start3A_417, %dma_start3A_419, %dma_start3A_420] : memref<4x128x64xf32, #tpu.memory_space<vmem>> -> memref<1x128x64xf32, #tpu.memory_space<vmem>>
    %dma_start3A_422 = tpu.memref_squeeze %dma_start3A_421 : memref<1x128x64xf32, #tpu.memory_space<vmem>> -> memref<128x64xf32, #tpu.memory_space<vmem>>
    %dma_start3A_423 = arith.constant 0 : i32
    %dma_start3A_424 = tpu.memref_slice %arg7[%dma_start3A_418, %dma_start3A_423] : memref<80x128xi32, #tpu.memory_space<vmem>> -> memref<1x128xi32, #tpu.memory_space<vmem>>
    %dma_start3A_425 = tpu.memref_squeeze %dma_start3A_424 : memref<1x128xi32, #tpu.memory_space<vmem>> -> memref<128xi32, #tpu.memory_space<vmem>>
    %dma_start3A_426 = arith.constant 0 : i32
    %dma_start3A_427 = arith.constant 0 : i32
    %dma_start3A_428 = tpu.memref_slice %arg20[%dma_start3A_426, %dma_start3A_427] : memref<10240x64xf32, #tpu.memory_space<vmem_shared>> -> memref<10240x64xf32, #tpu.memory_space<vmem_shared>>
    tpu.enqueue_indirect_dma source(%dma_start3A_422 : memref<128x64xf32, #tpu.memory_space<vmem>>) target(%dma_start3A_428 : memref<10240x64xf32, #tpu.memory_space<vmem_shared>>) offsets(%dma_start3A_425 : memref<128xi32, #tpu.memory_space<vmem>>) semaphore(%arg15 : memref<!tpu.dma_semaphore, #tpu.memory_space<semaphore_mem>>) {add = true}
    %dma_wait3A_429 = arith.constant 3 : i32
    %dma_wait3A_430 = arith.constant 75 : i32
    %dma_wait3A_431 = arith.constant 0 : i32
    %dma_wait3A_432 = arith.constant 0 : i32
    %dma_wait3A_433 = tpu.memref_slice %arg8[%dma_wait3A_429, %dma_wait3A_431, %dma_wait3A_432] : memref<4x128x64xf32, #tpu.memory_space<vmem>> -> memref<1x128x64xf32, #tpu.memory_space<vmem>>
    %dma_wait3A_434 = tpu.memref_squeeze %dma_wait3A_433 : memref<1x128x64xf32, #tpu.memory_space<vmem>> -> memref<128x64xf32, #tpu.memory_space<vmem>>
    %dma_wait3A_435 = arith.constant 0 : i32
    %dma_wait3A_436 = tpu.memref_slice %arg7[%dma_wait3A_430, %dma_wait3A_435] : memref<80x128xi32, #tpu.memory_space<vmem>> -> memref<1x128xi32, #tpu.memory_space<vmem>>
    %dma_wait3A_437 = tpu.memref_squeeze %dma_wait3A_436 : memref<1x128xi32, #tpu.memory_space<vmem>> -> memref<128xi32, #tpu.memory_space<vmem>>
    %dma_wait3A_438 = arith.constant 0 : i32
    %dma_wait3A_439 = arith.constant 0 : i32
    %dma_wait3A_440 = tpu.memref_slice %arg20[%dma_wait3A_438, %dma_wait3A_439] : memref<10240x64xf32, #tpu.memory_space<vmem_shared>> -> memref<10240x64xf32, #tpu.memory_space<vmem_shared>>
    tpu.wait_indirect_dma semaphore(%arg18 : memref<!tpu.dma_semaphore, #tpu.memory_space<semaphore_mem>>) src(%dma_wait3A_434 : memref<128x64xf32, #tpu.memory_space<vmem>>) dst(%dma_wait3A_440 : memref<10240x64xf32, #tpu.memory_space<vmem_shared>>)
    %dma_start3A_441 = arith.constant 79 : i32
    %dma_start3A_442 = arith.constant 3 : i32
    %dma_start3A_443 = arith.constant 0 : i32
    %dma_start3A_444 = arith.constant 0 : i32
    %dma_start3A_445 = tpu.memref_slice %arg8[%dma_start3A_442, %dma_start3A_443, %dma_start3A_444] : memref<4x128x64xf32, #tpu.memory_space<vmem>> -> memref<1x128x64xf32, #tpu.memory_space<vmem>>
    %dma_start3A_446 = tpu.memref_squeeze %dma_start3A_445 : memref<1x128x64xf32, #tpu.memory_space<vmem>> -> memref<128x64xf32, #tpu.memory_space<vmem>>
    %dma_start3A_447 = arith.constant 0 : i32
    %dma_start3A_448 = tpu.memref_slice %arg6[%dma_start3A_441, %dma_start3A_447] : memref<80x128xi32, #tpu.memory_space<vmem>> -> memref<1x128xi32, #tpu.memory_space<vmem>>
    %dma_start3A_449 = tpu.memref_squeeze %dma_start3A_448 : memref<1x128xi32, #tpu.memory_space<vmem>> -> memref<128xi32, #tpu.memory_space<vmem>>
    %dma_start3A_450 = arith.constant 0 : i32
    %dma_start3A_451 = arith.constant 0 : i32
    %dma_start3A_452 = tpu.memref_slice %arg2[%dma_start3A_450, %dma_start3A_451] : memref<10240x64xf32, #tpu.memory_space<hbm>> -> memref<10240x64xf32, #tpu.memory_space<hbm>>
    tpu.enqueue_indirect_dma source(%dma_start3A_452 : memref<10240x64xf32, #tpu.memory_space<hbm>>) target(%dma_start3A_446 : memref<128x64xf32, #tpu.memory_space<vmem>>) offsets(%dma_start3A_449 : memref<128xi32, #tpu.memory_space<vmem>>) semaphore(%arg14 : memref<!tpu.dma_semaphore, #tpu.memory_space<semaphore_mem>>)
    %dma_wait3A_453 = arith.constant 77 : i32
    %dma_wait3A_454 = arith.constant 1 : i32
    %dma_wait3A_455 = arith.constant 0 : i32
    %dma_wait3A_456 = arith.constant 0 : i32
    %dma_wait3A_457 = tpu.memref_slice %arg8[%dma_wait3A_454, %dma_wait3A_455, %dma_wait3A_456] : memref<4x128x64xf32, #tpu.memory_space<vmem>> -> memref<1x128x64xf32, #tpu.memory_space<vmem>>
    %dma_wait3A_458 = tpu.memref_squeeze %dma_wait3A_457 : memref<1x128x64xf32, #tpu.memory_space<vmem>> -> memref<128x64xf32, #tpu.memory_space<vmem>>
    %dma_wait3A_459 = arith.constant 0 : i32
    %dma_wait3A_460 = tpu.memref_slice %arg6[%dma_wait3A_453, %dma_wait3A_459] : memref<80x128xi32, #tpu.memory_space<vmem>> -> memref<1x128xi32, #tpu.memory_space<vmem>>
    %dma_wait3A_461 = tpu.memref_squeeze %dma_wait3A_460 : memref<1x128xi32, #tpu.memory_space<vmem>> -> memref<128xi32, #tpu.memory_space<vmem>>
    %dma_wait3A_462 = arith.constant 0 : i32
    %dma_wait3A_463 = arith.constant 0 : i32
    %dma_wait3A_464 = tpu.memref_slice %arg2[%dma_wait3A_462, %dma_wait3A_463] : memref<10240x64xf32, #tpu.memory_space<hbm>> -> memref<10240x64xf32, #tpu.memory_space<hbm>>
    tpu.wait_indirect_dma semaphore(%arg12 : memref<!tpu.dma_semaphore, #tpu.memory_space<semaphore_mem>>) src(%dma_wait3A_464 : memref<10240x64xf32, #tpu.memory_space<hbm>>) dst(%dma_wait3A_458 : memref<128x64xf32, #tpu.memory_space<vmem>>)
    %dma_start3A_465 = arith.constant 1 : i32
    %dma_start3A_466 = arith.constant 77 : i32
    %dma_start3A_467 = arith.constant 0 : i32
    %dma_start3A_468 = arith.constant 0 : i32
    %dma_start3A_469 = tpu.memref_slice %arg8[%dma_start3A_465, %dma_start3A_467, %dma_start3A_468] : memref<4x128x64xf32, #tpu.memory_space<vmem>> -> memref<1x128x64xf32, #tpu.memory_space<vmem>>
    %dma_start3A_470 = tpu.memref_squeeze %dma_start3A_469 : memref<1x128x64xf32, #tpu.memory_space<vmem>> -> memref<128x64xf32, #tpu.memory_space<vmem>>
    %dma_start3A_471 = arith.constant 0 : i32
    %dma_start3A_472 = tpu.memref_slice %arg7[%dma_start3A_466, %dma_start3A_471] : memref<80x128xi32, #tpu.memory_space<vmem>> -> memref<1x128xi32, #tpu.memory_space<vmem>>
    %dma_start3A_473 = tpu.memref_squeeze %dma_start3A_472 : memref<1x128xi32, #tpu.memory_space<vmem>> -> memref<128xi32, #tpu.memory_space<vmem>>
    %dma_start3A_474 = arith.constant 0 : i32
    %dma_start3A_475 = arith.constant 0 : i32
    %dma_start3A_476 = tpu.memref_slice %arg20[%dma_start3A_474, %dma_start3A_475] : memref<10240x64xf32, #tpu.memory_space<vmem_shared>> -> memref<10240x64xf32, #tpu.memory_space<vmem_shared>>
    tpu.enqueue_indirect_dma source(%dma_start3A_470 : memref<128x64xf32, #tpu.memory_space<vmem>>) target(%dma_start3A_476 : memref<10240x64xf32, #tpu.memory_space<vmem_shared>>) offsets(%dma_start3A_473 : memref<128xi32, #tpu.memory_space<vmem>>) semaphore(%arg16 : memref<!tpu.dma_semaphore, #tpu.memory_space<semaphore_mem>>) {add = true}
    %dma_wait3A_477 = arith.constant 78 : i32
    %dma_wait3A_478 = arith.constant 2 : i32
    %dma_wait3A_479 = arith.constant 0 : i32
    %dma_wait3A_480 = arith.constant 0 : i32
    %dma_wait3A_481 = tpu.memref_slice %arg8[%dma_wait3A_478, %dma_wait3A_479, %dma_wait3A_480] : memref<4x128x64xf32, #tpu.memory_space<vmem>> -> memref<1x128x64xf32, #tpu.memory_space<vmem>>
    %dma_wait3A_482 = tpu.memref_squeeze %dma_wait3A_481 : memref<1x128x64xf32, #tpu.memory_space<vmem>> -> memref<128x64xf32, #tpu.memory_space<vmem>>
    %dma_wait3A_483 = arith.constant 0 : i32
    %dma_wait3A_484 = tpu.memref_slice %arg6[%dma_wait3A_477, %dma_wait3A_483] : memref<80x128xi32, #tpu.memory_space<vmem>> -> memref<1x128xi32, #tpu.memory_space<vmem>>
    %dma_wait3A_485 = tpu.memref_squeeze %dma_wait3A_484 : memref<1x128xi32, #tpu.memory_space<vmem>> -> memref<128xi32, #tpu.memory_space<vmem>>
    %dma_wait3A_486 = arith.constant 0 : i32
    %dma_wait3A_487 = arith.constant 0 : i32
    %dma_wait3A_488 = tpu.memref_slice %arg2[%dma_wait3A_486, %dma_wait3A_487] : memref<10240x64xf32, #tpu.memory_space<hbm>> -> memref<10240x64xf32, #tpu.memory_space<hbm>>
    tpu.wait_indirect_dma semaphore(%arg13 : memref<!tpu.dma_semaphore, #tpu.memory_space<semaphore_mem>>) src(%dma_wait3A_488 : memref<10240x64xf32, #tpu.memory_space<hbm>>) dst(%dma_wait3A_482 : memref<128x64xf32, #tpu.memory_space<vmem>>)
    %dma_start3A_489 = arith.constant 2 : i32
    %dma_start3A_490 = arith.constant 78 : i32
    %dma_start3A_491 = arith.constant 0 : i32
    %dma_start3A_492 = arith.constant 0 : i32
    %dma_start3A_493 = tpu.memref_slice %arg8[%dma_start3A_489, %dma_start3A_491, %dma_start3A_492] : memref<4x128x64xf32, #tpu.memory_space<vmem>> -> memref<1x128x64xf32, #tpu.memory_space<vmem>>
    %dma_start3A_494 = tpu.memref_squeeze %dma_start3A_493 : memref<1x128x64xf32, #tpu.memory_space<vmem>> -> memref<128x64xf32, #tpu.memory_space<vmem>>
    %dma_start3A_495 = arith.constant 0 : i32
    %dma_start3A_496 = tpu.memref_slice %arg7[%dma_start3A_490, %dma_start3A_495] : memref<80x128xi32, #tpu.memory_space<vmem>> -> memref<1x128xi32, #tpu.memory_space<vmem>>
    %dma_start3A_497 = tpu.memref_squeeze %dma_start3A_496 : memref<1x128xi32, #tpu.memory_space<vmem>> -> memref<128xi32, #tpu.memory_space<vmem>>
    %dma_start3A_498 = arith.constant 0 : i32
    %dma_start3A_499 = arith.constant 0 : i32
    %dma_start3A_500 = tpu.memref_slice %arg20[%dma_start3A_498, %dma_start3A_499] : memref<10240x64xf32, #tpu.memory_space<vmem_shared>> -> memref<10240x64xf32, #tpu.memory_space<vmem_shared>>
    tpu.enqueue_indirect_dma source(%dma_start3A_494 : memref<128x64xf32, #tpu.memory_space<vmem>>) target(%dma_start3A_500 : memref<10240x64xf32, #tpu.memory_space<vmem_shared>>) offsets(%dma_start3A_497 : memref<128xi32, #tpu.memory_space<vmem>>) semaphore(%arg17 : memref<!tpu.dma_semaphore, #tpu.memory_space<semaphore_mem>>) {add = true}
    %dma_wait3A_501 = arith.constant 79 : i32
    %dma_wait3A_502 = arith.constant 3 : i32
    %dma_wait3A_503 = arith.constant 0 : i32
    %dma_wait3A_504 = arith.constant 0 : i32
    %dma_wait3A_505 = tpu.memref_slice %arg8[%dma_wait3A_502, %dma_wait3A_503, %dma_wait3A_504] : memref<4x128x64xf32, #tpu.memory_space<vmem>> -> memref<1x128x64xf32, #tpu.memory_space<vmem>>
    %dma_wait3A_506 = tpu.memref_squeeze %dma_wait3A_505 : memref<1x128x64xf32, #tpu.memory_space<vmem>> -> memref<128x64xf32, #tpu.memory_space<vmem>>
    %dma_wait3A_507 = arith.constant 0 : i32
    %dma_wait3A_508 = tpu.memref_slice %arg6[%dma_wait3A_501, %dma_wait3A_507] : memref<80x128xi32, #tpu.memory_space<vmem>> -> memref<1x128xi32, #tpu.memory_space<vmem>>
    %dma_wait3A_509 = tpu.memref_squeeze %dma_wait3A_508 : memref<1x128xi32, #tpu.memory_space<vmem>> -> memref<128xi32, #tpu.memory_space<vmem>>
    %dma_wait3A_510 = arith.constant 0 : i32
    %dma_wait3A_511 = arith.constant 0 : i32
    %dma_wait3A_512 = tpu.memref_slice %arg2[%dma_wait3A_510, %dma_wait3A_511] : memref<10240x64xf32, #tpu.memory_space<hbm>> -> memref<10240x64xf32, #tpu.memory_space<hbm>>
    tpu.wait_indirect_dma semaphore(%arg14 : memref<!tpu.dma_semaphore, #tpu.memory_space<semaphore_mem>>) src(%dma_wait3A_512 : memref<10240x64xf32, #tpu.memory_space<hbm>>) dst(%dma_wait3A_506 : memref<128x64xf32, #tpu.memory_space<vmem>>)
    %dma_start3A_513 = arith.constant 3 : i32
    %dma_start3A_514 = arith.constant 79 : i32
    %dma_start3A_515 = arith.constant 0 : i32
    %dma_start3A_516 = arith.constant 0 : i32
    %dma_start3A_517 = tpu.memref_slice %arg8[%dma_start3A_513, %dma_start3A_515, %dma_start3A_516] : memref<4x128x64xf32, #tpu.memory_space<vmem>> -> memref<1x128x64xf32, #tpu.memory_space<vmem>>
    %dma_start3A_518 = tpu.memref_squeeze %dma_start3A_517 : memref<1x128x64xf32, #tpu.memory_space<vmem>> -> memref<128x64xf32, #tpu.memory_space<vmem>>
    %dma_start3A_519 = arith.constant 0 : i32
    %dma_start3A_520 = tpu.memref_slice %arg7[%dma_start3A_514, %dma_start3A_519] : memref<80x128xi32, #tpu.memory_space<vmem>> -> memref<1x128xi32, #tpu.memory_space<vmem>>
    %dma_start3A_521 = tpu.memref_squeeze %dma_start3A_520 : memref<1x128xi32, #tpu.memory_space<vmem>> -> memref<128xi32, #tpu.memory_space<vmem>>
    %dma_start3A_522 = arith.constant 0 : i32
    %dma_start3A_523 = arith.constant 0 : i32
    %dma_start3A_524 = tpu.memref_slice %arg20[%dma_start3A_522, %dma_start3A_523] : memref<10240x64xf32, #tpu.memory_space<vmem_shared>> -> memref<10240x64xf32, #tpu.memory_space<vmem_shared>>
    tpu.enqueue_indirect_dma source(%dma_start3A_518 : memref<128x64xf32, #tpu.memory_space<vmem>>) target(%dma_start3A_524 : memref<10240x64xf32, #tpu.memory_space<vmem_shared>>) offsets(%dma_start3A_521 : memref<128xi32, #tpu.memory_space<vmem>>) semaphore(%arg18 : memref<!tpu.dma_semaphore, #tpu.memory_space<semaphore_mem>>) {add = true}
    %dma_wait3A_525 = arith.constant 0 : i32
    %dma_wait3A_526 = arith.constant 76 : i32
    %dma_wait3A_527 = arith.constant 0 : i32
    %dma_wait3A_528 = arith.constant 0 : i32
    %dma_wait3A_529 = tpu.memref_slice %arg8[%dma_wait3A_525, %dma_wait3A_527, %dma_wait3A_528] : memref<4x128x64xf32, #tpu.memory_space<vmem>> -> memref<1x128x64xf32, #tpu.memory_space<vmem>>
    %dma_wait3A_530 = tpu.memref_squeeze %dma_wait3A_529 : memref<1x128x64xf32, #tpu.memory_space<vmem>> -> memref<128x64xf32, #tpu.memory_space<vmem>>
    %dma_wait3A_531 = arith.constant 0 : i32
    %dma_wait3A_532 = tpu.memref_slice %arg7[%dma_wait3A_526, %dma_wait3A_531] : memref<80x128xi32, #tpu.memory_space<vmem>> -> memref<1x128xi32, #tpu.memory_space<vmem>>
    %dma_wait3A_533 = tpu.memref_squeeze %dma_wait3A_532 : memref<1x128xi32, #tpu.memory_space<vmem>> -> memref<128xi32, #tpu.memory_space<vmem>>
    %dma_wait3A_534 = arith.constant 0 : i32
    %dma_wait3A_535 = arith.constant 0 : i32
    %dma_wait3A_536 = tpu.memref_slice %arg20[%dma_wait3A_534, %dma_wait3A_535] : memref<10240x64xf32, #tpu.memory_space<vmem_shared>> -> memref<10240x64xf32, #tpu.memory_space<vmem_shared>>
    tpu.wait_indirect_dma semaphore(%arg15 : memref<!tpu.dma_semaphore, #tpu.memory_space<semaphore_mem>>) src(%dma_wait3A_530 : memref<128x64xf32, #tpu.memory_space<vmem>>) dst(%dma_wait3A_536 : memref<10240x64xf32, #tpu.memory_space<vmem_shared>>)
    %dma_wait3A_537 = arith.constant 1 : i32
    %dma_wait3A_538 = arith.constant 77 : i32
    %dma_wait3A_539 = arith.constant 0 : i32
    %dma_wait3A_540 = arith.constant 0 : i32
    %dma_wait3A_541 = tpu.memref_slice %arg8[%dma_wait3A_537, %dma_wait3A_539, %dma_wait3A_540] : memref<4x128x64xf32, #tpu.memory_space<vmem>> -> memref<1x128x64xf32, #tpu.memory_space<vmem>>
    %dma_wait3A_542 = tpu.memref_squeeze %dma_wait3A_541 : memref<1x128x64xf32, #tpu.memory_space<vmem>> -> memref<128x64xf32, #tpu.memory_space<vmem>>
    %dma_wait3A_543 = arith.constant 0 : i32
    %dma_wait3A_544 = tpu.memref_slice %arg7[%dma_wait3A_538, %dma_wait3A_543] : memref<80x128xi32, #tpu.memory_space<vmem>> -> memref<1x128xi32, #tpu.memory_space<vmem>>
    %dma_wait3A_545 = tpu.memref_squeeze %dma_wait3A_544 : memref<1x128xi32, #tpu.memory_space<vmem>> -> memref<128xi32, #tpu.memory_space<vmem>>
    %dma_wait3A_546 = arith.constant 0 : i32
    %dma_wait3A_547 = arith.constant 0 : i32
    %dma_wait3A_548 = tpu.memref_slice %arg20[%dma_wait3A_546, %dma_wait3A_547] : memref<10240x64xf32, #tpu.memory_space<vmem_shared>> -> memref<10240x64xf32, #tpu.memory_space<vmem_shared>>
    tpu.wait_indirect_dma semaphore(%arg16 : memref<!tpu.dma_semaphore, #tpu.memory_space<semaphore_mem>>) src(%dma_wait3A_542 : memref<128x64xf32, #tpu.memory_space<vmem>>) dst(%dma_wait3A_548 : memref<10240x64xf32, #tpu.memory_space<vmem_shared>>)
    %dma_wait3A_549 = arith.constant 2 : i32
    %dma_wait3A_550 = arith.constant 78 : i32
    %dma_wait3A_551 = arith.constant 0 : i32
    %dma_wait3A_552 = arith.constant 0 : i32
    %dma_wait3A_553 = tpu.memref_slice %arg8[%dma_wait3A_549, %dma_wait3A_551, %dma_wait3A_552] : memref<4x128x64xf32, #tpu.memory_space<vmem>> -> memref<1x128x64xf32, #tpu.memory_space<vmem>>
    %dma_wait3A_554 = tpu.memref_squeeze %dma_wait3A_553 : memref<1x128x64xf32, #tpu.memory_space<vmem>> -> memref<128x64xf32, #tpu.memory_space<vmem>>
    %dma_wait3A_555 = arith.constant 0 : i32
    %dma_wait3A_556 = tpu.memref_slice %arg7[%dma_wait3A_550, %dma_wait3A_555] : memref<80x128xi32, #tpu.memory_space<vmem>> -> memref<1x128xi32, #tpu.memory_space<vmem>>
    %dma_wait3A_557 = tpu.memref_squeeze %dma_wait3A_556 : memref<1x128xi32, #tpu.memory_space<vmem>> -> memref<128xi32, #tpu.memory_space<vmem>>
    %dma_wait3A_558 = arith.constant 0 : i32
    %dma_wait3A_559 = arith.constant 0 : i32
    %dma_wait3A_560 = tpu.memref_slice %arg20[%dma_wait3A_558, %dma_wait3A_559] : memref<10240x64xf32, #tpu.memory_space<vmem_shared>> -> memref<10240x64xf32, #tpu.memory_space<vmem_shared>>
    tpu.wait_indirect_dma semaphore(%arg17 : memref<!tpu.dma_semaphore, #tpu.memory_space<semaphore_mem>>) src(%dma_wait3A_554 : memref<128x64xf32, #tpu.memory_space<vmem>>) dst(%dma_wait3A_560 : memref<10240x64xf32, #tpu.memory_space<vmem_shared>>)
    %dma_wait3A_561 = arith.constant 3 : i32
    %dma_wait3A_562 = arith.constant 79 : i32
    %dma_wait3A_563 = arith.constant 0 : i32
    %dma_wait3A_564 = arith.constant 0 : i32
    %dma_wait3A_565 = tpu.memref_slice %arg8[%dma_wait3A_561, %dma_wait3A_563, %dma_wait3A_564] : memref<4x128x64xf32, #tpu.memory_space<vmem>> -> memref<1x128x64xf32, #tpu.memory_space<vmem>>
    %dma_wait3A_566 = tpu.memref_squeeze %dma_wait3A_565 : memref<1x128x64xf32, #tpu.memory_space<vmem>> -> memref<128x64xf32, #tpu.memory_space<vmem>>
    %dma_wait3A_567 = arith.constant 0 : i32
    %dma_wait3A_568 = tpu.memref_slice %arg7[%dma_wait3A_562, %dma_wait3A_567] : memref<80x128xi32, #tpu.memory_space<vmem>> -> memref<1x128xi32, #tpu.memory_space<vmem>>
    %dma_wait3A_569 = tpu.memref_squeeze %dma_wait3A_568 : memref<1x128xi32, #tpu.memory_space<vmem>> -> memref<128xi32, #tpu.memory_space<vmem>>
    %dma_wait3A_570 = arith.constant 0 : i32
    %dma_wait3A_571 = arith.constant 0 : i32
    %dma_wait3A_572 = tpu.memref_slice %arg20[%dma_wait3A_570, %dma_wait3A_571] : memref<10240x64xf32, #tpu.memory_space<vmem_shared>> -> memref<10240x64xf32, #tpu.memory_space<vmem_shared>>
    tpu.wait_indirect_dma semaphore(%arg18 : memref<!tpu.dma_semaphore, #tpu.memory_space<semaphore_mem>>) src(%dma_wait3A_566 : memref<128x64xf32, #tpu.memory_space<vmem>>) dst(%dma_wait3A_572 : memref<10240x64xf32, #tpu.memory_space<vmem_shared>>)
    %barrier3A_573 = arith.constant 0 : index
    tpu.barrier barrier_id(%barrier3A_573)
    "tpu.region"() ({
      %run_scoped3A = tpu.sem_alloc : memref<!tpu.dma_semaphore, #tpu.memory_space<semaphore_mem>>
      %dma_start3A_574 = arith.constant 0 : i32
      %dma_start3A_575 = tpu.memref_slice %arg5[%arg0, %mul3A_52, %dma_start3A_574] : memref<2x10240x64xf32, #tpu.memory_space<hbm>> -> memref<1x640x64xf32, #tpu.memory_space<hbm>>
      %dma_start3A_576 = tpu.memref_squeeze %dma_start3A_575 : memref<1x640x64xf32, #tpu.memory_space<hbm>> -> memref<640x64xf32, #tpu.memory_space<hbm>>
      %dma_start3A_577 = arith.constant 0 : i32
      %dma_start3A_578 = tpu.memref_slice %arg20[%mul3A_52, %dma_start3A_577] : memref<10240x64xf32, #tpu.memory_space<vmem_shared>> -> memref<640x64xf32, #tpu.memory_space<vmem_shared>>
      tpu.enqueue_dma source(%dma_start3A_578 : memref<640x64xf32, #tpu.memory_space<vmem_shared>>) target(%dma_start3A_576 : memref<640x64xf32, #tpu.memory_space<hbm>>) target_semaphore(%run_scoped3A : memref<!tpu.dma_semaphore, #tpu.memory_space<semaphore_mem>>)
      %dma_wait3A_579 = arith.constant 0 : i32
      %dma_wait3A_580 = tpu.memref_slice %arg5[%arg0, %mul3A_52, %dma_wait3A_579] : memref<2x10240x64xf32, #tpu.memory_space<hbm>> -> memref<1x640x64xf32, #tpu.memory_space<hbm>>
      %dma_wait3A_581 = tpu.memref_squeeze %dma_wait3A_580 : memref<1x640x64xf32, #tpu.memory_space<hbm>> -> memref<640x64xf32, #tpu.memory_space<hbm>>
      %dma_wait3A_582 = arith.constant 0 : i32
      %dma_wait3A_583 = tpu.memref_slice %arg20[%mul3A_52, %dma_wait3A_582] : memref<10240x64xf32, #tpu.memory_space<vmem_shared>> -> memref<640x64xf32, #tpu.memory_space<vmem_shared>>
      tpu.wait_dma2 semaphore(%run_scoped3A : memref<!tpu.dma_semaphore, #tpu.memory_space<semaphore_mem>>) src(%dma_wait3A_583 : memref<640x64xf32, #tpu.memory_space<vmem_shared>>) dst(%dma_wait3A_581 : memref<640x64xf32, #tpu.memory_space<hbm>>)
      tpu.yield
    }) : () -> ()
    return
  }
}

#map = affine_map<(d0, d1) -> (0, 0)>
#map1 = affine_map<(d0, d1) -> (0, 0, 0)>
module attributes {stable_mosaic.version = 14 : i64} {
  func.func @body(%arg0: i32, %arg1: i32, %arg2: memref<10240x64xf32, #tpu.memory_space<hbm>>, %arg3: memref<2560x128xi32, #tpu.memory_space<hbm>>, %arg4: memref<2560x128xi32, #tpu.memory_space<hbm>>, %arg5: memref<2x10240x64xf32, #tpu.memory_space<hbm>>, %arg6: memref<2x10240x16xf32, #tpu.memory_space<hbm>>, %arg7: memref<80x128xi32, #tpu.memory_space<vmem>>, %arg8: memref<80x128xi32, #tpu.memory_space<vmem>>, %arg9: memref<4x128x64xf32, #tpu.memory_space<vmem>>, %arg10: memref<128x16xf32, #tpu.memory_space<vmem>>, %arg11: memref<128x16xf32, #tpu.memory_space<vmem>>, %arg12: memref<!tpu.dma_semaphore, #tpu.memory_space<semaphore_mem>>, %arg13: memref<!tpu.dma_semaphore, #tpu.memory_space<semaphore_mem>>, %arg14: memref<!tpu.dma_semaphore, #tpu.memory_space<semaphore_mem>>, %arg15: memref<!tpu.dma_semaphore, #tpu.memory_space<semaphore_mem>>, %arg16: memref<!tpu.dma_semaphore, #tpu.memory_space<semaphore_mem>>, %arg17: memref<!tpu.dma_semaphore, #tpu.memory_space<semaphore_mem>>, %arg18: memref<!tpu.dma_semaphore, #tpu.memory_space<semaphore_mem>>, %arg19: memref<!tpu.dma_semaphore, #tpu.memory_space<semaphore_mem>>, %arg20: memref<!tpu.dma_semaphore, #tpu.memory_space<semaphore_mem>>, %arg21: memref<10240x64xf32, #tpu.memory_space<vmem_shared>>, %arg22: memref<10240x16xf32, #tpu.memory_space<vmem_shared>>) attributes {dimension_semantics = [#tpu.dimension_semantics<core_parallel>, #tpu.dimension_semantics<subcore_parallel>], iteration_bounds = array<i64: 2, 16>, scalar_prefetch = 0 : i64, scratch_operands = 16 : i64, tpu.core_type = #tpu.core_type<sc_vector_subcore>, window_params = [{transform_indices = #map}, {transform_indices = #map}, {transform_indices = #map}, {transform_indices = #map1}, {transform_indices = #map1}]} {
    %mul3A = arith.constant 2 : i32
    %mul3A_0 = arith.muli %arg1, %mul3A : i32
    %add3A = arith.addi %mul3A_0, %arg0 : i32
    %mul3A_1 = arith.constant 80 : i32
    %mul3A_2 = arith.muli %add3A, %mul3A_1 : i32
    %mul3A_3 = arith.constant 80 : i32
    %mul3A_4 = arith.muli %add3A, %mul3A_3 : i32
    %mul3A_5 = arith.constant 80 : i32
    %mul3A_6 = arith.muli %add3A, %mul3A_5 : i32
    %dma_start3A = arith.constant 0 : i32
    %dma_start3A_7 = tpu.memref_slice %arg3[%mul3A_6, %dma_start3A] : memref<2560x128xi32, #tpu.memory_space<hbm>> -> memref<80x128xi32, #tpu.memory_space<hbm>>
    %dma_start3A_8 = arith.constant 0 : i32
    %dma_start3A_9 = tpu.memref_slice %arg3[%mul3A_6, %dma_start3A_8] : memref<2560x128xi32, #tpu.memory_space<hbm>> -> memref<80x128xi32, #tpu.memory_space<hbm>>
    tpu.enqueue_dma source(%dma_start3A_9 : memref<80x128xi32, #tpu.memory_space<hbm>>) target(%arg7 : memref<80x128xi32, #tpu.memory_space<vmem>>) target_semaphore(%arg14 : memref<!tpu.dma_semaphore, #tpu.memory_space<semaphore_mem>>)
    %mul3A_10 = arith.constant 80 : i32
    %mul3A_11 = arith.muli %add3A, %mul3A_10 : i32
    %dma_start3A_12 = arith.constant 0 : i32
    %dma_start3A_13 = tpu.memref_slice %arg4[%mul3A_11, %dma_start3A_12] : memref<2560x128xi32, #tpu.memory_space<hbm>> -> memref<80x128xi32, #tpu.memory_space<hbm>>
    %dma_start3A_14 = arith.constant 0 : i32
    %dma_start3A_15 = tpu.memref_slice %arg4[%mul3A_11, %dma_start3A_14] : memref<2560x128xi32, #tpu.memory_space<hbm>> -> memref<80x128xi32, #tpu.memory_space<hbm>>
    tpu.enqueue_dma source(%dma_start3A_15 : memref<80x128xi32, #tpu.memory_space<hbm>>) target(%arg8 : memref<80x128xi32, #tpu.memory_space<vmem>>) target_semaphore(%arg15 : memref<!tpu.dma_semaphore, #tpu.memory_space<semaphore_mem>>)
    %broadcast_in_dim3A = arith.constant 0.000000e+00 : f32
    %broadcast_in_dim3A_16 = vector.broadcast %broadcast_in_dim3A : f32 to vector<16xf32>
    %broadcast_in_dim3A_17 = arith.constant 1.000000e+00 : f32
    %broadcast_in_dim3A_18 = vector.broadcast %broadcast_in_dim3A_17 : f32 to vector<16xf32>
    %scan3A = arith.constant 0 : i32
    %scan3A_19 = arith.constant 0 : i32
    %scan3A_20 = arith.constant 128 : i32
    %scan3A_21 = arith.addi %scan3A_19, %scan3A_20 : i32
    %scan3A_22 = arith.constant 1 : i32
    scf.for %scan3A_696 = %scan3A_19 to %scan3A_21 step %scan3A_22  : i32 {
      %swap3A = arith.constant 3 : i32
      %swap3A_697 = arith.index_cast %swap3A : i32 to index
      %swap3A_698 = arith.index_cast %scan3A_696 : i32 to index
      %swap3A_699 = arith.constant 0 : index
      %swap3A_700 = tpu.vector_load %arg9[%swap3A_697, %swap3A_698, %swap3A_699] {strides = array<i32>} : memref<4x128x64xf32, #tpu.memory_space<vmem>>, vector<1x1x16xf32>,
      %swap3A_701 = vector.shape_cast %swap3A_700 : vector<1x1x16xf32> to vector<16xf32>
      %swap3A_702 = vector.shape_cast %broadcast_in_dim3A_16 : vector<16xf32> to vector<1x1x16xf32>
      tpu.vector_store %arg9[%swap3A_697, %swap3A_698, %swap3A_699], %swap3A_702 {strides = array<i32>} : memref<4x128x64xf32, #tpu.memory_space<vmem>>, vector<1x1x16xf32>,
      %swap3A_703 = arith.constant 3 : i32
      %swap3A_704 = arith.index_cast %swap3A_703 : i32 to index
      %swap3A_705 = arith.index_cast %scan3A_696 : i32 to index
      %swap3A_706 = arith.constant 16 : index
      %swap3A_707 = tpu.vector_load %arg9[%swap3A_704, %swap3A_705, %swap3A_706] {strides = array<i32>} : memref<4x128x64xf32, #tpu.memory_space<vmem>>, vector<1x1x16xf32>,
      %swap3A_708 = vector.shape_cast %swap3A_707 : vector<1x1x16xf32> to vector<16xf32>
      %swap3A_709 = vector.shape_cast %broadcast_in_dim3A_16 : vector<16xf32> to vector<1x1x16xf32>
      tpu.vector_store %arg9[%swap3A_704, %swap3A_705, %swap3A_706], %swap3A_709 {strides = array<i32>} : memref<4x128x64xf32, #tpu.memory_space<vmem>>, vector<1x1x16xf32>,
      %swap3A_710 = arith.constant 3 : i32
      %swap3A_711 = arith.index_cast %swap3A_710 : i32 to index
      %swap3A_712 = arith.index_cast %scan3A_696 : i32 to index
      %swap3A_713 = arith.constant 32 : index
      %swap3A_714 = tpu.vector_load %arg9[%swap3A_711, %swap3A_712, %swap3A_713] {strides = array<i32>} : memref<4x128x64xf32, #tpu.memory_space<vmem>>, vector<1x1x16xf32>,
      %swap3A_715 = vector.shape_cast %swap3A_714 : vector<1x1x16xf32> to vector<16xf32>
      %swap3A_716 = vector.shape_cast %broadcast_in_dim3A_16 : vector<16xf32> to vector<1x1x16xf32>
      tpu.vector_store %arg9[%swap3A_711, %swap3A_712, %swap3A_713], %swap3A_716 {strides = array<i32>} : memref<4x128x64xf32, #tpu.memory_space<vmem>>, vector<1x1x16xf32>,
      %swap3A_717 = arith.constant 3 : i32
      %swap3A_718 = arith.index_cast %swap3A_717 : i32 to index
      %swap3A_719 = arith.index_cast %scan3A_696 : i32 to index
      %swap3A_720 = arith.constant 48 : index
      %swap3A_721 = tpu.vector_load %arg9[%swap3A_718, %swap3A_719, %swap3A_720] {strides = array<i32>} : memref<4x128x64xf32, #tpu.memory_space<vmem>>, vector<1x1x16xf32>,
      %swap3A_722 = vector.shape_cast %swap3A_721 : vector<1x1x16xf32> to vector<16xf32>
      %swap3A_723 = vector.shape_cast %broadcast_in_dim3A_16 : vector<16xf32> to vector<1x1x16xf32>
      tpu.vector_store %arg9[%swap3A_718, %swap3A_719, %swap3A_720], %swap3A_723 {strides = array<i32>} : memref<4x128x64xf32, #tpu.memory_space<vmem>>, vector<1x1x16xf32>,
      %swap3A_724 = arith.index_cast %scan3A_696 : i32 to index
      %swap3A_725 = arith.constant 0 : index
      %swap3A_726 = tpu.vector_load %arg10[%swap3A_724, %swap3A_725] {strides = array<i32>} : memref<128x16xf32, #tpu.memory_space<vmem>>, vector<1x16xf32>,
      %swap3A_727 = vector.shape_cast %swap3A_726 : vector<1x16xf32> to vector<16xf32>
      %swap3A_728 = vector.shape_cast %broadcast_in_dim3A_18 : vector<16xf32> to vector<1x16xf32>
      tpu.vector_store %arg10[%swap3A_724, %swap3A_725], %swap3A_728 {strides = array<i32>} : memref<128x16xf32, #tpu.memory_space<vmem>>, vector<1x16xf32>,
      %swap3A_729 = arith.index_cast %scan3A_696 : i32 to index
      %swap3A_730 = arith.constant 0 : index
      %swap3A_731 = tpu.vector_load %arg11[%swap3A_729, %swap3A_730] {strides = array<i32>} : memref<128x16xf32, #tpu.memory_space<vmem>>, vector<1x16xf32>,
      %swap3A_732 = vector.shape_cast %swap3A_731 : vector<1x16xf32> to vector<16xf32>
      %swap3A_733 = vector.shape_cast %broadcast_in_dim3A_16 : vector<16xf32> to vector<1x16xf32>
      tpu.vector_store %arg11[%swap3A_729, %swap3A_730], %swap3A_733 {strides = array<i32>} : memref<128x16xf32, #tpu.memory_space<vmem>>, vector<1x16xf32>,
    }
    %scan3A_23 = arith.constant 128 : i32
    %dma_wait3A = arith.constant 0 : i32
    %dma_wait3A_24 = tpu.memref_slice %arg3[%mul3A_2, %dma_wait3A] : memref<2560x128xi32, #tpu.memory_space<hbm>> -> memref<80x128xi32, #tpu.memory_space<hbm>>
    %dma_wait3A_25 = arith.constant 0 : i32
    %dma_wait3A_26 = tpu.memref_slice %arg3[%mul3A_2, %dma_wait3A_25] : memref<2560x128xi32, #tpu.memory_space<hbm>> -> memref<80x128xi32, #tpu.memory_space<hbm>>
    tpu.wait_dma2 semaphore(%arg14 : memref<!tpu.dma_semaphore, #tpu.memory_space<semaphore_mem>>) src(%dma_wait3A_26 : memref<80x128xi32, #tpu.memory_space<hbm>>) dst(%arg7 : memref<80x128xi32, #tpu.memory_space<vmem>>)
    %dma_start3A_27 = arith.constant 0 : i32
    %dma_start3A_28 = arith.constant 0 : i32
    %dma_start3A_29 = arith.constant 0 : i32
    %dma_start3A_30 = arith.constant 0 : i32
    %dma_start3A_31 = tpu.memref_slice %arg9[%dma_start3A_28, %dma_start3A_29, %dma_start3A_30] : memref<4x128x64xf32, #tpu.memory_space<vmem>> -> memref<1x128x64xf32, #tpu.memory_space<vmem>>
    %dma_start3A_32 = tpu.memref_squeeze %dma_start3A_31 : memref<1x128x64xf32, #tpu.memory_space<vmem>> -> memref<128x64xf32, #tpu.memory_space<vmem>>
    %dma_start3A_33 = arith.constant 0 : i32
    %dma_start3A_34 = tpu.memref_slice %arg7[%dma_start3A_27, %dma_start3A_33] : memref<80x128xi32, #tpu.memory_space<vmem>> -> memref<1x128xi32, #tpu.memory_space<vmem>>
    %dma_start3A_35 = tpu.memref_squeeze %dma_start3A_34 : memref<1x128xi32, #tpu.memory_space<vmem>> -> memref<128xi32, #tpu.memory_space<vmem>>
    %dma_start3A_36 = arith.constant 0 : i32
    %dma_start3A_37 = arith.constant 0 : i32
    %dma_start3A_38 = tpu.memref_slice %arg2[%dma_start3A_36, %dma_start3A_37] : memref<10240x64xf32, #tpu.memory_space<hbm>> -> memref<10240x64xf32, #tpu.memory_space<hbm>>
    tpu.enqueue_indirect_dma source(%dma_start3A_38 : memref<10240x64xf32, #tpu.memory_space<hbm>>) target(%dma_start3A_32 : memref<128x64xf32, #tpu.memory_space<vmem>>) offsets(%dma_start3A_35 : memref<128xi32, #tpu.memory_space<vmem>>) semaphore(%arg12 : memref<!tpu.dma_semaphore, #tpu.memory_space<semaphore_mem>>)
    %dma_start3A_39 = arith.constant 1 : i32
    %dma_start3A_40 = arith.constant 1 : i32
    %dma_start3A_41 = arith.constant 0 : i32
    %dma_start3A_42 = arith.constant 0 : i32
    %dma_start3A_43 = tpu.memref_slice %arg9[%dma_start3A_40, %dma_start3A_41, %dma_start3A_42] : memref<4x128x64xf32, #tpu.memory_space<vmem>> -> memref<1x128x64xf32, #tpu.memory_space<vmem>>
    %dma_start3A_44 = tpu.memref_squeeze %dma_start3A_43 : memref<1x128x64xf32, #tpu.memory_space<vmem>> -> memref<128x64xf32, #tpu.memory_space<vmem>>
    %dma_start3A_45 = arith.constant 0 : i32
    %dma_start3A_46 = tpu.memref_slice %arg7[%dma_start3A_39, %dma_start3A_45] : memref<80x128xi32, #tpu.memory_space<vmem>> -> memref<1x128xi32, #tpu.memory_space<vmem>>
    %dma_start3A_47 = tpu.memref_squeeze %dma_start3A_46 : memref<1x128xi32, #tpu.memory_space<vmem>> -> memref<128xi32, #tpu.memory_space<vmem>>
    %dma_start3A_48 = arith.constant 0 : i32
    %dma_start3A_49 = arith.constant 0 : i32
    %dma_start3A_50 = tpu.memref_slice %arg2[%dma_start3A_48, %dma_start3A_49] : memref<10240x64xf32, #tpu.memory_space<hbm>> -> memref<10240x64xf32, #tpu.memory_space<hbm>>
    tpu.enqueue_indirect_dma source(%dma_start3A_50 : memref<10240x64xf32, #tpu.memory_space<hbm>>) target(%dma_start3A_44 : memref<128x64xf32, #tpu.memory_space<vmem>>) offsets(%dma_start3A_47 : memref<128xi32, #tpu.memory_space<vmem>>) semaphore(%arg13 : memref<!tpu.dma_semaphore, #tpu.memory_space<semaphore_mem>>)
    %mul3A_51 = arith.constant 640 : i32
    %mul3A_52 = arith.muli %arg1, %mul3A_51 : i32
    %add3A_53 = arith.constant 0 : i32
    %add3A_54 = arith.addi %mul3A_52, %add3A_53 : i32
    %dma_start3A_55 = arith.constant 3 : i32
    %dma_start3A_56 = arith.constant 0 : i32
    %dma_start3A_57 = arith.constant 0 : i32
    %dma_start3A_58 = tpu.memref_slice %arg9[%dma_start3A_55, %dma_start3A_56, %dma_start3A_57] : memref<4x128x64xf32, #tpu.memory_space<vmem>> -> memref<1x128x64xf32, #tpu.memory_space<vmem>>
    %dma_start3A_59 = tpu.memref_squeeze %dma_start3A_58 : memref<1x128x64xf32, #tpu.memory_space<vmem>> -> memref<128x64xf32, #tpu.memory_space<vmem>>
    %dma_start3A_60 = arith.constant 0 : i32
    %dma_start3A_61 = tpu.memref_slice %arg21[%add3A_54, %dma_start3A_60] : memref<10240x64xf32, #tpu.memory_space<vmem_shared>> -> memref<128x64xf32, #tpu.memory_space<vmem_shared>>
    %dma_start3A_62 = arith.constant 0 : i32
    %dma_start3A_63 = tpu.memref_slice %arg21[%add3A_54, %dma_start3A_62] : memref<10240x64xf32, #tpu.memory_space<vmem_shared>> -> memref<128x64xf32, #tpu.memory_space<vmem_shared>>
    %dma_start3A_64 = arith.constant 0 : i32
    %dma_start3A_65 = arith.constant 0 : i32
    %dma_start3A_66 = tpu.memref_slice %arg9[%dma_start3A_55, %dma_start3A_64, %dma_start3A_65] : memref<4x128x64xf32, #tpu.memory_space<vmem>> -> memref<1x128x64xf32, #tpu.memory_space<vmem>>
    %dma_start3A_67 = tpu.memref_squeeze %dma_start3A_66 : memref<1x128x64xf32, #tpu.memory_space<vmem>> -> memref<128x64xf32, #tpu.memory_space<vmem>>
    tpu.enqueue_dma source(%dma_start3A_67 : memref<128x64xf32, #tpu.memory_space<vmem>>) target(%dma_start3A_63 : memref<128x64xf32, #tpu.memory_space<vmem_shared>>) target_semaphore(%arg16 : memref<!tpu.dma_semaphore, #tpu.memory_space<semaphore_mem>>)
    %add3A_68 = arith.constant 0 : i32
    %add3A_69 = arith.addi %mul3A_52, %add3A_68 : i32
    %dma_start3A_70 = arith.constant 0 : i32
    %dma_start3A_71 = tpu.memref_slice %arg22[%add3A_69, %dma_start3A_70] : memref<10240x16xf32, #tpu.memory_space<vmem_shared>> -> memref<128x16xf32, #tpu.memory_space<vmem_shared>>
    %dma_start3A_72 = arith.constant 0 : i32
    %dma_start3A_73 = tpu.memref_slice %arg22[%add3A_69, %dma_start3A_72] : memref<10240x16xf32, #tpu.memory_space<vmem_shared>> -> memref<128x16xf32, #tpu.memory_space<vmem_shared>>
    tpu.enqueue_dma source(%arg11 : memref<128x16xf32, #tpu.memory_space<vmem>>) target(%dma_start3A_73 : memref<128x16xf32, #tpu.memory_space<vmem_shared>>) target_semaphore(%arg17 : memref<!tpu.dma_semaphore, #tpu.memory_space<semaphore_mem>>)
    %add3A_74 = arith.constant 128 : i32
    %add3A_75 = arith.addi %mul3A_52, %add3A_74 : i32
    %dma_start3A_76 = arith.constant 3 : i32
    %dma_start3A_77 = arith.constant 0 : i32
    %dma_start3A_78 = arith.constant 0 : i32
    %dma_start3A_79 = tpu.memref_slice %arg9[%dma_start3A_76, %dma_start3A_77, %dma_start3A_78] : memref<4x128x64xf32, #tpu.memory_space<vmem>> -> memref<1x128x64xf32, #tpu.memory_space<vmem>>
    %dma_start3A_80 = tpu.memref_squeeze %dma_start3A_79 : memref<1x128x64xf32, #tpu.memory_space<vmem>> -> memref<128x64xf32, #tpu.memory_space<vmem>>
    %dma_start3A_81 = arith.constant 0 : i32
    %dma_start3A_82 = tpu.memref_slice %arg21[%add3A_75, %dma_start3A_81] : memref<10240x64xf32, #tpu.memory_space<vmem_shared>> -> memref<128x64xf32, #tpu.memory_space<vmem_shared>>
    %dma_start3A_83 = arith.constant 0 : i32
    %dma_start3A_84 = tpu.memref_slice %arg21[%add3A_75, %dma_start3A_83] : memref<10240x64xf32, #tpu.memory_space<vmem_shared>> -> memref<128x64xf32, #tpu.memory_space<vmem_shared>>
    %dma_start3A_85 = arith.constant 0 : i32
    %dma_start3A_86 = arith.constant 0 : i32
    %dma_start3A_87 = tpu.memref_slice %arg9[%dma_start3A_76, %dma_start3A_85, %dma_start3A_86] : memref<4x128x64xf32, #tpu.memory_space<vmem>> -> memref<1x128x64xf32, #tpu.memory_space<vmem>>
    %dma_start3A_88 = tpu.memref_squeeze %dma_start3A_87 : memref<1x128x64xf32, #tpu.memory_space<vmem>> -> memref<128x64xf32, #tpu.memory_space<vmem>>
    tpu.enqueue_dma source(%dma_start3A_88 : memref<128x64xf32, #tpu.memory_space<vmem>>) target(%dma_start3A_84 : memref<128x64xf32, #tpu.memory_space<vmem_shared>>) target_semaphore(%arg16 : memref<!tpu.dma_semaphore, #tpu.memory_space<semaphore_mem>>)
    %add3A_89 = arith.constant 128 : i32
    %add3A_90 = arith.addi %mul3A_52, %add3A_89 : i32
    %dma_start3A_91 = arith.constant 0 : i32
    %dma_start3A_92 = tpu.memref_slice %arg22[%add3A_90, %dma_start3A_91] : memref<10240x16xf32, #tpu.memory_space<vmem_shared>> -> memref<128x16xf32, #tpu.memory_space<vmem_shared>>
    %dma_start3A_93 = arith.constant 0 : i32
    %dma_start3A_94 = tpu.memref_slice %arg22[%add3A_90, %dma_start3A_93] : memref<10240x16xf32, #tpu.memory_space<vmem_shared>> -> memref<128x16xf32, #tpu.memory_space<vmem_shared>>
    tpu.enqueue_dma source(%arg11 : memref<128x16xf32, #tpu.memory_space<vmem>>) target(%dma_start3A_94 : memref<128x16xf32, #tpu.memory_space<vmem_shared>>) target_semaphore(%arg17 : memref<!tpu.dma_semaphore, #tpu.memory_space<semaphore_mem>>)
    %add3A_95 = arith.constant 256 : i32
    %add3A_96 = arith.addi %mul3A_52, %add3A_95 : i32
    %dma_start3A_97 = arith.constant 3 : i32
    %dma_start3A_98 = arith.constant 0 : i32
    %dma_start3A_99 = arith.constant 0 : i32
    %dma_start3A_100 = tpu.memref_slice %arg9[%dma_start3A_97, %dma_start3A_98, %dma_start3A_99] : memref<4x128x64xf32, #tpu.memory_space<vmem>> -> memref<1x128x64xf32, #tpu.memory_space<vmem>>
    %dma_start3A_101 = tpu.memref_squeeze %dma_start3A_100 : memref<1x128x64xf32, #tpu.memory_space<vmem>> -> memref<128x64xf32, #tpu.memory_space<vmem>>
    %dma_start3A_102 = arith.constant 0 : i32
    %dma_start3A_103 = tpu.memref_slice %arg21[%add3A_96, %dma_start3A_102] : memref<10240x64xf32, #tpu.memory_space<vmem_shared>> -> memref<128x64xf32, #tpu.memory_space<vmem_shared>>
    %dma_start3A_104 = arith.constant 0 : i32
    %dma_start3A_105 = tpu.memref_slice %arg21[%add3A_96, %dma_start3A_104] : memref<10240x64xf32, #tpu.memory_space<vmem_shared>> -> memref<128x64xf32, #tpu.memory_space<vmem_shared>>
    %dma_start3A_106 = arith.constant 0 : i32
    %dma_start3A_107 = arith.constant 0 : i32
    %dma_start3A_108 = tpu.memref_slice %arg9[%dma_start3A_97, %dma_start3A_106, %dma_start3A_107] : memref<4x128x64xf32, #tpu.memory_space<vmem>> -> memref<1x128x64xf32, #tpu.memory_space<vmem>>
    %dma_start3A_109 = tpu.memref_squeeze %dma_start3A_108 : memref<1x128x64xf32, #tpu.memory_space<vmem>> -> memref<128x64xf32, #tpu.memory_space<vmem>>
    tpu.enqueue_dma source(%dma_start3A_109 : memref<128x64xf32, #tpu.memory_space<vmem>>) target(%dma_start3A_105 : memref<128x64xf32, #tpu.memory_space<vmem_shared>>) target_semaphore(%arg16 : memref<!tpu.dma_semaphore, #tpu.memory_space<semaphore_mem>>)
    %add3A_110 = arith.constant 256 : i32
    %add3A_111 = arith.addi %mul3A_52, %add3A_110 : i32
    %dma_start3A_112 = arith.constant 0 : i32
    %dma_start3A_113 = tpu.memref_slice %arg22[%add3A_111, %dma_start3A_112] : memref<10240x16xf32, #tpu.memory_space<vmem_shared>> -> memref<128x16xf32, #tpu.memory_space<vmem_shared>>
    %dma_start3A_114 = arith.constant 0 : i32
    %dma_start3A_115 = tpu.memref_slice %arg22[%add3A_111, %dma_start3A_114] : memref<10240x16xf32, #tpu.memory_space<vmem_shared>> -> memref<128x16xf32, #tpu.memory_space<vmem_shared>>
    tpu.enqueue_dma source(%arg11 : memref<128x16xf32, #tpu.memory_space<vmem>>) target(%dma_start3A_115 : memref<128x16xf32, #tpu.memory_space<vmem_shared>>) target_semaphore(%arg17 : memref<!tpu.dma_semaphore, #tpu.memory_space<semaphore_mem>>)
    %add3A_116 = arith.constant 384 : i32
    %add3A_117 = arith.addi %mul3A_52, %add3A_116 : i32
    %dma_start3A_118 = arith.constant 3 : i32
    %dma_start3A_119 = arith.constant 0 : i32
    %dma_start3A_120 = arith.constant 0 : i32
    %dma_start3A_121 = tpu.memref_slice %arg9[%dma_start3A_118, %dma_start3A_119, %dma_start3A_120] : memref<4x128x64xf32, #tpu.memory_space<vmem>> -> memref<1x128x64xf32, #tpu.memory_space<vmem>>
    %dma_start3A_122 = tpu.memref_squeeze %dma_start3A_121 : memref<1x128x64xf32, #tpu.memory_space<vmem>> -> memref<128x64xf32, #tpu.memory_space<vmem>>
    %dma_start3A_123 = arith.constant 0 : i32
    %dma_start3A_124 = tpu.memref_slice %arg21[%add3A_117, %dma_start3A_123] : memref<10240x64xf32, #tpu.memory_space<vmem_shared>> -> memref<128x64xf32, #tpu.memory_space<vmem_shared>>
    %dma_start3A_125 = arith.constant 0 : i32
    %dma_start3A_126 = tpu.memref_slice %arg21[%add3A_117, %dma_start3A_125] : memref<10240x64xf32, #tpu.memory_space<vmem_shared>> -> memref<128x64xf32, #tpu.memory_space<vmem_shared>>
    %dma_start3A_127 = arith.constant 0 : i32
    %dma_start3A_128 = arith.constant 0 : i32
    %dma_start3A_129 = tpu.memref_slice %arg9[%dma_start3A_118, %dma_start3A_127, %dma_start3A_128] : memref<4x128x64xf32, #tpu.memory_space<vmem>> -> memref<1x128x64xf32, #tpu.memory_space<vmem>>
    %dma_start3A_130 = tpu.memref_squeeze %dma_start3A_129 : memref<1x128x64xf32, #tpu.memory_space<vmem>> -> memref<128x64xf32, #tpu.memory_space<vmem>>
    tpu.enqueue_dma source(%dma_start3A_130 : memref<128x64xf32, #tpu.memory_space<vmem>>) target(%dma_start3A_126 : memref<128x64xf32, #tpu.memory_space<vmem_shared>>) target_semaphore(%arg16 : memref<!tpu.dma_semaphore, #tpu.memory_space<semaphore_mem>>)
    %add3A_131 = arith.constant 384 : i32
    %add3A_132 = arith.addi %mul3A_52, %add3A_131 : i32
    %dma_start3A_133 = arith.constant 0 : i32
    %dma_start3A_134 = tpu.memref_slice %arg22[%add3A_132, %dma_start3A_133] : memref<10240x16xf32, #tpu.memory_space<vmem_shared>> -> memref<128x16xf32, #tpu.memory_space<vmem_shared>>
    %dma_start3A_135 = arith.constant 0 : i32
    %dma_start3A_136 = tpu.memref_slice %arg22[%add3A_132, %dma_start3A_135] : memref<10240x16xf32, #tpu.memory_space<vmem_shared>> -> memref<128x16xf32, #tpu.memory_space<vmem_shared>>
    tpu.enqueue_dma source(%arg11 : memref<128x16xf32, #tpu.memory_space<vmem>>) target(%dma_start3A_136 : memref<128x16xf32, #tpu.memory_space<vmem_shared>>) target_semaphore(%arg17 : memref<!tpu.dma_semaphore, #tpu.memory_space<semaphore_mem>>)
    %add3A_137 = arith.constant 512 : i32
    %add3A_138 = arith.addi %mul3A_52, %add3A_137 : i32
    %dma_start3A_139 = arith.constant 3 : i32
    %dma_start3A_140 = arith.constant 0 : i32
    %dma_start3A_141 = arith.constant 0 : i32
    %dma_start3A_142 = tpu.memref_slice %arg9[%dma_start3A_139, %dma_start3A_140, %dma_start3A_141] : memref<4x128x64xf32, #tpu.memory_space<vmem>> -> memref<1x128x64xf32, #tpu.memory_space<vmem>>
    %dma_start3A_143 = tpu.memref_squeeze %dma_start3A_142 : memref<1x128x64xf32, #tpu.memory_space<vmem>> -> memref<128x64xf32, #tpu.memory_space<vmem>>
    %dma_start3A_144 = arith.constant 0 : i32
    %dma_start3A_145 = tpu.memref_slice %arg21[%add3A_138, %dma_start3A_144] : memref<10240x64xf32, #tpu.memory_space<vmem_shared>> -> memref<128x64xf32, #tpu.memory_space<vmem_shared>>
    %dma_start3A_146 = arith.constant 0 : i32
    %dma_start3A_147 = tpu.memref_slice %arg21[%add3A_138, %dma_start3A_146] : memref<10240x64xf32, #tpu.memory_space<vmem_shared>> -> memref<128x64xf32, #tpu.memory_space<vmem_shared>>
    %dma_start3A_148 = arith.constant 0 : i32
    %dma_start3A_149 = arith.constant 0 : i32
    %dma_start3A_150 = tpu.memref_slice %arg9[%dma_start3A_139, %dma_start3A_148, %dma_start3A_149] : memref<4x128x64xf32, #tpu.memory_space<vmem>> -> memref<1x128x64xf32, #tpu.memory_space<vmem>>
    %dma_start3A_151 = tpu.memref_squeeze %dma_start3A_150 : memref<1x128x64xf32, #tpu.memory_space<vmem>> -> memref<128x64xf32, #tpu.memory_space<vmem>>
    tpu.enqueue_dma source(%dma_start3A_151 : memref<128x64xf32, #tpu.memory_space<vmem>>) target(%dma_start3A_147 : memref<128x64xf32, #tpu.memory_space<vmem_shared>>) target_semaphore(%arg16 : memref<!tpu.dma_semaphore, #tpu.memory_space<semaphore_mem>>)
    %add3A_152 = arith.constant 512 : i32
    %add3A_153 = arith.addi %mul3A_52, %add3A_152 : i32
    %dma_start3A_154 = arith.constant 0 : i32
    %dma_start3A_155 = tpu.memref_slice %arg22[%add3A_153, %dma_start3A_154] : memref<10240x16xf32, #tpu.memory_space<vmem_shared>> -> memref<128x16xf32, #tpu.memory_space<vmem_shared>>
    %dma_start3A_156 = arith.constant 0 : i32
    %dma_start3A_157 = tpu.memref_slice %arg22[%add3A_153, %dma_start3A_156] : memref<10240x16xf32, #tpu.memory_space<vmem_shared>> -> memref<128x16xf32, #tpu.memory_space<vmem_shared>>
    tpu.enqueue_dma source(%arg11 : memref<128x16xf32, #tpu.memory_space<vmem>>) target(%dma_start3A_157 : memref<128x16xf32, #tpu.memory_space<vmem_shared>>) target_semaphore(%arg17 : memref<!tpu.dma_semaphore, #tpu.memory_space<semaphore_mem>>)
    %dma_wait3A_158 = arith.constant 0 : i32
    %dma_wait3A_159 = tpu.memref_slice %arg4[%mul3A_4, %dma_wait3A_158] : memref<2560x128xi32, #tpu.memory_space<hbm>> -> memref<80x128xi32, #tpu.memory_space<hbm>>
    %dma_wait3A_160 = arith.constant 0 : i32
    %dma_wait3A_161 = tpu.memref_slice %arg4[%mul3A_4, %dma_wait3A_160] : memref<2560x128xi32, #tpu.memory_space<hbm>> -> memref<80x128xi32, #tpu.memory_space<hbm>>
    tpu.wait_dma2 semaphore(%arg15 : memref<!tpu.dma_semaphore, #tpu.memory_space<semaphore_mem>>) src(%dma_wait3A_161 : memref<80x128xi32, #tpu.memory_space<hbm>>) dst(%arg8 : memref<80x128xi32, #tpu.memory_space<vmem>>)
    %add3A_162 = arith.constant 0 : i32
    %add3A_163 = arith.addi %mul3A_52, %add3A_162 : i32
    %dma_wait3A_164 = arith.constant 3 : i32
    %dma_wait3A_165 = arith.constant 0 : i32
    %dma_wait3A_166 = arith.constant 0 : i32
    %dma_wait3A_167 = tpu.memref_slice %arg9[%dma_wait3A_164, %dma_wait3A_165, %dma_wait3A_166] : memref<4x128x64xf32, #tpu.memory_space<vmem>> -> memref<1x128x64xf32, #tpu.memory_space<vmem>>
    %dma_wait3A_168 = tpu.memref_squeeze %dma_wait3A_167 : memref<1x128x64xf32, #tpu.memory_space<vmem>> -> memref<128x64xf32, #tpu.memory_space<vmem>>
    %dma_wait3A_169 = arith.constant 0 : i32
    %dma_wait3A_170 = tpu.memref_slice %arg21[%add3A_163, %dma_wait3A_169] : memref<10240x64xf32, #tpu.memory_space<vmem_shared>> -> memref<128x64xf32, #tpu.memory_space<vmem_shared>>
    %dma_wait3A_171 = arith.constant 0 : i32
    %dma_wait3A_172 = tpu.memref_slice %arg21[%add3A_163, %dma_wait3A_171] : memref<10240x64xf32, #tpu.memory_space<vmem_shared>> -> memref<128x64xf32, #tpu.memory_space<vmem_shared>>
    %dma_wait3A_173 = arith.constant 0 : i32
    %dma_wait3A_174 = arith.constant 0 : i32
    %dma_wait3A_175 = tpu.memref_slice %arg9[%dma_wait3A_164, %dma_wait3A_173, %dma_wait3A_174] : memref<4x128x64xf32, #tpu.memory_space<vmem>> -> memref<1x128x64xf32, #tpu.memory_space<vmem>>
    %dma_wait3A_176 = tpu.memref_squeeze %dma_wait3A_175 : memref<1x128x64xf32, #tpu.memory_space<vmem>> -> memref<128x64xf32, #tpu.memory_space<vmem>>
    tpu.wait_dma2 semaphore(%arg16 : memref<!tpu.dma_semaphore, #tpu.memory_space<semaphore_mem>>) src(%dma_wait3A_176 : memref<128x64xf32, #tpu.memory_space<vmem>>) dst(%dma_wait3A_172 : memref<128x64xf32, #tpu.memory_space<vmem_shared>>)
    %add3A_177 = arith.constant 0 : i32
    %add3A_178 = arith.addi %mul3A_52, %add3A_177 : i32
    %dma_wait3A_179 = arith.constant 0 : i32
    %dma_wait3A_180 = tpu.memref_slice %arg22[%add3A_178, %dma_wait3A_179] : memref<10240x16xf32, #tpu.memory_space<vmem_shared>> -> memref<128x16xf32, #tpu.memory_space<vmem_shared>>
    %dma_wait3A_181 = arith.constant 0 : i32
    %dma_wait3A_182 = tpu.memref_slice %arg22[%add3A_178, %dma_wait3A_181] : memref<10240x16xf32, #tpu.memory_space<vmem_shared>> -> memref<128x16xf32, #tpu.memory_space<vmem_shared>>
    tpu.wait_dma2 semaphore(%arg17 : memref<!tpu.dma_semaphore, #tpu.memory_space<semaphore_mem>>) src(%arg11 : memref<128x16xf32, #tpu.memory_space<vmem>>) dst(%dma_wait3A_182 : memref<128x16xf32, #tpu.memory_space<vmem_shared>>)
    %add3A_183 = arith.constant 128 : i32
    %add3A_184 = arith.addi %mul3A_52, %add3A_183 : i32
    %dma_wait3A_185 = arith.constant 3 : i32
    %dma_wait3A_186 = arith.constant 0 : i32
    %dma_wait3A_187 = arith.constant 0 : i32
    %dma_wait3A_188 = tpu.memref_slice %arg9[%dma_wait3A_185, %dma_wait3A_186, %dma_wait3A_187] : memref<4x128x64xf32, #tpu.memory_space<vmem>> -> memref<1x128x64xf32, #tpu.memory_space<vmem>>
    %dma_wait3A_189 = tpu.memref_squeeze %dma_wait3A_188 : memref<1x128x64xf32, #tpu.memory_space<vmem>> -> memref<128x64xf32, #tpu.memory_space<vmem>>
    %dma_wait3A_190 = arith.constant 0 : i32
    %dma_wait3A_191 = tpu.memref_slice %arg21[%add3A_184, %dma_wait3A_190] : memref<10240x64xf32, #tpu.memory_space<vmem_shared>> -> memref<128x64xf32, #tpu.memory_space<vmem_shared>>
    %dma_wait3A_192 = arith.constant 0 : i32
    %dma_wait3A_193 = tpu.memref_slice %arg21[%add3A_184, %dma_wait3A_192] : memref<10240x64xf32, #tpu.memory_space<vmem_shared>> -> memref<128x64xf32, #tpu.memory_space<vmem_shared>>
    %dma_wait3A_194 = arith.constant 0 : i32
    %dma_wait3A_195 = arith.constant 0 : i32
    %dma_wait3A_196 = tpu.memref_slice %arg9[%dma_wait3A_185, %dma_wait3A_194, %dma_wait3A_195] : memref<4x128x64xf32, #tpu.memory_space<vmem>> -> memref<1x128x64xf32, #tpu.memory_space<vmem>>
    %dma_wait3A_197 = tpu.memref_squeeze %dma_wait3A_196 : memref<1x128x64xf32, #tpu.memory_space<vmem>> -> memref<128x64xf32, #tpu.memory_space<vmem>>
    tpu.wait_dma2 semaphore(%arg16 : memref<!tpu.dma_semaphore, #tpu.memory_space<semaphore_mem>>) src(%dma_wait3A_197 : memref<128x64xf32, #tpu.memory_space<vmem>>) dst(%dma_wait3A_193 : memref<128x64xf32, #tpu.memory_space<vmem_shared>>)
    %add3A_198 = arith.constant 128 : i32
    %add3A_199 = arith.addi %mul3A_52, %add3A_198 : i32
    %dma_wait3A_200 = arith.constant 0 : i32
    %dma_wait3A_201 = tpu.memref_slice %arg22[%add3A_199, %dma_wait3A_200] : memref<10240x16xf32, #tpu.memory_space<vmem_shared>> -> memref<128x16xf32, #tpu.memory_space<vmem_shared>>
    %dma_wait3A_202 = arith.constant 0 : i32
    %dma_wait3A_203 = tpu.memref_slice %arg22[%add3A_199, %dma_wait3A_202] : memref<10240x16xf32, #tpu.memory_space<vmem_shared>> -> memref<128x16xf32, #tpu.memory_space<vmem_shared>>
    tpu.wait_dma2 semaphore(%arg17 : memref<!tpu.dma_semaphore, #tpu.memory_space<semaphore_mem>>) src(%arg11 : memref<128x16xf32, #tpu.memory_space<vmem>>) dst(%dma_wait3A_203 : memref<128x16xf32, #tpu.memory_space<vmem_shared>>)
    %add3A_204 = arith.constant 256 : i32
    %add3A_205 = arith.addi %mul3A_52, %add3A_204 : i32
    %dma_wait3A_206 = arith.constant 3 : i32
    %dma_wait3A_207 = arith.constant 0 : i32
    %dma_wait3A_208 = arith.constant 0 : i32
    %dma_wait3A_209 = tpu.memref_slice %arg9[%dma_wait3A_206, %dma_wait3A_207, %dma_wait3A_208] : memref<4x128x64xf32, #tpu.memory_space<vmem>> -> memref<1x128x64xf32, #tpu.memory_space<vmem>>
    %dma_wait3A_210 = tpu.memref_squeeze %dma_wait3A_209 : memref<1x128x64xf32, #tpu.memory_space<vmem>> -> memref<128x64xf32, #tpu.memory_space<vmem>>
    %dma_wait3A_211 = arith.constant 0 : i32
    %dma_wait3A_212 = tpu.memref_slice %arg21[%add3A_205, %dma_wait3A_211] : memref<10240x64xf32, #tpu.memory_space<vmem_shared>> -> memref<128x64xf32, #tpu.memory_space<vmem_shared>>
    %dma_wait3A_213 = arith.constant 0 : i32
    %dma_wait3A_214 = tpu.memref_slice %arg21[%add3A_205, %dma_wait3A_213] : memref<10240x64xf32, #tpu.memory_space<vmem_shared>> -> memref<128x64xf32, #tpu.memory_space<vmem_shared>>
    %dma_wait3A_215 = arith.constant 0 : i32
    %dma_wait3A_216 = arith.constant 0 : i32
    %dma_wait3A_217 = tpu.memref_slice %arg9[%dma_wait3A_206, %dma_wait3A_215, %dma_wait3A_216] : memref<4x128x64xf32, #tpu.memory_space<vmem>> -> memref<1x128x64xf32, #tpu.memory_space<vmem>>
    %dma_wait3A_218 = tpu.memref_squeeze %dma_wait3A_217 : memref<1x128x64xf32, #tpu.memory_space<vmem>> -> memref<128x64xf32, #tpu.memory_space<vmem>>
    tpu.wait_dma2 semaphore(%arg16 : memref<!tpu.dma_semaphore, #tpu.memory_space<semaphore_mem>>) src(%dma_wait3A_218 : memref<128x64xf32, #tpu.memory_space<vmem>>) dst(%dma_wait3A_214 : memref<128x64xf32, #tpu.memory_space<vmem_shared>>)
    %add3A_219 = arith.constant 256 : i32
    %add3A_220 = arith.addi %mul3A_52, %add3A_219 : i32
    %dma_wait3A_221 = arith.constant 0 : i32
    %dma_wait3A_222 = tpu.memref_slice %arg22[%add3A_220, %dma_wait3A_221] : memref<10240x16xf32, #tpu.memory_space<vmem_shared>> -> memref<128x16xf32, #tpu.memory_space<vmem_shared>>
    %dma_wait3A_223 = arith.constant 0 : i32
    %dma_wait3A_224 = tpu.memref_slice %arg22[%add3A_220, %dma_wait3A_223] : memref<10240x16xf32, #tpu.memory_space<vmem_shared>> -> memref<128x16xf32, #tpu.memory_space<vmem_shared>>
    tpu.wait_dma2 semaphore(%arg17 : memref<!tpu.dma_semaphore, #tpu.memory_space<semaphore_mem>>) src(%arg11 : memref<128x16xf32, #tpu.memory_space<vmem>>) dst(%dma_wait3A_224 : memref<128x16xf32, #tpu.memory_space<vmem_shared>>)
    %add3A_225 = arith.constant 384 : i32
    %add3A_226 = arith.addi %mul3A_52, %add3A_225 : i32
    %dma_wait3A_227 = arith.constant 3 : i32
    %dma_wait3A_228 = arith.constant 0 : i32
    %dma_wait3A_229 = arith.constant 0 : i32
    %dma_wait3A_230 = tpu.memref_slice %arg9[%dma_wait3A_227, %dma_wait3A_228, %dma_wait3A_229] : memref<4x128x64xf32, #tpu.memory_space<vmem>> -> memref<1x128x64xf32, #tpu.memory_space<vmem>>
    %dma_wait3A_231 = tpu.memref_squeeze %dma_wait3A_230 : memref<1x128x64xf32, #tpu.memory_space<vmem>> -> memref<128x64xf32, #tpu.memory_space<vmem>>
    %dma_wait3A_232 = arith.constant 0 : i32
    %dma_wait3A_233 = tpu.memref_slice %arg21[%add3A_226, %dma_wait3A_232] : memref<10240x64xf32, #tpu.memory_space<vmem_shared>> -> memref<128x64xf32, #tpu.memory_space<vmem_shared>>
    %dma_wait3A_234 = arith.constant 0 : i32
    %dma_wait3A_235 = tpu.memref_slice %arg21[%add3A_226, %dma_wait3A_234] : memref<10240x64xf32, #tpu.memory_space<vmem_shared>> -> memref<128x64xf32, #tpu.memory_space<vmem_shared>>
    %dma_wait3A_236 = arith.constant 0 : i32
    %dma_wait3A_237 = arith.constant 0 : i32
    %dma_wait3A_238 = tpu.memref_slice %arg9[%dma_wait3A_227, %dma_wait3A_236, %dma_wait3A_237] : memref<4x128x64xf32, #tpu.memory_space<vmem>> -> memref<1x128x64xf32, #tpu.memory_space<vmem>>
    %dma_wait3A_239 = tpu.memref_squeeze %dma_wait3A_238 : memref<1x128x64xf32, #tpu.memory_space<vmem>> -> memref<128x64xf32, #tpu.memory_space<vmem>>
    tpu.wait_dma2 semaphore(%arg16 : memref<!tpu.dma_semaphore, #tpu.memory_space<semaphore_mem>>) src(%dma_wait3A_239 : memref<128x64xf32, #tpu.memory_space<vmem>>) dst(%dma_wait3A_235 : memref<128x64xf32, #tpu.memory_space<vmem_shared>>)
    %add3A_240 = arith.constant 384 : i32
    %add3A_241 = arith.addi %mul3A_52, %add3A_240 : i32
    %dma_wait3A_242 = arith.constant 0 : i32
    %dma_wait3A_243 = tpu.memref_slice %arg22[%add3A_241, %dma_wait3A_242] : memref<10240x16xf32, #tpu.memory_space<vmem_shared>> -> memref<128x16xf32, #tpu.memory_space<vmem_shared>>
    %dma_wait3A_244 = arith.constant 0 : i32
    %dma_wait3A_245 = tpu.memref_slice %arg22[%add3A_241, %dma_wait3A_244] : memref<10240x16xf32, #tpu.memory_space<vmem_shared>> -> memref<128x16xf32, #tpu.memory_space<vmem_shared>>
    tpu.wait_dma2 semaphore(%arg17 : memref<!tpu.dma_semaphore, #tpu.memory_space<semaphore_mem>>) src(%arg11 : memref<128x16xf32, #tpu.memory_space<vmem>>) dst(%dma_wait3A_245 : memref<128x16xf32, #tpu.memory_space<vmem_shared>>)
    %add3A_246 = arith.constant 512 : i32
    %add3A_247 = arith.addi %mul3A_52, %add3A_246 : i32
    %dma_wait3A_248 = arith.constant 3 : i32
    %dma_wait3A_249 = arith.constant 0 : i32
    %dma_wait3A_250 = arith.constant 0 : i32
    %dma_wait3A_251 = tpu.memref_slice %arg9[%dma_wait3A_248, %dma_wait3A_249, %dma_wait3A_250] : memref<4x128x64xf32, #tpu.memory_space<vmem>> -> memref<1x128x64xf32, #tpu.memory_space<vmem>>
    %dma_wait3A_252 = tpu.memref_squeeze %dma_wait3A_251 : memref<1x128x64xf32, #tpu.memory_space<vmem>> -> memref<128x64xf32, #tpu.memory_space<vmem>>
    %dma_wait3A_253 = arith.constant 0 : i32
    %dma_wait3A_254 = tpu.memref_slice %arg21[%add3A_247, %dma_wait3A_253] : memref<10240x64xf32, #tpu.memory_space<vmem_shared>> -> memref<128x64xf32, #tpu.memory_space<vmem_shared>>
    %dma_wait3A_255 = arith.constant 0 : i32
    %dma_wait3A_256 = tpu.memref_slice %arg21[%add3A_247, %dma_wait3A_255] : memref<10240x64xf32, #tpu.memory_space<vmem_shared>> -> memref<128x64xf32, #tpu.memory_space<vmem_shared>>
    %dma_wait3A_257 = arith.constant 0 : i32
    %dma_wait3A_258 = arith.constant 0 : i32
    %dma_wait3A_259 = tpu.memref_slice %arg9[%dma_wait3A_248, %dma_wait3A_257, %dma_wait3A_258] : memref<4x128x64xf32, #tpu.memory_space<vmem>> -> memref<1x128x64xf32, #tpu.memory_space<vmem>>
    %dma_wait3A_260 = tpu.memref_squeeze %dma_wait3A_259 : memref<1x128x64xf32, #tpu.memory_space<vmem>> -> memref<128x64xf32, #tpu.memory_space<vmem>>
    tpu.wait_dma2 semaphore(%arg16 : memref<!tpu.dma_semaphore, #tpu.memory_space<semaphore_mem>>) src(%dma_wait3A_260 : memref<128x64xf32, #tpu.memory_space<vmem>>) dst(%dma_wait3A_256 : memref<128x64xf32, #tpu.memory_space<vmem_shared>>)
    %add3A_261 = arith.constant 512 : i32
    %add3A_262 = arith.addi %mul3A_52, %add3A_261 : i32
    %dma_wait3A_263 = arith.constant 0 : i32
    %dma_wait3A_264 = tpu.memref_slice %arg22[%add3A_262, %dma_wait3A_263] : memref<10240x16xf32, #tpu.memory_space<vmem_shared>> -> memref<128x16xf32, #tpu.memory_space<vmem_shared>>
    %dma_wait3A_265 = arith.constant 0 : i32
    %dma_wait3A_266 = tpu.memref_slice %arg22[%add3A_262, %dma_wait3A_265] : memref<10240x16xf32, #tpu.memory_space<vmem_shared>> -> memref<128x16xf32, #tpu.memory_space<vmem_shared>>
    tpu.wait_dma2 semaphore(%arg17 : memref<!tpu.dma_semaphore, #tpu.memory_space<semaphore_mem>>) src(%arg11 : memref<128x16xf32, #tpu.memory_space<vmem>>) dst(%dma_wait3A_266 : memref<128x16xf32, #tpu.memory_space<vmem_shared>>)
    %barrier3A = arith.constant 0 : index
    tpu.barrier barrier_id(%barrier3A)
    %dma_start3A_267 = arith.constant 2 : i32
    %dma_start3A_268 = arith.constant 2 : i32
    %dma_start3A_269 = arith.constant 0 : i32
    %dma_start3A_270 = arith.constant 0 : i32
    %dma_start3A_271 = tpu.memref_slice %arg9[%dma_start3A_268, %dma_start3A_269, %dma_start3A_270] : memref<4x128x64xf32, #tpu.memory_space<vmem>> -> memref<1x128x64xf32, #tpu.memory_space<vmem>>
    %dma_start3A_272 = tpu.memref_squeeze %dma_start3A_271 : memref<1x128x64xf32, #tpu.memory_space<vmem>> -> memref<128x64xf32, #tpu.memory_space<vmem>>
    %dma_start3A_273 = arith.constant 0 : i32
    %dma_start3A_274 = tpu.memref_slice %arg7[%dma_start3A_267, %dma_start3A_273] : memref<80x128xi32, #tpu.memory_space<vmem>> -> memref<1x128xi32, #tpu.memory_space<vmem>>
    %dma_start3A_275 = tpu.memref_squeeze %dma_start3A_274 : memref<1x128xi32, #tpu.memory_space<vmem>> -> memref<128xi32, #tpu.memory_space<vmem>>
    %dma_start3A_276 = arith.constant 0 : i32
    %dma_start3A_277 = arith.constant 0 : i32
    %dma_start3A_278 = tpu.memref_slice %arg2[%dma_start3A_276, %dma_start3A_277] : memref<10240x64xf32, #tpu.memory_space<hbm>> -> memref<10240x64xf32, #tpu.memory_space<hbm>>
    tpu.enqueue_indirect_dma source(%dma_start3A_278 : memref<10240x64xf32, #tpu.memory_space<hbm>>) target(%dma_start3A_272 : memref<128x64xf32, #tpu.memory_space<vmem>>) offsets(%dma_start3A_275 : memref<128xi32, #tpu.memory_space<vmem>>) semaphore(%arg14 : memref<!tpu.dma_semaphore, #tpu.memory_space<semaphore_mem>>)
    %dma_wait3A_279 = arith.constant 0 : i32
    %dma_wait3A_280 = arith.constant 0 : i32
    %dma_wait3A_281 = arith.constant 0 : i32
    %dma_wait3A_282 = arith.constant 0 : i32
    %dma_wait3A_283 = tpu.memref_slice %arg9[%dma_wait3A_280, %dma_wait3A_281, %dma_wait3A_282] : memref<4x128x64xf32, #tpu.memory_space<vmem>> -> memref<1x128x64xf32, #tpu.memory_space<vmem>>
    %dma_wait3A_284 = tpu.memref_squeeze %dma_wait3A_283 : memref<1x128x64xf32, #tpu.memory_space<vmem>> -> memref<128x64xf32, #tpu.memory_space<vmem>>
    %dma_wait3A_285 = arith.constant 0 : i32
    %dma_wait3A_286 = tpu.memref_slice %arg7[%dma_wait3A_279, %dma_wait3A_285] : memref<80x128xi32, #tpu.memory_space<vmem>> -> memref<1x128xi32, #tpu.memory_space<vmem>>
    %dma_wait3A_287 = tpu.memref_squeeze %dma_wait3A_286 : memref<1x128xi32, #tpu.memory_space<vmem>> -> memref<128xi32, #tpu.memory_space<vmem>>
    %dma_wait3A_288 = arith.constant 0 : i32
    %dma_wait3A_289 = arith.constant 0 : i32
    %dma_wait3A_290 = tpu.memref_slice %arg2[%dma_wait3A_288, %dma_wait3A_289] : memref<10240x64xf32, #tpu.memory_space<hbm>> -> memref<10240x64xf32, #tpu.memory_space<hbm>>
    tpu.wait_indirect_dma semaphore(%arg12 : memref<!tpu.dma_semaphore, #tpu.memory_space<semaphore_mem>>) src(%dma_wait3A_290 : memref<10240x64xf32, #tpu.memory_space<hbm>>) dst(%dma_wait3A_284 : memref<128x64xf32, #tpu.memory_space<vmem>>)
    %dma_start3A_291 = arith.constant 0 : i32
    %dma_start3A_292 = arith.constant 0 : i32
    %dma_start3A_293 = arith.constant 0 : i32
    %dma_start3A_294 = arith.constant 0 : i32
    %dma_start3A_295 = tpu.memref_slice %arg9[%dma_start3A_291, %dma_start3A_293, %dma_start3A_294] : memref<4x128x64xf32, #tpu.memory_space<vmem>> -> memref<1x128x64xf32, #tpu.memory_space<vmem>>
    %dma_start3A_296 = tpu.memref_squeeze %dma_start3A_295 : memref<1x128x64xf32, #tpu.memory_space<vmem>> -> memref<128x64xf32, #tpu.memory_space<vmem>>
    %dma_start3A_297 = arith.constant 0 : i32
    %dma_start3A_298 = tpu.memref_slice %arg8[%dma_start3A_292, %dma_start3A_297] : memref<80x128xi32, #tpu.memory_space<vmem>> -> memref<1x128xi32, #tpu.memory_space<vmem>>
    %dma_start3A_299 = tpu.memref_squeeze %dma_start3A_298 : memref<1x128xi32, #tpu.memory_space<vmem>> -> memref<128xi32, #tpu.memory_space<vmem>>
    %dma_start3A_300 = arith.constant 0 : i32
    %dma_start3A_301 = arith.constant 0 : i32
    %dma_start3A_302 = tpu.memref_slice %arg21[%dma_start3A_300, %dma_start3A_301] : memref<10240x64xf32, #tpu.memory_space<vmem_shared>> -> memref<10240x64xf32, #tpu.memory_space<vmem_shared>>
    tpu.enqueue_indirect_dma source(%dma_start3A_296 : memref<128x64xf32, #tpu.memory_space<vmem>>) target(%dma_start3A_302 : memref<10240x64xf32, #tpu.memory_space<vmem_shared>>) offsets(%dma_start3A_299 : memref<128xi32, #tpu.memory_space<vmem>>) semaphore(%arg16 : memref<!tpu.dma_semaphore, #tpu.memory_space<semaphore_mem>>) {add = true}
    %dma_start3A_303 = arith.constant 0 : i32
    %dma_start3A_304 = arith.constant 0 : i32
    %dma_start3A_305 = tpu.memref_slice %arg8[%dma_start3A_303, %dma_start3A_304] : memref<80x128xi32, #tpu.memory_space<vmem>> -> memref<1x128xi32, #tpu.memory_space<vmem>>
    %dma_start3A_306 = tpu.memref_squeeze %dma_start3A_305 : memref<1x128xi32, #tpu.memory_space<vmem>> -> memref<128xi32, #tpu.memory_space<vmem>>
    %dma_start3A_307 = arith.constant 0 : i32
    %dma_start3A_308 = arith.constant 0 : i32
    %dma_start3A_309 = tpu.memref_slice %arg22[%dma_start3A_307, %dma_start3A_308] : memref<10240x16xf32, #tpu.memory_space<vmem_shared>> -> memref<10240x16xf32, #tpu.memory_space<vmem_shared>>
    tpu.enqueue_indirect_dma source(%arg10 : memref<128x16xf32, #tpu.memory_space<vmem>>) target(%dma_start3A_309 : memref<10240x16xf32, #tpu.memory_space<vmem_shared>>) offsets(%dma_start3A_306 : memref<128xi32, #tpu.memory_space<vmem>>) semaphore(%arg20 : memref<!tpu.dma_semaphore, #tpu.memory_space<semaphore_mem>>) {add = true}
    %dma_start3A_310 = arith.constant 3 : i32
    %dma_start3A_311 = arith.constant 3 : i32
    %dma_start3A_312 = arith.constant 0 : i32
    %dma_start3A_313 = arith.constant 0 : i32
    %dma_start3A_314 = tpu.memref_slice %arg9[%dma_start3A_311, %dma_start3A_312, %dma_start3A_313] : memref<4x128x64xf32, #tpu.memory_space<vmem>> -> memref<1x128x64xf32, #tpu.memory_space<vmem>>
    %dma_start3A_315 = tpu.memref_squeeze %dma_start3A_314 : memref<1x128x64xf32, #tpu.memory_space<vmem>> -> memref<128x64xf32, #tpu.memory_space<vmem>>
    %dma_start3A_316 = arith.constant 0 : i32
    %dma_start3A_317 = tpu.memref_slice %arg7[%dma_start3A_310, %dma_start3A_316] : memref<80x128xi32, #tpu.memory_space<vmem>> -> memref<1x128xi32, #tpu.memory_space<vmem>>
    %dma_start3A_318 = tpu.memref_squeeze %dma_start3A_317 : memref<1x128xi32, #tpu.memory_space<vmem>> -> memref<128xi32, #tpu.memory_space<vmem>>
    %dma_start3A_319 = arith.constant 0 : i32
    %dma_start3A_320 = arith.constant 0 : i32
    %dma_start3A_321 = tpu.memref_slice %arg2[%dma_start3A_319, %dma_start3A_320] : memref<10240x64xf32, #tpu.memory_space<hbm>> -> memref<10240x64xf32, #tpu.memory_space<hbm>>
    tpu.enqueue_indirect_dma source(%dma_start3A_321 : memref<10240x64xf32, #tpu.memory_space<hbm>>) target(%dma_start3A_315 : memref<128x64xf32, #tpu.memory_space<vmem>>) offsets(%dma_start3A_318 : memref<128xi32, #tpu.memory_space<vmem>>) semaphore(%arg15 : memref<!tpu.dma_semaphore, #tpu.memory_space<semaphore_mem>>)
    %dma_wait3A_322 = arith.constant 1 : i32
    %dma_wait3A_323 = arith.constant 1 : i32
    %dma_wait3A_324 = arith.constant 0 : i32
    %dma_wait3A_325 = arith.constant 0 : i32
    %dma_wait3A_326 = tpu.memref_slice %arg9[%dma_wait3A_323, %dma_wait3A_324, %dma_wait3A_325] : memref<4x128x64xf32, #tpu.memory_space<vmem>> -> memref<1x128x64xf32, #tpu.memory_space<vmem>>
    %dma_wait3A_327 = tpu.memref_squeeze %dma_wait3A_326 : memref<1x128x64xf32, #tpu.memory_space<vmem>> -> memref<128x64xf32, #tpu.memory_space<vmem>>
    %dma_wait3A_328 = arith.constant 0 : i32
    %dma_wait3A_329 = tpu.memref_slice %arg7[%dma_wait3A_322, %dma_wait3A_328] : memref<80x128xi32, #tpu.memory_space<vmem>> -> memref<1x128xi32, #tpu.memory_space<vmem>>
    %dma_wait3A_330 = tpu.memref_squeeze %dma_wait3A_329 : memref<1x128xi32, #tpu.memory_space<vmem>> -> memref<128xi32, #tpu.memory_space<vmem>>
    %dma_wait3A_331 = arith.constant 0 : i32
    %dma_wait3A_332 = arith.constant 0 : i32
    %dma_wait3A_333 = tpu.memref_slice %arg2[%dma_wait3A_331, %dma_wait3A_332] : memref<10240x64xf32, #tpu.memory_space<hbm>> -> memref<10240x64xf32, #tpu.memory_space<hbm>>
    tpu.wait_indirect_dma semaphore(%arg13 : memref<!tpu.dma_semaphore, #tpu.memory_space<semaphore_mem>>) src(%dma_wait3A_333 : memref<10240x64xf32, #tpu.memory_space<hbm>>) dst(%dma_wait3A_327 : memref<128x64xf32, #tpu.memory_space<vmem>>)
    %dma_start3A_334 = arith.constant 1 : i32
    %dma_start3A_335 = arith.constant 1 : i32
    %dma_start3A_336 = arith.constant 0 : i32
    %dma_start3A_337 = arith.constant 0 : i32
    %dma_start3A_338 = tpu.memref_slice %arg9[%dma_start3A_334, %dma_start3A_336, %dma_start3A_337] : memref<4x128x64xf32, #tpu.memory_space<vmem>> -> memref<1x128x64xf32, #tpu.memory_space<vmem>>
    %dma_start3A_339 = tpu.memref_squeeze %dma_start3A_338 : memref<1x128x64xf32, #tpu.memory_space<vmem>> -> memref<128x64xf32, #tpu.memory_space<vmem>>
    %dma_start3A_340 = arith.constant 0 : i32
    %dma_start3A_341 = tpu.memref_slice %arg8[%dma_start3A_335, %dma_start3A_340] : memref<80x128xi32, #tpu.memory_space<vmem>> -> memref<1x128xi32, #tpu.memory_space<vmem>>
    %dma_start3A_342 = tpu.memref_squeeze %dma_start3A_341 : memref<1x128xi32, #tpu.memory_space<vmem>> -> memref<128xi32, #tpu.memory_space<vmem>>
    %dma_start3A_343 = arith.constant 0 : i32
    %dma_start3A_344 = arith.constant 0 : i32
    %dma_start3A_345 = tpu.memref_slice %arg21[%dma_start3A_343, %dma_start3A_344] : memref<10240x64xf32, #tpu.memory_space<vmem_shared>> -> memref<10240x64xf32, #tpu.memory_space<vmem_shared>>
    tpu.enqueue_indirect_dma source(%dma_start3A_339 : memref<128x64xf32, #tpu.memory_space<vmem>>) target(%dma_start3A_345 : memref<10240x64xf32, #tpu.memory_space<vmem_shared>>) offsets(%dma_start3A_342 : memref<128xi32, #tpu.memory_space<vmem>>) semaphore(%arg17 : memref<!tpu.dma_semaphore, #tpu.memory_space<semaphore_mem>>) {add = true}
    %dma_start3A_346 = arith.constant 1 : i32
    %dma_start3A_347 = arith.constant 0 : i32
    %dma_start3A_348 = tpu.memref_slice %arg8[%dma_start3A_346, %dma_start3A_347] : memref<80x128xi32, #tpu.memory_space<vmem>> -> memref<1x128xi32, #tpu.memory_space<vmem>>
    %dma_start3A_349 = tpu.memref_squeeze %dma_start3A_348 : memref<1x128xi32, #tpu.memory_space<vmem>> -> memref<128xi32, #tpu.memory_space<vmem>>
    %dma_start3A_350 = arith.constant 0 : i32
    %dma_start3A_351 = arith.constant 0 : i32
    %dma_start3A_352 = tpu.memref_slice %arg22[%dma_start3A_350, %dma_start3A_351] : memref<10240x16xf32, #tpu.memory_space<vmem_shared>> -> memref<10240x16xf32, #tpu.memory_space<vmem_shared>>
    tpu.enqueue_indirect_dma source(%arg10 : memref<128x16xf32, #tpu.memory_space<vmem>>) target(%dma_start3A_352 : memref<10240x16xf32, #tpu.memory_space<vmem_shared>>) offsets(%dma_start3A_349 : memref<128xi32, #tpu.memory_space<vmem>>) semaphore(%arg20 : memref<!tpu.dma_semaphore, #tpu.memory_space<semaphore_mem>>) {add = true}
    %dma_wait3A_353 = arith.constant 0 : i32
    %dma_wait3A_354 = arith.constant 0 : i32
    %dma_wait3A_355 = arith.constant 0 : i32
    %dma_wait3A_356 = arith.constant 0 : i32
    %dma_wait3A_357 = tpu.memref_slice %arg9[%dma_wait3A_353, %dma_wait3A_355, %dma_wait3A_356] : memref<4x128x64xf32, #tpu.memory_space<vmem>> -> memref<1x128x64xf32, #tpu.memory_space<vmem>>
    %dma_wait3A_358 = tpu.memref_squeeze %dma_wait3A_357 : memref<1x128x64xf32, #tpu.memory_space<vmem>> -> memref<128x64xf32, #tpu.memory_space<vmem>>
    %dma_wait3A_359 = arith.constant 0 : i32
    %dma_wait3A_360 = tpu.memref_slice %arg8[%dma_wait3A_354, %dma_wait3A_359] : memref<80x128xi32, #tpu.memory_space<vmem>> -> memref<1x128xi32, #tpu.memory_space<vmem>>
    %dma_wait3A_361 = tpu.memref_squeeze %dma_wait3A_360 : memref<1x128xi32, #tpu.memory_space<vmem>> -> memref<128xi32, #tpu.memory_space<vmem>>
    %dma_wait3A_362 = arith.constant 0 : i32
    %dma_wait3A_363 = arith.constant 0 : i32
    %dma_wait3A_364 = tpu.memref_slice %arg21[%dma_wait3A_362, %dma_wait3A_363] : memref<10240x64xf32, #tpu.memory_space<vmem_shared>> -> memref<10240x64xf32, #tpu.memory_space<vmem_shared>>
    tpu.wait_indirect_dma semaphore(%arg16 : memref<!tpu.dma_semaphore, #tpu.memory_space<semaphore_mem>>) src(%dma_wait3A_358 : memref<128x64xf32, #tpu.memory_space<vmem>>) dst(%dma_wait3A_364 : memref<10240x64xf32, #tpu.memory_space<vmem_shared>>)
    %dma_start3A_365 = arith.constant 4 : i32
    %dma_start3A_366 = arith.constant 0 : i32
    %dma_start3A_367 = arith.constant 0 : i32
    %dma_start3A_368 = arith.constant 0 : i32
    %dma_start3A_369 = tpu.memref_slice %arg9[%dma_start3A_366, %dma_start3A_367, %dma_start3A_368] : memref<4x128x64xf32, #tpu.memory_space<vmem>> -> memref<1x128x64xf32, #tpu.memory_space<vmem>>
    %dma_start3A_370 = tpu.memref_squeeze %dma_start3A_369 : memref<1x128x64xf32, #tpu.memory_space<vmem>> -> memref<128x64xf32, #tpu.memory_space<vmem>>
    %dma_start3A_371 = arith.constant 0 : i32
    %dma_start3A_372 = tpu.memref_slice %arg7[%dma_start3A_365, %dma_start3A_371] : memref<80x128xi32, #tpu.memory_space<vmem>> -> memref<1x128xi32, #tpu.memory_space<vmem>>
    %dma_start3A_373 = tpu.memref_squeeze %dma_start3A_372 : memref<1x128xi32, #tpu.memory_space<vmem>> -> memref<128xi32, #tpu.memory_space<vmem>>
    %dma_start3A_374 = arith.constant 0 : i32
    %dma_start3A_375 = arith.constant 0 : i32
    %dma_start3A_376 = tpu.memref_slice %arg2[%dma_start3A_374, %dma_start3A_375] : memref<10240x64xf32, #tpu.memory_space<hbm>> -> memref<10240x64xf32, #tpu.memory_space<hbm>>
    tpu.enqueue_indirect_dma source(%dma_start3A_376 : memref<10240x64xf32, #tpu.memory_space<hbm>>) target(%dma_start3A_370 : memref<128x64xf32, #tpu.memory_space<vmem>>) offsets(%dma_start3A_373 : memref<128xi32, #tpu.memory_space<vmem>>) semaphore(%arg12 : memref<!tpu.dma_semaphore, #tpu.memory_space<semaphore_mem>>)
    %dma_wait3A_377 = arith.constant 2 : i32
    %dma_wait3A_378 = arith.constant 2 : i32
    %dma_wait3A_379 = arith.constant 0 : i32
    %dma_wait3A_380 = arith.constant 0 : i32
    %dma_wait3A_381 = tpu.memref_slice %arg9[%dma_wait3A_378, %dma_wait3A_379, %dma_wait3A_380] : memref<4x128x64xf32, #tpu.memory_space<vmem>> -> memref<1x128x64xf32, #tpu.memory_space<vmem>>
    %dma_wait3A_382 = tpu.memref_squeeze %dma_wait3A_381 : memref<1x128x64xf32, #tpu.memory_space<vmem>> -> memref<128x64xf32, #tpu.memory_space<vmem>>
    %dma_wait3A_383 = arith.constant 0 : i32
    %dma_wait3A_384 = tpu.memref_slice %arg7[%dma_wait3A_377, %dma_wait3A_383] : memref<80x128xi32, #tpu.memory_space<vmem>> -> memref<1x128xi32, #tpu.memory_space<vmem>>
    %dma_wait3A_385 = tpu.memref_squeeze %dma_wait3A_384 : memref<1x128xi32, #tpu.memory_space<vmem>> -> memref<128xi32, #tpu.memory_space<vmem>>
    %dma_wait3A_386 = arith.constant 0 : i32
    %dma_wait3A_387 = arith.constant 0 : i32
    %dma_wait3A_388 = tpu.memref_slice %arg2[%dma_wait3A_386, %dma_wait3A_387] : memref<10240x64xf32, #tpu.memory_space<hbm>> -> memref<10240x64xf32, #tpu.memory_space<hbm>>
    tpu.wait_indirect_dma semaphore(%arg14 : memref<!tpu.dma_semaphore, #tpu.memory_space<semaphore_mem>>) src(%dma_wait3A_388 : memref<10240x64xf32, #tpu.memory_space<hbm>>) dst(%dma_wait3A_382 : memref<128x64xf32, #tpu.memory_space<vmem>>)
    %dma_start3A_389 = arith.constant 2 : i32
    %dma_start3A_390 = arith.constant 2 : i32
    %dma_start3A_391 = arith.constant 0 : i32
    %dma_start3A_392 = arith.constant 0 : i32
    %dma_start3A_393 = tpu.memref_slice %arg9[%dma_start3A_389, %dma_start3A_391, %dma_start3A_392] : memref<4x128x64xf32, #tpu.memory_space<vmem>> -> memref<1x128x64xf32, #tpu.memory_space<vmem>>
    %dma_start3A_394 = tpu.memref_squeeze %dma_start3A_393 : memref<1x128x64xf32, #tpu.memory_space<vmem>> -> memref<128x64xf32, #tpu.memory_space<vmem>>
    %dma_start3A_395 = arith.constant 0 : i32
    %dma_start3A_396 = tpu.memref_slice %arg8[%dma_start3A_390, %dma_start3A_395] : memref<80x128xi32, #tpu.memory_space<vmem>> -> memref<1x128xi32, #tpu.memory_space<vmem>>
    %dma_start3A_397 = tpu.memref_squeeze %dma_start3A_396 : memref<1x128xi32, #tpu.memory_space<vmem>> -> memref<128xi32, #tpu.memory_space<vmem>>
    %dma_start3A_398 = arith.constant 0 : i32
    %dma_start3A_399 = arith.constant 0 : i32
    %dma_start3A_400 = tpu.memref_slice %arg21[%dma_start3A_398, %dma_start3A_399] : memref<10240x64xf32, #tpu.memory_space<vmem_shared>> -> memref<10240x64xf32, #tpu.memory_space<vmem_shared>>
    tpu.enqueue_indirect_dma source(%dma_start3A_394 : memref<128x64xf32, #tpu.memory_space<vmem>>) target(%dma_start3A_400 : memref<10240x64xf32, #tpu.memory_space<vmem_shared>>) offsets(%dma_start3A_397 : memref<128xi32, #tpu.memory_space<vmem>>) semaphore(%arg18 : memref<!tpu.dma_semaphore, #tpu.memory_space<semaphore_mem>>) {add = true}
    %dma_start3A_401 = arith.constant 2 : i32
    %dma_start3A_402 = arith.constant 0 : i32
    %dma_start3A_403 = tpu.memref_slice %arg8[%dma_start3A_401, %dma_start3A_402] : memref<80x128xi32, #tpu.memory_space<vmem>> -> memref<1x128xi32, #tpu.memory_space<vmem>>
    %dma_start3A_404 = tpu.memref_squeeze %dma_start3A_403 : memref<1x128xi32, #tpu.memory_space<vmem>> -> memref<128xi32, #tpu.memory_space<vmem>>
    %dma_start3A_405 = arith.constant 0 : i32
    %dma_start3A_406 = arith.constant 0 : i32
    %dma_start3A_407 = tpu.memref_slice %arg22[%dma_start3A_405, %dma_start3A_406] : memref<10240x16xf32, #tpu.memory_space<vmem_shared>> -> memref<10240x16xf32, #tpu.memory_space<vmem_shared>>
    tpu.enqueue_indirect_dma source(%arg10 : memref<128x16xf32, #tpu.memory_space<vmem>>) target(%dma_start3A_407 : memref<10240x16xf32, #tpu.memory_space<vmem_shared>>) offsets(%dma_start3A_404 : memref<128xi32, #tpu.memory_space<vmem>>) semaphore(%arg20 : memref<!tpu.dma_semaphore, #tpu.memory_space<semaphore_mem>>) {add = true}
    %dma_wait3A_408 = arith.constant 1 : i32
    %dma_wait3A_409 = arith.constant 1 : i32
    %dma_wait3A_410 = arith.constant 0 : i32
    %dma_wait3A_411 = arith.constant 0 : i32
    %dma_wait3A_412 = tpu.memref_slice %arg9[%dma_wait3A_408, %dma_wait3A_410, %dma_wait3A_411] : memref<4x128x64xf32, #tpu.memory_space<vmem>> -> memref<1x128x64xf32, #tpu.memory_space<vmem>>
    %dma_wait3A_413 = tpu.memref_squeeze %dma_wait3A_412 : memref<1x128x64xf32, #tpu.memory_space<vmem>> -> memref<128x64xf32, #tpu.memory_space<vmem>>
    %dma_wait3A_414 = arith.constant 0 : i32
    %dma_wait3A_415 = tpu.memref_slice %arg8[%dma_wait3A_409, %dma_wait3A_414] : memref<80x128xi32, #tpu.memory_space<vmem>> -> memref<1x128xi32, #tpu.memory_space<vmem>>
    %dma_wait3A_416 = tpu.memref_squeeze %dma_wait3A_415 : memref<1x128xi32, #tpu.memory_space<vmem>> -> memref<128xi32, #tpu.memory_space<vmem>>
    %dma_wait3A_417 = arith.constant 0 : i32
    %dma_wait3A_418 = arith.constant 0 : i32
    %dma_wait3A_419 = tpu.memref_slice %arg21[%dma_wait3A_417, %dma_wait3A_418] : memref<10240x64xf32, #tpu.memory_space<vmem_shared>> -> memref<10240x64xf32, #tpu.memory_space<vmem_shared>>
    tpu.wait_indirect_dma semaphore(%arg17 : memref<!tpu.dma_semaphore, #tpu.memory_space<semaphore_mem>>) src(%dma_wait3A_413 : memref<128x64xf32, #tpu.memory_space<vmem>>) dst(%dma_wait3A_419 : memref<10240x64xf32, #tpu.memory_space<vmem_shared>>)
    %dma_start3A_420 = arith.constant 5 : i32
    %dma_start3A_421 = arith.constant 1 : i32
    %dma_start3A_422 = arith.constant 0 : i32
    %dma_start3A_423 = arith.constant 0 : i32
    %dma_start3A_424 = tpu.memref_slice %arg9[%dma_start3A_421, %dma_start3A_422, %dma_start3A_423] : memref<4x128x64xf32, #tpu.memory_space<vmem>> -> memref<1x128x64xf32, #tpu.memory_space<vmem>>
    %dma_start3A_425 = tpu.memref_squeeze %dma_start3A_424 : memref<1x128x64xf32, #tpu.memory_space<vmem>> -> memref<128x64xf32, #tpu.memory_space<vmem>>
    %dma_start3A_426 = arith.constant 0 : i32
    %dma_start3A_427 = tpu.memref_slice %arg7[%dma_start3A_420, %dma_start3A_426] : memref<80x128xi32, #tpu.memory_space<vmem>> -> memref<1x128xi32, #tpu.memory_space<vmem>>
    %dma_start3A_428 = tpu.memref_squeeze %dma_start3A_427 : memref<1x128xi32, #tpu.memory_space<vmem>> -> memref<128xi32, #tpu.memory_space<vmem>>
    %dma_start3A_429 = arith.constant 0 : i32
    %dma_start3A_430 = arith.constant 0 : i32
    %dma_start3A_431 = tpu.memref_slice %arg2[%dma_start3A_429, %dma_start3A_430] : memref<10240x64xf32, #tpu.memory_space<hbm>> -> memref<10240x64xf32, #tpu.memory_space<hbm>>
    tpu.enqueue_indirect_dma source(%dma_start3A_431 : memref<10240x64xf32, #tpu.memory_space<hbm>>) target(%dma_start3A_425 : memref<128x64xf32, #tpu.memory_space<vmem>>) offsets(%dma_start3A_428 : memref<128xi32, #tpu.memory_space<vmem>>) semaphore(%arg13 : memref<!tpu.dma_semaphore, #tpu.memory_space<semaphore_mem>>)
    %dma_wait3A_432 = arith.constant 3 : i32
    %dma_wait3A_433 = arith.constant 3 : i32
    %dma_wait3A_434 = arith.constant 0 : i32
    %dma_wait3A_435 = arith.constant 0 : i32
    %dma_wait3A_436 = tpu.memref_slice %arg9[%dma_wait3A_433, %dma_wait3A_434, %dma_wait3A_435] : memref<4x128x64xf32, #tpu.memory_space<vmem>> -> memref<1x128x64xf32, #tpu.memory_space<vmem>>
    %dma_wait3A_437 = tpu.memref_squeeze %dma_wait3A_436 : memref<1x128x64xf32, #tpu.memory_space<vmem>> -> memref<128x64xf32, #tpu.memory_space<vmem>>
    %dma_wait3A_438 = arith.constant 0 : i32
    %dma_wait3A_439 = tpu.memref_slice %arg7[%dma_wait3A_432, %dma_wait3A_438] : memref<80x128xi32, #tpu.memory_space<vmem>> -> memref<1x128xi32, #tpu.memory_space<vmem>>
    %dma_wait3A_440 = tpu.memref_squeeze %dma_wait3A_439 : memref<1x128xi32, #tpu.memory_space<vmem>> -> memref<128xi32, #tpu.memory_space<vmem>>
    %dma_wait3A_441 = arith.constant 0 : i32
    %dma_wait3A_442 = arith.constant 0 : i32
    %dma_wait3A_443 = tpu.memref_slice %arg2[%dma_wait3A_441, %dma_wait3A_442] : memref<10240x64xf32, #tpu.memory_space<hbm>> -> memref<10240x64xf32, #tpu.memory_space<hbm>>
    tpu.wait_indirect_dma semaphore(%arg15 : memref<!tpu.dma_semaphore, #tpu.memory_space<semaphore_mem>>) src(%dma_wait3A_443 : memref<10240x64xf32, #tpu.memory_space<hbm>>) dst(%dma_wait3A_437 : memref<128x64xf32, #tpu.memory_space<vmem>>)
    %dma_start3A_444 = arith.constant 3 : i32
    %dma_start3A_445 = arith.constant 3 : i32
    %dma_start3A_446 = arith.constant 0 : i32
    %dma_start3A_447 = arith.constant 0 : i32
    %dma_start3A_448 = tpu.memref_slice %arg9[%dma_start3A_444, %dma_start3A_446, %dma_start3A_447] : memref<4x128x64xf32, #tpu.memory_space<vmem>> -> memref<1x128x64xf32, #tpu.memory_space<vmem>>
    %dma_start3A_449 = tpu.memref_squeeze %dma_start3A_448 : memref<1x128x64xf32, #tpu.memory_space<vmem>> -> memref<128x64xf32, #tpu.memory_space<vmem>>
    %dma_start3A_450 = arith.constant 0 : i32
    %dma_start3A_451 = tpu.memref_slice %arg8[%dma_start3A_445, %dma_start3A_450] : memref<80x128xi32, #tpu.memory_space<vmem>> -> memref<1x128xi32, #tpu.memory_space<vmem>>
    %dma_start3A_452 = tpu.memref_squeeze %dma_start3A_451 : memref<1x128xi32, #tpu.memory_space<vmem>> -> memref<128xi32, #tpu.memory_space<vmem>>
    %dma_start3A_453 = arith.constant 0 : i32
    %dma_start3A_454 = arith.constant 0 : i32
    %dma_start3A_455 = tpu.memref_slice %arg21[%dma_start3A_453, %dma_start3A_454] : memref<10240x64xf32, #tpu.memory_space<vmem_shared>> -> memref<10240x64xf32, #tpu.memory_space<vmem_shared>>
    tpu.enqueue_indirect_dma source(%dma_start3A_449 : memref<128x64xf32, #tpu.memory_space<vmem>>) target(%dma_start3A_455 : memref<10240x64xf32, #tpu.memory_space<vmem_shared>>) offsets(%dma_start3A_452 : memref<128xi32, #tpu.memory_space<vmem>>) semaphore(%arg19 : memref<!tpu.dma_semaphore, #tpu.memory_space<semaphore_mem>>) {add = true}
    %dma_start3A_456 = arith.constant 3 : i32
    %dma_start3A_457 = arith.constant 0 : i32
    %dma_start3A_458 = tpu.memref_slice %arg8[%dma_start3A_456, %dma_start3A_457] : memref<80x128xi32, #tpu.memory_space<vmem>> -> memref<1x128xi32, #tpu.memory_space<vmem>>
    %dma_start3A_459 = tpu.memref_squeeze %dma_start3A_458 : memref<1x128xi32, #tpu.memory_space<vmem>> -> memref<128xi32, #tpu.memory_space<vmem>>
    %dma_start3A_460 = arith.constant 0 : i32
    %dma_start3A_461 = arith.constant 0 : i32
    %dma_start3A_462 = tpu.memref_slice %arg22[%dma_start3A_460, %dma_start3A_461] : memref<10240x16xf32, #tpu.memory_space<vmem_shared>> -> memref<10240x16xf32, #tpu.memory_space<vmem_shared>>
    tpu.enqueue_indirect_dma source(%arg10 : memref<128x16xf32, #tpu.memory_space<vmem>>) target(%dma_start3A_462 : memref<10240x16xf32, #tpu.memory_space<vmem_shared>>) offsets(%dma_start3A_459 : memref<128xi32, #tpu.memory_space<vmem>>) semaphore(%arg20 : memref<!tpu.dma_semaphore, #tpu.memory_space<semaphore_mem>>) {add = true}
    %scan3A_463 = arith.constant 0 : i32
    %scan3A_464 = arith.constant 1 : i32
    %scan3A_465 = arith.constant 18 : i32
    %scan3A_466 = arith.addi %scan3A_464, %scan3A_465 : i32
    %scan3A_467 = arith.constant 1 : i32
    scf.for %scan3A_696 = %scan3A_464 to %scan3A_466 step %scan3A_467  : i32 {
      %mul3A_697 = arith.constant 4 : i32
      %mul3A_698 = arith.muli %scan3A_696, %mul3A_697 : i32
      %add3A_699 = arith.constant 0 : i32
      %add3A_700 = arith.addi %mul3A_698, %add3A_699 : i32
      %add3A_701 = arith.constant 2 : i32
      %add3A_702 = arith.addi %add3A_700, %add3A_701 : i32
      %sub3A = arith.constant 4 : i32
      %sub3A_703 = arith.subi %add3A_702, %sub3A : i32
      %dma_wait3A_704 = arith.constant 2 : i32
      %dma_wait3A_705 = arith.constant 0 : i32
      %dma_wait3A_706 = arith.constant 0 : i32
      %dma_wait3A_707 = tpu.memref_slice %arg9[%dma_wait3A_704, %dma_wait3A_705, %dma_wait3A_706] : memref<4x128x64xf32, #tpu.memory_space<vmem>> -> memref<1x128x64xf32, #tpu.memory_space<vmem>>
      %dma_wait3A_708 = tpu.memref_squeeze %dma_wait3A_707 : memref<1x128x64xf32, #tpu.memory_space<vmem>> -> memref<128x64xf32, #tpu.memory_space<vmem>>
      %dma_wait3A_709 = arith.constant 0 : i32
      %dma_wait3A_710 = tpu.memref_slice %arg8[%sub3A_703, %dma_wait3A_709] : memref<80x128xi32, #tpu.memory_space<vmem>> -> memref<1x128xi32, #tpu.memory_space<vmem>>
      %dma_wait3A_711 = tpu.memref_squeeze %dma_wait3A_710 : memref<1x128xi32, #tpu.memory_space<vmem>> -> memref<128xi32, #tpu.memory_space<vmem>>
      %dma_wait3A_712 = arith.constant 0 : i32
      %dma_wait3A_713 = arith.constant 0 : i32
      %dma_wait3A_714 = tpu.memref_slice %arg21[%dma_wait3A_712, %dma_wait3A_713] : memref<10240x64xf32, #tpu.memory_space<vmem_shared>> -> memref<10240x64xf32, #tpu.memory_space<vmem_shared>>
      tpu.wait_indirect_dma semaphore(%arg18 : memref<!tpu.dma_semaphore, #tpu.memory_space<semaphore_mem>>) src(%dma_wait3A_708 : memref<128x64xf32, #tpu.memory_space<vmem>>) dst(%dma_wait3A_714 : memref<10240x64xf32, #tpu.memory_space<vmem_shared>>)
      %dma_start3A_715 = arith.constant 2 : i32
      %dma_start3A_716 = arith.constant 0 : i32
      %dma_start3A_717 = arith.constant 0 : i32
      %dma_start3A_718 = tpu.memref_slice %arg9[%dma_start3A_715, %dma_start3A_716, %dma_start3A_717] : memref<4x128x64xf32, #tpu.memory_space<vmem>> -> memref<1x128x64xf32, #tpu.memory_space<vmem>>
      %dma_start3A_719 = tpu.memref_squeeze %dma_start3A_718 : memref<1x128x64xf32, #tpu.memory_space<vmem>> -> memref<128x64xf32, #tpu.memory_space<vmem>>
      %dma_start3A_720 = arith.constant 0 : i32
      %dma_start3A_721 = tpu.memref_slice %arg7[%add3A_702, %dma_start3A_720] : memref<80x128xi32, #tpu.memory_space<vmem>> -> memref<1x128xi32, #tpu.memory_space<vmem>>
      %dma_start3A_722 = tpu.memref_squeeze %dma_start3A_721 : memref<1x128xi32, #tpu.memory_space<vmem>> -> memref<128xi32, #tpu.memory_space<vmem>>
      %dma_start3A_723 = arith.constant 0 : i32
      %dma_start3A_724 = arith.constant 0 : i32
      %dma_start3A_725 = tpu.memref_slice %arg2[%dma_start3A_723, %dma_start3A_724] : memref<10240x64xf32, #tpu.memory_space<hbm>> -> memref<10240x64xf32, #tpu.memory_space<hbm>>
      tpu.enqueue_indirect_dma source(%dma_start3A_725 : memref<10240x64xf32, #tpu.memory_space<hbm>>) target(%dma_start3A_719 : memref<128x64xf32, #tpu.memory_space<vmem>>) offsets(%dma_start3A_722 : memref<128xi32, #tpu.memory_space<vmem>>) semaphore(%arg14 : memref<!tpu.dma_semaphore, #tpu.memory_space<semaphore_mem>>)
      %dma_wait3A_726 = arith.constant 0 : i32
      %dma_wait3A_727 = arith.constant 0 : i32
      %dma_wait3A_728 = arith.constant 0 : i32
      %dma_wait3A_729 = tpu.memref_slice %arg9[%dma_wait3A_726, %dma_wait3A_727, %dma_wait3A_728] : memref<4x128x64xf32, #tpu.memory_space<vmem>> -> memref<1x128x64xf32, #tpu.memory_space<vmem>>
      %dma_wait3A_730 = tpu.memref_squeeze %dma_wait3A_729 : memref<1x128x64xf32, #tpu.memory_space<vmem>> -> memref<128x64xf32, #tpu.memory_space<vmem>>
      %dma_wait3A_731 = arith.constant 0 : i32
      %dma_wait3A_732 = tpu.memref_slice %arg7[%add3A_700, %dma_wait3A_731] : memref<80x128xi32, #tpu.memory_space<vmem>> -> memref<1x128xi32, #tpu.memory_space<vmem>>
      %dma_wait3A_733 = tpu.memref_squeeze %dma_wait3A_732 : memref<1x128xi32, #tpu.memory_space<vmem>> -> memref<128xi32, #tpu.memory_space<vmem>>
      %dma_wait3A_734 = arith.constant 0 : i32
      %dma_wait3A_735 = arith.constant 0 : i32
      %dma_wait3A_736 = tpu.memref_slice %arg2[%dma_wait3A_734, %dma_wait3A_735] : memref<10240x64xf32, #tpu.memory_space<hbm>> -> memref<10240x64xf32, #tpu.memory_space<hbm>>
      tpu.wait_indirect_dma semaphore(%arg12 : memref<!tpu.dma_semaphore, #tpu.memory_space<semaphore_mem>>) src(%dma_wait3A_736 : memref<10240x64xf32, #tpu.memory_space<hbm>>) dst(%dma_wait3A_730 : memref<128x64xf32, #tpu.memory_space<vmem>>)
      %dma_start3A_737 = arith.constant 0 : i32
      %dma_start3A_738 = arith.constant 0 : i32
      %dma_start3A_739 = arith.constant 0 : i32
      %dma_start3A_740 = tpu.memref_slice %arg9[%dma_start3A_737, %dma_start3A_738, %dma_start3A_739] : memref<4x128x64xf32, #tpu.memory_space<vmem>> -> memref<1x128x64xf32, #tpu.memory_space<vmem>>
      %dma_start3A_741 = tpu.memref_squeeze %dma_start3A_740 : memref<1x128x64xf32, #tpu.memory_space<vmem>> -> memref<128x64xf32, #tpu.memory_space<vmem>>
      %dma_start3A_742 = arith.constant 0 : i32
      %dma_start3A_743 = tpu.memref_slice %arg8[%add3A_700, %dma_start3A_742] : memref<80x128xi32, #tpu.memory_space<vmem>> -> memref<1x128xi32, #tpu.memory_space<vmem>>
      %dma_start3A_744 = tpu.memref_squeeze %dma_start3A_743 : memref<1x128xi32, #tpu.memory_space<vmem>> -> memref<128xi32, #tpu.memory_space<vmem>>
      %dma_start3A_745 = arith.constant 0 : i32
      %dma_start3A_746 = arith.constant 0 : i32
      %dma_start3A_747 = tpu.memref_slice %arg21[%dma_start3A_745, %dma_start3A_746] : memref<10240x64xf32, #tpu.memory_space<vmem_shared>> -> memref<10240x64xf32, #tpu.memory_space<vmem_shared>>
      tpu.enqueue_indirect_dma source(%dma_start3A_741 : memref<128x64xf32, #tpu.memory_space<vmem>>) target(%dma_start3A_747 : memref<10240x64xf32, #tpu.memory_space<vmem_shared>>) offsets(%dma_start3A_744 : memref<128xi32, #tpu.memory_space<vmem>>) semaphore(%arg16 : memref<!tpu.dma_semaphore, #tpu.memory_space<semaphore_mem>>) {add = true}
      %dma_start3A_748 = arith.constant 0 : i32
      %dma_start3A_749 = tpu.memref_slice %arg8[%add3A_700, %dma_start3A_748] : memref<80x128xi32, #tpu.memory_space<vmem>> -> memref<1x128xi32, #tpu.memory_space<vmem>>
      %dma_start3A_750 = tpu.memref_squeeze %dma_start3A_749 : memref<1x128xi32, #tpu.memory_space<vmem>> -> memref<128xi32, #tpu.memory_space<vmem>>
      %dma_start3A_751 = arith.constant 0 : i32
      %dma_start3A_752 = arith.constant 0 : i32
      %dma_start3A_753 = tpu.memref_slice %arg22[%dma_start3A_751, %dma_start3A_752] : memref<10240x16xf32, #tpu.memory_space<vmem_shared>> -> memref<10240x16xf32, #tpu.memory_space<vmem_shared>>
      tpu.enqueue_indirect_dma source(%arg10 : memref<128x16xf32, #tpu.memory_space<vmem>>) target(%dma_start3A_753 : memref<10240x16xf32, #tpu.memory_space<vmem_shared>>) offsets(%dma_start3A_750 : memref<128xi32, #tpu.memory_space<vmem>>) semaphore(%arg20 : memref<!tpu.dma_semaphore, #tpu.memory_space<semaphore_mem>>) {add = true}
      %mul3A_754 = arith.constant 4 : i32
      %mul3A_755 = arith.muli %scan3A_696, %mul3A_754 : i32
      %add3A_756 = arith.constant 1 : i32
      %add3A_757 = arith.addi %mul3A_755, %add3A_756 : i32
      %add3A_758 = arith.constant 2 : i32
      %add3A_759 = arith.addi %add3A_757, %add3A_758 : i32
      %sub3A_760 = arith.constant 4 : i32
      %sub3A_761 = arith.subi %add3A_759, %sub3A_760 : i32
      %dma_wait3A_762 = arith.constant 3 : i32
      %dma_wait3A_763 = arith.constant 0 : i32
      %dma_wait3A_764 = arith.constant 0 : i32
      %dma_wait3A_765 = tpu.memref_slice %arg9[%dma_wait3A_762, %dma_wait3A_763, %dma_wait3A_764] : memref<4x128x64xf32, #tpu.memory_space<vmem>> -> memref<1x128x64xf32, #tpu.memory_space<vmem>>
      %dma_wait3A_766 = tpu.memref_squeeze %dma_wait3A_765 : memref<1x128x64xf32, #tpu.memory_space<vmem>> -> memref<128x64xf32, #tpu.memory_space<vmem>>
      %dma_wait3A_767 = arith.constant 0 : i32
      %dma_wait3A_768 = tpu.memref_slice %arg8[%sub3A_761, %dma_wait3A_767] : memref<80x128xi32, #tpu.memory_space<vmem>> -> memref<1x128xi32, #tpu.memory_space<vmem>>
      %dma_wait3A_769 = tpu.memref_squeeze %dma_wait3A_768 : memref<1x128xi32, #tpu.memory_space<vmem>> -> memref<128xi32, #tpu.memory_space<vmem>>
      %dma_wait3A_770 = arith.constant 0 : i32
      %dma_wait3A_771 = arith.constant 0 : i32
      %dma_wait3A_772 = tpu.memref_slice %arg21[%dma_wait3A_770, %dma_wait3A_771] : memref<10240x64xf32, #tpu.memory_space<vmem_shared>> -> memref<10240x64xf32, #tpu.memory_space<vmem_shared>>
      tpu.wait_indirect_dma semaphore(%arg19 : memref<!tpu.dma_semaphore, #tpu.memory_space<semaphore_mem>>) src(%dma_wait3A_766 : memref<128x64xf32, #tpu.memory_space<vmem>>) dst(%dma_wait3A_772 : memref<10240x64xf32, #tpu.memory_space<vmem_shared>>)
      %dma_start3A_773 = arith.constant 3 : i32
      %dma_start3A_774 = arith.constant 0 : i32
      %dma_start3A_775 = arith.constant 0 : i32
      %dma_start3A_776 = tpu.memref_slice %arg9[%dma_start3A_773, %dma_start3A_774, %dma_start3A_775] : memref<4x128x64xf32, #tpu.memory_space<vmem>> -> memref<1x128x64xf32, #tpu.memory_space<vmem>>
      %dma_start3A_777 = tpu.memref_squeeze %dma_start3A_776 : memref<1x128x64xf32, #tpu.memory_space<vmem>> -> memref<128x64xf32, #tpu.memory_space<vmem>>
      %dma_start3A_778 = arith.constant 0 : i32
      %dma_start3A_779 = tpu.memref_slice %arg7[%add3A_759, %dma_start3A_778] : memref<80x128xi32, #tpu.memory_space<vmem>> -> memref<1x128xi32, #tpu.memory_space<vmem>>
      %dma_start3A_780 = tpu.memref_squeeze %dma_start3A_779 : memref<1x128xi32, #tpu.memory_space<vmem>> -> memref<128xi32, #tpu.memory_space<vmem>>
      %dma_start3A_781 = arith.constant 0 : i32
      %dma_start3A_782 = arith.constant 0 : i32
      %dma_start3A_783 = tpu.memref_slice %arg2[%dma_start3A_781, %dma_start3A_782] : memref<10240x64xf32, #tpu.memory_space<hbm>> -> memref<10240x64xf32, #tpu.memory_space<hbm>>
      tpu.enqueue_indirect_dma source(%dma_start3A_783 : memref<10240x64xf32, #tpu.memory_space<hbm>>) target(%dma_start3A_777 : memref<128x64xf32, #tpu.memory_space<vmem>>) offsets(%dma_start3A_780 : memref<128xi32, #tpu.memory_space<vmem>>) semaphore(%arg15 : memref<!tpu.dma_semaphore, #tpu.memory_space<semaphore_mem>>)
      %dma_wait3A_784 = arith.constant 1 : i32
      %dma_wait3A_785 = arith.constant 0 : i32
      %dma_wait3A_786 = arith.constant 0 : i32
      %dma_wait3A_787 = tpu.memref_slice %arg9[%dma_wait3A_784, %dma_wait3A_785, %dma_wait3A_786] : memref<4x128x64xf32, #tpu.memory_space<vmem>> -> memref<1x128x64xf32, #tpu.memory_space<vmem>>
      %dma_wait3A_788 = tpu.memref_squeeze %dma_wait3A_787 : memref<1x128x64xf32, #tpu.memory_space<vmem>> -> memref<128x64xf32, #tpu.memory_space<vmem>>
      %dma_wait3A_789 = arith.constant 0 : i32
      %dma_wait3A_790 = tpu.memref_slice %arg7[%add3A_757, %dma_wait3A_789] : memref<80x128xi32, #tpu.memory_space<vmem>> -> memref<1x128xi32, #tpu.memory_space<vmem>>
      %dma_wait3A_791 = tpu.memref_squeeze %dma_wait3A_790 : memref<1x128xi32, #tpu.memory_space<vmem>> -> memref<128xi32, #tpu.memory_space<vmem>>
      %dma_wait3A_792 = arith.constant 0 : i32
      %dma_wait3A_793 = arith.constant 0 : i32
      %dma_wait3A_794 = tpu.memref_slice %arg2[%dma_wait3A_792, %dma_wait3A_793] : memref<10240x64xf32, #tpu.memory_space<hbm>> -> memref<10240x64xf32, #tpu.memory_space<hbm>>
      tpu.wait_indirect_dma semaphore(%arg13 : memref<!tpu.dma_semaphore, #tpu.memory_space<semaphore_mem>>) src(%dma_wait3A_794 : memref<10240x64xf32, #tpu.memory_space<hbm>>) dst(%dma_wait3A_788 : memref<128x64xf32, #tpu.memory_space<vmem>>)
      %dma_start3A_795 = arith.constant 1 : i32
      %dma_start3A_796 = arith.constant 0 : i32
      %dma_start3A_797 = arith.constant 0 : i32
      %dma_start3A_798 = tpu.memref_slice %arg9[%dma_start3A_795, %dma_start3A_796, %dma_start3A_797] : memref<4x128x64xf32, #tpu.memory_space<vmem>> -> memref<1x128x64xf32, #tpu.memory_space<vmem>>
      %dma_start3A_799 = tpu.memref_squeeze %dma_start3A_798 : memref<1x128x64xf32, #tpu.memory_space<vmem>> -> memref<128x64xf32, #tpu.memory_space<vmem>>
      %dma_start3A_800 = arith.constant 0 : i32
      %dma_start3A_801 = tpu.memref_slice %arg8[%add3A_757, %dma_start3A_800] : memref<80x128xi32, #tpu.memory_space<vmem>> -> memref<1x128xi32, #tpu.memory_space<vmem>>
      %dma_start3A_802 = tpu.memref_squeeze %dma_start3A_801 : memref<1x128xi32, #tpu.memory_space<vmem>> -> memref<128xi32, #tpu.memory_space<vmem>>
      %dma_start3A_803 = arith.constant 0 : i32
      %dma_start3A_804 = arith.constant 0 : i32
      %dma_start3A_805 = tpu.memref_slice %arg21[%dma_start3A_803, %dma_start3A_804] : memref<10240x64xf32, #tpu.memory_space<vmem_shared>> -> memref<10240x64xf32, #tpu.memory_space<vmem_shared>>
      tpu.enqueue_indirect_dma source(%dma_start3A_799 : memref<128x64xf32, #tpu.memory_space<vmem>>) target(%dma_start3A_805 : memref<10240x64xf32, #tpu.memory_space<vmem_shared>>) offsets(%dma_start3A_802 : memref<128xi32, #tpu.memory_space<vmem>>) semaphore(%arg17 : memref<!tpu.dma_semaphore, #tpu.memory_space<semaphore_mem>>) {add = true}
      %dma_start3A_806 = arith.constant 0 : i32
      %dma_start3A_807 = tpu.memref_slice %arg8[%add3A_757, %dma_start3A_806] : memref<80x128xi32, #tpu.memory_space<vmem>> -> memref<1x128xi32, #tpu.memory_space<vmem>>
      %dma_start3A_808 = tpu.memref_squeeze %dma_start3A_807 : memref<1x128xi32, #tpu.memory_space<vmem>> -> memref<128xi32, #tpu.memory_space<vmem>>
      %dma_start3A_809 = arith.constant 0 : i32
      %dma_start3A_810 = arith.constant 0 : i32
      %dma_start3A_811 = tpu.memref_slice %arg22[%dma_start3A_809, %dma_start3A_810] : memref<10240x16xf32, #tpu.memory_space<vmem_shared>> -> memref<10240x16xf32, #tpu.memory_space<vmem_shared>>
      tpu.enqueue_indirect_dma source(%arg10 : memref<128x16xf32, #tpu.memory_space<vmem>>) target(%dma_start3A_811 : memref<10240x16xf32, #tpu.memory_space<vmem_shared>>) offsets(%dma_start3A_808 : memref<128xi32, #tpu.memory_space<vmem>>) semaphore(%arg20 : memref<!tpu.dma_semaphore, #tpu.memory_space<semaphore_mem>>) {add = true}
      %mul3A_812 = arith.constant 4 : i32
      %mul3A_813 = arith.muli %scan3A_696, %mul3A_812 : i32
      %add3A_814 = arith.constant 2 : i32
      %add3A_815 = arith.addi %mul3A_813, %add3A_814 : i32
      %add3A_816 = arith.constant 2 : i32
      %add3A_817 = arith.addi %add3A_815, %add3A_816 : i32
      %sub3A_818 = arith.constant 4 : i32
      %sub3A_819 = arith.subi %add3A_817, %sub3A_818 : i32
      %dma_wait3A_820 = arith.constant 0 : i32
      %dma_wait3A_821 = arith.constant 0 : i32
      %dma_wait3A_822 = arith.constant 0 : i32
      %dma_wait3A_823 = tpu.memref_slice %arg9[%dma_wait3A_820, %dma_wait3A_821, %dma_wait3A_822] : memref<4x128x64xf32, #tpu.memory_space<vmem>> -> memref<1x128x64xf32, #tpu.memory_space<vmem>>
      %dma_wait3A_824 = tpu.memref_squeeze %dma_wait3A_823 : memref<1x128x64xf32, #tpu.memory_space<vmem>> -> memref<128x64xf32, #tpu.memory_space<vmem>>
      %dma_wait3A_825 = arith.constant 0 : i32
      %dma_wait3A_826 = tpu.memref_slice %arg8[%sub3A_819, %dma_wait3A_825] : memref<80x128xi32, #tpu.memory_space<vmem>> -> memref<1x128xi32, #tpu.memory_space<vmem>>
      %dma_wait3A_827 = tpu.memref_squeeze %dma_wait3A_826 : memref<1x128xi32, #tpu.memory_space<vmem>> -> memref<128xi32, #tpu.memory_space<vmem>>
      %dma_wait3A_828 = arith.constant 0 : i32
      %dma_wait3A_829 = arith.constant 0 : i32
      %dma_wait3A_830 = tpu.memref_slice %arg21[%dma_wait3A_828, %dma_wait3A_829] : memref<10240x64xf32, #tpu.memory_space<vmem_shared>> -> memref<10240x64xf32, #tpu.memory_space<vmem_shared>>
      tpu.wait_indirect_dma semaphore(%arg16 : memref<!tpu.dma_semaphore, #tpu.memory_space<semaphore_mem>>) src(%dma_wait3A_824 : memref<128x64xf32, #tpu.memory_space<vmem>>) dst(%dma_wait3A_830 : memref<10240x64xf32, #tpu.memory_space<vmem_shared>>)
      %dma_start3A_831 = arith.constant 0 : i32
      %dma_start3A_832 = arith.constant 0 : i32
      %dma_start3A_833 = arith.constant 0 : i32
      %dma_start3A_834 = tpu.memref_slice %arg9[%dma_start3A_831, %dma_start3A_832, %dma_start3A_833] : memref<4x128x64xf32, #tpu.memory_space<vmem>> -> memref<1x128x64xf32, #tpu.memory_space<vmem>>
      %dma_start3A_835 = tpu.memref_squeeze %dma_start3A_834 : memref<1x128x64xf32, #tpu.memory_space<vmem>> -> memref<128x64xf32, #tpu.memory_space<vmem>>
      %dma_start3A_836 = arith.constant 0 : i32
      %dma_start3A_837 = tpu.memref_slice %arg7[%add3A_817, %dma_start3A_836] : memref<80x128xi32, #tpu.memory_space<vmem>> -> memref<1x128xi32, #tpu.memory_space<vmem>>
      %dma_start3A_838 = tpu.memref_squeeze %dma_start3A_837 : memref<1x128xi32, #tpu.memory_space<vmem>> -> memref<128xi32, #tpu.memory_space<vmem>>
      %dma_start3A_839 = arith.constant 0 : i32
      %dma_start3A_840 = arith.constant 0 : i32
      %dma_start3A_841 = tpu.memref_slice %arg2[%dma_start3A_839, %dma_start3A_840] : memref<10240x64xf32, #tpu.memory_space<hbm>> -> memref<10240x64xf32, #tpu.memory_space<hbm>>
      tpu.enqueue_indirect_dma source(%dma_start3A_841 : memref<10240x64xf32, #tpu.memory_space<hbm>>) target(%dma_start3A_835 : memref<128x64xf32, #tpu.memory_space<vmem>>) offsets(%dma_start3A_838 : memref<128xi32, #tpu.memory_space<vmem>>) semaphore(%arg12 : memref<!tpu.dma_semaphore, #tpu.memory_space<semaphore_mem>>)
      %dma_wait3A_842 = arith.constant 2 : i32
      %dma_wait3A_843 = arith.constant 0 : i32
      %dma_wait3A_844 = arith.constant 0 : i32
      %dma_wait3A_845 = tpu.memref_slice %arg9[%dma_wait3A_842, %dma_wait3A_843, %dma_wait3A_844] : memref<4x128x64xf32, #tpu.memory_space<vmem>> -> memref<1x128x64xf32, #tpu.memory_space<vmem>>
      %dma_wait3A_846 = tpu.memref_squeeze %dma_wait3A_845 : memref<1x128x64xf32, #tpu.memory_space<vmem>> -> memref<128x64xf32, #tpu.memory_space<vmem>>
      %dma_wait3A_847 = arith.constant 0 : i32
      %dma_wait3A_848 = tpu.memref_slice %arg7[%add3A_815, %dma_wait3A_847] : memref<80x128xi32, #tpu.memory_space<vmem>> -> memref<1x128xi32, #tpu.memory_space<vmem>>
      %dma_wait3A_849 = tpu.memref_squeeze %dma_wait3A_848 : memref<1x128xi32, #tpu.memory_space<vmem>> -> memref<128xi32, #tpu.memory_space<vmem>>
      %dma_wait3A_850 = arith.constant 0 : i32
      %dma_wait3A_851 = arith.constant 0 : i32
      %dma_wait3A_852 = tpu.memref_slice %arg2[%dma_wait3A_850, %dma_wait3A_851] : memref<10240x64xf32, #tpu.memory_space<hbm>> -> memref<10240x64xf32, #tpu.memory_space<hbm>>
      tpu.wait_indirect_dma semaphore(%arg14 : memref<!tpu.dma_semaphore, #tpu.memory_space<semaphore_mem>>) src(%dma_wait3A_852 : memref<10240x64xf32, #tpu.memory_space<hbm>>) dst(%dma_wait3A_846 : memref<128x64xf32, #tpu.memory_space<vmem>>)
      %dma_start3A_853 = arith.constant 2 : i32
      %dma_start3A_854 = arith.constant 0 : i32
      %dma_start3A_855 = arith.constant 0 : i32
      %dma_start3A_856 = tpu.memref_slice %arg9[%dma_start3A_853, %dma_start3A_854, %dma_start3A_855] : memref<4x128x64xf32, #tpu.memory_space<vmem>> -> memref<1x128x64xf32, #tpu.memory_space<vmem>>
      %dma_start3A_857 = tpu.memref_squeeze %dma_start3A_856 : memref<1x128x64xf32, #tpu.memory_space<vmem>> -> memref<128x64xf32, #tpu.memory_space<vmem>>
      %dma_start3A_858 = arith.constant 0 : i32
      %dma_start3A_859 = tpu.memref_slice %arg8[%add3A_815, %dma_start3A_858] : memref<80x128xi32, #tpu.memory_space<vmem>> -> memref<1x128xi32, #tpu.memory_space<vmem>>
      %dma_start3A_860 = tpu.memref_squeeze %dma_start3A_859 : memref<1x128xi32, #tpu.memory_space<vmem>> -> memref<128xi32, #tpu.memory_space<vmem>>
      %dma_start3A_861 = arith.constant 0 : i32
      %dma_start3A_862 = arith.constant 0 : i32
      %dma_start3A_863 = tpu.memref_slice %arg21[%dma_start3A_861, %dma_start3A_862] : memref<10240x64xf32, #tpu.memory_space<vmem_shared>> -> memref<10240x64xf32, #tpu.memory_space<vmem_shared>>
      tpu.enqueue_indirect_dma source(%dma_start3A_857 : memref<128x64xf32, #tpu.memory_space<vmem>>) target(%dma_start3A_863 : memref<10240x64xf32, #tpu.memory_space<vmem_shared>>) offsets(%dma_start3A_860 : memref<128xi32, #tpu.memory_space<vmem>>) semaphore(%arg18 : memref<!tpu.dma_semaphore, #tpu.memory_space<semaphore_mem>>) {add = true}
      %dma_start3A_864 = arith.constant 0 : i32
      %dma_start3A_865 = tpu.memref_slice %arg8[%add3A_815, %dma_start3A_864] : memref<80x128xi32, #tpu.memory_space<vmem>> -> memref<1x128xi32, #tpu.memory_space<vmem>>
      %dma_start3A_866 = tpu.memref_squeeze %dma_start3A_865 : memref<1x128xi32, #tpu.memory_space<vmem>> -> memref<128xi32, #tpu.memory_space<vmem>>
      %dma_start3A_867 = arith.constant 0 : i32
      %dma_start3A_868 = arith.constant 0 : i32
      %dma_start3A_869 = tpu.memref_slice %arg22[%dma_start3A_867, %dma_start3A_868] : memref<10240x16xf32, #tpu.memory_space<vmem_shared>> -> memref<10240x16xf32, #tpu.memory_space<vmem_shared>>
      tpu.enqueue_indirect_dma source(%arg10 : memref<128x16xf32, #tpu.memory_space<vmem>>) target(%dma_start3A_869 : memref<10240x16xf32, #tpu.memory_space<vmem_shared>>) offsets(%dma_start3A_866 : memref<128xi32, #tpu.memory_space<vmem>>) semaphore(%arg20 : memref<!tpu.dma_semaphore, #tpu.memory_space<semaphore_mem>>) {add = true}
      %mul3A_870 = arith.constant 4 : i32
      %mul3A_871 = arith.muli %scan3A_696, %mul3A_870 : i32
      %add3A_872 = arith.constant 3 : i32
      %add3A_873 = arith.addi %mul3A_871, %add3A_872 : i32
      %add3A_874 = arith.constant 2 : i32
      %add3A_875 = arith.addi %add3A_873, %add3A_874 : i32
      %sub3A_876 = arith.constant 4 : i32
      %sub3A_877 = arith.subi %add3A_875, %sub3A_876 : i32
      %dma_wait3A_878 = arith.constant 1 : i32
      %dma_wait3A_879 = arith.constant 0 : i32
      %dma_wait3A_880 = arith.constant 0 : i32
      %dma_wait3A_881 = tpu.memref_slice %arg9[%dma_wait3A_878, %dma_wait3A_879, %dma_wait3A_880] : memref<4x128x64xf32, #tpu.memory_space<vmem>> -> memref<1x128x64xf32, #tpu.memory_space<vmem>>
      %dma_wait3A_882 = tpu.memref_squeeze %dma_wait3A_881 : memref<1x128x64xf32, #tpu.memory_space<vmem>> -> memref<128x64xf32, #tpu.memory_space<vmem>>
      %dma_wait3A_883 = arith.constant 0 : i32
      %dma_wait3A_884 = tpu.memref_slice %arg8[%sub3A_877, %dma_wait3A_883] : memref<80x128xi32, #tpu.memory_space<vmem>> -> memref<1x128xi32, #tpu.memory_space<vmem>>
      %dma_wait3A_885 = tpu.memref_squeeze %dma_wait3A_884 : memref<1x128xi32, #tpu.memory_space<vmem>> -> memref<128xi32, #tpu.memory_space<vmem>>
      %dma_wait3A_886 = arith.constant 0 : i32
      %dma_wait3A_887 = arith.constant 0 : i32
      %dma_wait3A_888 = tpu.memref_slice %arg21[%dma_wait3A_886, %dma_wait3A_887] : memref<10240x64xf32, #tpu.memory_space<vmem_shared>> -> memref<10240x64xf32, #tpu.memory_space<vmem_shared>>
      tpu.wait_indirect_dma semaphore(%arg17 : memref<!tpu.dma_semaphore, #tpu.memory_space<semaphore_mem>>) src(%dma_wait3A_882 : memref<128x64xf32, #tpu.memory_space<vmem>>) dst(%dma_wait3A_888 : memref<10240x64xf32, #tpu.memory_space<vmem_shared>>)
      %dma_start3A_889 = arith.constant 1 : i32
      %dma_start3A_890 = arith.constant 0 : i32
      %dma_start3A_891 = arith.constant 0 : i32
      %dma_start3A_892 = tpu.memref_slice %arg9[%dma_start3A_889, %dma_start3A_890, %dma_start3A_891] : memref<4x128x64xf32, #tpu.memory_space<vmem>> -> memref<1x128x64xf32, #tpu.memory_space<vmem>>
      %dma_start3A_893 = tpu.memref_squeeze %dma_start3A_892 : memref<1x128x64xf32, #tpu.memory_space<vmem>> -> memref<128x64xf32, #tpu.memory_space<vmem>>
      %dma_start3A_894 = arith.constant 0 : i32
      %dma_start3A_895 = tpu.memref_slice %arg7[%add3A_875, %dma_start3A_894] : memref<80x128xi32, #tpu.memory_space<vmem>> -> memref<1x128xi32, #tpu.memory_space<vmem>>
      %dma_start3A_896 = tpu.memref_squeeze %dma_start3A_895 : memref<1x128xi32, #tpu.memory_space<vmem>> -> memref<128xi32, #tpu.memory_space<vmem>>
      %dma_start3A_897 = arith.constant 0 : i32
      %dma_start3A_898 = arith.constant 0 : i32
      %dma_start3A_899 = tpu.memref_slice %arg2[%dma_start3A_897, %dma_start3A_898] : memref<10240x64xf32, #tpu.memory_space<hbm>> -> memref<10240x64xf32, #tpu.memory_space<hbm>>
      tpu.enqueue_indirect_dma source(%dma_start3A_899 : memref<10240x64xf32, #tpu.memory_space<hbm>>) target(%dma_start3A_893 : memref<128x64xf32, #tpu.memory_space<vmem>>) offsets(%dma_start3A_896 : memref<128xi32, #tpu.memory_space<vmem>>) semaphore(%arg13 : memref<!tpu.dma_semaphore, #tpu.memory_space<semaphore_mem>>)
      %dma_wait3A_900 = arith.constant 3 : i32
      %dma_wait3A_901 = arith.constant 0 : i32
      %dma_wait3A_902 = arith.constant 0 : i32
      %dma_wait3A_903 = tpu.memref_slice %arg9[%dma_wait3A_900, %dma_wait3A_901, %dma_wait3A_902] : memref<4x128x64xf32, #tpu.memory_space<vmem>> -> memref<1x128x64xf32, #tpu.memory_space<vmem>>
      %dma_wait3A_904 = tpu.memref_squeeze %dma_wait3A_903 : memref<1x128x64xf32, #tpu.memory_space<vmem>> -> memref<128x64xf32, #tpu.memory_space<vmem>>
      %dma_wait3A_905 = arith.constant 0 : i32
      %dma_wait3A_906 = tpu.memref_slice %arg7[%add3A_873, %dma_wait3A_905] : memref<80x128xi32, #tpu.memory_space<vmem>> -> memref<1x128xi32, #tpu.memory_space<vmem>>
      %dma_wait3A_907 = tpu.memref_squeeze %dma_wait3A_906 : memref<1x128xi32, #tpu.memory_space<vmem>> -> memref<128xi32, #tpu.memory_space<vmem>>
      %dma_wait3A_908 = arith.constant 0 : i32
      %dma_wait3A_909 = arith.constant 0 : i32
      %dma_wait3A_910 = tpu.memref_slice %arg2[%dma_wait3A_908, %dma_wait3A_909] : memref<10240x64xf32, #tpu.memory_space<hbm>> -> memref<10240x64xf32, #tpu.memory_space<hbm>>
      tpu.wait_indirect_dma semaphore(%arg15 : memref<!tpu.dma_semaphore, #tpu.memory_space<semaphore_mem>>) src(%dma_wait3A_910 : memref<10240x64xf32, #tpu.memory_space<hbm>>) dst(%dma_wait3A_904 : memref<128x64xf32, #tpu.memory_space<vmem>>)
      %dma_start3A_911 = arith.constant 3 : i32
      %dma_start3A_912 = arith.constant 0 : i32
      %dma_start3A_913 = arith.constant 0 : i32
      %dma_start3A_914 = tpu.memref_slice %arg9[%dma_start3A_911, %dma_start3A_912, %dma_start3A_913] : memref<4x128x64xf32, #tpu.memory_space<vmem>> -> memref<1x128x64xf32, #tpu.memory_space<vmem>>
      %dma_start3A_915 = tpu.memref_squeeze %dma_start3A_914 : memref<1x128x64xf32, #tpu.memory_space<vmem>> -> memref<128x64xf32, #tpu.memory_space<vmem>>
      %dma_start3A_916 = arith.constant 0 : i32
      %dma_start3A_917 = tpu.memref_slice %arg8[%add3A_873, %dma_start3A_916] : memref<80x128xi32, #tpu.memory_space<vmem>> -> memref<1x128xi32, #tpu.memory_space<vmem>>
      %dma_start3A_918 = tpu.memref_squeeze %dma_start3A_917 : memref<1x128xi32, #tpu.memory_space<vmem>> -> memref<128xi32, #tpu.memory_space<vmem>>
      %dma_start3A_919 = arith.constant 0 : i32
      %dma_start3A_920 = arith.constant 0 : i32
      %dma_start3A_921 = tpu.memref_slice %arg21[%dma_start3A_919, %dma_start3A_920] : memref<10240x64xf32, #tpu.memory_space<vmem_shared>> -> memref<10240x64xf32, #tpu.memory_space<vmem_shared>>
      tpu.enqueue_indirect_dma source(%dma_start3A_915 : memref<128x64xf32, #tpu.memory_space<vmem>>) target(%dma_start3A_921 : memref<10240x64xf32, #tpu.memory_space<vmem_shared>>) offsets(%dma_start3A_918 : memref<128xi32, #tpu.memory_space<vmem>>) semaphore(%arg19 : memref<!tpu.dma_semaphore, #tpu.memory_space<semaphore_mem>>) {add = true}
      %dma_start3A_922 = arith.constant 0 : i32
      %dma_start3A_923 = tpu.memref_slice %arg8[%add3A_873, %dma_start3A_922] : memref<80x128xi32, #tpu.memory_space<vmem>> -> memref<1x128xi32, #tpu.memory_space<vmem>>
      %dma_start3A_924 = tpu.memref_squeeze %dma_start3A_923 : memref<1x128xi32, #tpu.memory_space<vmem>> -> memref<128xi32, #tpu.memory_space<vmem>>
      %dma_start3A_925 = arith.constant 0 : i32
      %dma_start3A_926 = arith.constant 0 : i32
      %dma_start3A_927 = tpu.memref_slice %arg22[%dma_start3A_925, %dma_start3A_926] : memref<10240x16xf32, #tpu.memory_space<vmem_shared>> -> memref<10240x16xf32, #tpu.memory_space<vmem_shared>>
      tpu.enqueue_indirect_dma source(%arg10 : memref<128x16xf32, #tpu.memory_space<vmem>>) target(%dma_start3A_927 : memref<10240x16xf32, #tpu.memory_space<vmem_shared>>) offsets(%dma_start3A_924 : memref<128xi32, #tpu.memory_space<vmem>>) semaphore(%arg20 : memref<!tpu.dma_semaphore, #tpu.memory_space<semaphore_mem>>) {add = true}
    }
    %scan3A_468 = arith.constant 18 : i32
    %dma_wait3A_469 = arith.constant 2 : i32
    %dma_wait3A_470 = arith.constant 74 : i32
    %dma_wait3A_471 = arith.constant 0 : i32
    %dma_wait3A_472 = arith.constant 0 : i32
    %dma_wait3A_473 = tpu.memref_slice %arg9[%dma_wait3A_469, %dma_wait3A_471, %dma_wait3A_472] : memref<4x128x64xf32, #tpu.memory_space<vmem>> -> memref<1x128x64xf32, #tpu.memory_space<vmem>>
    %dma_wait3A_474 = tpu.memref_squeeze %dma_wait3A_473 : memref<1x128x64xf32, #tpu.memory_space<vmem>> -> memref<128x64xf32, #tpu.memory_space<vmem>>
    %dma_wait3A_475 = arith.constant 0 : i32
    %dma_wait3A_476 = tpu.memref_slice %arg8[%dma_wait3A_470, %dma_wait3A_475] : memref<80x128xi32, #tpu.memory_space<vmem>> -> memref<1x128xi32, #tpu.memory_space<vmem>>
    %dma_wait3A_477 = tpu.memref_squeeze %dma_wait3A_476 : memref<1x128xi32, #tpu.memory_space<vmem>> -> memref<128xi32, #tpu.memory_space<vmem>>
    %dma_wait3A_478 = arith.constant 0 : i32
    %dma_wait3A_479 = arith.constant 0 : i32
    %dma_wait3A_480 = tpu.memref_slice %arg21[%dma_wait3A_478, %dma_wait3A_479] : memref<10240x64xf32, #tpu.memory_space<vmem_shared>> -> memref<10240x64xf32, #tpu.memory_space<vmem_shared>>
    tpu.wait_indirect_dma semaphore(%arg18 : memref<!tpu.dma_semaphore, #tpu.memory_space<semaphore_mem>>) src(%dma_wait3A_474 : memref<128x64xf32, #tpu.memory_space<vmem>>) dst(%dma_wait3A_480 : memref<10240x64xf32, #tpu.memory_space<vmem_shared>>)
    %dma_start3A_481 = arith.constant 78 : i32
    %dma_start3A_482 = arith.constant 2 : i32
    %dma_start3A_483 = arith.constant 0 : i32
    %dma_start3A_484 = arith.constant 0 : i32
    %dma_start3A_485 = tpu.memref_slice %arg9[%dma_start3A_482, %dma_start3A_483, %dma_start3A_484] : memref<4x128x64xf32, #tpu.memory_space<vmem>> -> memref<1x128x64xf32, #tpu.memory_space<vmem>>
    %dma_start3A_486 = tpu.memref_squeeze %dma_start3A_485 : memref<1x128x64xf32, #tpu.memory_space<vmem>> -> memref<128x64xf32, #tpu.memory_space<vmem>>
    %dma_start3A_487 = arith.constant 0 : i32
    %dma_start3A_488 = tpu.memref_slice %arg7[%dma_start3A_481, %dma_start3A_487] : memref<80x128xi32, #tpu.memory_space<vmem>> -> memref<1x128xi32, #tpu.memory_space<vmem>>
    %dma_start3A_489 = tpu.memref_squeeze %dma_start3A_488 : memref<1x128xi32, #tpu.memory_space<vmem>> -> memref<128xi32, #tpu.memory_space<vmem>>
    %dma_start3A_490 = arith.constant 0 : i32
    %dma_start3A_491 = arith.constant 0 : i32
    %dma_start3A_492 = tpu.memref_slice %arg2[%dma_start3A_490, %dma_start3A_491] : memref<10240x64xf32, #tpu.memory_space<hbm>> -> memref<10240x64xf32, #tpu.memory_space<hbm>>
    tpu.enqueue_indirect_dma source(%dma_start3A_492 : memref<10240x64xf32, #tpu.memory_space<hbm>>) target(%dma_start3A_486 : memref<128x64xf32, #tpu.memory_space<vmem>>) offsets(%dma_start3A_489 : memref<128xi32, #tpu.memory_space<vmem>>) semaphore(%arg14 : memref<!tpu.dma_semaphore, #tpu.memory_space<semaphore_mem>>)
    %dma_wait3A_493 = arith.constant 76 : i32
    %dma_wait3A_494 = arith.constant 0 : i32
    %dma_wait3A_495 = arith.constant 0 : i32
    %dma_wait3A_496 = arith.constant 0 : i32
    %dma_wait3A_497 = tpu.memref_slice %arg9[%dma_wait3A_494, %dma_wait3A_495, %dma_wait3A_496] : memref<4x128x64xf32, #tpu.memory_space<vmem>> -> memref<1x128x64xf32, #tpu.memory_space<vmem>>
    %dma_wait3A_498 = tpu.memref_squeeze %dma_wait3A_497 : memref<1x128x64xf32, #tpu.memory_space<vmem>> -> memref<128x64xf32, #tpu.memory_space<vmem>>
    %dma_wait3A_499 = arith.constant 0 : i32
    %dma_wait3A_500 = tpu.memref_slice %arg7[%dma_wait3A_493, %dma_wait3A_499] : memref<80x128xi32, #tpu.memory_space<vmem>> -> memref<1x128xi32, #tpu.memory_space<vmem>>
    %dma_wait3A_501 = tpu.memref_squeeze %dma_wait3A_500 : memref<1x128xi32, #tpu.memory_space<vmem>> -> memref<128xi32, #tpu.memory_space<vmem>>
    %dma_wait3A_502 = arith.constant 0 : i32
    %dma_wait3A_503 = arith.constant 0 : i32
    %dma_wait3A_504 = tpu.memref_slice %arg2[%dma_wait3A_502, %dma_wait3A_503] : memref<10240x64xf32, #tpu.memory_space<hbm>> -> memref<10240x64xf32, #tpu.memory_space<hbm>>
    tpu.wait_indirect_dma semaphore(%arg12 : memref<!tpu.dma_semaphore, #tpu.memory_space<semaphore_mem>>) src(%dma_wait3A_504 : memref<10240x64xf32, #tpu.memory_space<hbm>>) dst(%dma_wait3A_498 : memref<128x64xf32, #tpu.memory_space<vmem>>)
    %dma_start3A_505 = arith.constant 0 : i32
    %dma_start3A_506 = arith.constant 76 : i32
    %dma_start3A_507 = arith.constant 0 : i32
    %dma_start3A_508 = arith.constant 0 : i32
    %dma_start3A_509 = tpu.memref_slice %arg9[%dma_start3A_505, %dma_start3A_507, %dma_start3A_508] : memref<4x128x64xf32, #tpu.memory_space<vmem>> -> memref<1x128x64xf32, #tpu.memory_space<vmem>>
    %dma_start3A_510 = tpu.memref_squeeze %dma_start3A_509 : memref<1x128x64xf32, #tpu.memory_space<vmem>> -> memref<128x64xf32, #tpu.memory_space<vmem>>
    %dma_start3A_511 = arith.constant 0 : i32
    %dma_start3A_512 = tpu.memref_slice %arg8[%dma_start3A_506, %dma_start3A_511] : memref<80x128xi32, #tpu.memory_space<vmem>> -> memref<1x128xi32, #tpu.memory_space<vmem>>
    %dma_start3A_513 = tpu.memref_squeeze %dma_start3A_512 : memref<1x128xi32, #tpu.memory_space<vmem>> -> memref<128xi32, #tpu.memory_space<vmem>>
    %dma_start3A_514 = arith.constant 0 : i32
    %dma_start3A_515 = arith.constant 0 : i32
    %dma_start3A_516 = tpu.memref_slice %arg21[%dma_start3A_514, %dma_start3A_515] : memref<10240x64xf32, #tpu.memory_space<vmem_shared>> -> memref<10240x64xf32, #tpu.memory_space<vmem_shared>>
    tpu.enqueue_indirect_dma source(%dma_start3A_510 : memref<128x64xf32, #tpu.memory_space<vmem>>) target(%dma_start3A_516 : memref<10240x64xf32, #tpu.memory_space<vmem_shared>>) offsets(%dma_start3A_513 : memref<128xi32, #tpu.memory_space<vmem>>) semaphore(%arg16 : memref<!tpu.dma_semaphore, #tpu.memory_space<semaphore_mem>>) {add = true}
    %dma_start3A_517 = arith.constant 76 : i32
    %dma_start3A_518 = arith.constant 0 : i32
    %dma_start3A_519 = tpu.memref_slice %arg8[%dma_start3A_517, %dma_start3A_518] : memref<80x128xi32, #tpu.memory_space<vmem>> -> memref<1x128xi32, #tpu.memory_space<vmem>>
    %dma_start3A_520 = tpu.memref_squeeze %dma_start3A_519 : memref<1x128xi32, #tpu.memory_space<vmem>> -> memref<128xi32, #tpu.memory_space<vmem>>
    %dma_start3A_521 = arith.constant 0 : i32
    %dma_start3A_522 = arith.constant 0 : i32
    %dma_start3A_523 = tpu.memref_slice %arg22[%dma_start3A_521, %dma_start3A_522] : memref<10240x16xf32, #tpu.memory_space<vmem_shared>> -> memref<10240x16xf32, #tpu.memory_space<vmem_shared>>
    tpu.enqueue_indirect_dma source(%arg10 : memref<128x16xf32, #tpu.memory_space<vmem>>) target(%dma_start3A_523 : memref<10240x16xf32, #tpu.memory_space<vmem_shared>>) offsets(%dma_start3A_520 : memref<128xi32, #tpu.memory_space<vmem>>) semaphore(%arg20 : memref<!tpu.dma_semaphore, #tpu.memory_space<semaphore_mem>>) {add = true}
    %dma_wait3A_524 = arith.constant 3 : i32
    %dma_wait3A_525 = arith.constant 75 : i32
    %dma_wait3A_526 = arith.constant 0 : i32
    %dma_wait3A_527 = arith.constant 0 : i32
    %dma_wait3A_528 = tpu.memref_slice %arg9[%dma_wait3A_524, %dma_wait3A_526, %dma_wait3A_527] : memref<4x128x64xf32, #tpu.memory_space<vmem>> -> memref<1x128x64xf32, #tpu.memory_space<vmem>>
    %dma_wait3A_529 = tpu.memref_squeeze %dma_wait3A_528 : memref<1x128x64xf32, #tpu.memory_space<vmem>> -> memref<128x64xf32, #tpu.memory_space<vmem>>
    %dma_wait3A_530 = arith.constant 0 : i32
    %dma_wait3A_531 = tpu.memref_slice %arg8[%dma_wait3A_525, %dma_wait3A_530] : memref<80x128xi32, #tpu.memory_space<vmem>> -> memref<1x128xi32, #tpu.memory_space<vmem>>
    %dma_wait3A_532 = tpu.memref_squeeze %dma_wait3A_531 : memref<1x128xi32, #tpu.memory_space<vmem>> -> memref<128xi32, #tpu.memory_space<vmem>>
    %dma_wait3A_533 = arith.constant 0 : i32
    %dma_wait3A_534 = arith.constant 0 : i32
    %dma_wait3A_535 = tpu.memref_slice %arg21[%dma_wait3A_533, %dma_wait3A_534] : memref<10240x64xf32, #tpu.memory_space<vmem_shared>> -> memref<10240x64xf32, #tpu.memory_space<vmem_shared>>
    tpu.wait_indirect_dma semaphore(%arg19 : memref<!tpu.dma_semaphore, #tpu.memory_space<semaphore_mem>>) src(%dma_wait3A_529 : memref<128x64xf32, #tpu.memory_space<vmem>>) dst(%dma_wait3A_535 : memref<10240x64xf32, #tpu.memory_space<vmem_shared>>)
    %dma_start3A_536 = arith.constant 79 : i32
    %dma_start3A_537 = arith.constant 3 : i32
    %dma_start3A_538 = arith.constant 0 : i32
    %dma_start3A_539 = arith.constant 0 : i32
    %dma_start3A_540 = tpu.memref_slice %arg9[%dma_start3A_537, %dma_start3A_538, %dma_start3A_539] : memref<4x128x64xf32, #tpu.memory_space<vmem>> -> memref<1x128x64xf32, #tpu.memory_space<vmem>>
    %dma_start3A_541 = tpu.memref_squeeze %dma_start3A_540 : memref<1x128x64xf32, #tpu.memory_space<vmem>> -> memref<128x64xf32, #tpu.memory_space<vmem>>
    %dma_start3A_542 = arith.constant 0 : i32
    %dma_start3A_543 = tpu.memref_slice %arg7[%dma_start3A_536, %dma_start3A_542] : memref<80x128xi32, #tpu.memory_space<vmem>> -> memref<1x128xi32, #tpu.memory_space<vmem>>
    %dma_start3A_544 = tpu.memref_squeeze %dma_start3A_543 : memref<1x128xi32, #tpu.memory_space<vmem>> -> memref<128xi32, #tpu.memory_space<vmem>>
    %dma_start3A_545 = arith.constant 0 : i32
    %dma_start3A_546 = arith.constant 0 : i32
    %dma_start3A_547 = tpu.memref_slice %arg2[%dma_start3A_545, %dma_start3A_546] : memref<10240x64xf32, #tpu.memory_space<hbm>> -> memref<10240x64xf32, #tpu.memory_space<hbm>>
    tpu.enqueue_indirect_dma source(%dma_start3A_547 : memref<10240x64xf32, #tpu.memory_space<hbm>>) target(%dma_start3A_541 : memref<128x64xf32, #tpu.memory_space<vmem>>) offsets(%dma_start3A_544 : memref<128xi32, #tpu.memory_space<vmem>>) semaphore(%arg15 : memref<!tpu.dma_semaphore, #tpu.memory_space<semaphore_mem>>)
    %dma_wait3A_548 = arith.constant 77 : i32
    %dma_wait3A_549 = arith.constant 1 : i32
    %dma_wait3A_550 = arith.constant 0 : i32
    %dma_wait3A_551 = arith.constant 0 : i32
    %dma_wait3A_552 = tpu.memref_slice %arg9[%dma_wait3A_549, %dma_wait3A_550, %dma_wait3A_551] : memref<4x128x64xf32, #tpu.memory_space<vmem>> -> memref<1x128x64xf32, #tpu.memory_space<vmem>>
    %dma_wait3A_553 = tpu.memref_squeeze %dma_wait3A_552 : memref<1x128x64xf32, #tpu.memory_space<vmem>> -> memref<128x64xf32, #tpu.memory_space<vmem>>
    %dma_wait3A_554 = arith.constant 0 : i32
    %dma_wait3A_555 = tpu.memref_slice %arg7[%dma_wait3A_548, %dma_wait3A_554] : memref<80x128xi32, #tpu.memory_space<vmem>> -> memref<1x128xi32, #tpu.memory_space<vmem>>
    %dma_wait3A_556 = tpu.memref_squeeze %dma_wait3A_555 : memref<1x128xi32, #tpu.memory_space<vmem>> -> memref<128xi32, #tpu.memory_space<vmem>>
    %dma_wait3A_557 = arith.constant 0 : i32
    %dma_wait3A_558 = arith.constant 0 : i32
    %dma_wait3A_559 = tpu.memref_slice %arg2[%dma_wait3A_557, %dma_wait3A_558] : memref<10240x64xf32, #tpu.memory_space<hbm>> -> memref<10240x64xf32, #tpu.memory_space<hbm>>
    tpu.wait_indirect_dma semaphore(%arg13 : memref<!tpu.dma_semaphore, #tpu.memory_space<semaphore_mem>>) src(%dma_wait3A_559 : memref<10240x64xf32, #tpu.memory_space<hbm>>) dst(%dma_wait3A_553 : memref<128x64xf32, #tpu.memory_space<vmem>>)
    %dma_start3A_560 = arith.constant 1 : i32
    %dma_start3A_561 = arith.constant 77 : i32
    %dma_start3A_562 = arith.constant 0 : i32
    %dma_start3A_563 = arith.constant 0 : i32
    %dma_start3A_564 = tpu.memref_slice %arg9[%dma_start3A_560, %dma_start3A_562, %dma_start3A_563] : memref<4x128x64xf32, #tpu.memory_space<vmem>> -> memref<1x128x64xf32, #tpu.memory_space<vmem>>
    %dma_start3A_565 = tpu.memref_squeeze %dma_start3A_564 : memref<1x128x64xf32, #tpu.memory_space<vmem>> -> memref<128x64xf32, #tpu.memory_space<vmem>>
    %dma_start3A_566 = arith.constant 0 : i32
    %dma_start3A_567 = tpu.memref_slice %arg8[%dma_start3A_561, %dma_start3A_566] : memref<80x128xi32, #tpu.memory_space<vmem>> -> memref<1x128xi32, #tpu.memory_space<vmem>>
    %dma_start3A_568 = tpu.memref_squeeze %dma_start3A_567 : memref<1x128xi32, #tpu.memory_space<vmem>> -> memref<128xi32, #tpu.memory_space<vmem>>
    %dma_start3A_569 = arith.constant 0 : i32
    %dma_start3A_570 = arith.constant 0 : i32
    %dma_start3A_571 = tpu.memref_slice %arg21[%dma_start3A_569, %dma_start3A_570] : memref<10240x64xf32, #tpu.memory_space<vmem_shared>> -> memref<10240x64xf32, #tpu.memory_space<vmem_shared>>
    tpu.enqueue_indirect_dma source(%dma_start3A_565 : memref<128x64xf32, #tpu.memory_space<vmem>>) target(%dma_start3A_571 : memref<10240x64xf32, #tpu.memory_space<vmem_shared>>) offsets(%dma_start3A_568 : memref<128xi32, #tpu.memory_space<vmem>>) semaphore(%arg17 : memref<!tpu.dma_semaphore, #tpu.memory_space<semaphore_mem>>) {add = true}
    %dma_start3A_572 = arith.constant 77 : i32
    %dma_start3A_573 = arith.constant 0 : i32
    %dma_start3A_574 = tpu.memref_slice %arg8[%dma_start3A_572, %dma_start3A_573] : memref<80x128xi32, #tpu.memory_space<vmem>> -> memref<1x128xi32, #tpu.memory_space<vmem>>
    %dma_start3A_575 = tpu.memref_squeeze %dma_start3A_574 : memref<1x128xi32, #tpu.memory_space<vmem>> -> memref<128xi32, #tpu.memory_space<vmem>>
    %dma_start3A_576 = arith.constant 0 : i32
    %dma_start3A_577 = arith.constant 0 : i32
    %dma_start3A_578 = tpu.memref_slice %arg22[%dma_start3A_576, %dma_start3A_577] : memref<10240x16xf32, #tpu.memory_space<vmem_shared>> -> memref<10240x16xf32, #tpu.memory_space<vmem_shared>>
    tpu.enqueue_indirect_dma source(%arg10 : memref<128x16xf32, #tpu.memory_space<vmem>>) target(%dma_start3A_578 : memref<10240x16xf32, #tpu.memory_space<vmem_shared>>) offsets(%dma_start3A_575 : memref<128xi32, #tpu.memory_space<vmem>>) semaphore(%arg20 : memref<!tpu.dma_semaphore, #tpu.memory_space<semaphore_mem>>) {add = true}
    %dma_wait3A_579 = arith.constant 78 : i32
    %dma_wait3A_580 = arith.constant 2 : i32
    %dma_wait3A_581 = arith.constant 0 : i32
    %dma_wait3A_582 = arith.constant 0 : i32
    %dma_wait3A_583 = tpu.memref_slice %arg9[%dma_wait3A_580, %dma_wait3A_581, %dma_wait3A_582] : memref<4x128x64xf32, #tpu.memory_space<vmem>> -> memref<1x128x64xf32, #tpu.memory_space<vmem>>
    %dma_wait3A_584 = tpu.memref_squeeze %dma_wait3A_583 : memref<1x128x64xf32, #tpu.memory_space<vmem>> -> memref<128x64xf32, #tpu.memory_space<vmem>>
    %dma_wait3A_585 = arith.constant 0 : i32
    %dma_wait3A_586 = tpu.memref_slice %arg7[%dma_wait3A_579, %dma_wait3A_585] : memref<80x128xi32, #tpu.memory_space<vmem>> -> memref<1x128xi32, #tpu.memory_space<vmem>>
    %dma_wait3A_587 = tpu.memref_squeeze %dma_wait3A_586 : memref<1x128xi32, #tpu.memory_space<vmem>> -> memref<128xi32, #tpu.memory_space<vmem>>
    %dma_wait3A_588 = arith.constant 0 : i32
    %dma_wait3A_589 = arith.constant 0 : i32
    %dma_wait3A_590 = tpu.memref_slice %arg2[%dma_wait3A_588, %dma_wait3A_589] : memref<10240x64xf32, #tpu.memory_space<hbm>> -> memref<10240x64xf32, #tpu.memory_space<hbm>>
    tpu.wait_indirect_dma semaphore(%arg14 : memref<!tpu.dma_semaphore, #tpu.memory_space<semaphore_mem>>) src(%dma_wait3A_590 : memref<10240x64xf32, #tpu.memory_space<hbm>>) dst(%dma_wait3A_584 : memref<128x64xf32, #tpu.memory_space<vmem>>)
    %dma_start3A_591 = arith.constant 2 : i32
    %dma_start3A_592 = arith.constant 78 : i32
    %dma_start3A_593 = arith.constant 0 : i32
    %dma_start3A_594 = arith.constant 0 : i32
    %dma_start3A_595 = tpu.memref_slice %arg9[%dma_start3A_591, %dma_start3A_593, %dma_start3A_594] : memref<4x128x64xf32, #tpu.memory_space<vmem>> -> memref<1x128x64xf32, #tpu.memory_space<vmem>>
    %dma_start3A_596 = tpu.memref_squeeze %dma_start3A_595 : memref<1x128x64xf32, #tpu.memory_space<vmem>> -> memref<128x64xf32, #tpu.memory_space<vmem>>
    %dma_start3A_597 = arith.constant 0 : i32
    %dma_start3A_598 = tpu.memref_slice %arg8[%dma_start3A_592, %dma_start3A_597] : memref<80x128xi32, #tpu.memory_space<vmem>> -> memref<1x128xi32, #tpu.memory_space<vmem>>
    %dma_start3A_599 = tpu.memref_squeeze %dma_start3A_598 : memref<1x128xi32, #tpu.memory_space<vmem>> -> memref<128xi32, #tpu.memory_space<vmem>>
    %dma_start3A_600 = arith.constant 0 : i32
    %dma_start3A_601 = arith.constant 0 : i32
    %dma_start3A_602 = tpu.memref_slice %arg21[%dma_start3A_600, %dma_start3A_601] : memref<10240x64xf32, #tpu.memory_space<vmem_shared>> -> memref<10240x64xf32, #tpu.memory_space<vmem_shared>>
    tpu.enqueue_indirect_dma source(%dma_start3A_596 : memref<128x64xf32, #tpu.memory_space<vmem>>) target(%dma_start3A_602 : memref<10240x64xf32, #tpu.memory_space<vmem_shared>>) offsets(%dma_start3A_599 : memref<128xi32, #tpu.memory_space<vmem>>) semaphore(%arg18 : memref<!tpu.dma_semaphore, #tpu.memory_space<semaphore_mem>>) {add = true}
    %dma_start3A_603 = arith.constant 78 : i32
    %dma_start3A_604 = arith.constant 0 : i32
    %dma_start3A_605 = tpu.memref_slice %arg8[%dma_start3A_603, %dma_start3A_604] : memref<80x128xi32, #tpu.memory_space<vmem>> -> memref<1x128xi32, #tpu.memory_space<vmem>>
    %dma_start3A_606 = tpu.memref_squeeze %dma_start3A_605 : memref<1x128xi32, #tpu.memory_space<vmem>> -> memref<128xi32, #tpu.memory_space<vmem>>
    %dma_start3A_607 = arith.constant 0 : i32
    %dma_start3A_608 = arith.constant 0 : i32
    %dma_start3A_609 = tpu.memref_slice %arg22[%dma_start3A_607, %dma_start3A_608] : memref<10240x16xf32, #tpu.memory_space<vmem_shared>> -> memref<10240x16xf32, #tpu.memory_space<vmem_shared>>
    tpu.enqueue_indirect_dma source(%arg10 : memref<128x16xf32, #tpu.memory_space<vmem>>) target(%dma_start3A_609 : memref<10240x16xf32, #tpu.memory_space<vmem_shared>>) offsets(%dma_start3A_606 : memref<128xi32, #tpu.memory_space<vmem>>) semaphore(%arg20 : memref<!tpu.dma_semaphore, #tpu.memory_space<semaphore_mem>>) {add = true}
    %dma_wait3A_610 = arith.constant 79 : i32
    %dma_wait3A_611 = arith.constant 3 : i32
    %dma_wait3A_612 = arith.constant 0 : i32
    %dma_wait3A_613 = arith.constant 0 : i32
    %dma_wait3A_614 = tpu.memref_slice %arg9[%dma_wait3A_611, %dma_wait3A_612, %dma_wait3A_613] : memref<4x128x64xf32, #tpu.memory_space<vmem>> -> memref<1x128x64xf32, #tpu.memory_space<vmem>>
    %dma_wait3A_615 = tpu.memref_squeeze %dma_wait3A_614 : memref<1x128x64xf32, #tpu.memory_space<vmem>> -> memref<128x64xf32, #tpu.memory_space<vmem>>
    %dma_wait3A_616 = arith.constant 0 : i32
    %dma_wait3A_617 = tpu.memref_slice %arg7[%dma_wait3A_610, %dma_wait3A_616] : memref<80x128xi32, #tpu.memory_space<vmem>> -> memref<1x128xi32, #tpu.memory_space<vmem>>
    %dma_wait3A_618 = tpu.memref_squeeze %dma_wait3A_617 : memref<1x128xi32, #tpu.memory_space<vmem>> -> memref<128xi32, #tpu.memory_space<vmem>>
    %dma_wait3A_619 = arith.constant 0 : i32
    %dma_wait3A_620 = arith.constant 0 : i32
    %dma_wait3A_621 = tpu.memref_slice %arg2[%dma_wait3A_619, %dma_wait3A_620] : memref<10240x64xf32, #tpu.memory_space<hbm>> -> memref<10240x64xf32, #tpu.memory_space<hbm>>
    tpu.wait_indirect_dma semaphore(%arg15 : memref<!tpu.dma_semaphore, #tpu.memory_space<semaphore_mem>>) src(%dma_wait3A_621 : memref<10240x64xf32, #tpu.memory_space<hbm>>) dst(%dma_wait3A_615 : memref<128x64xf32, #tpu.memory_space<vmem>>)
    %dma_start3A_622 = arith.constant 3 : i32
    %dma_start3A_623 = arith.constant 79 : i32
    %dma_start3A_624 = arith.constant 0 : i32
    %dma_start3A_625 = arith.constant 0 : i32
    %dma_start3A_626 = tpu.memref_slice %arg9[%dma_start3A_622, %dma_start3A_624, %dma_start3A_625] : memref<4x128x64xf32, #tpu.memory_space<vmem>> -> memref<1x128x64xf32, #tpu.memory_space<vmem>>
    %dma_start3A_627 = tpu.memref_squeeze %dma_start3A_626 : memref<1x128x64xf32, #tpu.memory_space<vmem>> -> memref<128x64xf32, #tpu.memory_space<vmem>>
    %dma_start3A_628 = arith.constant 0 : i32
    %dma_start3A_629 = tpu.memref_slice %arg8[%dma_start3A_623, %dma_start3A_628] : memref<80x128xi32, #tpu.memory_space<vmem>> -> memref<1x128xi32, #tpu.memory_space<vmem>>
    %dma_start3A_630 = tpu.memref_squeeze %dma_start3A_629 : memref<1x128xi32, #tpu.memory_space<vmem>> -> memref<128xi32, #tpu.memory_space<vmem>>
    %dma_start3A_631 = arith.constant 0 : i32
    %dma_start3A_632 = arith.constant 0 : i32
    %dma_start3A_633 = tpu.memref_slice %arg21[%dma_start3A_631, %dma_start3A_632] : memref<10240x64xf32, #tpu.memory_space<vmem_shared>> -> memref<10240x64xf32, #tpu.memory_space<vmem_shared>>
    tpu.enqueue_indirect_dma source(%dma_start3A_627 : memref<128x64xf32, #tpu.memory_space<vmem>>) target(%dma_start3A_633 : memref<10240x64xf32, #tpu.memory_space<vmem_shared>>) offsets(%dma_start3A_630 : memref<128xi32, #tpu.memory_space<vmem>>) semaphore(%arg19 : memref<!tpu.dma_semaphore, #tpu.memory_space<semaphore_mem>>) {add = true}
    %dma_start3A_634 = arith.constant 79 : i32
    %dma_start3A_635 = arith.constant 0 : i32
    %dma_start3A_636 = tpu.memref_slice %arg8[%dma_start3A_634, %dma_start3A_635] : memref<80x128xi32, #tpu.memory_space<vmem>> -> memref<1x128xi32, #tpu.memory_space<vmem>>
    %dma_start3A_637 = tpu.memref_squeeze %dma_start3A_636 : memref<1x128xi32, #tpu.memory_space<vmem>> -> memref<128xi32, #tpu.memory_space<vmem>>
    %dma_start3A_638 = arith.constant 0 : i32
    %dma_start3A_639 = arith.constant 0 : i32
    %dma_start3A_640 = tpu.memref_slice %arg22[%dma_start3A_638, %dma_start3A_639] : memref<10240x16xf32, #tpu.memory_space<vmem_shared>> -> memref<10240x16xf32, #tpu.memory_space<vmem_shared>>
    tpu.enqueue_indirect_dma source(%arg10 : memref<128x16xf32, #tpu.memory_space<vmem>>) target(%dma_start3A_640 : memref<10240x16xf32, #tpu.memory_space<vmem_shared>>) offsets(%dma_start3A_637 : memref<128xi32, #tpu.memory_space<vmem>>) semaphore(%arg20 : memref<!tpu.dma_semaphore, #tpu.memory_space<semaphore_mem>>) {add = true}
    %dma_wait3A_641 = arith.constant 0 : i32
    %dma_wait3A_642 = arith.constant 76 : i32
    %dma_wait3A_643 = arith.constant 0 : i32
    %dma_wait3A_644 = arith.constant 0 : i32
    %dma_wait3A_645 = tpu.memref_slice %arg9[%dma_wait3A_641, %dma_wait3A_643, %dma_wait3A_644] : memref<4x128x64xf32, #tpu.memory_space<vmem>> -> memref<1x128x64xf32, #tpu.memory_space<vmem>>
    %dma_wait3A_646 = tpu.memref_squeeze %dma_wait3A_645 : memref<1x128x64xf32, #tpu.memory_space<vmem>> -> memref<128x64xf32, #tpu.memory_space<vmem>>
    %dma_wait3A_647 = arith.constant 0 : i32
    %dma_wait3A_648 = tpu.memref_slice %arg8[%dma_wait3A_642, %dma_wait3A_647] : memref<80x128xi32, #tpu.memory_space<vmem>> -> memref<1x128xi32, #tpu.memory_space<vmem>>
    %dma_wait3A_649 = tpu.memref_squeeze %dma_wait3A_648 : memref<1x128xi32, #tpu.memory_space<vmem>> -> memref<128xi32, #tpu.memory_space<vmem>>
    %dma_wait3A_650 = arith.constant 0 : i32
    %dma_wait3A_651 = arith.constant 0 : i32
    %dma_wait3A_652 = tpu.memref_slice %arg21[%dma_wait3A_650, %dma_wait3A_651] : memref<10240x64xf32, #tpu.memory_space<vmem_shared>> -> memref<10240x64xf32, #tpu.memory_space<vmem_shared>>
    tpu.wait_indirect_dma semaphore(%arg16 : memref<!tpu.dma_semaphore, #tpu.memory_space<semaphore_mem>>) src(%dma_wait3A_646 : memref<128x64xf32, #tpu.memory_space<vmem>>) dst(%dma_wait3A_652 : memref<10240x64xf32, #tpu.memory_space<vmem_shared>>)
    %dma_wait3A_653 = arith.constant 1 : i32
    %dma_wait3A_654 = arith.constant 77 : i32
    %dma_wait3A_655 = arith.constant 0 : i32
    %dma_wait3A_656 = arith.constant 0 : i32
    %dma_wait3A_657 = tpu.memref_slice %arg9[%dma_wait3A_653, %dma_wait3A_655, %dma_wait3A_656] : memref<4x128x64xf32, #tpu.memory_space<vmem>> -> memref<1x128x64xf32, #tpu.memory_space<vmem>>
    %dma_wait3A_658 = tpu.memref_squeeze %dma_wait3A_657 : memref<1x128x64xf32, #tpu.memory_space<vmem>> -> memref<128x64xf32, #tpu.memory_space<vmem>>
    %dma_wait3A_659 = arith.constant 0 : i32
    %dma_wait3A_660 = tpu.memref_slice %arg8[%dma_wait3A_654, %dma_wait3A_659] : memref<80x128xi32, #tpu.memory_space<vmem>> -> memref<1x128xi32, #tpu.memory_space<vmem>>
    %dma_wait3A_661 = tpu.memref_squeeze %dma_wait3A_660 : memref<1x128xi32, #tpu.memory_space<vmem>> -> memref<128xi32, #tpu.memory_space<vmem>>
    %dma_wait3A_662 = arith.constant 0 : i32
    %dma_wait3A_663 = arith.constant 0 : i32
    %dma_wait3A_664 = tpu.memref_slice %arg21[%dma_wait3A_662, %dma_wait3A_663] : memref<10240x64xf32, #tpu.memory_space<vmem_shared>> -> memref<10240x64xf32, #tpu.memory_space<vmem_shared>>
    tpu.wait_indirect_dma semaphore(%arg17 : memref<!tpu.dma_semaphore, #tpu.memory_space<semaphore_mem>>) src(%dma_wait3A_658 : memref<128x64xf32, #tpu.memory_space<vmem>>) dst(%dma_wait3A_664 : memref<10240x64xf32, #tpu.memory_space<vmem_shared>>)
    %dma_wait3A_665 = arith.constant 2 : i32
    %dma_wait3A_666 = arith.constant 78 : i32
    %dma_wait3A_667 = arith.constant 0 : i32
    %dma_wait3A_668 = arith.constant 0 : i32
    %dma_wait3A_669 = tpu.memref_slice %arg9[%dma_wait3A_665, %dma_wait3A_667, %dma_wait3A_668] : memref<4x128x64xf32, #tpu.memory_space<vmem>> -> memref<1x128x64xf32, #tpu.memory_space<vmem>>
    %dma_wait3A_670 = tpu.memref_squeeze %dma_wait3A_669 : memref<1x128x64xf32, #tpu.memory_space<vmem>> -> memref<128x64xf32, #tpu.memory_space<vmem>>
    %dma_wait3A_671 = arith.constant 0 : i32
    %dma_wait3A_672 = tpu.memref_slice %arg8[%dma_wait3A_666, %dma_wait3A_671] : memref<80x128xi32, #tpu.memory_space<vmem>> -> memref<1x128xi32, #tpu.memory_space<vmem>>
    %dma_wait3A_673 = tpu.memref_squeeze %dma_wait3A_672 : memref<1x128xi32, #tpu.memory_space<vmem>> -> memref<128xi32, #tpu.memory_space<vmem>>
    %dma_wait3A_674 = arith.constant 0 : i32
    %dma_wait3A_675 = arith.constant 0 : i32
    %dma_wait3A_676 = tpu.memref_slice %arg21[%dma_wait3A_674, %dma_wait3A_675] : memref<10240x64xf32, #tpu.memory_space<vmem_shared>> -> memref<10240x64xf32, #tpu.memory_space<vmem_shared>>
    tpu.wait_indirect_dma semaphore(%arg18 : memref<!tpu.dma_semaphore, #tpu.memory_space<semaphore_mem>>) src(%dma_wait3A_670 : memref<128x64xf32, #tpu.memory_space<vmem>>) dst(%dma_wait3A_676 : memref<10240x64xf32, #tpu.memory_space<vmem_shared>>)
    %dma_wait3A_677 = arith.constant 3 : i32
    %dma_wait3A_678 = arith.constant 79 : i32
    %dma_wait3A_679 = arith.constant 0 : i32
    %dma_wait3A_680 = arith.constant 0 : i32
    %dma_wait3A_681 = tpu.memref_slice %arg9[%dma_wait3A_677, %dma_wait3A_679, %dma_wait3A_680] : memref<4x128x64xf32, #tpu.memory_space<vmem>> -> memref<1x128x64xf32, #tpu.memory_space<vmem>>
    %dma_wait3A_682 = tpu.memref_squeeze %dma_wait3A_681 : memref<1x128x64xf32, #tpu.memory_space<vmem>> -> memref<128x64xf32, #tpu.memory_space<vmem>>
    %dma_wait3A_683 = arith.constant 0 : i32
    %dma_wait3A_684 = tpu.memref_slice %arg8[%dma_wait3A_678, %dma_wait3A_683] : memref<80x128xi32, #tpu.memory_space<vmem>> -> memref<1x128xi32, #tpu.memory_space<vmem>>
    %dma_wait3A_685 = tpu.memref_squeeze %dma_wait3A_684 : memref<1x128xi32, #tpu.memory_space<vmem>> -> memref<128xi32, #tpu.memory_space<vmem>>
    %dma_wait3A_686 = arith.constant 0 : i32
    %dma_wait3A_687 = arith.constant 0 : i32
    %dma_wait3A_688 = tpu.memref_slice %arg21[%dma_wait3A_686, %dma_wait3A_687] : memref<10240x64xf32, #tpu.memory_space<vmem_shared>> -> memref<10240x64xf32, #tpu.memory_space<vmem_shared>>
    tpu.wait_indirect_dma semaphore(%arg19 : memref<!tpu.dma_semaphore, #tpu.memory_space<semaphore_mem>>) src(%dma_wait3A_682 : memref<128x64xf32, #tpu.memory_space<vmem>>) dst(%dma_wait3A_688 : memref<10240x64xf32, #tpu.memory_space<vmem_shared>>)
    %scan3A_689 = arith.constant 0 : i32
    %scan3A_690 = arith.constant 0 : i32
    %scan3A_691 = arith.constant 80 : i32
    %scan3A_692 = arith.addi %scan3A_690, %scan3A_691 : i32
    %scan3A_693 = arith.constant 1 : i32
    scf.for %scan3A_696 = %scan3A_690 to %scan3A_692 step %scan3A_693  : i32 {
      %dma_wait3A_697 = arith.constant 0 : i32
      %dma_wait3A_698 = arith.constant 0 : i32
      %dma_wait3A_699 = tpu.memref_slice %arg8[%dma_wait3A_697, %dma_wait3A_698] : memref<80x128xi32, #tpu.memory_space<vmem>> -> memref<1x128xi32, #tpu.memory_space<vmem>>
      %dma_wait3A_700 = tpu.memref_squeeze %dma_wait3A_699 : memref<1x128xi32, #tpu.memory_space<vmem>> -> memref<128xi32, #tpu.memory_space<vmem>>
      %dma_wait3A_701 = arith.constant 0 : i32
      %dma_wait3A_702 = arith.constant 0 : i32
      %dma_wait3A_703 = tpu.memref_slice %arg22[%dma_wait3A_701, %dma_wait3A_702] : memref<10240x16xf32, #tpu.memory_space<vmem_shared>> -> memref<10240x16xf32, #tpu.memory_space<vmem_shared>>
      tpu.wait_indirect_dma semaphore(%arg20 : memref<!tpu.dma_semaphore, #tpu.memory_space<semaphore_mem>>) src(%arg10 : memref<128x16xf32, #tpu.memory_space<vmem>>) dst(%dma_wait3A_703 : memref<10240x16xf32, #tpu.memory_space<vmem_shared>>)
    }
    %scan3A_694 = arith.constant 80 : i32
    %barrier3A_695 = arith.constant 0 : index
    tpu.barrier barrier_id(%barrier3A_695)
    "tpu.region"() ({
      %run_scoped3A = tpu.sem_alloc : memref<!tpu.dma_semaphore, #tpu.memory_space<semaphore_mem>>
      %dma_start3A_696 = arith.constant 0 : i32
      %dma_start3A_697 = tpu.memref_slice %arg5[%arg0, %mul3A_52, %dma_start3A_696] : memref<2x10240x64xf32, #tpu.memory_space<hbm>> -> memref<1x640x64xf32, #tpu.memory_space<hbm>>
      %dma_start3A_698 = tpu.memref_squeeze %dma_start3A_697 : memref<1x640x64xf32, #tpu.memory_space<hbm>> -> memref<640x64xf32, #tpu.memory_space<hbm>>
      %dma_start3A_699 = arith.constant 0 : i32
      %dma_start3A_700 = tpu.memref_slice %arg21[%mul3A_52, %dma_start3A_699] : memref<10240x64xf32, #tpu.memory_space<vmem_shared>> -> memref<640x64xf32, #tpu.memory_space<vmem_shared>>
      tpu.enqueue_dma source(%dma_start3A_700 : memref<640x64xf32, #tpu.memory_space<vmem_shared>>) target(%dma_start3A_698 : memref<640x64xf32, #tpu.memory_space<hbm>>) target_semaphore(%run_scoped3A : memref<!tpu.dma_semaphore, #tpu.memory_space<semaphore_mem>>)
      %dma_wait3A_701 = arith.constant 0 : i32
      %dma_wait3A_702 = tpu.memref_slice %arg5[%arg0, %mul3A_52, %dma_wait3A_701] : memref<2x10240x64xf32, #tpu.memory_space<hbm>> -> memref<1x640x64xf32, #tpu.memory_space<hbm>>
      %dma_wait3A_703 = tpu.memref_squeeze %dma_wait3A_702 : memref<1x640x64xf32, #tpu.memory_space<hbm>> -> memref<640x64xf32, #tpu.memory_space<hbm>>
      %dma_wait3A_704 = arith.constant 0 : i32
      %dma_wait3A_705 = tpu.memref_slice %arg21[%mul3A_52, %dma_wait3A_704] : memref<10240x64xf32, #tpu.memory_space<vmem_shared>> -> memref<640x64xf32, #tpu.memory_space<vmem_shared>>
      tpu.wait_dma2 semaphore(%run_scoped3A : memref<!tpu.dma_semaphore, #tpu.memory_space<semaphore_mem>>) src(%dma_wait3A_705 : memref<640x64xf32, #tpu.memory_space<vmem_shared>>) dst(%dma_wait3A_703 : memref<640x64xf32, #tpu.memory_space<hbm>>)
      tpu.yield
    }) : () -> ()
    "tpu.region"() ({
      %run_scoped3A = tpu.sem_alloc : memref<!tpu.dma_semaphore, #tpu.memory_space<semaphore_mem>>
      %dma_start3A_696 = arith.constant 0 : i32
      %dma_start3A_697 = tpu.memref_slice %arg6[%arg0, %mul3A_52, %dma_start3A_696] : memref<2x10240x16xf32, #tpu.memory_space<hbm>> -> memref<1x640x16xf32, #tpu.memory_space<hbm>>
      %dma_start3A_698 = tpu.memref_squeeze %dma_start3A_697 : memref<1x640x16xf32, #tpu.memory_space<hbm>> -> memref<640x16xf32, #tpu.memory_space<hbm>>
      %dma_start3A_699 = arith.constant 0 : i32
      %dma_start3A_700 = tpu.memref_slice %arg22[%mul3A_52, %dma_start3A_699] : memref<10240x16xf32, #tpu.memory_space<vmem_shared>> -> memref<640x16xf32, #tpu.memory_space<vmem_shared>>
      tpu.enqueue_dma source(%dma_start3A_700 : memref<640x16xf32, #tpu.memory_space<vmem_shared>>) target(%dma_start3A_698 : memref<640x16xf32, #tpu.memory_space<hbm>>) target_semaphore(%run_scoped3A : memref<!tpu.dma_semaphore, #tpu.memory_space<semaphore_mem>>)
      %dma_wait3A_701 = arith.constant 0 : i32
      %dma_wait3A_702 = tpu.memref_slice %arg6[%arg0, %mul3A_52, %dma_wait3A_701] : memref<2x10240x16xf32, #tpu.memory_space<hbm>> -> memref<1x640x16xf32, #tpu.memory_space<hbm>>
      %dma_wait3A_703 = tpu.memref_squeeze %dma_wait3A_702 : memref<1x640x16xf32, #tpu.memory_space<hbm>> -> memref<640x16xf32, #tpu.memory_space<hbm>>
      %dma_wait3A_704 = arith.constant 0 : i32
      %dma_wait3A_705 = tpu.memref_slice %arg22[%mul3A_52, %dma_wait3A_704] : memref<10240x16xf32, #tpu.memory_space<vmem_shared>> -> memref<640x16xf32, #tpu.memory_space<vmem_shared>>
      tpu.wait_dma2 semaphore(%run_scoped3A : memref<!tpu.dma_semaphore, #tpu.memory_space<semaphore_mem>>) src(%dma_wait3A_705 : memref<640x16xf32, #tpu.memory_space<vmem_shared>>) dst(%dma_wait3A_703 : memref<640x16xf32, #tpu.memory_space<hbm>>)
      tpu.yield
    }) : () -> ()
    return
  }
}

#map = affine_map<(d0, d1) -> (0, 0)>
#map1 = affine_map<(d0, d1) -> (0, 0, 0)>
module attributes {stable_mosaic.version = 14 : i64} {
  func.func @body(%arg0: i32, %arg1: i32, %arg2: memref<10240x64xf32, #tpu.memory_space<hbm>>, %arg3: memref<2560x128xi32, #tpu.memory_space<hbm>>, %arg4: memref<2560x128xi32, #tpu.memory_space<hbm>>, %arg5: memref<2x10240x64xf32, #tpu.memory_space<hbm>>, %arg6: memref<80x128xi32, #tpu.memory_space<vmem>>, %arg7: memref<80x128xi32, #tpu.memory_space<vmem>>, %arg8: memref<4x128x64xf32, #tpu.memory_space<vmem>>, %arg9: memref<128x16xf32, #tpu.memory_space<vmem>>, %arg10: memref<128x16xf32, #tpu.memory_space<vmem>>, %arg11: memref<!tpu.dma_semaphore, #tpu.memory_space<semaphore_mem>>, %arg12: memref<!tpu.dma_semaphore, #tpu.memory_space<semaphore_mem>>, %arg13: memref<!tpu.dma_semaphore, #tpu.memory_space<semaphore_mem>>, %arg14: memref<!tpu.dma_semaphore, #tpu.memory_space<semaphore_mem>>, %arg15: memref<!tpu.dma_semaphore, #tpu.memory_space<semaphore_mem>>, %arg16: memref<!tpu.dma_semaphore, #tpu.memory_space<semaphore_mem>>, %arg17: memref<!tpu.dma_semaphore, #tpu.memory_space<semaphore_mem>>, %arg18: memref<!tpu.dma_semaphore, #tpu.memory_space<semaphore_mem>>, %arg19: memref<!tpu.dma_semaphore, #tpu.memory_space<semaphore_mem>>, %arg20: memref<10240x64xf32, #tpu.memory_space<vmem_shared>>) attributes {dimension_semantics = [#tpu.dimension_semantics<core_parallel>, #tpu.dimension_semantics<subcore_parallel>], iteration_bounds = array<i64: 2, 16>, scalar_prefetch = 0 : i64, scratch_operands = 15 : i64, tpu.core_type = #tpu.core_type<sc_vector_subcore>, window_params = [{transform_indices = #map}, {transform_indices = #map}, {transform_indices = #map}, {transform_indices = #map1}]} {
    %mul3A = arith.constant 2 : i32
    %mul3A_0 = arith.muli %arg1, %mul3A : i32
    %add3A = arith.addi %mul3A_0, %arg0 : i32
    %mul3A_1 = arith.constant 80 : i32
    %mul3A_2 = arith.muli %add3A, %mul3A_1 : i32
    %mul3A_3 = arith.constant 80 : i32
    %mul3A_4 = arith.muli %add3A, %mul3A_3 : i32
    %mul3A_5 = arith.constant 80 : i32
    %mul3A_6 = arith.muli %add3A, %mul3A_5 : i32
    %dma_start3A = arith.constant 0 : i32
    %dma_start3A_7 = tpu.memref_slice %arg3[%mul3A_6, %dma_start3A] : memref<2560x128xi32, #tpu.memory_space<hbm>> -> memref<80x128xi32, #tpu.memory_space<hbm>>
    %dma_start3A_8 = arith.constant 0 : i32
    %dma_start3A_9 = tpu.memref_slice %arg3[%mul3A_6, %dma_start3A_8] : memref<2560x128xi32, #tpu.memory_space<hbm>> -> memref<80x128xi32, #tpu.memory_space<hbm>>
    tpu.enqueue_dma source(%dma_start3A_9 : memref<80x128xi32, #tpu.memory_space<hbm>>) target(%arg6 : memref<80x128xi32, #tpu.memory_space<vmem>>) target_semaphore(%arg13 : memref<!tpu.dma_semaphore, #tpu.memory_space<semaphore_mem>>)
    %mul3A_10 = arith.constant 80 : i32
    %mul3A_11 = arith.muli %add3A, %mul3A_10 : i32
    %dma_start3A_12 = arith.constant 0 : i32
    %dma_start3A_13 = tpu.memref_slice %arg4[%mul3A_11, %dma_start3A_12] : memref<2560x128xi32, #tpu.memory_space<hbm>> -> memref<80x128xi32, #tpu.memory_space<hbm>>
    %dma_start3A_14 = arith.constant 0 : i32
    %dma_start3A_15 = tpu.memref_slice %arg4[%mul3A_11, %dma_start3A_14] : memref<2560x128xi32, #tpu.memory_space<hbm>> -> memref<80x128xi32, #tpu.memory_space<hbm>>
    tpu.enqueue_dma source(%dma_start3A_15 : memref<80x128xi32, #tpu.memory_space<hbm>>) target(%arg7 : memref<80x128xi32, #tpu.memory_space<vmem>>) target_semaphore(%arg14 : memref<!tpu.dma_semaphore, #tpu.memory_space<semaphore_mem>>)
    %broadcast_in_dim3A = arith.constant 0.000000e+00 : f32
    %broadcast_in_dim3A_16 = vector.broadcast %broadcast_in_dim3A : f32 to vector<16xf32>
    %broadcast_in_dim3A_17 = arith.constant 1.000000e+00 : f32
    %broadcast_in_dim3A_18 = vector.broadcast %broadcast_in_dim3A_17 : f32 to vector<16xf32>
    %scan3A = arith.constant 0 : i32
    %scan3A_19 = arith.constant 0 : i32
    %scan3A_20 = arith.constant 128 : i32
    %scan3A_21 = arith.addi %scan3A_19, %scan3A_20 : i32
    %scan3A_22 = arith.constant 1 : i32
    scf.for %scan3A_574 = %scan3A_19 to %scan3A_21 step %scan3A_22  : i32 {
      %swap3A = arith.constant 3 : i32
      %swap3A_575 = arith.index_cast %swap3A : i32 to index
      %swap3A_576 = arith.index_cast %scan3A_574 : i32 to index
      %swap3A_577 = arith.constant 0 : index
      %swap3A_578 = tpu.vector_load %arg8[%swap3A_575, %swap3A_576, %swap3A_577] {strides = array<i32>} : memref<4x128x64xf32, #tpu.memory_space<vmem>>, vector<1x1x16xf32>,
      %swap3A_579 = vector.shape_cast %swap3A_578 : vector<1x1x16xf32> to vector<16xf32>
      %swap3A_580 = vector.shape_cast %broadcast_in_dim3A_16 : vector<16xf32> to vector<1x1x16xf32>
      tpu.vector_store %arg8[%swap3A_575, %swap3A_576, %swap3A_577], %swap3A_580 {strides = array<i32>} : memref<4x128x64xf32, #tpu.memory_space<vmem>>, vector<1x1x16xf32>,
      %swap3A_581 = arith.constant 3 : i32
      %swap3A_582 = arith.index_cast %swap3A_581 : i32 to index
      %swap3A_583 = arith.index_cast %scan3A_574 : i32 to index
      %swap3A_584 = arith.constant 16 : index
      %swap3A_585 = tpu.vector_load %arg8[%swap3A_582, %swap3A_583, %swap3A_584] {strides = array<i32>} : memref<4x128x64xf32, #tpu.memory_space<vmem>>, vector<1x1x16xf32>,
      %swap3A_586 = vector.shape_cast %swap3A_585 : vector<1x1x16xf32> to vector<16xf32>
      %swap3A_587 = vector.shape_cast %broadcast_in_dim3A_16 : vector<16xf32> to vector<1x1x16xf32>
      tpu.vector_store %arg8[%swap3A_582, %swap3A_583, %swap3A_584], %swap3A_587 {strides = array<i32>} : memref<4x128x64xf32, #tpu.memory_space<vmem>>, vector<1x1x16xf32>,
      %swap3A_588 = arith.constant 3 : i32
      %swap3A_589 = arith.index_cast %swap3A_588 : i32 to index
      %swap3A_590 = arith.index_cast %scan3A_574 : i32 to index
      %swap3A_591 = arith.constant 32 : index
      %swap3A_592 = tpu.vector_load %arg8[%swap3A_589, %swap3A_590, %swap3A_591] {strides = array<i32>} : memref<4x128x64xf32, #tpu.memory_space<vmem>>, vector<1x1x16xf32>,
      %swap3A_593 = vector.shape_cast %swap3A_592 : vector<1x1x16xf32> to vector<16xf32>
      %swap3A_594 = vector.shape_cast %broadcast_in_dim3A_16 : vector<16xf32> to vector<1x1x16xf32>
      tpu.vector_store %arg8[%swap3A_589, %swap3A_590, %swap3A_591], %swap3A_594 {strides = array<i32>} : memref<4x128x64xf32, #tpu.memory_space<vmem>>, vector<1x1x16xf32>,
      %swap3A_595 = arith.constant 3 : i32
      %swap3A_596 = arith.index_cast %swap3A_595 : i32 to index
      %swap3A_597 = arith.index_cast %scan3A_574 : i32 to index
      %swap3A_598 = arith.constant 48 : index
      %swap3A_599 = tpu.vector_load %arg8[%swap3A_596, %swap3A_597, %swap3A_598] {strides = array<i32>} : memref<4x128x64xf32, #tpu.memory_space<vmem>>, vector<1x1x16xf32>,
      %swap3A_600 = vector.shape_cast %swap3A_599 : vector<1x1x16xf32> to vector<16xf32>
      %swap3A_601 = vector.shape_cast %broadcast_in_dim3A_16 : vector<16xf32> to vector<1x1x16xf32>
      tpu.vector_store %arg8[%swap3A_596, %swap3A_597, %swap3A_598], %swap3A_601 {strides = array<i32>} : memref<4x128x64xf32, #tpu.memory_space<vmem>>, vector<1x1x16xf32>,
      %swap3A_602 = arith.index_cast %scan3A_574 : i32 to index
      %swap3A_603 = arith.constant 0 : index
      %swap3A_604 = tpu.vector_load %arg9[%swap3A_602, %swap3A_603] {strides = array<i32>} : memref<128x16xf32, #tpu.memory_space<vmem>>, vector<1x16xf32>,
      %swap3A_605 = vector.shape_cast %swap3A_604 : vector<1x16xf32> to vector<16xf32>
      %swap3A_606 = vector.shape_cast %broadcast_in_dim3A_18 : vector<16xf32> to vector<1x16xf32>
      tpu.vector_store %arg9[%swap3A_602, %swap3A_603], %swap3A_606 {strides = array<i32>} : memref<128x16xf32, #tpu.memory_space<vmem>>, vector<1x16xf32>,
      %swap3A_607 = arith.index_cast %scan3A_574 : i32 to index
      %swap3A_608 = arith.constant 0 : index
      %swap3A_609 = tpu.vector_load %arg10[%swap3A_607, %swap3A_608] {strides = array<i32>} : memref<128x16xf32, #tpu.memory_space<vmem>>, vector<1x16xf32>,
      %swap3A_610 = vector.shape_cast %swap3A_609 : vector<1x16xf32> to vector<16xf32>
      %swap3A_611 = vector.shape_cast %broadcast_in_dim3A_16 : vector<16xf32> to vector<1x16xf32>
      tpu.vector_store %arg10[%swap3A_607, %swap3A_608], %swap3A_611 {strides = array<i32>} : memref<128x16xf32, #tpu.memory_space<vmem>>, vector<1x16xf32>,
    }
    %scan3A_23 = arith.constant 128 : i32
    %dma_wait3A = arith.constant 0 : i32
    %dma_wait3A_24 = tpu.memref_slice %arg3[%mul3A_2, %dma_wait3A] : memref<2560x128xi32, #tpu.memory_space<hbm>> -> memref<80x128xi32, #tpu.memory_space<hbm>>
    %dma_wait3A_25 = arith.constant 0 : i32
    %dma_wait3A_26 = tpu.memref_slice %arg3[%mul3A_2, %dma_wait3A_25] : memref<2560x128xi32, #tpu.memory_space<hbm>> -> memref<80x128xi32, #tpu.memory_space<hbm>>
    tpu.wait_dma2 semaphore(%arg13 : memref<!tpu.dma_semaphore, #tpu.memory_space<semaphore_mem>>) src(%dma_wait3A_26 : memref<80x128xi32, #tpu.memory_space<hbm>>) dst(%arg6 : memref<80x128xi32, #tpu.memory_space<vmem>>)
    %dma_start3A_27 = arith.constant 0 : i32
    %dma_start3A_28 = arith.constant 0 : i32
    %dma_start3A_29 = arith.constant 0 : i32
    %dma_start3A_30 = arith.constant 0 : i32
    %dma_start3A_31 = tpu.memref_slice %arg8[%dma_start3A_28, %dma_start3A_29, %dma_start3A_30] : memref<4x128x64xf32, #tpu.memory_space<vmem>> -> memref<1x128x64xf32, #tpu.memory_space<vmem>>
    %dma_start3A_32 = tpu.memref_squeeze %dma_start3A_31 : memref<1x128x64xf32, #tpu.memory_space<vmem>> -> memref<128x64xf32, #tpu.memory_space<vmem>>
    %dma_start3A_33 = arith.constant 0 : i32
    %dma_start3A_34 = tpu.memref_slice %arg6[%dma_start3A_27, %dma_start3A_33] : memref<80x128xi32, #tpu.memory_space<vmem>> -> memref<1x128xi32, #tpu.memory_space<vmem>>
    %dma_start3A_35 = tpu.memref_squeeze %dma_start3A_34 : memref<1x128xi32, #tpu.memory_space<vmem>> -> memref<128xi32, #tpu.memory_space<vmem>>
    %dma_start3A_36 = arith.constant 0 : i32
    %dma_start3A_37 = arith.constant 0 : i32
    %dma_start3A_38 = tpu.memref_slice %arg2[%dma_start3A_36, %dma_start3A_37] : memref<10240x64xf32, #tpu.memory_space<hbm>> -> memref<10240x64xf32, #tpu.memory_space<hbm>>
    tpu.enqueue_indirect_dma source(%dma_start3A_38 : memref<10240x64xf32, #tpu.memory_space<hbm>>) target(%dma_start3A_32 : memref<128x64xf32, #tpu.memory_space<vmem>>) offsets(%dma_start3A_35 : memref<128xi32, #tpu.memory_space<vmem>>) semaphore(%arg11 : memref<!tpu.dma_semaphore, #tpu.memory_space<semaphore_mem>>)
    %dma_start3A_39 = arith.constant 1 : i32
    %dma_start3A_40 = arith.constant 1 : i32
    %dma_start3A_41 = arith.constant 0 : i32
    %dma_start3A_42 = arith.constant 0 : i32
    %dma_start3A_43 = tpu.memref_slice %arg8[%dma_start3A_40, %dma_start3A_41, %dma_start3A_42] : memref<4x128x64xf32, #tpu.memory_space<vmem>> -> memref<1x128x64xf32, #tpu.memory_space<vmem>>
    %dma_start3A_44 = tpu.memref_squeeze %dma_start3A_43 : memref<1x128x64xf32, #tpu.memory_space<vmem>> -> memref<128x64xf32, #tpu.memory_space<vmem>>
    %dma_start3A_45 = arith.constant 0 : i32
    %dma_start3A_46 = tpu.memref_slice %arg6[%dma_start3A_39, %dma_start3A_45] : memref<80x128xi32, #tpu.memory_space<vmem>> -> memref<1x128xi32, #tpu.memory_space<vmem>>
    %dma_start3A_47 = tpu.memref_squeeze %dma_start3A_46 : memref<1x128xi32, #tpu.memory_space<vmem>> -> memref<128xi32, #tpu.memory_space<vmem>>
    %dma_start3A_48 = arith.constant 0 : i32
    %dma_start3A_49 = arith.constant 0 : i32
    %dma_start3A_50 = tpu.memref_slice %arg2[%dma_start3A_48, %dma_start3A_49] : memref<10240x64xf32, #tpu.memory_space<hbm>> -> memref<10240x64xf32, #tpu.memory_space<hbm>>
    tpu.enqueue_indirect_dma source(%dma_start3A_50 : memref<10240x64xf32, #tpu.memory_space<hbm>>) target(%dma_start3A_44 : memref<128x64xf32, #tpu.memory_space<vmem>>) offsets(%dma_start3A_47 : memref<128xi32, #tpu.memory_space<vmem>>) semaphore(%arg12 : memref<!tpu.dma_semaphore, #tpu.memory_space<semaphore_mem>>)
    %mul3A_51 = arith.constant 640 : i32
    %mul3A_52 = arith.muli %arg1, %mul3A_51 : i32
    %add3A_53 = arith.constant 0 : i32
    %add3A_54 = arith.addi %mul3A_52, %add3A_53 : i32
    %dma_start3A_55 = arith.constant 3 : i32
    %dma_start3A_56 = arith.constant 0 : i32
    %dma_start3A_57 = arith.constant 0 : i32
    %dma_start3A_58 = tpu.memref_slice %arg8[%dma_start3A_55, %dma_start3A_56, %dma_start3A_57] : memref<4x128x64xf32, #tpu.memory_space<vmem>> -> memref<1x128x64xf32, #tpu.memory_space<vmem>>
    %dma_start3A_59 = tpu.memref_squeeze %dma_start3A_58 : memref<1x128x64xf32, #tpu.memory_space<vmem>> -> memref<128x64xf32, #tpu.memory_space<vmem>>
    %dma_start3A_60 = arith.constant 0 : i32
    %dma_start3A_61 = tpu.memref_slice %arg20[%add3A_54, %dma_start3A_60] : memref<10240x64xf32, #tpu.memory_space<vmem_shared>> -> memref<128x64xf32, #tpu.memory_space<vmem_shared>>
    %dma_start3A_62 = arith.constant 0 : i32
    %dma_start3A_63 = tpu.memref_slice %arg20[%add3A_54, %dma_start3A_62] : memref<10240x64xf32, #tpu.memory_space<vmem_shared>> -> memref<128x64xf32, #tpu.memory_space<vmem_shared>>
    %dma_start3A_64 = arith.constant 0 : i32
    %dma_start3A_65 = arith.constant 0 : i32
    %dma_start3A_66 = tpu.memref_slice %arg8[%dma_start3A_55, %dma_start3A_64, %dma_start3A_65] : memref<4x128x64xf32, #tpu.memory_space<vmem>> -> memref<1x128x64xf32, #tpu.memory_space<vmem>>
    %dma_start3A_67 = tpu.memref_squeeze %dma_start3A_66 : memref<1x128x64xf32, #tpu.memory_space<vmem>> -> memref<128x64xf32, #tpu.memory_space<vmem>>
    tpu.enqueue_dma source(%dma_start3A_67 : memref<128x64xf32, #tpu.memory_space<vmem>>) target(%dma_start3A_63 : memref<128x64xf32, #tpu.memory_space<vmem_shared>>) target_semaphore(%arg15 : memref<!tpu.dma_semaphore, #tpu.memory_space<semaphore_mem>>)
    %add3A_68 = arith.constant 128 : i32
    %add3A_69 = arith.addi %mul3A_52, %add3A_68 : i32
    %dma_start3A_70 = arith.constant 3 : i32
    %dma_start3A_71 = arith.constant 0 : i32
    %dma_start3A_72 = arith.constant 0 : i32
    %dma_start3A_73 = tpu.memref_slice %arg8[%dma_start3A_70, %dma_start3A_71, %dma_start3A_72] : memref<4x128x64xf32, #tpu.memory_space<vmem>> -> memref<1x128x64xf32, #tpu.memory_space<vmem>>
    %dma_start3A_74 = tpu.memref_squeeze %dma_start3A_73 : memref<1x128x64xf32, #tpu.memory_space<vmem>> -> memref<128x64xf32, #tpu.memory_space<vmem>>
    %dma_start3A_75 = arith.constant 0 : i32
    %dma_start3A_76 = tpu.memref_slice %arg20[%add3A_69, %dma_start3A_75] : memref<10240x64xf32, #tpu.memory_space<vmem_shared>> -> memref<128x64xf32, #tpu.memory_space<vmem_shared>>
    %dma_start3A_77 = arith.constant 0 : i32
    %dma_start3A_78 = tpu.memref_slice %arg20[%add3A_69, %dma_start3A_77] : memref<10240x64xf32, #tpu.memory_space<vmem_shared>> -> memref<128x64xf32, #tpu.memory_space<vmem_shared>>
    %dma_start3A_79 = arith.constant 0 : i32
    %dma_start3A_80 = arith.constant 0 : i32
    %dma_start3A_81 = tpu.memref_slice %arg8[%dma_start3A_70, %dma_start3A_79, %dma_start3A_80] : memref<4x128x64xf32, #tpu.memory_space<vmem>> -> memref<1x128x64xf32, #tpu.memory_space<vmem>>
    %dma_start3A_82 = tpu.memref_squeeze %dma_start3A_81 : memref<1x128x64xf32, #tpu.memory_space<vmem>> -> memref<128x64xf32, #tpu.memory_space<vmem>>
    tpu.enqueue_dma source(%dma_start3A_82 : memref<128x64xf32, #tpu.memory_space<vmem>>) target(%dma_start3A_78 : memref<128x64xf32, #tpu.memory_space<vmem_shared>>) target_semaphore(%arg15 : memref<!tpu.dma_semaphore, #tpu.memory_space<semaphore_mem>>)
    %add3A_83 = arith.constant 256 : i32
    %add3A_84 = arith.addi %mul3A_52, %add3A_83 : i32
    %dma_start3A_85 = arith.constant 3 : i32
    %dma_start3A_86 = arith.constant 0 : i32
    %dma_start3A_87 = arith.constant 0 : i32
    %dma_start3A_88 = tpu.memref_slice %arg8[%dma_start3A_85, %dma_start3A_86, %dma_start3A_87] : memref<4x128x64xf32, #tpu.memory_space<vmem>> -> memref<1x128x64xf32, #tpu.memory_space<vmem>>
    %dma_start3A_89 = tpu.memref_squeeze %dma_start3A_88 : memref<1x128x64xf32, #tpu.memory_space<vmem>> -> memref<128x64xf32, #tpu.memory_space<vmem>>
    %dma_start3A_90 = arith.constant 0 : i32
    %dma_start3A_91 = tpu.memref_slice %arg20[%add3A_84, %dma_start3A_90] : memref<10240x64xf32, #tpu.memory_space<vmem_shared>> -> memref<128x64xf32, #tpu.memory_space<vmem_shared>>
    %dma_start3A_92 = arith.constant 0 : i32
    %dma_start3A_93 = tpu.memref_slice %arg20[%add3A_84, %dma_start3A_92] : memref<10240x64xf32, #tpu.memory_space<vmem_shared>> -> memref<128x64xf32, #tpu.memory_space<vmem_shared>>
    %dma_start3A_94 = arith.constant 0 : i32
    %dma_start3A_95 = arith.constant 0 : i32
    %dma_start3A_96 = tpu.memref_slice %arg8[%dma_start3A_85, %dma_start3A_94, %dma_start3A_95] : memref<4x128x64xf32, #tpu.memory_space<vmem>> -> memref<1x128x64xf32, #tpu.memory_space<vmem>>
    %dma_start3A_97 = tpu.memref_squeeze %dma_start3A_96 : memref<1x128x64xf32, #tpu.memory_space<vmem>> -> memref<128x64xf32, #tpu.memory_space<vmem>>
    tpu.enqueue_dma source(%dma_start3A_97 : memref<128x64xf32, #tpu.memory_space<vmem>>) target(%dma_start3A_93 : memref<128x64xf32, #tpu.memory_space<vmem_shared>>) target_semaphore(%arg15 : memref<!tpu.dma_semaphore, #tpu.memory_space<semaphore_mem>>)
    %add3A_98 = arith.constant 384 : i32
    %add3A_99 = arith.addi %mul3A_52, %add3A_98 : i32
    %dma_start3A_100 = arith.constant 3 : i32
    %dma_start3A_101 = arith.constant 0 : i32
    %dma_start3A_102 = arith.constant 0 : i32
    %dma_start3A_103 = tpu.memref_slice %arg8[%dma_start3A_100, %dma_start3A_101, %dma_start3A_102] : memref<4x128x64xf32, #tpu.memory_space<vmem>> -> memref<1x128x64xf32, #tpu.memory_space<vmem>>
    %dma_start3A_104 = tpu.memref_squeeze %dma_start3A_103 : memref<1x128x64xf32, #tpu.memory_space<vmem>> -> memref<128x64xf32, #tpu.memory_space<vmem>>
    %dma_start3A_105 = arith.constant 0 : i32
    %dma_start3A_106 = tpu.memref_slice %arg20[%add3A_99, %dma_start3A_105] : memref<10240x64xf32, #tpu.memory_space<vmem_shared>> -> memref<128x64xf32, #tpu.memory_space<vmem_shared>>
    %dma_start3A_107 = arith.constant 0 : i32
    %dma_start3A_108 = tpu.memref_slice %arg20[%add3A_99, %dma_start3A_107] : memref<10240x64xf32, #tpu.memory_space<vmem_shared>> -> memref<128x64xf32, #tpu.memory_space<vmem_shared>>
    %dma_start3A_109 = arith.constant 0 : i32
    %dma_start3A_110 = arith.constant 0 : i32
    %dma_start3A_111 = tpu.memref_slice %arg8[%dma_start3A_100, %dma_start3A_109, %dma_start3A_110] : memref<4x128x64xf32, #tpu.memory_space<vmem>> -> memref<1x128x64xf32, #tpu.memory_space<vmem>>
    %dma_start3A_112 = tpu.memref_squeeze %dma_start3A_111 : memref<1x128x64xf32, #tpu.memory_space<vmem>> -> memref<128x64xf32, #tpu.memory_space<vmem>>
    tpu.enqueue_dma source(%dma_start3A_112 : memref<128x64xf32, #tpu.memory_space<vmem>>) target(%dma_start3A_108 : memref<128x64xf32, #tpu.memory_space<vmem_shared>>) target_semaphore(%arg15 : memref<!tpu.dma_semaphore, #tpu.memory_space<semaphore_mem>>)
    %add3A_113 = arith.constant 512 : i32
    %add3A_114 = arith.addi %mul3A_52, %add3A_113 : i32
    %dma_start3A_115 = arith.constant 3 : i32
    %dma_start3A_116 = arith.constant 0 : i32
    %dma_start3A_117 = arith.constant 0 : i32
    %dma_start3A_118 = tpu.memref_slice %arg8[%dma_start3A_115, %dma_start3A_116, %dma_start3A_117] : memref<4x128x64xf32, #tpu.memory_space<vmem>> -> memref<1x128x64xf32, #tpu.memory_space<vmem>>
    %dma_start3A_119 = tpu.memref_squeeze %dma_start3A_118 : memref<1x128x64xf32, #tpu.memory_space<vmem>> -> memref<128x64xf32, #tpu.memory_space<vmem>>
    %dma_start3A_120 = arith.constant 0 : i32
    %dma_start3A_121 = tpu.memref_slice %arg20[%add3A_114, %dma_start3A_120] : memref<10240x64xf32, #tpu.memory_space<vmem_shared>> -> memref<128x64xf32, #tpu.memory_space<vmem_shared>>
    %dma_start3A_122 = arith.constant 0 : i32
    %dma_start3A_123 = tpu.memref_slice %arg20[%add3A_114, %dma_start3A_122] : memref<10240x64xf32, #tpu.memory_space<vmem_shared>> -> memref<128x64xf32, #tpu.memory_space<vmem_shared>>
    %dma_start3A_124 = arith.constant 0 : i32
    %dma_start3A_125 = arith.constant 0 : i32
    %dma_start3A_126 = tpu.memref_slice %arg8[%dma_start3A_115, %dma_start3A_124, %dma_start3A_125] : memref<4x128x64xf32, #tpu.memory_space<vmem>> -> memref<1x128x64xf32, #tpu.memory_space<vmem>>
    %dma_start3A_127 = tpu.memref_squeeze %dma_start3A_126 : memref<1x128x64xf32, #tpu.memory_space<vmem>> -> memref<128x64xf32, #tpu.memory_space<vmem>>
    tpu.enqueue_dma source(%dma_start3A_127 : memref<128x64xf32, #tpu.memory_space<vmem>>) target(%dma_start3A_123 : memref<128x64xf32, #tpu.memory_space<vmem_shared>>) target_semaphore(%arg15 : memref<!tpu.dma_semaphore, #tpu.memory_space<semaphore_mem>>)
    %dma_wait3A_128 = arith.constant 0 : i32
    %dma_wait3A_129 = tpu.memref_slice %arg4[%mul3A_4, %dma_wait3A_128] : memref<2560x128xi32, #tpu.memory_space<hbm>> -> memref<80x128xi32, #tpu.memory_space<hbm>>
    %dma_wait3A_130 = arith.constant 0 : i32
    %dma_wait3A_131 = tpu.memref_slice %arg4[%mul3A_4, %dma_wait3A_130] : memref<2560x128xi32, #tpu.memory_space<hbm>> -> memref<80x128xi32, #tpu.memory_space<hbm>>
    tpu.wait_dma2 semaphore(%arg14 : memref<!tpu.dma_semaphore, #tpu.memory_space<semaphore_mem>>) src(%dma_wait3A_131 : memref<80x128xi32, #tpu.memory_space<hbm>>) dst(%arg7 : memref<80x128xi32, #tpu.memory_space<vmem>>)
    %add3A_132 = arith.constant 0 : i32
    %add3A_133 = arith.addi %mul3A_52, %add3A_132 : i32
    %dma_wait3A_134 = arith.constant 3 : i32
    %dma_wait3A_135 = arith.constant 0 : i32
    %dma_wait3A_136 = arith.constant 0 : i32
    %dma_wait3A_137 = tpu.memref_slice %arg8[%dma_wait3A_134, %dma_wait3A_135, %dma_wait3A_136] : memref<4x128x64xf32, #tpu.memory_space<vmem>> -> memref<1x128x64xf32, #tpu.memory_space<vmem>>
    %dma_wait3A_138 = tpu.memref_squeeze %dma_wait3A_137 : memref<1x128x64xf32, #tpu.memory_space<vmem>> -> memref<128x64xf32, #tpu.memory_space<vmem>>
    %dma_wait3A_139 = arith.constant 0 : i32
    %dma_wait3A_140 = tpu.memref_slice %arg20[%add3A_133, %dma_wait3A_139] : memref<10240x64xf32, #tpu.memory_space<vmem_shared>> -> memref<128x64xf32, #tpu.memory_space<vmem_shared>>
    %dma_wait3A_141 = arith.constant 0 : i32
    %dma_wait3A_142 = tpu.memref_slice %arg20[%add3A_133, %dma_wait3A_141] : memref<10240x64xf32, #tpu.memory_space<vmem_shared>> -> memref<128x64xf32, #tpu.memory_space<vmem_shared>>
    %dma_wait3A_143 = arith.constant 0 : i32
    %dma_wait3A_144 = arith.constant 0 : i32
    %dma_wait3A_145 = tpu.memref_slice %arg8[%dma_wait3A_134, %dma_wait3A_143, %dma_wait3A_144] : memref<4x128x64xf32, #tpu.memory_space<vmem>> -> memref<1x128x64xf32, #tpu.memory_space<vmem>>
    %dma_wait3A_146 = tpu.memref_squeeze %dma_wait3A_145 : memref<1x128x64xf32, #tpu.memory_space<vmem>> -> memref<128x64xf32, #tpu.memory_space<vmem>>
    tpu.wait_dma2 semaphore(%arg15 : memref<!tpu.dma_semaphore, #tpu.memory_space<semaphore_mem>>) src(%dma_wait3A_146 : memref<128x64xf32, #tpu.memory_space<vmem>>) dst(%dma_wait3A_142 : memref<128x64xf32, #tpu.memory_space<vmem_shared>>)
    %add3A_147 = arith.constant 128 : i32
    %add3A_148 = arith.addi %mul3A_52, %add3A_147 : i32
    %dma_wait3A_149 = arith.constant 3 : i32
    %dma_wait3A_150 = arith.constant 0 : i32
    %dma_wait3A_151 = arith.constant 0 : i32
    %dma_wait3A_152 = tpu.memref_slice %arg8[%dma_wait3A_149, %dma_wait3A_150, %dma_wait3A_151] : memref<4x128x64xf32, #tpu.memory_space<vmem>> -> memref<1x128x64xf32, #tpu.memory_space<vmem>>
    %dma_wait3A_153 = tpu.memref_squeeze %dma_wait3A_152 : memref<1x128x64xf32, #tpu.memory_space<vmem>> -> memref<128x64xf32, #tpu.memory_space<vmem>>
    %dma_wait3A_154 = arith.constant 0 : i32
    %dma_wait3A_155 = tpu.memref_slice %arg20[%add3A_148, %dma_wait3A_154] : memref<10240x64xf32, #tpu.memory_space<vmem_shared>> -> memref<128x64xf32, #tpu.memory_space<vmem_shared>>
    %dma_wait3A_156 = arith.constant 0 : i32
    %dma_wait3A_157 = tpu.memref_slice %arg20[%add3A_148, %dma_wait3A_156] : memref<10240x64xf32, #tpu.memory_space<vmem_shared>> -> memref<128x64xf32, #tpu.memory_space<vmem_shared>>
    %dma_wait3A_158 = arith.constant 0 : i32
    %dma_wait3A_159 = arith.constant 0 : i32
    %dma_wait3A_160 = tpu.memref_slice %arg8[%dma_wait3A_149, %dma_wait3A_158, %dma_wait3A_159] : memref<4x128x64xf32, #tpu.memory_space<vmem>> -> memref<1x128x64xf32, #tpu.memory_space<vmem>>
    %dma_wait3A_161 = tpu.memref_squeeze %dma_wait3A_160 : memref<1x128x64xf32, #tpu.memory_space<vmem>> -> memref<128x64xf32, #tpu.memory_space<vmem>>
    tpu.wait_dma2 semaphore(%arg15 : memref<!tpu.dma_semaphore, #tpu.memory_space<semaphore_mem>>) src(%dma_wait3A_161 : memref<128x64xf32, #tpu.memory_space<vmem>>) dst(%dma_wait3A_157 : memref<128x64xf32, #tpu.memory_space<vmem_shared>>)
    %add3A_162 = arith.constant 256 : i32
    %add3A_163 = arith.addi %mul3A_52, %add3A_162 : i32
    %dma_wait3A_164 = arith.constant 3 : i32
    %dma_wait3A_165 = arith.constant 0 : i32
    %dma_wait3A_166 = arith.constant 0 : i32
    %dma_wait3A_167 = tpu.memref_slice %arg8[%dma_wait3A_164, %dma_wait3A_165, %dma_wait3A_166] : memref<4x128x64xf32, #tpu.memory_space<vmem>> -> memref<1x128x64xf32, #tpu.memory_space<vmem>>
    %dma_wait3A_168 = tpu.memref_squeeze %dma_wait3A_167 : memref<1x128x64xf32, #tpu.memory_space<vmem>> -> memref<128x64xf32, #tpu.memory_space<vmem>>
    %dma_wait3A_169 = arith.constant 0 : i32
    %dma_wait3A_170 = tpu.memref_slice %arg20[%add3A_163, %dma_wait3A_169] : memref<10240x64xf32, #tpu.memory_space<vmem_shared>> -> memref<128x64xf32, #tpu.memory_space<vmem_shared>>
    %dma_wait3A_171 = arith.constant 0 : i32
    %dma_wait3A_172 = tpu.memref_slice %arg20[%add3A_163, %dma_wait3A_171] : memref<10240x64xf32, #tpu.memory_space<vmem_shared>> -> memref<128x64xf32, #tpu.memory_space<vmem_shared>>
    %dma_wait3A_173 = arith.constant 0 : i32
    %dma_wait3A_174 = arith.constant 0 : i32
    %dma_wait3A_175 = tpu.memref_slice %arg8[%dma_wait3A_164, %dma_wait3A_173, %dma_wait3A_174] : memref<4x128x64xf32, #tpu.memory_space<vmem>> -> memref<1x128x64xf32, #tpu.memory_space<vmem>>
    %dma_wait3A_176 = tpu.memref_squeeze %dma_wait3A_175 : memref<1x128x64xf32, #tpu.memory_space<vmem>> -> memref<128x64xf32, #tpu.memory_space<vmem>>
    tpu.wait_dma2 semaphore(%arg15 : memref<!tpu.dma_semaphore, #tpu.memory_space<semaphore_mem>>) src(%dma_wait3A_176 : memref<128x64xf32, #tpu.memory_space<vmem>>) dst(%dma_wait3A_172 : memref<128x64xf32, #tpu.memory_space<vmem_shared>>)
    %add3A_177 = arith.constant 384 : i32
    %add3A_178 = arith.addi %mul3A_52, %add3A_177 : i32
    %dma_wait3A_179 = arith.constant 3 : i32
    %dma_wait3A_180 = arith.constant 0 : i32
    %dma_wait3A_181 = arith.constant 0 : i32
    %dma_wait3A_182 = tpu.memref_slice %arg8[%dma_wait3A_179, %dma_wait3A_180, %dma_wait3A_181] : memref<4x128x64xf32, #tpu.memory_space<vmem>> -> memref<1x128x64xf32, #tpu.memory_space<vmem>>
    %dma_wait3A_183 = tpu.memref_squeeze %dma_wait3A_182 : memref<1x128x64xf32, #tpu.memory_space<vmem>> -> memref<128x64xf32, #tpu.memory_space<vmem>>
    %dma_wait3A_184 = arith.constant 0 : i32
    %dma_wait3A_185 = tpu.memref_slice %arg20[%add3A_178, %dma_wait3A_184] : memref<10240x64xf32, #tpu.memory_space<vmem_shared>> -> memref<128x64xf32, #tpu.memory_space<vmem_shared>>
    %dma_wait3A_186 = arith.constant 0 : i32
    %dma_wait3A_187 = tpu.memref_slice %arg20[%add3A_178, %dma_wait3A_186] : memref<10240x64xf32, #tpu.memory_space<vmem_shared>> -> memref<128x64xf32, #tpu.memory_space<vmem_shared>>
    %dma_wait3A_188 = arith.constant 0 : i32
    %dma_wait3A_189 = arith.constant 0 : i32
    %dma_wait3A_190 = tpu.memref_slice %arg8[%dma_wait3A_179, %dma_wait3A_188, %dma_wait3A_189] : memref<4x128x64xf32, #tpu.memory_space<vmem>> -> memref<1x128x64xf32, #tpu.memory_space<vmem>>
    %dma_wait3A_191 = tpu.memref_squeeze %dma_wait3A_190 : memref<1x128x64xf32, #tpu.memory_space<vmem>> -> memref<128x64xf32, #tpu.memory_space<vmem>>
    tpu.wait_dma2 semaphore(%arg15 : memref<!tpu.dma_semaphore, #tpu.memory_space<semaphore_mem>>) src(%dma_wait3A_191 : memref<128x64xf32, #tpu.memory_space<vmem>>) dst(%dma_wait3A_187 : memref<128x64xf32, #tpu.memory_space<vmem_shared>>)
    %add3A_192 = arith.constant 512 : i32
    %add3A_193 = arith.addi %mul3A_52, %add3A_192 : i32
    %dma_wait3A_194 = arith.constant 3 : i32
    %dma_wait3A_195 = arith.constant 0 : i32
    %dma_wait3A_196 = arith.constant 0 : i32
    %dma_wait3A_197 = tpu.memref_slice %arg8[%dma_wait3A_194, %dma_wait3A_195, %dma_wait3A_196] : memref<4x128x64xf32, #tpu.memory_space<vmem>> -> memref<1x128x64xf32, #tpu.memory_space<vmem>>
    %dma_wait3A_198 = tpu.memref_squeeze %dma_wait3A_197 : memref<1x128x64xf32, #tpu.memory_space<vmem>> -> memref<128x64xf32, #tpu.memory_space<vmem>>
    %dma_wait3A_199 = arith.constant 0 : i32
    %dma_wait3A_200 = tpu.memref_slice %arg20[%add3A_193, %dma_wait3A_199] : memref<10240x64xf32, #tpu.memory_space<vmem_shared>> -> memref<128x64xf32, #tpu.memory_space<vmem_shared>>
    %dma_wait3A_201 = arith.constant 0 : i32
    %dma_wait3A_202 = tpu.memref_slice %arg20[%add3A_193, %dma_wait3A_201] : memref<10240x64xf32, #tpu.memory_space<vmem_shared>> -> memref<128x64xf32, #tpu.memory_space<vmem_shared>>
    %dma_wait3A_203 = arith.constant 0 : i32
    %dma_wait3A_204 = arith.constant 0 : i32
    %dma_wait3A_205 = tpu.memref_slice %arg8[%dma_wait3A_194, %dma_wait3A_203, %dma_wait3A_204] : memref<4x128x64xf32, #tpu.memory_space<vmem>> -> memref<1x128x64xf32, #tpu.memory_space<vmem>>
    %dma_wait3A_206 = tpu.memref_squeeze %dma_wait3A_205 : memref<1x128x64xf32, #tpu.memory_space<vmem>> -> memref<128x64xf32, #tpu.memory_space<vmem>>
    tpu.wait_dma2 semaphore(%arg15 : memref<!tpu.dma_semaphore, #tpu.memory_space<semaphore_mem>>) src(%dma_wait3A_206 : memref<128x64xf32, #tpu.memory_space<vmem>>) dst(%dma_wait3A_202 : memref<128x64xf32, #tpu.memory_space<vmem_shared>>)
    %barrier3A = arith.constant 0 : index
    tpu.barrier barrier_id(%barrier3A)
    %dma_start3A_207 = arith.constant 2 : i32
    %dma_start3A_208 = arith.constant 2 : i32
    %dma_start3A_209 = arith.constant 0 : i32
    %dma_start3A_210 = arith.constant 0 : i32
    %dma_start3A_211 = tpu.memref_slice %arg8[%dma_start3A_208, %dma_start3A_209, %dma_start3A_210] : memref<4x128x64xf32, #tpu.memory_space<vmem>> -> memref<1x128x64xf32, #tpu.memory_space<vmem>>
    %dma_start3A_212 = tpu.memref_squeeze %dma_start3A_211 : memref<1x128x64xf32, #tpu.memory_space<vmem>> -> memref<128x64xf32, #tpu.memory_space<vmem>>
    %dma_start3A_213 = arith.constant 0 : i32
    %dma_start3A_214 = tpu.memref_slice %arg6[%dma_start3A_207, %dma_start3A_213] : memref<80x128xi32, #tpu.memory_space<vmem>> -> memref<1x128xi32, #tpu.memory_space<vmem>>
    %dma_start3A_215 = tpu.memref_squeeze %dma_start3A_214 : memref<1x128xi32, #tpu.memory_space<vmem>> -> memref<128xi32, #tpu.memory_space<vmem>>
    %dma_start3A_216 = arith.constant 0 : i32
    %dma_start3A_217 = arith.constant 0 : i32
    %dma_start3A_218 = tpu.memref_slice %arg2[%dma_start3A_216, %dma_start3A_217] : memref<10240x64xf32, #tpu.memory_space<hbm>> -> memref<10240x64xf32, #tpu.memory_space<hbm>>
    tpu.enqueue_indirect_dma source(%dma_start3A_218 : memref<10240x64xf32, #tpu.memory_space<hbm>>) target(%dma_start3A_212 : memref<128x64xf32, #tpu.memory_space<vmem>>) offsets(%dma_start3A_215 : memref<128xi32, #tpu.memory_space<vmem>>) semaphore(%arg13 : memref<!tpu.dma_semaphore, #tpu.memory_space<semaphore_mem>>)
    %dma_wait3A_219 = arith.constant 0 : i32
    %dma_wait3A_220 = arith.constant 0 : i32
    %dma_wait3A_221 = arith.constant 0 : i32
    %dma_wait3A_222 = arith.constant 0 : i32
    %dma_wait3A_223 = tpu.memref_slice %arg8[%dma_wait3A_220, %dma_wait3A_221, %dma_wait3A_222] : memref<4x128x64xf32, #tpu.memory_space<vmem>> -> memref<1x128x64xf32, #tpu.memory_space<vmem>>
    %dma_wait3A_224 = tpu.memref_squeeze %dma_wait3A_223 : memref<1x128x64xf32, #tpu.memory_space<vmem>> -> memref<128x64xf32, #tpu.memory_space<vmem>>
    %dma_wait3A_225 = arith.constant 0 : i32
    %dma_wait3A_226 = tpu.memref_slice %arg6[%dma_wait3A_219, %dma_wait3A_225] : memref<80x128xi32, #tpu.memory_space<vmem>> -> memref<1x128xi32, #tpu.memory_space<vmem>>
    %dma_wait3A_227 = tpu.memref_squeeze %dma_wait3A_226 : memref<1x128xi32, #tpu.memory_space<vmem>> -> memref<128xi32, #tpu.memory_space<vmem>>
    %dma_wait3A_228 = arith.constant 0 : i32
    %dma_wait3A_229 = arith.constant 0 : i32
    %dma_wait3A_230 = tpu.memref_slice %arg2[%dma_wait3A_228, %dma_wait3A_229] : memref<10240x64xf32, #tpu.memory_space<hbm>> -> memref<10240x64xf32, #tpu.memory_space<hbm>>
    tpu.wait_indirect_dma semaphore(%arg11 : memref<!tpu.dma_semaphore, #tpu.memory_space<semaphore_mem>>) src(%dma_wait3A_230 : memref<10240x64xf32, #tpu.memory_space<hbm>>) dst(%dma_wait3A_224 : memref<128x64xf32, #tpu.memory_space<vmem>>)
    %dma_start3A_231 = arith.constant 0 : i32
    %dma_start3A_232 = arith.constant 0 : i32
    %dma_start3A_233 = arith.constant 0 : i32
    %dma_start3A_234 = arith.constant 0 : i32
    %dma_start3A_235 = tpu.memref_slice %arg8[%dma_start3A_231, %dma_start3A_233, %dma_start3A_234] : memref<4x128x64xf32, #tpu.memory_space<vmem>> -> memref<1x128x64xf32, #tpu.memory_space<vmem>>
    %dma_start3A_236 = tpu.memref_squeeze %dma_start3A_235 : memref<1x128x64xf32, #tpu.memory_space<vmem>> -> memref<128x64xf32, #tpu.memory_space<vmem>>
    %dma_start3A_237 = arith.constant 0 : i32
    %dma_start3A_238 = tpu.memref_slice %arg7[%dma_start3A_232, %dma_start3A_237] : memref<80x128xi32, #tpu.memory_space<vmem>> -> memref<1x128xi32, #tpu.memory_space<vmem>>
    %dma_start3A_239 = tpu.memref_squeeze %dma_start3A_238 : memref<1x128xi32, #tpu.memory_space<vmem>> -> memref<128xi32, #tpu.memory_space<vmem>>
    %dma_start3A_240 = arith.constant 0 : i32
    %dma_start3A_241 = arith.constant 0 : i32
    %dma_start3A_242 = tpu.memref_slice %arg20[%dma_start3A_240, %dma_start3A_241] : memref<10240x64xf32, #tpu.memory_space<vmem_shared>> -> memref<10240x64xf32, #tpu.memory_space<vmem_shared>>
    tpu.enqueue_indirect_dma source(%dma_start3A_236 : memref<128x64xf32, #tpu.memory_space<vmem>>) target(%dma_start3A_242 : memref<10240x64xf32, #tpu.memory_space<vmem_shared>>) offsets(%dma_start3A_239 : memref<128xi32, #tpu.memory_space<vmem>>) semaphore(%arg15 : memref<!tpu.dma_semaphore, #tpu.memory_space<semaphore_mem>>) {add = true}
    %dma_start3A_243 = arith.constant 3 : i32
    %dma_start3A_244 = arith.constant 3 : i32
    %dma_start3A_245 = arith.constant 0 : i32
    %dma_start3A_246 = arith.constant 0 : i32
    %dma_start3A_247 = tpu.memref_slice %arg8[%dma_start3A_244, %dma_start3A_245, %dma_start3A_246] : memref<4x128x64xf32, #tpu.memory_space<vmem>> -> memref<1x128x64xf32, #tpu.memory_space<vmem>>
    %dma_start3A_248 = tpu.memref_squeeze %dma_start3A_247 : memref<1x128x64xf32, #tpu.memory_space<vmem>> -> memref<128x64xf32, #tpu.memory_space<vmem>>
    %dma_start3A_249 = arith.constant 0 : i32
    %dma_start3A_250 = tpu.memref_slice %arg6[%dma_start3A_243, %dma_start3A_249] : memref<80x128xi32, #tpu.memory_space<vmem>> -> memref<1x128xi32, #tpu.memory_space<vmem>>
    %dma_start3A_251 = tpu.memref_squeeze %dma_start3A_250 : memref<1x128xi32, #tpu.memory_space<vmem>> -> memref<128xi32, #tpu.memory_space<vmem>>
    %dma_start3A_252 = arith.constant 0 : i32
    %dma_start3A_253 = arith.constant 0 : i32
    %dma_start3A_254 = tpu.memref_slice %arg2[%dma_start3A_252, %dma_start3A_253] : memref<10240x64xf32, #tpu.memory_space<hbm>> -> memref<10240x64xf32, #tpu.memory_space<hbm>>
    tpu.enqueue_indirect_dma source(%dma_start3A_254 : memref<10240x64xf32, #tpu.memory_space<hbm>>) target(%dma_start3A_248 : memref<128x64xf32, #tpu.memory_space<vmem>>) offsets(%dma_start3A_251 : memref<128xi32, #tpu.memory_space<vmem>>) semaphore(%arg14 : memref<!tpu.dma_semaphore, #tpu.memory_space<semaphore_mem>>)
    %dma_wait3A_255 = arith.constant 1 : i32
    %dma_wait3A_256 = arith.constant 1 : i32
    %dma_wait3A_257 = arith.constant 0 : i32
    %dma_wait3A_258 = arith.constant 0 : i32
    %dma_wait3A_259 = tpu.memref_slice %arg8[%dma_wait3A_256, %dma_wait3A_257, %dma_wait3A_258] : memref<4x128x64xf32, #tpu.memory_space<vmem>> -> memref<1x128x64xf32, #tpu.memory_space<vmem>>
    %dma_wait3A_260 = tpu.memref_squeeze %dma_wait3A_259 : memref<1x128x64xf32, #tpu.memory_space<vmem>> -> memref<128x64xf32, #tpu.memory_space<vmem>>
    %dma_wait3A_261 = arith.constant 0 : i32
    %dma_wait3A_262 = tpu.memref_slice %arg6[%dma_wait3A_255, %dma_wait3A_261] : memref<80x128xi32, #tpu.memory_space<vmem>> -> memref<1x128xi32, #tpu.memory_space<vmem>>
    %dma_wait3A_263 = tpu.memref_squeeze %dma_wait3A_262 : memref<1x128xi32, #tpu.memory_space<vmem>> -> memref<128xi32, #tpu.memory_space<vmem>>
    %dma_wait3A_264 = arith.constant 0 : i32
    %dma_wait3A_265 = arith.constant 0 : i32
    %dma_wait3A_266 = tpu.memref_slice %arg2[%dma_wait3A_264, %dma_wait3A_265] : memref<10240x64xf32, #tpu.memory_space<hbm>> -> memref<10240x64xf32, #tpu.memory_space<hbm>>
    tpu.wait_indirect_dma semaphore(%arg12 : memref<!tpu.dma_semaphore, #tpu.memory_space<semaphore_mem>>) src(%dma_wait3A_266 : memref<10240x64xf32, #tpu.memory_space<hbm>>) dst(%dma_wait3A_260 : memref<128x64xf32, #tpu.memory_space<vmem>>)
    %dma_start3A_267 = arith.constant 1 : i32
    %dma_start3A_268 = arith.constant 1 : i32
    %dma_start3A_269 = arith.constant 0 : i32
    %dma_start3A_270 = arith.constant 0 : i32
    %dma_start3A_271 = tpu.memref_slice %arg8[%dma_start3A_267, %dma_start3A_269, %dma_start3A_270] : memref<4x128x64xf32, #tpu.memory_space<vmem>> -> memref<1x128x64xf32, #tpu.memory_space<vmem>>
    %dma_start3A_272 = tpu.memref_squeeze %dma_start3A_271 : memref<1x128x64xf32, #tpu.memory_space<vmem>> -> memref<128x64xf32, #tpu.memory_space<vmem>>
    %dma_start3A_273 = arith.constant 0 : i32
    %dma_start3A_274 = tpu.memref_slice %arg7[%dma_start3A_268, %dma_start3A_273] : memref<80x128xi32, #tpu.memory_space<vmem>> -> memref<1x128xi32, #tpu.memory_space<vmem>>
    %dma_start3A_275 = tpu.memref_squeeze %dma_start3A_274 : memref<1x128xi32, #tpu.memory_space<vmem>> -> memref<128xi32, #tpu.memory_space<vmem>>
    %dma_start3A_276 = arith.constant 0 : i32
    %dma_start3A_277 = arith.constant 0 : i32
    %dma_start3A_278 = tpu.memref_slice %arg20[%dma_start3A_276, %dma_start3A_277] : memref<10240x64xf32, #tpu.memory_space<vmem_shared>> -> memref<10240x64xf32, #tpu.memory_space<vmem_shared>>
    tpu.enqueue_indirect_dma source(%dma_start3A_272 : memref<128x64xf32, #tpu.memory_space<vmem>>) target(%dma_start3A_278 : memref<10240x64xf32, #tpu.memory_space<vmem_shared>>) offsets(%dma_start3A_275 : memref<128xi32, #tpu.memory_space<vmem>>) semaphore(%arg16 : memref<!tpu.dma_semaphore, #tpu.memory_space<semaphore_mem>>) {add = true}
    %dma_wait3A_279 = arith.constant 0 : i32
    %dma_wait3A_280 = arith.constant 0 : i32
    %dma_wait3A_281 = arith.constant 0 : i32
    %dma_wait3A_282 = arith.constant 0 : i32
    %dma_wait3A_283 = tpu.memref_slice %arg8[%dma_wait3A_279, %dma_wait3A_281, %dma_wait3A_282] : memref<4x128x64xf32, #tpu.memory_space<vmem>> -> memref<1x128x64xf32, #tpu.memory_space<vmem>>
    %dma_wait3A_284 = tpu.memref_squeeze %dma_wait3A_283 : memref<1x128x64xf32, #tpu.memory_space<vmem>> -> memref<128x64xf32, #tpu.memory_space<vmem>>
    %dma_wait3A_285 = arith.constant 0 : i32
    %dma_wait3A_286 = tpu.memref_slice %arg7[%dma_wait3A_280, %dma_wait3A_285] : memref<80x128xi32, #tpu.memory_space<vmem>> -> memref<1x128xi32, #tpu.memory_space<vmem>>
    %dma_wait3A_287 = tpu.memref_squeeze %dma_wait3A_286 : memref<1x128xi32, #tpu.memory_space<vmem>> -> memref<128xi32, #tpu.memory_space<vmem>>
    %dma_wait3A_288 = arith.constant 0 : i32
    %dma_wait3A_289 = arith.constant 0 : i32
    %dma_wait3A_290 = tpu.memref_slice %arg20[%dma_wait3A_288, %dma_wait3A_289] : memref<10240x64xf32, #tpu.memory_space<vmem_shared>> -> memref<10240x64xf32, #tpu.memory_space<vmem_shared>>
    tpu.wait_indirect_dma semaphore(%arg15 : memref<!tpu.dma_semaphore, #tpu.memory_space<semaphore_mem>>) src(%dma_wait3A_284 : memref<128x64xf32, #tpu.memory_space<vmem>>) dst(%dma_wait3A_290 : memref<10240x64xf32, #tpu.memory_space<vmem_shared>>)
    %dma_start3A_291 = arith.constant 4 : i32
    %dma_start3A_292 = arith.constant 0 : i32
    %dma_start3A_293 = arith.constant 0 : i32
    %dma_start3A_294 = arith.constant 0 : i32
    %dma_start3A_295 = tpu.memref_slice %arg8[%dma_start3A_292, %dma_start3A_293, %dma_start3A_294] : memref<4x128x64xf32, #tpu.memory_space<vmem>> -> memref<1x128x64xf32, #tpu.memory_space<vmem>>
    %dma_start3A_296 = tpu.memref_squeeze %dma_start3A_295 : memref<1x128x64xf32, #tpu.memory_space<vmem>> -> memref<128x64xf32, #tpu.memory_space<vmem>>
    %dma_start3A_297 = arith.constant 0 : i32
    %dma_start3A_298 = tpu.memref_slice %arg6[%dma_start3A_291, %dma_start3A_297] : memref<80x128xi32, #tpu.memory_space<vmem>> -> memref<1x128xi32, #tpu.memory_space<vmem>>
    %dma_start3A_299 = tpu.memref_squeeze %dma_start3A_298 : memref<1x128xi32, #tpu.memory_space<vmem>> -> memref<128xi32, #tpu.memory_space<vmem>>
    %dma_start3A_300 = arith.constant 0 : i32
    %dma_start3A_301 = arith.constant 0 : i32
    %dma_start3A_302 = tpu.memref_slice %arg2[%dma_start3A_300, %dma_start3A_301] : memref<10240x64xf32, #tpu.memory_space<hbm>> -> memref<10240x64xf32, #tpu.memory_space<hbm>>
    tpu.enqueue_indirect_dma source(%dma_start3A_302 : memref<10240x64xf32, #tpu.memory_space<hbm>>) target(%dma_start3A_296 : memref<128x64xf32, #tpu.memory_space<vmem>>) offsets(%dma_start3A_299 : memref<128xi32, #tpu.memory_space<vmem>>) semaphore(%arg11 : memref<!tpu.dma_semaphore, #tpu.memory_space<semaphore_mem>>)
    %dma_wait3A_303 = arith.constant 2 : i32
    %dma_wait3A_304 = arith.constant 2 : i32
    %dma_wait3A_305 = arith.constant 0 : i32
    %dma_wait3A_306 = arith.constant 0 : i32
    %dma_wait3A_307 = tpu.memref_slice %arg8[%dma_wait3A_304, %dma_wait3A_305, %dma_wait3A_306] : memref<4x128x64xf32, #tpu.memory_space<vmem>> -> memref<1x128x64xf32, #tpu.memory_space<vmem>>
    %dma_wait3A_308 = tpu.memref_squeeze %dma_wait3A_307 : memref<1x128x64xf32, #tpu.memory_space<vmem>> -> memref<128x64xf32, #tpu.memory_space<vmem>>
    %dma_wait3A_309 = arith.constant 0 : i32
    %dma_wait3A_310 = tpu.memref_slice %arg6[%dma_wait3A_303, %dma_wait3A_309] : memref<80x128xi32, #tpu.memory_space<vmem>> -> memref<1x128xi32, #tpu.memory_space<vmem>>
    %dma_wait3A_311 = tpu.memref_squeeze %dma_wait3A_310 : memref<1x128xi32, #tpu.memory_space<vmem>> -> memref<128xi32, #tpu.memory_space<vmem>>
    %dma_wait3A_312 = arith.constant 0 : i32
    %dma_wait3A_313 = arith.constant 0 : i32
    %dma_wait3A_314 = tpu.memref_slice %arg2[%dma_wait3A_312, %dma_wait3A_313] : memref<10240x64xf32, #tpu.memory_space<hbm>> -> memref<10240x64xf32, #tpu.memory_space<hbm>>
    tpu.wait_indirect_dma semaphore(%arg13 : memref<!tpu.dma_semaphore, #tpu.memory_space<semaphore_mem>>) src(%dma_wait3A_314 : memref<10240x64xf32, #tpu.memory_space<hbm>>) dst(%dma_wait3A_308 : memref<128x64xf32, #tpu.memory_space<vmem>>)
    %dma_start3A_315 = arith.constant 2 : i32
    %dma_start3A_316 = arith.constant 2 : i32
    %dma_start3A_317 = arith.constant 0 : i32
    %dma_start3A_318 = arith.constant 0 : i32
    %dma_start3A_319 = tpu.memref_slice %arg8[%dma_start3A_315, %dma_start3A_317, %dma_start3A_318] : memref<4x128x64xf32, #tpu.memory_space<vmem>> -> memref<1x128x64xf32, #tpu.memory_space<vmem>>
    %dma_start3A_320 = tpu.memref_squeeze %dma_start3A_319 : memref<1x128x64xf32, #tpu.memory_space<vmem>> -> memref<128x64xf32, #tpu.memory_space<vmem>>
    %dma_start3A_321 = arith.constant 0 : i32
    %dma_start3A_322 = tpu.memref_slice %arg7[%dma_start3A_316, %dma_start3A_321] : memref<80x128xi32, #tpu.memory_space<vmem>> -> memref<1x128xi32, #tpu.memory_space<vmem>>
    %dma_start3A_323 = tpu.memref_squeeze %dma_start3A_322 : memref<1x128xi32, #tpu.memory_space<vmem>> -> memref<128xi32, #tpu.memory_space<vmem>>
    %dma_start3A_324 = arith.constant 0 : i32
    %dma_start3A_325 = arith.constant 0 : i32
    %dma_start3A_326 = tpu.memref_slice %arg20[%dma_start3A_324, %dma_start3A_325] : memref<10240x64xf32, #tpu.memory_space<vmem_shared>> -> memref<10240x64xf32, #tpu.memory_space<vmem_shared>>
    tpu.enqueue_indirect_dma source(%dma_start3A_320 : memref<128x64xf32, #tpu.memory_space<vmem>>) target(%dma_start3A_326 : memref<10240x64xf32, #tpu.memory_space<vmem_shared>>) offsets(%dma_start3A_323 : memref<128xi32, #tpu.memory_space<vmem>>) semaphore(%arg17 : memref<!tpu.dma_semaphore, #tpu.memory_space<semaphore_mem>>) {add = true}
    %dma_wait3A_327 = arith.constant 1 : i32
    %dma_wait3A_328 = arith.constant 1 : i32
    %dma_wait3A_329 = arith.constant 0 : i32
    %dma_wait3A_330 = arith.constant 0 : i32
    %dma_wait3A_331 = tpu.memref_slice %arg8[%dma_wait3A_327, %dma_wait3A_329, %dma_wait3A_330] : memref<4x128x64xf32, #tpu.memory_space<vmem>> -> memref<1x128x64xf32, #tpu.memory_space<vmem>>
    %dma_wait3A_332 = tpu.memref_squeeze %dma_wait3A_331 : memref<1x128x64xf32, #tpu.memory_space<vmem>> -> memref<128x64xf32, #tpu.memory_space<vmem>>
    %dma_wait3A_333 = arith.constant 0 : i32
    %dma_wait3A_334 = tpu.memref_slice %arg7[%dma_wait3A_328, %dma_wait3A_333] : memref<80x128xi32, #tpu.memory_space<vmem>> -> memref<1x128xi32, #tpu.memory_space<vmem>>
    %dma_wait3A_335 = tpu.memref_squeeze %dma_wait3A_334 : memref<1x128xi32, #tpu.memory_space<vmem>> -> memref<128xi32, #tpu.memory_space<vmem>>
    %dma_wait3A_336 = arith.constant 0 : i32
    %dma_wait3A_337 = arith.constant 0 : i32
    %dma_wait3A_338 = tpu.memref_slice %arg20[%dma_wait3A_336, %dma_wait3A_337] : memref<10240x64xf32, #tpu.memory_space<vmem_shared>> -> memref<10240x64xf32, #tpu.memory_space<vmem_shared>>
    tpu.wait_indirect_dma semaphore(%arg16 : memref<!tpu.dma_semaphore, #tpu.memory_space<semaphore_mem>>) src(%dma_wait3A_332 : memref<128x64xf32, #tpu.memory_space<vmem>>) dst(%dma_wait3A_338 : memref<10240x64xf32, #tpu.memory_space<vmem_shared>>)
    %dma_start3A_339 = arith.constant 5 : i32
    %dma_start3A_340 = arith.constant 1 : i32
    %dma_start3A_341 = arith.constant 0 : i32
    %dma_start3A_342 = arith.constant 0 : i32
    %dma_start3A_343 = tpu.memref_slice %arg8[%dma_start3A_340, %dma_start3A_341, %dma_start3A_342] : memref<4x128x64xf32, #tpu.memory_space<vmem>> -> memref<1x128x64xf32, #tpu.memory_space<vmem>>
    %dma_start3A_344 = tpu.memref_squeeze %dma_start3A_343 : memref<1x128x64xf32, #tpu.memory_space<vmem>> -> memref<128x64xf32, #tpu.memory_space<vmem>>
    %dma_start3A_345 = arith.constant 0 : i32
    %dma_start3A_346 = tpu.memref_slice %arg6[%dma_start3A_339, %dma_start3A_345] : memref<80x128xi32, #tpu.memory_space<vmem>> -> memref<1x128xi32, #tpu.memory_space<vmem>>
    %dma_start3A_347 = tpu.memref_squeeze %dma_start3A_346 : memref<1x128xi32, #tpu.memory_space<vmem>> -> memref<128xi32, #tpu.memory_space<vmem>>
    %dma_start3A_348 = arith.constant 0 : i32
    %dma_start3A_349 = arith.constant 0 : i32
    %dma_start3A_350 = tpu.memref_slice %arg2[%dma_start3A_348, %dma_start3A_349] : memref<10240x64xf32, #tpu.memory_space<hbm>> -> memref<10240x64xf32, #tpu.memory_space<hbm>>
    tpu.enqueue_indirect_dma source(%dma_start3A_350 : memref<10240x64xf32, #tpu.memory_space<hbm>>) target(%dma_start3A_344 : memref<128x64xf32, #tpu.memory_space<vmem>>) offsets(%dma_start3A_347 : memref<128xi32, #tpu.memory_space<vmem>>) semaphore(%arg12 : memref<!tpu.dma_semaphore, #tpu.memory_space<semaphore_mem>>)
    %dma_wait3A_351 = arith.constant 3 : i32
    %dma_wait3A_352 = arith.constant 3 : i32
    %dma_wait3A_353 = arith.constant 0 : i32
    %dma_wait3A_354 = arith.constant 0 : i32
    %dma_wait3A_355 = tpu.memref_slice %arg8[%dma_wait3A_352, %dma_wait3A_353, %dma_wait3A_354] : memref<4x128x64xf32, #tpu.memory_space<vmem>> -> memref<1x128x64xf32, #tpu.memory_space<vmem>>
    %dma_wait3A_356 = tpu.memref_squeeze %dma_wait3A_355 : memref<1x128x64xf32, #tpu.memory_space<vmem>> -> memref<128x64xf32, #tpu.memory_space<vmem>>
    %dma_wait3A_357 = arith.constant 0 : i32
    %dma_wait3A_358 = tpu.memref_slice %arg6[%dma_wait3A_351, %dma_wait3A_357] : memref<80x128xi32, #tpu.memory_space<vmem>> -> memref<1x128xi32, #tpu.memory_space<vmem>>
    %dma_wait3A_359 = tpu.memref_squeeze %dma_wait3A_358 : memref<1x128xi32, #tpu.memory_space<vmem>> -> memref<128xi32, #tpu.memory_space<vmem>>
    %dma_wait3A_360 = arith.constant 0 : i32
    %dma_wait3A_361 = arith.constant 0 : i32
    %dma_wait3A_362 = tpu.memref_slice %arg2[%dma_wait3A_360, %dma_wait3A_361] : memref<10240x64xf32, #tpu.memory_space<hbm>> -> memref<10240x64xf32, #tpu.memory_space<hbm>>
    tpu.wait_indirect_dma semaphore(%arg14 : memref<!tpu.dma_semaphore, #tpu.memory_space<semaphore_mem>>) src(%dma_wait3A_362 : memref<10240x64xf32, #tpu.memory_space<hbm>>) dst(%dma_wait3A_356 : memref<128x64xf32, #tpu.memory_space<vmem>>)
    %dma_start3A_363 = arith.constant 3 : i32
    %dma_start3A_364 = arith.constant 3 : i32
    %dma_start3A_365 = arith.constant 0 : i32
    %dma_start3A_366 = arith.constant 0 : i32
    %dma_start3A_367 = tpu.memref_slice %arg8[%dma_start3A_363, %dma_start3A_365, %dma_start3A_366] : memref<4x128x64xf32, #tpu.memory_space<vmem>> -> memref<1x128x64xf32, #tpu.memory_space<vmem>>
    %dma_start3A_368 = tpu.memref_squeeze %dma_start3A_367 : memref<1x128x64xf32, #tpu.memory_space<vmem>> -> memref<128x64xf32, #tpu.memory_space<vmem>>
    %dma_start3A_369 = arith.constant 0 : i32
    %dma_start3A_370 = tpu.memref_slice %arg7[%dma_start3A_364, %dma_start3A_369] : memref<80x128xi32, #tpu.memory_space<vmem>> -> memref<1x128xi32, #tpu.memory_space<vmem>>
    %dma_start3A_371 = tpu.memref_squeeze %dma_start3A_370 : memref<1x128xi32, #tpu.memory_space<vmem>> -> memref<128xi32, #tpu.memory_space<vmem>>
    %dma_start3A_372 = arith.constant 0 : i32
    %dma_start3A_373 = arith.constant 0 : i32
    %dma_start3A_374 = tpu.memref_slice %arg20[%dma_start3A_372, %dma_start3A_373] : memref<10240x64xf32, #tpu.memory_space<vmem_shared>> -> memref<10240x64xf32, #tpu.memory_space<vmem_shared>>
    tpu.enqueue_indirect_dma source(%dma_start3A_368 : memref<128x64xf32, #tpu.memory_space<vmem>>) target(%dma_start3A_374 : memref<10240x64xf32, #tpu.memory_space<vmem_shared>>) offsets(%dma_start3A_371 : memref<128xi32, #tpu.memory_space<vmem>>) semaphore(%arg18 : memref<!tpu.dma_semaphore, #tpu.memory_space<semaphore_mem>>) {add = true}
    %scan3A_375 = arith.constant 0 : i32
    %scan3A_376 = arith.constant 1 : i32
    %scan3A_377 = arith.constant 18 : i32
    %scan3A_378 = arith.addi %scan3A_376, %scan3A_377 : i32
    %scan3A_379 = arith.constant 1 : i32
    scf.for %scan3A_574 = %scan3A_376 to %scan3A_378 step %scan3A_379  : i32 {
      %mul3A_575 = arith.constant 4 : i32
      %mul3A_576 = arith.muli %scan3A_574, %mul3A_575 : i32
      %add3A_577 = arith.constant 0 : i32
      %add3A_578 = arith.addi %mul3A_576, %add3A_577 : i32
      %add3A_579 = arith.constant 2 : i32
      %add3A_580 = arith.addi %add3A_578, %add3A_579 : i32
      %sub3A = arith.constant 4 : i32
      %sub3A_581 = arith.subi %add3A_580, %sub3A : i32
      %dma_wait3A_582 = arith.constant 2 : i32
      %dma_wait3A_583 = arith.constant 0 : i32
      %dma_wait3A_584 = arith.constant 0 : i32
      %dma_wait3A_585 = tpu.memref_slice %arg8[%dma_wait3A_582, %dma_wait3A_583, %dma_wait3A_584] : memref<4x128x64xf32, #tpu.memory_space<vmem>> -> memref<1x128x64xf32, #tpu.memory_space<vmem>>
      %dma_wait3A_586 = tpu.memref_squeeze %dma_wait3A_585 : memref<1x128x64xf32, #tpu.memory_space<vmem>> -> memref<128x64xf32, #tpu.memory_space<vmem>>
      %dma_wait3A_587 = arith.constant 0 : i32
      %dma_wait3A_588 = tpu.memref_slice %arg7[%sub3A_581, %dma_wait3A_587] : memref<80x128xi32, #tpu.memory_space<vmem>> -> memref<1x128xi32, #tpu.memory_space<vmem>>
      %dma_wait3A_589 = tpu.memref_squeeze %dma_wait3A_588 : memref<1x128xi32, #tpu.memory_space<vmem>> -> memref<128xi32, #tpu.memory_space<vmem>>
      %dma_wait3A_590 = arith.constant 0 : i32
      %dma_wait3A_591 = arith.constant 0 : i32
      %dma_wait3A_592 = tpu.memref_slice %arg20[%dma_wait3A_590, %dma_wait3A_591] : memref<10240x64xf32, #tpu.memory_space<vmem_shared>> -> memref<10240x64xf32, #tpu.memory_space<vmem_shared>>
      tpu.wait_indirect_dma semaphore(%arg17 : memref<!tpu.dma_semaphore, #tpu.memory_space<semaphore_mem>>) src(%dma_wait3A_586 : memref<128x64xf32, #tpu.memory_space<vmem>>) dst(%dma_wait3A_592 : memref<10240x64xf32, #tpu.memory_space<vmem_shared>>)
      %dma_start3A_593 = arith.constant 2 : i32
      %dma_start3A_594 = arith.constant 0 : i32
      %dma_start3A_595 = arith.constant 0 : i32
      %dma_start3A_596 = tpu.memref_slice %arg8[%dma_start3A_593, %dma_start3A_594, %dma_start3A_595] : memref<4x128x64xf32, #tpu.memory_space<vmem>> -> memref<1x128x64xf32, #tpu.memory_space<vmem>>
      %dma_start3A_597 = tpu.memref_squeeze %dma_start3A_596 : memref<1x128x64xf32, #tpu.memory_space<vmem>> -> memref<128x64xf32, #tpu.memory_space<vmem>>
      %dma_start3A_598 = arith.constant 0 : i32
      %dma_start3A_599 = tpu.memref_slice %arg6[%add3A_580, %dma_start3A_598] : memref<80x128xi32, #tpu.memory_space<vmem>> -> memref<1x128xi32, #tpu.memory_space<vmem>>
      %dma_start3A_600 = tpu.memref_squeeze %dma_start3A_599 : memref<1x128xi32, #tpu.memory_space<vmem>> -> memref<128xi32, #tpu.memory_space<vmem>>
      %dma_start3A_601 = arith.constant 0 : i32
      %dma_start3A_602 = arith.constant 0 : i32
      %dma_start3A_603 = tpu.memref_slice %arg2[%dma_start3A_601, %dma_start3A_602] : memref<10240x64xf32, #tpu.memory_space<hbm>> -> memref<10240x64xf32, #tpu.memory_space<hbm>>
      tpu.enqueue_indirect_dma source(%dma_start3A_603 : memref<10240x64xf32, #tpu.memory_space<hbm>>) target(%dma_start3A_597 : memref<128x64xf32, #tpu.memory_space<vmem>>) offsets(%dma_start3A_600 : memref<128xi32, #tpu.memory_space<vmem>>) semaphore(%arg13 : memref<!tpu.dma_semaphore, #tpu.memory_space<semaphore_mem>>)
      %dma_wait3A_604 = arith.constant 0 : i32
      %dma_wait3A_605 = arith.constant 0 : i32
      %dma_wait3A_606 = arith.constant 0 : i32
      %dma_wait3A_607 = tpu.memref_slice %arg8[%dma_wait3A_604, %dma_wait3A_605, %dma_wait3A_606] : memref<4x128x64xf32, #tpu.memory_space<vmem>> -> memref<1x128x64xf32, #tpu.memory_space<vmem>>
      %dma_wait3A_608 = tpu.memref_squeeze %dma_wait3A_607 : memref<1x128x64xf32, #tpu.memory_space<vmem>> -> memref<128x64xf32, #tpu.memory_space<vmem>>
      %dma_wait3A_609 = arith.constant 0 : i32
      %dma_wait3A_610 = tpu.memref_slice %arg6[%add3A_578, %dma_wait3A_609] : memref<80x128xi32, #tpu.memory_space<vmem>> -> memref<1x128xi32, #tpu.memory_space<vmem>>
      %dma_wait3A_611 = tpu.memref_squeeze %dma_wait3A_610 : memref<1x128xi32, #tpu.memory_space<vmem>> -> memref<128xi32, #tpu.memory_space<vmem>>
      %dma_wait3A_612 = arith.constant 0 : i32
      %dma_wait3A_613 = arith.constant 0 : i32
      %dma_wait3A_614 = tpu.memref_slice %arg2[%dma_wait3A_612, %dma_wait3A_613] : memref<10240x64xf32, #tpu.memory_space<hbm>> -> memref<10240x64xf32, #tpu.memory_space<hbm>>
      tpu.wait_indirect_dma semaphore(%arg11 : memref<!tpu.dma_semaphore, #tpu.memory_space<semaphore_mem>>) src(%dma_wait3A_614 : memref<10240x64xf32, #tpu.memory_space<hbm>>) dst(%dma_wait3A_608 : memref<128x64xf32, #tpu.memory_space<vmem>>)
      %dma_start3A_615 = arith.constant 0 : i32
      %dma_start3A_616 = arith.constant 0 : i32
      %dma_start3A_617 = arith.constant 0 : i32
      %dma_start3A_618 = tpu.memref_slice %arg8[%dma_start3A_615, %dma_start3A_616, %dma_start3A_617] : memref<4x128x64xf32, #tpu.memory_space<vmem>> -> memref<1x128x64xf32, #tpu.memory_space<vmem>>
      %dma_start3A_619 = tpu.memref_squeeze %dma_start3A_618 : memref<1x128x64xf32, #tpu.memory_space<vmem>> -> memref<128x64xf32, #tpu.memory_space<vmem>>
      %dma_start3A_620 = arith.constant 0 : i32
      %dma_start3A_621 = tpu.memref_slice %arg7[%add3A_578, %dma_start3A_620] : memref<80x128xi32, #tpu.memory_space<vmem>> -> memref<1x128xi32, #tpu.memory_space<vmem>>
      %dma_start3A_622 = tpu.memref_squeeze %dma_start3A_621 : memref<1x128xi32, #tpu.memory_space<vmem>> -> memref<128xi32, #tpu.memory_space<vmem>>
      %dma_start3A_623 = arith.constant 0 : i32
      %dma_start3A_624 = arith.constant 0 : i32
      %dma_start3A_625 = tpu.memref_slice %arg20[%dma_start3A_623, %dma_start3A_624] : memref<10240x64xf32, #tpu.memory_space<vmem_shared>> -> memref<10240x64xf32, #tpu.memory_space<vmem_shared>>
      tpu.enqueue_indirect_dma source(%dma_start3A_619 : memref<128x64xf32, #tpu.memory_space<vmem>>) target(%dma_start3A_625 : memref<10240x64xf32, #tpu.memory_space<vmem_shared>>) offsets(%dma_start3A_622 : memref<128xi32, #tpu.memory_space<vmem>>) semaphore(%arg15 : memref<!tpu.dma_semaphore, #tpu.memory_space<semaphore_mem>>) {add = true}
      %mul3A_626 = arith.constant 4 : i32
      %mul3A_627 = arith.muli %scan3A_574, %mul3A_626 : i32
      %add3A_628 = arith.constant 1 : i32
      %add3A_629 = arith.addi %mul3A_627, %add3A_628 : i32
      %add3A_630 = arith.constant 2 : i32
      %add3A_631 = arith.addi %add3A_629, %add3A_630 : i32
      %sub3A_632 = arith.constant 4 : i32
      %sub3A_633 = arith.subi %add3A_631, %sub3A_632 : i32
      %dma_wait3A_634 = arith.constant 3 : i32
      %dma_wait3A_635 = arith.constant 0 : i32
      %dma_wait3A_636 = arith.constant 0 : i32
      %dma_wait3A_637 = tpu.memref_slice %arg8[%dma_wait3A_634, %dma_wait3A_635, %dma_wait3A_636] : memref<4x128x64xf32, #tpu.memory_space<vmem>> -> memref<1x128x64xf32, #tpu.memory_space<vmem>>
      %dma_wait3A_638 = tpu.memref_squeeze %dma_wait3A_637 : memref<1x128x64xf32, #tpu.memory_space<vmem>> -> memref<128x64xf32, #tpu.memory_space<vmem>>
      %dma_wait3A_639 = arith.constant 0 : i32
      %dma_wait3A_640 = tpu.memref_slice %arg7[%sub3A_633, %dma_wait3A_639] : memref<80x128xi32, #tpu.memory_space<vmem>> -> memref<1x128xi32, #tpu.memory_space<vmem>>
      %dma_wait3A_641 = tpu.memref_squeeze %dma_wait3A_640 : memref<1x128xi32, #tpu.memory_space<vmem>> -> memref<128xi32, #tpu.memory_space<vmem>>
      %dma_wait3A_642 = arith.constant 0 : i32
      %dma_wait3A_643 = arith.constant 0 : i32
      %dma_wait3A_644 = tpu.memref_slice %arg20[%dma_wait3A_642, %dma_wait3A_643] : memref<10240x64xf32, #tpu.memory_space<vmem_shared>> -> memref<10240x64xf32, #tpu.memory_space<vmem_shared>>
      tpu.wait_indirect_dma semaphore(%arg18 : memref<!tpu.dma_semaphore, #tpu.memory_space<semaphore_mem>>) src(%dma_wait3A_638 : memref<128x64xf32, #tpu.memory_space<vmem>>) dst(%dma_wait3A_644 : memref<10240x64xf32, #tpu.memory_space<vmem_shared>>)
      %dma_start3A_645 = arith.constant 3 : i32
      %dma_start3A_646 = arith.constant 0 : i32
      %dma_start3A_647 = arith.constant 0 : i32
      %dma_start3A_648 = tpu.memref_slice %arg8[%dma_start3A_645, %dma_start3A_646, %dma_start3A_647] : memref<4x128x64xf32, #tpu.memory_space<vmem>> -> memref<1x128x64xf32, #tpu.memory_space<vmem>>
      %dma_start3A_649 = tpu.memref_squeeze %dma_start3A_648 : memref<1x128x64xf32, #tpu.memory_space<vmem>> -> memref<128x64xf32, #tpu.memory_space<vmem>>
      %dma_start3A_650 = arith.constant 0 : i32
      %dma_start3A_651 = tpu.memref_slice %arg6[%add3A_631, %dma_start3A_650] : memref<80x128xi32, #tpu.memory_space<vmem>> -> memref<1x128xi32, #tpu.memory_space<vmem>>
      %dma_start3A_652 = tpu.memref_squeeze %dma_start3A_651 : memref<1x128xi32, #tpu.memory_space<vmem>> -> memref<128xi32, #tpu.memory_space<vmem>>
      %dma_start3A_653 = arith.constant 0 : i32
      %dma_start3A_654 = arith.constant 0 : i32
      %dma_start3A_655 = tpu.memref_slice %arg2[%dma_start3A_653, %dma_start3A_654] : memref<10240x64xf32, #tpu.memory_space<hbm>> -> memref<10240x64xf32, #tpu.memory_space<hbm>>
      tpu.enqueue_indirect_dma source(%dma_start3A_655 : memref<10240x64xf32, #tpu.memory_space<hbm>>) target(%dma_start3A_649 : memref<128x64xf32, #tpu.memory_space<vmem>>) offsets(%dma_start3A_652 : memref<128xi32, #tpu.memory_space<vmem>>) semaphore(%arg14 : memref<!tpu.dma_semaphore, #tpu.memory_space<semaphore_mem>>)
      %dma_wait3A_656 = arith.constant 1 : i32
      %dma_wait3A_657 = arith.constant 0 : i32
      %dma_wait3A_658 = arith.constant 0 : i32
      %dma_wait3A_659 = tpu.memref_slice %arg8[%dma_wait3A_656, %dma_wait3A_657, %dma_wait3A_658] : memref<4x128x64xf32, #tpu.memory_space<vmem>> -> memref<1x128x64xf32, #tpu.memory_space<vmem>>
      %dma_wait3A_660 = tpu.memref_squeeze %dma_wait3A_659 : memref<1x128x64xf32, #tpu.memory_space<vmem>> -> memref<128x64xf32, #tpu.memory_space<vmem>>
      %dma_wait3A_661 = arith.constant 0 : i32
      %dma_wait3A_662 = tpu.memref_slice %arg6[%add3A_629, %dma_wait3A_661] : memref<80x128xi32, #tpu.memory_space<vmem>> -> memref<1x128xi32, #tpu.memory_space<vmem>>
      %dma_wait3A_663 = tpu.memref_squeeze %dma_wait3A_662 : memref<1x128xi32, #tpu.memory_space<vmem>> -> memref<128xi32, #tpu.memory_space<vmem>>
      %dma_wait3A_664 = arith.constant 0 : i32
      %dma_wait3A_665 = arith.constant 0 : i32
      %dma_wait3A_666 = tpu.memref_slice %arg2[%dma_wait3A_664, %dma_wait3A_665] : memref<10240x64xf32, #tpu.memory_space<hbm>> -> memref<10240x64xf32, #tpu.memory_space<hbm>>
      tpu.wait_indirect_dma semaphore(%arg12 : memref<!tpu.dma_semaphore, #tpu.memory_space<semaphore_mem>>) src(%dma_wait3A_666 : memref<10240x64xf32, #tpu.memory_space<hbm>>) dst(%dma_wait3A_660 : memref<128x64xf32, #tpu.memory_space<vmem>>)
      %dma_start3A_667 = arith.constant 1 : i32
      %dma_start3A_668 = arith.constant 0 : i32
      %dma_start3A_669 = arith.constant 0 : i32
      %dma_start3A_670 = tpu.memref_slice %arg8[%dma_start3A_667, %dma_start3A_668, %dma_start3A_669] : memref<4x128x64xf32, #tpu.memory_space<vmem>> -> memref<1x128x64xf32, #tpu.memory_space<vmem>>
      %dma_start3A_671 = tpu.memref_squeeze %dma_start3A_670 : memref<1x128x64xf32, #tpu.memory_space<vmem>> -> memref<128x64xf32, #tpu.memory_space<vmem>>
      %dma_start3A_672 = arith.constant 0 : i32
      %dma_start3A_673 = tpu.memref_slice %arg7[%add3A_629, %dma_start3A_672] : memref<80x128xi32, #tpu.memory_space<vmem>> -> memref<1x128xi32, #tpu.memory_space<vmem>>
      %dma_start3A_674 = tpu.memref_squeeze %dma_start3A_673 : memref<1x128xi32, #tpu.memory_space<vmem>> -> memref<128xi32, #tpu.memory_space<vmem>>
      %dma_start3A_675 = arith.constant 0 : i32
      %dma_start3A_676 = arith.constant 0 : i32
      %dma_start3A_677 = tpu.memref_slice %arg20[%dma_start3A_675, %dma_start3A_676] : memref<10240x64xf32, #tpu.memory_space<vmem_shared>> -> memref<10240x64xf32, #tpu.memory_space<vmem_shared>>
      tpu.enqueue_indirect_dma source(%dma_start3A_671 : memref<128x64xf32, #tpu.memory_space<vmem>>) target(%dma_start3A_677 : memref<10240x64xf32, #tpu.memory_space<vmem_shared>>) offsets(%dma_start3A_674 : memref<128xi32, #tpu.memory_space<vmem>>) semaphore(%arg16 : memref<!tpu.dma_semaphore, #tpu.memory_space<semaphore_mem>>) {add = true}
      %mul3A_678 = arith.constant 4 : i32
      %mul3A_679 = arith.muli %scan3A_574, %mul3A_678 : i32
      %add3A_680 = arith.constant 2 : i32
      %add3A_681 = arith.addi %mul3A_679, %add3A_680 : i32
      %add3A_682 = arith.constant 2 : i32
      %add3A_683 = arith.addi %add3A_681, %add3A_682 : i32
      %sub3A_684 = arith.constant 4 : i32
      %sub3A_685 = arith.subi %add3A_683, %sub3A_684 : i32
      %dma_wait3A_686 = arith.constant 0 : i32
      %dma_wait3A_687 = arith.constant 0 : i32
      %dma_wait3A_688 = arith.constant 0 : i32
      %dma_wait3A_689 = tpu.memref_slice %arg8[%dma_wait3A_686, %dma_wait3A_687, %dma_wait3A_688] : memref<4x128x64xf32, #tpu.memory_space<vmem>> -> memref<1x128x64xf32, #tpu.memory_space<vmem>>
      %dma_wait3A_690 = tpu.memref_squeeze %dma_wait3A_689 : memref<1x128x64xf32, #tpu.memory_space<vmem>> -> memref<128x64xf32, #tpu.memory_space<vmem>>
      %dma_wait3A_691 = arith.constant 0 : i32
      %dma_wait3A_692 = tpu.memref_slice %arg7[%sub3A_685, %dma_wait3A_691] : memref<80x128xi32, #tpu.memory_space<vmem>> -> memref<1x128xi32, #tpu.memory_space<vmem>>
      %dma_wait3A_693 = tpu.memref_squeeze %dma_wait3A_692 : memref<1x128xi32, #tpu.memory_space<vmem>> -> memref<128xi32, #tpu.memory_space<vmem>>
      %dma_wait3A_694 = arith.constant 0 : i32
      %dma_wait3A_695 = arith.constant 0 : i32
      %dma_wait3A_696 = tpu.memref_slice %arg20[%dma_wait3A_694, %dma_wait3A_695] : memref<10240x64xf32, #tpu.memory_space<vmem_shared>> -> memref<10240x64xf32, #tpu.memory_space<vmem_shared>>
      tpu.wait_indirect_dma semaphore(%arg15 : memref<!tpu.dma_semaphore, #tpu.memory_space<semaphore_mem>>) src(%dma_wait3A_690 : memref<128x64xf32, #tpu.memory_space<vmem>>) dst(%dma_wait3A_696 : memref<10240x64xf32, #tpu.memory_space<vmem_shared>>)
      %dma_start3A_697 = arith.constant 0 : i32
      %dma_start3A_698 = arith.constant 0 : i32
      %dma_start3A_699 = arith.constant 0 : i32
      %dma_start3A_700 = tpu.memref_slice %arg8[%dma_start3A_697, %dma_start3A_698, %dma_start3A_699] : memref<4x128x64xf32, #tpu.memory_space<vmem>> -> memref<1x128x64xf32, #tpu.memory_space<vmem>>
      %dma_start3A_701 = tpu.memref_squeeze %dma_start3A_700 : memref<1x128x64xf32, #tpu.memory_space<vmem>> -> memref<128x64xf32, #tpu.memory_space<vmem>>
      %dma_start3A_702 = arith.constant 0 : i32
      %dma_start3A_703 = tpu.memref_slice %arg6[%add3A_683, %dma_start3A_702] : memref<80x128xi32, #tpu.memory_space<vmem>> -> memref<1x128xi32, #tpu.memory_space<vmem>>
      %dma_start3A_704 = tpu.memref_squeeze %dma_start3A_703 : memref<1x128xi32, #tpu.memory_space<vmem>> -> memref<128xi32, #tpu.memory_space<vmem>>
      %dma_start3A_705 = arith.constant 0 : i32
      %dma_start3A_706 = arith.constant 0 : i32
      %dma_start3A_707 = tpu.memref_slice %arg2[%dma_start3A_705, %dma_start3A_706] : memref<10240x64xf32, #tpu.memory_space<hbm>> -> memref<10240x64xf32, #tpu.memory_space<hbm>>
      tpu.enqueue_indirect_dma source(%dma_start3A_707 : memref<10240x64xf32, #tpu.memory_space<hbm>>) target(%dma_start3A_701 : memref<128x64xf32, #tpu.memory_space<vmem>>) offsets(%dma_start3A_704 : memref<128xi32, #tpu.memory_space<vmem>>) semaphore(%arg11 : memref<!tpu.dma_semaphore, #tpu.memory_space<semaphore_mem>>)
      %dma_wait3A_708 = arith.constant 2 : i32
      %dma_wait3A_709 = arith.constant 0 : i32
      %dma_wait3A_710 = arith.constant 0 : i32
      %dma_wait3A_711 = tpu.memref_slice %arg8[%dma_wait3A_708, %dma_wait3A_709, %dma_wait3A_710] : memref<4x128x64xf32, #tpu.memory_space<vmem>> -> memref<1x128x64xf32, #tpu.memory_space<vmem>>
      %dma_wait3A_712 = tpu.memref_squeeze %dma_wait3A_711 : memref<1x128x64xf32, #tpu.memory_space<vmem>> -> memref<128x64xf32, #tpu.memory_space<vmem>>
      %dma_wait3A_713 = arith.constant 0 : i32
      %dma_wait3A_714 = tpu.memref_slice %arg6[%add3A_681, %dma_wait3A_713] : memref<80x128xi32, #tpu.memory_space<vmem>> -> memref<1x128xi32, #tpu.memory_space<vmem>>
      %dma_wait3A_715 = tpu.memref_squeeze %dma_wait3A_714 : memref<1x128xi32, #tpu.memory_space<vmem>> -> memref<128xi32, #tpu.memory_space<vmem>>
      %dma_wait3A_716 = arith.constant 0 : i32
      %dma_wait3A_717 = arith.constant 0 : i32
      %dma_wait3A_718 = tpu.memref_slice %arg2[%dma_wait3A_716, %dma_wait3A_717] : memref<10240x64xf32, #tpu.memory_space<hbm>> -> memref<10240x64xf32, #tpu.memory_space<hbm>>
      tpu.wait_indirect_dma semaphore(%arg13 : memref<!tpu.dma_semaphore, #tpu.memory_space<semaphore_mem>>) src(%dma_wait3A_718 : memref<10240x64xf32, #tpu.memory_space<hbm>>) dst(%dma_wait3A_712 : memref<128x64xf32, #tpu.memory_space<vmem>>)
      %dma_start3A_719 = arith.constant 2 : i32
      %dma_start3A_720 = arith.constant 0 : i32
      %dma_start3A_721 = arith.constant 0 : i32
      %dma_start3A_722 = tpu.memref_slice %arg8[%dma_start3A_719, %dma_start3A_720, %dma_start3A_721] : memref<4x128x64xf32, #tpu.memory_space<vmem>> -> memref<1x128x64xf32, #tpu.memory_space<vmem>>
      %dma_start3A_723 = tpu.memref_squeeze %dma_start3A_722 : memref<1x128x64xf32, #tpu.memory_space<vmem>> -> memref<128x64xf32, #tpu.memory_space<vmem>>
      %dma_start3A_724 = arith.constant 0 : i32
      %dma_start3A_725 = tpu.memref_slice %arg7[%add3A_681, %dma_start3A_724] : memref<80x128xi32, #tpu.memory_space<vmem>> -> memref<1x128xi32, #tpu.memory_space<vmem>>
      %dma_start3A_726 = tpu.memref_squeeze %dma_start3A_725 : memref<1x128xi32, #tpu.memory_space<vmem>> -> memref<128xi32, #tpu.memory_space<vmem>>
      %dma_start3A_727 = arith.constant 0 : i32
      %dma_start3A_728 = arith.constant 0 : i32
      %dma_start3A_729 = tpu.memref_slice %arg20[%dma_start3A_727, %dma_start3A_728] : memref<10240x64xf32, #tpu.memory_space<vmem_shared>> -> memref<10240x64xf32, #tpu.memory_space<vmem_shared>>
      tpu.enqueue_indirect_dma source(%dma_start3A_723 : memref<128x64xf32, #tpu.memory_space<vmem>>) target(%dma_start3A_729 : memref<10240x64xf32, #tpu.memory_space<vmem_shared>>) offsets(%dma_start3A_726 : memref<128xi32, #tpu.memory_space<vmem>>) semaphore(%arg17 : memref<!tpu.dma_semaphore, #tpu.memory_space<semaphore_mem>>) {add = true}
      %mul3A_730 = arith.constant 4 : i32
      %mul3A_731 = arith.muli %scan3A_574, %mul3A_730 : i32
      %add3A_732 = arith.constant 3 : i32
      %add3A_733 = arith.addi %mul3A_731, %add3A_732 : i32
      %add3A_734 = arith.constant 2 : i32
      %add3A_735 = arith.addi %add3A_733, %add3A_734 : i32
      %sub3A_736 = arith.constant 4 : i32
      %sub3A_737 = arith.subi %add3A_735, %sub3A_736 : i32
      %dma_wait3A_738 = arith.constant 1 : i32
      %dma_wait3A_739 = arith.constant 0 : i32
      %dma_wait3A_740 = arith.constant 0 : i32
      %dma_wait3A_741 = tpu.memref_slice %arg8[%dma_wait3A_738, %dma_wait3A_739, %dma_wait3A_740] : memref<4x128x64xf32, #tpu.memory_space<vmem>> -> memref<1x128x64xf32, #tpu.memory_space<vmem>>
      %dma_wait3A_742 = tpu.memref_squeeze %dma_wait3A_741 : memref<1x128x64xf32, #tpu.memory_space<vmem>> -> memref<128x64xf32, #tpu.memory_space<vmem>>
      %dma_wait3A_743 = arith.constant 0 : i32
      %dma_wait3A_744 = tpu.memref_slice %arg7[%sub3A_737, %dma_wait3A_743] : memref<80x128xi32, #tpu.memory_space<vmem>> -> memref<1x128xi32, #tpu.memory_space<vmem>>
      %dma_wait3A_745 = tpu.memref_squeeze %dma_wait3A_744 : memref<1x128xi32, #tpu.memory_space<vmem>> -> memref<128xi32, #tpu.memory_space<vmem>>
      %dma_wait3A_746 = arith.constant 0 : i32
      %dma_wait3A_747 = arith.constant 0 : i32
      %dma_wait3A_748 = tpu.memref_slice %arg20[%dma_wait3A_746, %dma_wait3A_747] : memref<10240x64xf32, #tpu.memory_space<vmem_shared>> -> memref<10240x64xf32, #tpu.memory_space<vmem_shared>>
      tpu.wait_indirect_dma semaphore(%arg16 : memref<!tpu.dma_semaphore, #tpu.memory_space<semaphore_mem>>) src(%dma_wait3A_742 : memref<128x64xf32, #tpu.memory_space<vmem>>) dst(%dma_wait3A_748 : memref<10240x64xf32, #tpu.memory_space<vmem_shared>>)
      %dma_start3A_749 = arith.constant 1 : i32
      %dma_start3A_750 = arith.constant 0 : i32
      %dma_start3A_751 = arith.constant 0 : i32
      %dma_start3A_752 = tpu.memref_slice %arg8[%dma_start3A_749, %dma_start3A_750, %dma_start3A_751] : memref<4x128x64xf32, #tpu.memory_space<vmem>> -> memref<1x128x64xf32, #tpu.memory_space<vmem>>
      %dma_start3A_753 = tpu.memref_squeeze %dma_start3A_752 : memref<1x128x64xf32, #tpu.memory_space<vmem>> -> memref<128x64xf32, #tpu.memory_space<vmem>>
      %dma_start3A_754 = arith.constant 0 : i32
      %dma_start3A_755 = tpu.memref_slice %arg6[%add3A_735, %dma_start3A_754] : memref<80x128xi32, #tpu.memory_space<vmem>> -> memref<1x128xi32, #tpu.memory_space<vmem>>
      %dma_start3A_756 = tpu.memref_squeeze %dma_start3A_755 : memref<1x128xi32, #tpu.memory_space<vmem>> -> memref<128xi32, #tpu.memory_space<vmem>>
      %dma_start3A_757 = arith.constant 0 : i32
      %dma_start3A_758 = arith.constant 0 : i32
      %dma_start3A_759 = tpu.memref_slice %arg2[%dma_start3A_757, %dma_start3A_758] : memref<10240x64xf32, #tpu.memory_space<hbm>> -> memref<10240x64xf32, #tpu.memory_space<hbm>>
      tpu.enqueue_indirect_dma source(%dma_start3A_759 : memref<10240x64xf32, #tpu.memory_space<hbm>>) target(%dma_start3A_753 : memref<128x64xf32, #tpu.memory_space<vmem>>) offsets(%dma_start3A_756 : memref<128xi32, #tpu.memory_space<vmem>>) semaphore(%arg12 : memref<!tpu.dma_semaphore, #tpu.memory_space<semaphore_mem>>)
      %dma_wait3A_760 = arith.constant 3 : i32
      %dma_wait3A_761 = arith.constant 0 : i32
      %dma_wait3A_762 = arith.constant 0 : i32
      %dma_wait3A_763 = tpu.memref_slice %arg8[%dma_wait3A_760, %dma_wait3A_761, %dma_wait3A_762] : memref<4x128x64xf32, #tpu.memory_space<vmem>> -> memref<1x128x64xf32, #tpu.memory_space<vmem>>
      %dma_wait3A_764 = tpu.memref_squeeze %dma_wait3A_763 : memref<1x128x64xf32, #tpu.memory_space<vmem>> -> memref<128x64xf32, #tpu.memory_space<vmem>>
      %dma_wait3A_765 = arith.constant 0 : i32
      %dma_wait3A_766 = tpu.memref_slice %arg6[%add3A_733, %dma_wait3A_765] : memref<80x128xi32, #tpu.memory_space<vmem>> -> memref<1x128xi32, #tpu.memory_space<vmem>>
      %dma_wait3A_767 = tpu.memref_squeeze %dma_wait3A_766 : memref<1x128xi32, #tpu.memory_space<vmem>> -> memref<128xi32, #tpu.memory_space<vmem>>
      %dma_wait3A_768 = arith.constant 0 : i32
      %dma_wait3A_769 = arith.constant 0 : i32
      %dma_wait3A_770 = tpu.memref_slice %arg2[%dma_wait3A_768, %dma_wait3A_769] : memref<10240x64xf32, #tpu.memory_space<hbm>> -> memref<10240x64xf32, #tpu.memory_space<hbm>>
      tpu.wait_indirect_dma semaphore(%arg14 : memref<!tpu.dma_semaphore, #tpu.memory_space<semaphore_mem>>) src(%dma_wait3A_770 : memref<10240x64xf32, #tpu.memory_space<hbm>>) dst(%dma_wait3A_764 : memref<128x64xf32, #tpu.memory_space<vmem>>)
      %dma_start3A_771 = arith.constant 3 : i32
      %dma_start3A_772 = arith.constant 0 : i32
      %dma_start3A_773 = arith.constant 0 : i32
      %dma_start3A_774 = tpu.memref_slice %arg8[%dma_start3A_771, %dma_start3A_772, %dma_start3A_773] : memref<4x128x64xf32, #tpu.memory_space<vmem>> -> memref<1x128x64xf32, #tpu.memory_space<vmem>>
      %dma_start3A_775 = tpu.memref_squeeze %dma_start3A_774 : memref<1x128x64xf32, #tpu.memory_space<vmem>> -> memref<128x64xf32, #tpu.memory_space<vmem>>
      %dma_start3A_776 = arith.constant 0 : i32
      %dma_start3A_777 = tpu.memref_slice %arg7[%add3A_733, %dma_start3A_776] : memref<80x128xi32, #tpu.memory_space<vmem>> -> memref<1x128xi32, #tpu.memory_space<vmem>>
      %dma_start3A_778 = tpu.memref_squeeze %dma_start3A_777 : memref<1x128xi32, #tpu.memory_space<vmem>> -> memref<128xi32, #tpu.memory_space<vmem>>
      %dma_start3A_779 = arith.constant 0 : i32
      %dma_start3A_780 = arith.constant 0 : i32
      %dma_start3A_781 = tpu.memref_slice %arg20[%dma_start3A_779, %dma_start3A_780] : memref<10240x64xf32, #tpu.memory_space<vmem_shared>> -> memref<10240x64xf32, #tpu.memory_space<vmem_shared>>
      tpu.enqueue_indirect_dma source(%dma_start3A_775 : memref<128x64xf32, #tpu.memory_space<vmem>>) target(%dma_start3A_781 : memref<10240x64xf32, #tpu.memory_space<vmem_shared>>) offsets(%dma_start3A_778 : memref<128xi32, #tpu.memory_space<vmem>>) semaphore(%arg18 : memref<!tpu.dma_semaphore, #tpu.memory_space<semaphore_mem>>) {add = true}
    }
    %scan3A_380 = arith.constant 18 : i32
    %dma_wait3A_381 = arith.constant 2 : i32
    %dma_wait3A_382 = arith.constant 74 : i32
    %dma_wait3A_383 = arith.constant 0 : i32
    %dma_wait3A_384 = arith.constant 0 : i32
    %dma_wait3A_385 = tpu.memref_slice %arg8[%dma_wait3A_381, %dma_wait3A_383, %dma_wait3A_384] : memref<4x128x64xf32, #tpu.memory_space<vmem>> -> memref<1x128x64xf32, #tpu.memory_space<vmem>>
    %dma_wait3A_386 = tpu.memref_squeeze %dma_wait3A_385 : memref<1x128x64xf32, #tpu.memory_space<vmem>> -> memref<128x64xf32, #tpu.memory_space<vmem>>
    %dma_wait3A_387 = arith.constant 0 : i32
    %dma_wait3A_388 = tpu.memref_slice %arg7[%dma_wait3A_382, %dma_wait3A_387] : memref<80x128xi32, #tpu.memory_space<vmem>> -> memref<1x128xi32, #tpu.memory_space<vmem>>
    %dma_wait3A_389 = tpu.memref_squeeze %dma_wait3A_388 : memref<1x128xi32, #tpu.memory_space<vmem>> -> memref<128xi32, #tpu.memory_space<vmem>>
    %dma_wait3A_390 = arith.constant 0 : i32
    %dma_wait3A_391 = arith.constant 0 : i32
    %dma_wait3A_392 = tpu.memref_slice %arg20[%dma_wait3A_390, %dma_wait3A_391] : memref<10240x64xf32, #tpu.memory_space<vmem_shared>> -> memref<10240x64xf32, #tpu.memory_space<vmem_shared>>
    tpu.wait_indirect_dma semaphore(%arg17 : memref<!tpu.dma_semaphore, #tpu.memory_space<semaphore_mem>>) src(%dma_wait3A_386 : memref<128x64xf32, #tpu.memory_space<vmem>>) dst(%dma_wait3A_392 : memref<10240x64xf32, #tpu.memory_space<vmem_shared>>)
    %dma_start3A_393 = arith.constant 78 : i32
    %dma_start3A_394 = arith.constant 2 : i32
    %dma_start3A_395 = arith.constant 0 : i32
    %dma_start3A_396 = arith.constant 0 : i32
    %dma_start3A_397 = tpu.memref_slice %arg8[%dma_start3A_394, %dma_start3A_395, %dma_start3A_396] : memref<4x128x64xf32, #tpu.memory_space<vmem>> -> memref<1x128x64xf32, #tpu.memory_space<vmem>>
    %dma_start3A_398 = tpu.memref_squeeze %dma_start3A_397 : memref<1x128x64xf32, #tpu.memory_space<vmem>> -> memref<128x64xf32, #tpu.memory_space<vmem>>
    %dma_start3A_399 = arith.constant 0 : i32
    %dma_start3A_400 = tpu.memref_slice %arg6[%dma_start3A_393, %dma_start3A_399] : memref<80x128xi32, #tpu.memory_space<vmem>> -> memref<1x128xi32, #tpu.memory_space<vmem>>
    %dma_start3A_401 = tpu.memref_squeeze %dma_start3A_400 : memref<1x128xi32, #tpu.memory_space<vmem>> -> memref<128xi32, #tpu.memory_space<vmem>>
    %dma_start3A_402 = arith.constant 0 : i32
    %dma_start3A_403 = arith.constant 0 : i32
    %dma_start3A_404 = tpu.memref_slice %arg2[%dma_start3A_402, %dma_start3A_403] : memref<10240x64xf32, #tpu.memory_space<hbm>> -> memref<10240x64xf32, #tpu.memory_space<hbm>>
    tpu.enqueue_indirect_dma source(%dma_start3A_404 : memref<10240x64xf32, #tpu.memory_space<hbm>>) target(%dma_start3A_398 : memref<128x64xf32, #tpu.memory_space<vmem>>) offsets(%dma_start3A_401 : memref<128xi32, #tpu.memory_space<vmem>>) semaphore(%arg13 : memref<!tpu.dma_semaphore, #tpu.memory_space<semaphore_mem>>)
    %dma_wait3A_405 = arith.constant 76 : i32
    %dma_wait3A_406 = arith.constant 0 : i32
    %dma_wait3A_407 = arith.constant 0 : i32
    %dma_wait3A_408 = arith.constant 0 : i32
    %dma_wait3A_409 = tpu.memref_slice %arg8[%dma_wait3A_406, %dma_wait3A_407, %dma_wait3A_408] : memref<4x128x64xf32, #tpu.memory_space<vmem>> -> memref<1x128x64xf32, #tpu.memory_space<vmem>>
    %dma_wait3A_410 = tpu.memref_squeeze %dma_wait3A_409 : memref<1x128x64xf32, #tpu.memory_space<vmem>> -> memref<128x64xf32, #tpu.memory_space<vmem>>
    %dma_wait3A_411 = arith.constant 0 : i32
    %dma_wait3A_412 = tpu.memref_slice %arg6[%dma_wait3A_405, %dma_wait3A_411] : memref<80x128xi32, #tpu.memory_space<vmem>> -> memref<1x128xi32, #tpu.memory_space<vmem>>
    %dma_wait3A_413 = tpu.memref_squeeze %dma_wait3A_412 : memref<1x128xi32, #tpu.memory_space<vmem>> -> memref<128xi32, #tpu.memory_space<vmem>>
    %dma_wait3A_414 = arith.constant 0 : i32
    %dma_wait3A_415 = arith.constant 0 : i32
    %dma_wait3A_416 = tpu.memref_slice %arg2[%dma_wait3A_414, %dma_wait3A_415] : memref<10240x64xf32, #tpu.memory_space<hbm>> -> memref<10240x64xf32, #tpu.memory_space<hbm>>
    tpu.wait_indirect_dma semaphore(%arg11 : memref<!tpu.dma_semaphore, #tpu.memory_space<semaphore_mem>>) src(%dma_wait3A_416 : memref<10240x64xf32, #tpu.memory_space<hbm>>) dst(%dma_wait3A_410 : memref<128x64xf32, #tpu.memory_space<vmem>>)
    %dma_start3A_417 = arith.constant 0 : i32
    %dma_start3A_418 = arith.constant 76 : i32
    %dma_start3A_419 = arith.constant 0 : i32
    %dma_start3A_420 = arith.constant 0 : i32
    %dma_start3A_421 = tpu.memref_slice %arg8[%dma_start3A_417, %dma_start3A_419, %dma_start3A_420] : memref<4x128x64xf32, #tpu.memory_space<vmem>> -> memref<1x128x64xf32, #tpu.memory_space<vmem>>
    %dma_start3A_422 = tpu.memref_squeeze %dma_start3A_421 : memref<1x128x64xf32, #tpu.memory_space<vmem>> -> memref<128x64xf32, #tpu.memory_space<vmem>>
    %dma_start3A_423 = arith.constant 0 : i32
    %dma_start3A_424 = tpu.memref_slice %arg7[%dma_start3A_418, %dma_start3A_423] : memref<80x128xi32, #tpu.memory_space<vmem>> -> memref<1x128xi32, #tpu.memory_space<vmem>>
    %dma_start3A_425 = tpu.memref_squeeze %dma_start3A_424 : memref<1x128xi32, #tpu.memory_space<vmem>> -> memref<128xi32, #tpu.memory_space<vmem>>
    %dma_start3A_426 = arith.constant 0 : i32
    %dma_start3A_427 = arith.constant 0 : i32
    %dma_start3A_428 = tpu.memref_slice %arg20[%dma_start3A_426, %dma_start3A_427] : memref<10240x64xf32, #tpu.memory_space<vmem_shared>> -> memref<10240x64xf32, #tpu.memory_space<vmem_shared>>
    tpu.enqueue_indirect_dma source(%dma_start3A_422 : memref<128x64xf32, #tpu.memory_space<vmem>>) target(%dma_start3A_428 : memref<10240x64xf32, #tpu.memory_space<vmem_shared>>) offsets(%dma_start3A_425 : memref<128xi32, #tpu.memory_space<vmem>>) semaphore(%arg15 : memref<!tpu.dma_semaphore, #tpu.memory_space<semaphore_mem>>) {add = true}
    %dma_wait3A_429 = arith.constant 3 : i32
    %dma_wait3A_430 = arith.constant 75 : i32
    %dma_wait3A_431 = arith.constant 0 : i32
    %dma_wait3A_432 = arith.constant 0 : i32
    %dma_wait3A_433 = tpu.memref_slice %arg8[%dma_wait3A_429, %dma_wait3A_431, %dma_wait3A_432] : memref<4x128x64xf32, #tpu.memory_space<vmem>> -> memref<1x128x64xf32, #tpu.memory_space<vmem>>
    %dma_wait3A_434 = tpu.memref_squeeze %dma_wait3A_433 : memref<1x128x64xf32, #tpu.memory_space<vmem>> -> memref<128x64xf32, #tpu.memory_space<vmem>>
    %dma_wait3A_435 = arith.constant 0 : i32
    %dma_wait3A_436 = tpu.memref_slice %arg7[%dma_wait3A_430, %dma_wait3A_435] : memref<80x128xi32, #tpu.memory_space<vmem>> -> memref<1x128xi32, #tpu.memory_space<vmem>>
    %dma_wait3A_437 = tpu.memref_squeeze %dma_wait3A_436 : memref<1x128xi32, #tpu.memory_space<vmem>> -> memref<128xi32, #tpu.memory_space<vmem>>
    %dma_wait3A_438 = arith.constant 0 : i32
    %dma_wait3A_439 = arith.constant 0 : i32
    %dma_wait3A_440 = tpu.memref_slice %arg20[%dma_wait3A_438, %dma_wait3A_439] : memref<10240x64xf32, #tpu.memory_space<vmem_shared>> -> memref<10240x64xf32, #tpu.memory_space<vmem_shared>>
    tpu.wait_indirect_dma semaphore(%arg18 : memref<!tpu.dma_semaphore, #tpu.memory_space<semaphore_mem>>) src(%dma_wait3A_434 : memref<128x64xf32, #tpu.memory_space<vmem>>) dst(%dma_wait3A_440 : memref<10240x64xf32, #tpu.memory_space<vmem_shared>>)
    %dma_start3A_441 = arith.constant 79 : i32
    %dma_start3A_442 = arith.constant 3 : i32
    %dma_start3A_443 = arith.constant 0 : i32
    %dma_start3A_444 = arith.constant 0 : i32
    %dma_start3A_445 = tpu.memref_slice %arg8[%dma_start3A_442, %dma_start3A_443, %dma_start3A_444] : memref<4x128x64xf32, #tpu.memory_space<vmem>> -> memref<1x128x64xf32, #tpu.memory_space<vmem>>
    %dma_start3A_446 = tpu.memref_squeeze %dma_start3A_445 : memref<1x128x64xf32, #tpu.memory_space<vmem>> -> memref<128x64xf32, #tpu.memory_space<vmem>>
    %dma_start3A_447 = arith.constant 0 : i32
    %dma_start3A_448 = tpu.memref_slice %arg6[%dma_start3A_441, %dma_start3A_447] : memref<80x128xi32, #tpu.memory_space<vmem>> -> memref<1x128xi32, #tpu.memory_space<vmem>>
    %dma_start3A_449 = tpu.memref_squeeze %dma_start3A_448 : memref<1x128xi32, #tpu.memory_space<vmem>> -> memref<128xi32, #tpu.memory_space<vmem>>
    %dma_start3A_450 = arith.constant 0 : i32
    %dma_start3A_451 = arith.constant 0 : i32
    %dma_start3A_452 = tpu.memref_slice %arg2[%dma_start3A_450, %dma_start3A_451] : memref<10240x64xf32, #tpu.memory_space<hbm>> -> memref<10240x64xf32, #tpu.memory_space<hbm>>
    tpu.enqueue_indirect_dma source(%dma_start3A_452 : memref<10240x64xf32, #tpu.memory_space<hbm>>) target(%dma_start3A_446 : memref<128x64xf32, #tpu.memory_space<vmem>>) offsets(%dma_start3A_449 : memref<128xi32, #tpu.memory_space<vmem>>) semaphore(%arg14 : memref<!tpu.dma_semaphore, #tpu.memory_space<semaphore_mem>>)
    %dma_wait3A_453 = arith.constant 77 : i32
    %dma_wait3A_454 = arith.constant 1 : i32
    %dma_wait3A_455 = arith.constant 0 : i32
    %dma_wait3A_456 = arith.constant 0 : i32
    %dma_wait3A_457 = tpu.memref_slice %arg8[%dma_wait3A_454, %dma_wait3A_455, %dma_wait3A_456] : memref<4x128x64xf32, #tpu.memory_space<vmem>> -> memref<1x128x64xf32, #tpu.memory_space<vmem>>
    %dma_wait3A_458 = tpu.memref_squeeze %dma_wait3A_457 : memref<1x128x64xf32, #tpu.memory_space<vmem>> -> memref<128x64xf32, #tpu.memory_space<vmem>>
    %dma_wait3A_459 = arith.constant 0 : i32
    %dma_wait3A_460 = tpu.memref_slice %arg6[%dma_wait3A_453, %dma_wait3A_459] : memref<80x128xi32, #tpu.memory_space<vmem>> -> memref<1x128xi32, #tpu.memory_space<vmem>>
    %dma_wait3A_461 = tpu.memref_squeeze %dma_wait3A_460 : memref<1x128xi32, #tpu.memory_space<vmem>> -> memref<128xi32, #tpu.memory_space<vmem>>
    %dma_wait3A_462 = arith.constant 0 : i32
    %dma_wait3A_463 = arith.constant 0 : i32
    %dma_wait3A_464 = tpu.memref_slice %arg2[%dma_wait3A_462, %dma_wait3A_463] : memref<10240x64xf32, #tpu.memory_space<hbm>> -> memref<10240x64xf32, #tpu.memory_space<hbm>>
    tpu.wait_indirect_dma semaphore(%arg12 : memref<!tpu.dma_semaphore, #tpu.memory_space<semaphore_mem>>) src(%dma_wait3A_464 : memref<10240x64xf32, #tpu.memory_space<hbm>>) dst(%dma_wait3A_458 : memref<128x64xf32, #tpu.memory_space<vmem>>)
    %dma_start3A_465 = arith.constant 1 : i32
    %dma_start3A_466 = arith.constant 77 : i32
    %dma_start3A_467 = arith.constant 0 : i32
    %dma_start3A_468 = arith.constant 0 : i32
    %dma_start3A_469 = tpu.memref_slice %arg8[%dma_start3A_465, %dma_start3A_467, %dma_start3A_468] : memref<4x128x64xf32, #tpu.memory_space<vmem>> -> memref<1x128x64xf32, #tpu.memory_space<vmem>>
    %dma_start3A_470 = tpu.memref_squeeze %dma_start3A_469 : memref<1x128x64xf32, #tpu.memory_space<vmem>> -> memref<128x64xf32, #tpu.memory_space<vmem>>
    %dma_start3A_471 = arith.constant 0 : i32
    %dma_start3A_472 = tpu.memref_slice %arg7[%dma_start3A_466, %dma_start3A_471] : memref<80x128xi32, #tpu.memory_space<vmem>> -> memref<1x128xi32, #tpu.memory_space<vmem>>
    %dma_start3A_473 = tpu.memref_squeeze %dma_start3A_472 : memref<1x128xi32, #tpu.memory_space<vmem>> -> memref<128xi32, #tpu.memory_space<vmem>>
    %dma_start3A_474 = arith.constant 0 : i32
    %dma_start3A_475 = arith.constant 0 : i32
    %dma_start3A_476 = tpu.memref_slice %arg20[%dma_start3A_474, %dma_start3A_475] : memref<10240x64xf32, #tpu.memory_space<vmem_shared>> -> memref<10240x64xf32, #tpu.memory_space<vmem_shared>>
    tpu.enqueue_indirect_dma source(%dma_start3A_470 : memref<128x64xf32, #tpu.memory_space<vmem>>) target(%dma_start3A_476 : memref<10240x64xf32, #tpu.memory_space<vmem_shared>>) offsets(%dma_start3A_473 : memref<128xi32, #tpu.memory_space<vmem>>) semaphore(%arg16 : memref<!tpu.dma_semaphore, #tpu.memory_space<semaphore_mem>>) {add = true}
    %dma_wait3A_477 = arith.constant 78 : i32
    %dma_wait3A_478 = arith.constant 2 : i32
    %dma_wait3A_479 = arith.constant 0 : i32
    %dma_wait3A_480 = arith.constant 0 : i32
    %dma_wait3A_481 = tpu.memref_slice %arg8[%dma_wait3A_478, %dma_wait3A_479, %dma_wait3A_480] : memref<4x128x64xf32, #tpu.memory_space<vmem>> -> memref<1x128x64xf32, #tpu.memory_space<vmem>>
    %dma_wait3A_482 = tpu.memref_squeeze %dma_wait3A_481 : memref<1x128x64xf32, #tpu.memory_space<vmem>> -> memref<128x64xf32, #tpu.memory_space<vmem>>
    %dma_wait3A_483 = arith.constant 0 : i32
    %dma_wait3A_484 = tpu.memref_slice %arg6[%dma_wait3A_477, %dma_wait3A_483] : memref<80x128xi32, #tpu.memory_space<vmem>> -> memref<1x128xi32, #tpu.memory_space<vmem>>
    %dma_wait3A_485 = tpu.memref_squeeze %dma_wait3A_484 : memref<1x128xi32, #tpu.memory_space<vmem>> -> memref<128xi32, #tpu.memory_space<vmem>>
    %dma_wait3A_486 = arith.constant 0 : i32
    %dma_wait3A_487 = arith.constant 0 : i32
    %dma_wait3A_488 = tpu.memref_slice %arg2[%dma_wait3A_486, %dma_wait3A_487] : memref<10240x64xf32, #tpu.memory_space<hbm>> -> memref<10240x64xf32, #tpu.memory_space<hbm>>
    tpu.wait_indirect_dma semaphore(%arg13 : memref<!tpu.dma_semaphore, #tpu.memory_space<semaphore_mem>>) src(%dma_wait3A_488 : memref<10240x64xf32, #tpu.memory_space<hbm>>) dst(%dma_wait3A_482 : memref<128x64xf32, #tpu.memory_space<vmem>>)
    %dma_start3A_489 = arith.constant 2 : i32
    %dma_start3A_490 = arith.constant 78 : i32
    %dma_start3A_491 = arith.constant 0 : i32
    %dma_start3A_492 = arith.constant 0 : i32
    %dma_start3A_493 = tpu.memref_slice %arg8[%dma_start3A_489, %dma_start3A_491, %dma_start3A_492] : memref<4x128x64xf32, #tpu.memory_space<vmem>> -> memref<1x128x64xf32, #tpu.memory_space<vmem>>
    %dma_start3A_494 = tpu.memref_squeeze %dma_start3A_493 : memref<1x128x64xf32, #tpu.memory_space<vmem>> -> memref<128x64xf32, #tpu.memory_space<vmem>>
    %dma_start3A_495 = arith.constant 0 : i32
    %dma_start3A_496 = tpu.memref_slice %arg7[%dma_start3A_490, %dma_start3A_495] : memref<80x128xi32, #tpu.memory_space<vmem>> -> memref<1x128xi32, #tpu.memory_space<vmem>>
    %dma_start3A_497 = tpu.memref_squeeze %dma_start3A_496 : memref<1x128xi32, #tpu.memory_space<vmem>> -> memref<128xi32, #tpu.memory_space<vmem>>
    %dma_start3A_498 = arith.constant 0 : i32
    %dma_start3A_499 = arith.constant 0 : i32
    %dma_start3A_500 = tpu.memref_slice %arg20[%dma_start3A_498, %dma_start3A_499] : memref<10240x64xf32, #tpu.memory_space<vmem_shared>> -> memref<10240x64xf32, #tpu.memory_space<vmem_shared>>
    tpu.enqueue_indirect_dma source(%dma_start3A_494 : memref<128x64xf32, #tpu.memory_space<vmem>>) target(%dma_start3A_500 : memref<10240x64xf32, #tpu.memory_space<vmem_shared>>) offsets(%dma_start3A_497 : memref<128xi32, #tpu.memory_space<vmem>>) semaphore(%arg17 : memref<!tpu.dma_semaphore, #tpu.memory_space<semaphore_mem>>) {add = true}
    %dma_wait3A_501 = arith.constant 79 : i32
    %dma_wait3A_502 = arith.constant 3 : i32
    %dma_wait3A_503 = arith.constant 0 : i32
    %dma_wait3A_504 = arith.constant 0 : i32
    %dma_wait3A_505 = tpu.memref_slice %arg8[%dma_wait3A_502, %dma_wait3A_503, %dma_wait3A_504] : memref<4x128x64xf32, #tpu.memory_space<vmem>> -> memref<1x128x64xf32, #tpu.memory_space<vmem>>
    %dma_wait3A_506 = tpu.memref_squeeze %dma_wait3A_505 : memref<1x128x64xf32, #tpu.memory_space<vmem>> -> memref<128x64xf32, #tpu.memory_space<vmem>>
    %dma_wait3A_507 = arith.constant 0 : i32
    %dma_wait3A_508 = tpu.memref_slice %arg6[%dma_wait3A_501, %dma_wait3A_507] : memref<80x128xi32, #tpu.memory_space<vmem>> -> memref<1x128xi32, #tpu.memory_space<vmem>>
    %dma_wait3A_509 = tpu.memref_squeeze %dma_wait3A_508 : memref<1x128xi32, #tpu.memory_space<vmem>> -> memref<128xi32, #tpu.memory_space<vmem>>
    %dma_wait3A_510 = arith.constant 0 : i32
    %dma_wait3A_511 = arith.constant 0 : i32
    %dma_wait3A_512 = tpu.memref_slice %arg2[%dma_wait3A_510, %dma_wait3A_511] : memref<10240x64xf32, #tpu.memory_space<hbm>> -> memref<10240x64xf32, #tpu.memory_space<hbm>>
    tpu.wait_indirect_dma semaphore(%arg14 : memref<!tpu.dma_semaphore, #tpu.memory_space<semaphore_mem>>) src(%dma_wait3A_512 : memref<10240x64xf32, #tpu.memory_space<hbm>>) dst(%dma_wait3A_506 : memref<128x64xf32, #tpu.memory_space<vmem>>)
    %dma_start3A_513 = arith.constant 3 : i32
    %dma_start3A_514 = arith.constant 79 : i32
    %dma_start3A_515 = arith.constant 0 : i32
    %dma_start3A_516 = arith.constant 0 : i32
    %dma_start3A_517 = tpu.memref_slice %arg8[%dma_start3A_513, %dma_start3A_515, %dma_start3A_516] : memref<4x128x64xf32, #tpu.memory_space<vmem>> -> memref<1x128x64xf32, #tpu.memory_space<vmem>>
    %dma_start3A_518 = tpu.memref_squeeze %dma_start3A_517 : memref<1x128x64xf32, #tpu.memory_space<vmem>> -> memref<128x64xf32, #tpu.memory_space<vmem>>
    %dma_start3A_519 = arith.constant 0 : i32
    %dma_start3A_520 = tpu.memref_slice %arg7[%dma_start3A_514, %dma_start3A_519] : memref<80x128xi32, #tpu.memory_space<vmem>> -> memref<1x128xi32, #tpu.memory_space<vmem>>
    %dma_start3A_521 = tpu.memref_squeeze %dma_start3A_520 : memref<1x128xi32, #tpu.memory_space<vmem>> -> memref<128xi32, #tpu.memory_space<vmem>>
    %dma_start3A_522 = arith.constant 0 : i32
    %dma_start3A_523 = arith.constant 0 : i32
    %dma_start3A_524 = tpu.memref_slice %arg20[%dma_start3A_522, %dma_start3A_523] : memref<10240x64xf32, #tpu.memory_space<vmem_shared>> -> memref<10240x64xf32, #tpu.memory_space<vmem_shared>>
    tpu.enqueue_indirect_dma source(%dma_start3A_518 : memref<128x64xf32, #tpu.memory_space<vmem>>) target(%dma_start3A_524 : memref<10240x64xf32, #tpu.memory_space<vmem_shared>>) offsets(%dma_start3A_521 : memref<128xi32, #tpu.memory_space<vmem>>) semaphore(%arg18 : memref<!tpu.dma_semaphore, #tpu.memory_space<semaphore_mem>>) {add = true}
    %dma_wait3A_525 = arith.constant 0 : i32
    %dma_wait3A_526 = arith.constant 76 : i32
    %dma_wait3A_527 = arith.constant 0 : i32
    %dma_wait3A_528 = arith.constant 0 : i32
    %dma_wait3A_529 = tpu.memref_slice %arg8[%dma_wait3A_525, %dma_wait3A_527, %dma_wait3A_528] : memref<4x128x64xf32, #tpu.memory_space<vmem>> -> memref<1x128x64xf32, #tpu.memory_space<vmem>>
    %dma_wait3A_530 = tpu.memref_squeeze %dma_wait3A_529 : memref<1x128x64xf32, #tpu.memory_space<vmem>> -> memref<128x64xf32, #tpu.memory_space<vmem>>
    %dma_wait3A_531 = arith.constant 0 : i32
    %dma_wait3A_532 = tpu.memref_slice %arg7[%dma_wait3A_526, %dma_wait3A_531] : memref<80x128xi32, #tpu.memory_space<vmem>> -> memref<1x128xi32, #tpu.memory_space<vmem>>
    %dma_wait3A_533 = tpu.memref_squeeze %dma_wait3A_532 : memref<1x128xi32, #tpu.memory_space<vmem>> -> memref<128xi32, #tpu.memory_space<vmem>>
    %dma_wait3A_534 = arith.constant 0 : i32
    %dma_wait3A_535 = arith.constant 0 : i32
    %dma_wait3A_536 = tpu.memref_slice %arg20[%dma_wait3A_534, %dma_wait3A_535] : memref<10240x64xf32, #tpu.memory_space<vmem_shared>> -> memref<10240x64xf32, #tpu.memory_space<vmem_shared>>
    tpu.wait_indirect_dma semaphore(%arg15 : memref<!tpu.dma_semaphore, #tpu.memory_space<semaphore_mem>>) src(%dma_wait3A_530 : memref<128x64xf32, #tpu.memory_space<vmem>>) dst(%dma_wait3A_536 : memref<10240x64xf32, #tpu.memory_space<vmem_shared>>)
    %dma_wait3A_537 = arith.constant 1 : i32
    %dma_wait3A_538 = arith.constant 77 : i32
    %dma_wait3A_539 = arith.constant 0 : i32
    %dma_wait3A_540 = arith.constant 0 : i32
    %dma_wait3A_541 = tpu.memref_slice %arg8[%dma_wait3A_537, %dma_wait3A_539, %dma_wait3A_540] : memref<4x128x64xf32, #tpu.memory_space<vmem>> -> memref<1x128x64xf32, #tpu.memory_space<vmem>>
    %dma_wait3A_542 = tpu.memref_squeeze %dma_wait3A_541 : memref<1x128x64xf32, #tpu.memory_space<vmem>> -> memref<128x64xf32, #tpu.memory_space<vmem>>
    %dma_wait3A_543 = arith.constant 0 : i32
    %dma_wait3A_544 = tpu.memref_slice %arg7[%dma_wait3A_538, %dma_wait3A_543] : memref<80x128xi32, #tpu.memory_space<vmem>> -> memref<1x128xi32, #tpu.memory_space<vmem>>
    %dma_wait3A_545 = tpu.memref_squeeze %dma_wait3A_544 : memref<1x128xi32, #tpu.memory_space<vmem>> -> memref<128xi32, #tpu.memory_space<vmem>>
    %dma_wait3A_546 = arith.constant 0 : i32
    %dma_wait3A_547 = arith.constant 0 : i32
    %dma_wait3A_548 = tpu.memref_slice %arg20[%dma_wait3A_546, %dma_wait3A_547] : memref<10240x64xf32, #tpu.memory_space<vmem_shared>> -> memref<10240x64xf32, #tpu.memory_space<vmem_shared>>
    tpu.wait_indirect_dma semaphore(%arg16 : memref<!tpu.dma_semaphore, #tpu.memory_space<semaphore_mem>>) src(%dma_wait3A_542 : memref<128x64xf32, #tpu.memory_space<vmem>>) dst(%dma_wait3A_548 : memref<10240x64xf32, #tpu.memory_space<vmem_shared>>)
    %dma_wait3A_549 = arith.constant 2 : i32
    %dma_wait3A_550 = arith.constant 78 : i32
    %dma_wait3A_551 = arith.constant 0 : i32
    %dma_wait3A_552 = arith.constant 0 : i32
    %dma_wait3A_553 = tpu.memref_slice %arg8[%dma_wait3A_549, %dma_wait3A_551, %dma_wait3A_552] : memref<4x128x64xf32, #tpu.memory_space<vmem>> -> memref<1x128x64xf32, #tpu.memory_space<vmem>>
    %dma_wait3A_554 = tpu.memref_squeeze %dma_wait3A_553 : memref<1x128x64xf32, #tpu.memory_space<vmem>> -> memref<128x64xf32, #tpu.memory_space<vmem>>
    %dma_wait3A_555 = arith.constant 0 : i32
    %dma_wait3A_556 = tpu.memref_slice %arg7[%dma_wait3A_550, %dma_wait3A_555] : memref<80x128xi32, #tpu.memory_space<vmem>> -> memref<1x128xi32, #tpu.memory_space<vmem>>
    %dma_wait3A_557 = tpu.memref_squeeze %dma_wait3A_556 : memref<1x128xi32, #tpu.memory_space<vmem>> -> memref<128xi32, #tpu.memory_space<vmem>>
    %dma_wait3A_558 = arith.constant 0 : i32
    %dma_wait3A_559 = arith.constant 0 : i32
    %dma_wait3A_560 = tpu.memref_slice %arg20[%dma_wait3A_558, %dma_wait3A_559] : memref<10240x64xf32, #tpu.memory_space<vmem_shared>> -> memref<10240x64xf32, #tpu.memory_space<vmem_shared>>
    tpu.wait_indirect_dma semaphore(%arg17 : memref<!tpu.dma_semaphore, #tpu.memory_space<semaphore_mem>>) src(%dma_wait3A_554 : memref<128x64xf32, #tpu.memory_space<vmem>>) dst(%dma_wait3A_560 : memref<10240x64xf32, #tpu.memory_space<vmem_shared>>)
    %dma_wait3A_561 = arith.constant 3 : i32
    %dma_wait3A_562 = arith.constant 79 : i32
    %dma_wait3A_563 = arith.constant 0 : i32
    %dma_wait3A_564 = arith.constant 0 : i32
    %dma_wait3A_565 = tpu.memref_slice %arg8[%dma_wait3A_561, %dma_wait3A_563, %dma_wait3A_564] : memref<4x128x64xf32, #tpu.memory_space<vmem>> -> memref<1x128x64xf32, #tpu.memory_space<vmem>>
    %dma_wait3A_566 = tpu.memref_squeeze %dma_wait3A_565 : memref<1x128x64xf32, #tpu.memory_space<vmem>> -> memref<128x64xf32, #tpu.memory_space<vmem>>
    %dma_wait3A_567 = arith.constant 0 : i32
    %dma_wait3A_568 = tpu.memref_slice %arg7[%dma_wait3A_562, %dma_wait3A_567] : memref<80x128xi32, #tpu.memory_space<vmem>> -> memref<1x128xi32, #tpu.memory_space<vmem>>
    %dma_wait3A_569 = tpu.memref_squeeze %dma_wait3A_568 : memref<1x128xi32, #tpu.memory_space<vmem>> -> memref<128xi32, #tpu.memory_space<vmem>>
    %dma_wait3A_570 = arith.constant 0 : i32
    %dma_wait3A_571 = arith.constant 0 : i32
    %dma_wait3A_572 = tpu.memref_slice %arg20[%dma_wait3A_570, %dma_wait3A_571] : memref<10240x64xf32, #tpu.memory_space<vmem_shared>> -> memref<10240x64xf32, #tpu.memory_space<vmem_shared>>
    tpu.wait_indirect_dma semaphore(%arg18 : memref<!tpu.dma_semaphore, #tpu.memory_space<semaphore_mem>>) src(%dma_wait3A_566 : memref<128x64xf32, #tpu.memory_space<vmem>>) dst(%dma_wait3A_572 : memref<10240x64xf32, #tpu.memory_space<vmem_shared>>)
    %barrier3A_573 = arith.constant 0 : index
    tpu.barrier barrier_id(%barrier3A_573)
    "tpu.region"() ({
      %run_scoped3A = tpu.sem_alloc : memref<!tpu.dma_semaphore, #tpu.memory_space<semaphore_mem>>
      %dma_start3A_574 = arith.constant 0 : i32
      %dma_start3A_575 = tpu.memref_slice %arg5[%arg0, %mul3A_52, %dma_start3A_574] : memref<2x10240x64xf32, #tpu.memory_space<hbm>> -> memref<1x640x64xf32, #tpu.memory_space<hbm>>
      %dma_start3A_576 = tpu.memref_squeeze %dma_start3A_575 : memref<1x640x64xf32, #tpu.memory_space<hbm>> -> memref<640x64xf32, #tpu.memory_space<hbm>>
      %dma_start3A_577 = arith.constant 0 : i32
      %dma_start3A_578 = tpu.memref_slice %arg20[%mul3A_52, %dma_start3A_577] : memref<10240x64xf32, #tpu.memory_space<vmem_shared>> -> memref<640x64xf32, #tpu.memory_space<vmem_shared>>
      tpu.enqueue_dma source(%dma_start3A_578 : memref<640x64xf32, #tpu.memory_space<vmem_shared>>) target(%dma_start3A_576 : memref<640x64xf32, #tpu.memory_space<hbm>>) target_semaphore(%run_scoped3A : memref<!tpu.dma_semaphore, #tpu.memory_space<semaphore_mem>>)
      %dma_wait3A_579 = arith.constant 0 : i32
      %dma_wait3A_580 = tpu.memref_slice %arg5[%arg0, %mul3A_52, %dma_wait3A_579] : memref<2x10240x64xf32, #tpu.memory_space<hbm>> -> memref<1x640x64xf32, #tpu.memory_space<hbm>>
      %dma_wait3A_581 = tpu.memref_squeeze %dma_wait3A_580 : memref<1x640x64xf32, #tpu.memory_space<hbm>> -> memref<640x64xf32, #tpu.memory_space<hbm>>
      %dma_wait3A_582 = arith.constant 0 : i32
      %dma_wait3A_583 = tpu.memref_slice %arg20[%mul3A_52, %dma_wait3A_582] : memref<10240x64xf32, #tpu.memory_space<vmem_shared>> -> memref<640x64xf32, #tpu.memory_space<vmem_shared>>
      tpu.wait_dma2 semaphore(%run_scoped3A : memref<!tpu.dma_semaphore, #tpu.memory_space<semaphore_mem>>) src(%dma_wait3A_583 : memref<640x64xf32, #tpu.memory_space<vmem_shared>>) dst(%dma_wait3A_581 : memref<640x64xf32, #tpu.memory_space<hbm>>)
      tpu.yield
    }) : () -> ()
    return
  }
}

module attributes {stable_mosaic.version = 14 : i64} {
  func.func @body(%arg0: i32, %arg1: memref<1280x128xf32, #tpu.memory_space<vmem>>, %arg2: memref<128x128xf32, #tpu.memory_space<vmem>>, %arg3: memref<128x128xf32, #tpu.memory_space<vmem>>, %arg4: memref<1x128xf32, #tpu.memory_space<vmem>>, %arg5: memref<640x128xf32, #tpu.memory_space<vmem>>, %arg6: memref<640x128xf32, #tpu.memory_space<vmem>>, %arg7: memref<1280x128xf32, #tpu.memory_space<vmem>>) attributes {dimension_semantics = [#tpu.dimension_semantics<arbitrary>], iteration_bounds = array<i64: 8>, scalar_prefetch = 0 : i64, scratch_operands = 0 : i64, tpu.core_type = #tpu.core_type<tc>, window_params = [{transform_indices = @transform_0, window_bounds = array<i64: 1280, 128>}, {pipeline_mode = #tpu.pipeline_mode<synchronous>, transform_indices = @transform_1, window_bounds = array<i64: 128, 128>}, {pipeline_mode = #tpu.pipeline_mode<synchronous>, transform_indices = @transform_2, window_bounds = array<i64: 128, 128>}, {pipeline_mode = #tpu.pipeline_mode<synchronous>, transform_indices = @transform_3, window_bounds = array<i64: 1, 128>}, {transform_indices = @transform_4, window_bounds = array<i64: 640, 128>}, {transform_indices = @transform_5, window_bounds = array<i64: 640, 128>}, {transform_indices = @transform_6, window_bounds = array<i64: 1280, 128>}]} {
    %get3A = arith.constant 0 : index
    %get3A_0 = arith.constant 0 : index
    %get3A_1 = vector.load %arg1[%get3A, %get3A_0] : memref<1280x128xf32, #tpu.memory_space<vmem>>, vector<1280x128xf32>
    %get3A_2 = arith.constant 0 : index
    %get3A_3 = arith.constant 0 : index
    %get3A_4 = vector.load %arg2[%get3A_2, %get3A_3] : memref<128x128xf32, #tpu.memory_space<vmem>>, vector<128x128xf32>
    %dot_general3A = arith.constant dense<0.000000e+00> : vector<1280x128xf32>
    %dot_general3A_5 = tpu.matmul %get3A_1, %get3A_4, %dot_general3A {dimension_numbers = #tpu.dot_dimension_numbers<[1], [0], [0], [1], [0, 0, 1, 1], [], []>, transpose_lhs_hint = false} : vector<1280x128xf32>, vector<128x128xf32>, vector<1280x128xf32> -> vector<1280x128xf32>
    %slice3A = vector.extract_strided_slice %dot_general3A_5 {offsets = [0, 0], sizes = [1280, 64], strides = [1, 1]} : vector<1280x128xf32> to vector<1280x64xf32>
    %reshape3A = vector.shape_cast %slice3A : vector<1280x64xf32> to vector<640x2x64xf32>
    %slice3A_6 = vector.extract_strided_slice %reshape3A {offsets = [0, 0, 0], sizes = [640, 1, 64], strides = [1, 1, 1]} : vector<640x2x64xf32> to vector<640x1x64xf32>
    %squeeze3A = vector.shape_cast %slice3A_6 : vector<640x1x64xf32> to vector<640x64xf32>
    %slice3A_7 = vector.extract_strided_slice %reshape3A {offsets = [0, 1, 0], sizes = [640, 1, 64], strides = [1, 1, 1]} : vector<640x2x64xf32> to vector<640x1x64xf32>
    %squeeze3A_8 = vector.shape_cast %slice3A_7 : vector<640x1x64xf32> to vector<640x64xf32>
    %concatenate3A = tpu.concatenate %squeeze3A, %squeeze3A_8 in 1 : vector<640x64xf32>, vector<640x64xf32> -> vector<640x128xf32>
    %swap3A = arith.constant 0 : index
    %swap3A_9 = arith.constant 0 : index
    %swap3A_10 = vector.load %arg5[%swap3A, %swap3A_9] : memref<640x128xf32, #tpu.memory_space<vmem>>, vector<640x128xf32>
    tpu.vector_store %arg5[%swap3A, %swap3A_9], %concatenate3A {strides = array<i32>} : memref<640x128xf32, #tpu.memory_space<vmem>>, vector<640x128xf32>,
    %slice3A_11 = vector.extract_strided_slice %dot_general3A_5 {offsets = [0, 64], sizes = [1280, 64], strides = [1, 1]} : vector<1280x128xf32> to vector<1280x64xf32>
    %reshape3A_12 = vector.shape_cast %slice3A_11 : vector<1280x64xf32> to vector<640x2x64xf32>
    %slice3A_13 = vector.extract_strided_slice %reshape3A_12 {offsets = [0, 0, 0], sizes = [640, 1, 64], strides = [1, 1, 1]} : vector<640x2x64xf32> to vector<640x1x64xf32>
    %squeeze3A_14 = vector.shape_cast %slice3A_13 : vector<640x1x64xf32> to vector<640x64xf32>
    %slice3A_15 = vector.extract_strided_slice %reshape3A_12 {offsets = [0, 1, 0], sizes = [640, 1, 64], strides = [1, 1, 1]} : vector<640x2x64xf32> to vector<640x1x64xf32>
    %squeeze3A_16 = vector.shape_cast %slice3A_15 : vector<640x1x64xf32> to vector<640x64xf32>
    %concatenate3A_17 = tpu.concatenate %squeeze3A_14, %squeeze3A_16 in 1 : vector<640x64xf32>, vector<640x64xf32> -> vector<640x128xf32>
    %swap3A_18 = arith.constant 0 : index
    %swap3A_19 = arith.constant 0 : index
    %swap3A_20 = vector.load %arg6[%swap3A_18, %swap3A_19] : memref<640x128xf32, #tpu.memory_space<vmem>>, vector<640x128xf32>
    tpu.vector_store %arg6[%swap3A_18, %swap3A_19], %concatenate3A_17 {strides = array<i32>} : memref<640x128xf32, #tpu.memory_space<vmem>>, vector<640x128xf32>,
    %get3A_21 = arith.constant 0 : index
    %get3A_22 = arith.constant 0 : index
    %get3A_23 = vector.load %arg3[%get3A_21, %get3A_22] : memref<128x128xf32, #tpu.memory_space<vmem>>, vector<128x128xf32>
    %dot_general3A_24 = arith.constant dense<0.000000e+00> : vector<1280x128xf32>
    %dot_general3A_25 = tpu.matmul %get3A_1, %get3A_23, %dot_general3A_24 {dimension_numbers = #tpu.dot_dimension_numbers<[1], [0], [0], [1], [0, 0, 1, 1], [], []>, transpose_lhs_hint = false} : vector<1280x128xf32>, vector<128x128xf32>, vector<1280x128xf32> -> vector<1280x128xf32>
    %get3A_26 = arith.constant 0 : index
    %get3A_27 = arith.constant 0 : index
    %get3A_28 = vector.load %arg4[%get3A_26, %get3A_27] : memref<1x128xf32, #tpu.memory_space<vmem>>, vector<1x128xf32>
    %add3A = vector.broadcast %get3A_28 : vector<1x128xf32> to vector<1280x128xf32>
    %add3A_29 = arith.addf %dot_general3A_25, %add3A : vector<1280x128xf32>
    %swap3A_30 = arith.constant 0 : index
    %swap3A_31 = arith.constant 0 : index
    %swap3A_32 = vector.load %arg7[%swap3A_30, %swap3A_31] : memref<1280x128xf32, #tpu.memory_space<vmem>>, vector<1280x128xf32>
    tpu.vector_store %arg7[%swap3A_30, %swap3A_31], %add3A_29 {strides = array<i32>} : memref<1280x128xf32, #tpu.memory_space<vmem>>, vector<1280x128xf32>,
    return
  }
  func.func @transform_0(%arg0: i32) -> (i32, i32) {
    %c0_i32 = arith.constant 0 : i32
    %c0_i32_0 = arith.constant 0 : i32
    return %arg0, %c0_i32 : i32, i32
  }
  func.func @transform_1(%arg0: i32) -> (i32, i32) {
    %c0_i32 = arith.constant 0 : i32
    %c0_i32_0 = arith.constant 0 : i32
    %c0_i32_1 = arith.constant 0 : i32
    return %c0_i32, %c0_i32_0 : i32, i32
  }
  func.func @transform_2(%arg0: i32) -> (i32, i32) {
    %c0_i32 = arith.constant 0 : i32
    %c0_i32_0 = arith.constant 0 : i32
    %c0_i32_1 = arith.constant 0 : i32
    return %c0_i32, %c0_i32_0 : i32, i32
  }
  func.func @transform_3(%arg0: i32) -> (i32, i32) {
    %c0_i32 = arith.constant 0 : i32
    %c0_i32_0 = arith.constant 0 : i32
    %c0_i32_1 = arith.constant 0 : i32
    return %c0_i32, %c0_i32_0 : i32, i32
  }
  func.func @transform_4(%arg0: i32) -> (i32, i32) {
    %c0_i32 = arith.constant 0 : i32
    %c0_i32_0 = arith.constant 0 : i32
    return %arg0, %c0_i32 : i32, i32
  }
  func.func @transform_5(%arg0: i32) -> (i32, i32) {
    %c0_i32 = arith.constant 0 : i32
    %c0_i32_0 = arith.constant 0 : i32
    return %arg0, %c0_i32 : i32, i32
  }
  func.func @transform_6(%arg0: i32) -> (i32, i32) {
    %c0_i32 = arith.constant 0 : i32
    %c0_i32_0 = arith.constant 0 : i32
    return %arg0, %c0_i32 : i32, i32
  }
}

module attributes {stable_mosaic.version = 14 : i64} {
  func.func @body(%arg0: i32, %arg1: memref<2x640x128xf32, #tpu.memory_space<vmem>>, %arg2: memref<2x640x128xf32, #tpu.memory_space<vmem>>, %arg3: memref<2x1280x16xf32, #tpu.memory_space<vmem>>, %arg4: memref<1280x128xf32, #tpu.memory_space<vmem>>, %arg5: memref<128x64xf32, #tpu.memory_space<vmem>>, %arg6: memref<128x64xf32, #tpu.memory_space<vmem>>, %arg7: memref<1x64xf32, #tpu.memory_space<vmem>>, %arg8: memref<640x128xf32, #tpu.memory_space<vmem>>, %arg9: memref<1280x64xf32, #tpu.memory_space<vmem>>) attributes {dimension_semantics = [#tpu.dimension_semantics<arbitrary>], iteration_bounds = array<i64: 8>, scalar_prefetch = 0 : i64, scratch_operands = 0 : i64, tpu.core_type = #tpu.core_type<tc>, window_params = [{transform_indices = @transform_0, window_bounds = array<i64: 2, 640, 128>}, {transform_indices = @transform_1, window_bounds = array<i64: 2, 640, 128>}, {transform_indices = @transform_2, window_bounds = array<i64: 2, 1280, 16>}, {transform_indices = @transform_3, window_bounds = array<i64: 1280, 128>}, {pipeline_mode = #tpu.pipeline_mode<synchronous>, transform_indices = @transform_4, window_bounds = array<i64: 128, 64>}, {pipeline_mode = #tpu.pipeline_mode<synchronous>, transform_indices = @transform_5, window_bounds = array<i64: 128, 64>}, {pipeline_mode = #tpu.pipeline_mode<synchronous>, transform_indices = @transform_6, window_bounds = array<i64: 1, 64>}, {transform_indices = @transform_7, window_bounds = array<i64: 640, 128>}, {transform_indices = @transform_8, window_bounds = array<i64: 1280, 64>}]} {
    %get3A = arith.constant 0 : index
    %get3A_0 = arith.constant 0 : index
    %get3A_1 = arith.constant 0 : index
    %get3A_2 = vector.load %arg3[%get3A, %get3A_0, %get3A_1] : memref<2x1280x16xf32, #tpu.memory_space<vmem>>, vector<1x1280x16xf32>
    %get3A_3 = vector.shape_cast %get3A_2 : vector<1x1280x16xf32> to vector<1280x16xf32>
    %get3A_4 = arith.constant 1 : index
    %get3A_5 = arith.constant 0 : index
    %get3A_6 = arith.constant 0 : index
    %get3A_7 = vector.load %arg3[%get3A_4, %get3A_5, %get3A_6] : memref<2x1280x16xf32, #tpu.memory_space<vmem>>, vector<1x1280x16xf32>
    %get3A_8 = vector.shape_cast %get3A_7 : vector<1x1280x16xf32> to vector<1280x16xf32>
    %add3A = arith.addf %get3A_3, %get3A_8 : vector<1280x16xf32>
    %slice3A = vector.extract_strided_slice %add3A {offsets = [0, 0], sizes = [1280, 1], strides = [1, 1]} : vector<1280x16xf32> to vector<1280x1xf32>
    %max3A = arith.constant 1.000000e+00 : f32
    %max3A_9 = vector.broadcast %max3A : f32 to vector<1280x1xf32>
    %max3A_10 = arith.maximumf %slice3A, %max3A_9 : vector<1280x1xf32>
    %div3A = arith.constant 1.000000e+00 : f32
    %div3A_11 = vector.broadcast %div3A : f32 to vector<1280x1xf32>
    %div3A_12 = arith.divf %div3A_11, %max3A_10 : vector<1280x1xf32>
    %get3A_13 = arith.constant 0 : index
    %get3A_14 = arith.constant 0 : index
    %get3A_15 = arith.constant 0 : index
    %get3A_16 = vector.load %arg1[%get3A_13, %get3A_14, %get3A_15] : memref<2x640x128xf32, #tpu.memory_space<vmem>>, vector<1x640x128xf32>
    %get3A_17 = vector.shape_cast %get3A_16 : vector<1x640x128xf32> to vector<640x128xf32>
    %get3A_18 = arith.constant 1 : index
    %get3A_19 = arith.constant 0 : index
    %get3A_20 = arith.constant 0 : index
    %get3A_21 = vector.load %arg1[%get3A_18, %get3A_19, %get3A_20] : memref<2x640x128xf32, #tpu.memory_space<vmem>>, vector<1x640x128xf32>
    %get3A_22 = vector.shape_cast %get3A_21 : vector<1x640x128xf32> to vector<640x128xf32>
    %add3A_23 = arith.addf %get3A_17, %get3A_22 : vector<640x128xf32>
    %slice3A_24 = vector.extract_strided_slice %add3A_23 {offsets = [0, 0], sizes = [640, 64], strides = [1, 1]} : vector<640x128xf32> to vector<640x64xf32>
    %broadcast_in_dim3A = vector.shape_cast %slice3A_24 : vector<640x64xf32> to vector<640x1x64xf32>
    %slice3A_25 = vector.extract_strided_slice %add3A_23 {offsets = [0, 64], sizes = [640, 64], strides = [1, 1]} : vector<640x128xf32> to vector<640x64xf32>
    %broadcast_in_dim3A_26 = vector.shape_cast %slice3A_25 : vector<640x64xf32> to vector<640x1x64xf32>
    %concatenate3A = tpu.concatenate %broadcast_in_dim3A, %broadcast_in_dim3A_26 in 1 : vector<640x1x64xf32>, vector<640x1x64xf32> -> vector<640x2x64xf32>
    %reshape3A = vector.shape_cast %concatenate3A : vector<640x2x64xf32> to vector<1280x64xf32>
    %get3A_27 = arith.constant 0 : index
    %get3A_28 = arith.constant 0 : index
    %get3A_29 = arith.constant 0 : index
    %get3A_30 = vector.load %arg2[%get3A_27, %get3A_28, %get3A_29] : memref<2x640x128xf32, #tpu.memory_space<vmem>>, vector<1x640x128xf32>
    %get3A_31 = vector.shape_cast %get3A_30 : vector<1x640x128xf32> to vector<640x128xf32>
    %get3A_32 = arith.constant 1 : index
    %get3A_33 = arith.constant 0 : index
    %get3A_34 = arith.constant 0 : index
    %get3A_35 = vector.load %arg2[%get3A_32, %get3A_33, %get3A_34] : memref<2x640x128xf32, #tpu.memory_space<vmem>>, vector<1x640x128xf32>
    %get3A_36 = vector.shape_cast %get3A_35 : vector<1x640x128xf32> to vector<640x128xf32>
    %add3A_37 = arith.addf %get3A_31, %get3A_36 : vector<640x128xf32>
    %slice3A_38 = vector.extract_strided_slice %add3A_37 {offsets = [0, 0], sizes = [640, 64], strides = [1, 1]} : vector<640x128xf32> to vector<640x64xf32>
    %broadcast_in_dim3A_39 = vector.shape_cast %slice3A_38 : vector<640x64xf32> to vector<640x1x64xf32>
    %slice3A_40 = vector.extract_strided_slice %add3A_37 {offsets = [0, 64], sizes = [640, 64], strides = [1, 1]} : vector<640x128xf32> to vector<640x64xf32>
    %broadcast_in_dim3A_41 = vector.shape_cast %slice3A_40 : vector<640x64xf32> to vector<640x1x64xf32>
    %concatenate3A_42 = tpu.concatenate %broadcast_in_dim3A_39, %broadcast_in_dim3A_41 in 1 : vector<640x1x64xf32>, vector<640x1x64xf32> -> vector<640x2x64xf32>
    %reshape3A_43 = vector.shape_cast %concatenate3A_42 : vector<640x2x64xf32> to vector<1280x64xf32>
    %concatenate3A_44 = tpu.concatenate %reshape3A, %reshape3A_43 in 1 : vector<1280x64xf32>, vector<1280x64xf32> -> vector<1280x128xf32>
    %mul3A = vector.broadcast %div3A_12 : vector<1280x1xf32> to vector<1280x128xf32>
    %mul3A_45 = arith.mulf %concatenate3A_44, %mul3A : vector<1280x128xf32>
    %get3A_46 = arith.constant 0 : index
    %get3A_47 = arith.constant 0 : index
    %get3A_48 = vector.load %arg4[%get3A_46, %get3A_47] : memref<1280x128xf32, #tpu.memory_space<vmem>>, vector<1280x128xf32>
    %add3A_49 = arith.addf %mul3A_45, %get3A_48 : vector<1280x128xf32>
    %max3A_50 = arith.constant 0.000000e+00 : f32
    %max3A_51 = vector.broadcast %max3A_50 : f32 to vector<1280x128xf32>
    %max3A_52 = arith.maximumf %add3A_49, %max3A_51 : vector<1280x128xf32>
    %get3A_53 = arith.constant 0 : index
    %get3A_54 = arith.constant 0 : index
    %get3A_55 = vector.load %arg5[%get3A_53, %get3A_54] : memref<128x64xf32, #tpu.memory_space<vmem>>, vector<128x64xf32>
    %dot_general3A = arith.constant dense<0.000000e+00> : vector<1280x64xf32>
    %dot_general3A_56 = tpu.matmul %max3A_52, %get3A_55, %dot_general3A {dimension_numbers = #tpu.dot_dimension_numbers<[1], [0], [0], [1], [0, 0, 1, 1], [], []>, transpose_lhs_hint = false} : vector<1280x128xf32>, vector<128x64xf32>, vector<1280x64xf32> -> vector<1280x64xf32>
    %reshape3A_57 = vector.shape_cast %dot_general3A_56 : vector<1280x64xf32> to vector<640x2x64xf32>
    %slice3A_58 = vector.extract_strided_slice %reshape3A_57 {offsets = [0, 0, 0], sizes = [640, 1, 64], strides = [1, 1, 1]} : vector<640x2x64xf32> to vector<640x1x64xf32>
    %squeeze3A = vector.shape_cast %slice3A_58 : vector<640x1x64xf32> to vector<640x64xf32>
    %slice3A_59 = vector.extract_strided_slice %reshape3A_57 {offsets = [0, 1, 0], sizes = [640, 1, 64], strides = [1, 1, 1]} : vector<640x2x64xf32> to vector<640x1x64xf32>
    %squeeze3A_60 = vector.shape_cast %slice3A_59 : vector<640x1x64xf32> to vector<640x64xf32>
    %concatenate3A_61 = tpu.concatenate %squeeze3A, %squeeze3A_60 in 1 : vector<640x64xf32>, vector<640x64xf32> -> vector<640x128xf32>
    %swap3A = arith.constant 0 : index
    %swap3A_62 = arith.constant 0 : index
    %swap3A_63 = vector.load %arg8[%swap3A, %swap3A_62] : memref<640x128xf32, #tpu.memory_space<vmem>>, vector<640x128xf32>
    tpu.vector_store %arg8[%swap3A, %swap3A_62], %concatenate3A_61 {strides = array<i32>} : memref<640x128xf32, #tpu.memory_space<vmem>>, vector<640x128xf32>,
    %get3A_64 = arith.constant 0 : index
    %get3A_65 = arith.constant 0 : index
    %get3A_66 = vector.load %arg6[%get3A_64, %get3A_65] : memref<128x64xf32, #tpu.memory_space<vmem>>, vector<128x64xf32>
    %dot_general3A_67 = arith.constant dense<0.000000e+00> : vector<1280x64xf32>
    %dot_general3A_68 = tpu.matmul %max3A_52, %get3A_66, %dot_general3A_67 {dimension_numbers = #tpu.dot_dimension_numbers<[1], [0], [0], [1], [0, 0, 1, 1], [], []>, transpose_lhs_hint = false} : vector<1280x128xf32>, vector<128x64xf32>, vector<1280x64xf32> -> vector<1280x64xf32>
    %get3A_69 = arith.constant 0 : index
    %get3A_70 = arith.constant 0 : index
    %get3A_71 = vector.load %arg7[%get3A_69, %get3A_70] : memref<1x64xf32, #tpu.memory_space<vmem>>, vector<1x64xf32>
    %add3A_72 = vector.broadcast %get3A_71 : vector<1x64xf32> to vector<1280x64xf32>
    %add3A_73 = arith.addf %dot_general3A_68, %add3A_72 : vector<1280x64xf32>
    %swap3A_74 = arith.constant 0 : index
    %swap3A_75 = arith.constant 0 : index
    %swap3A_76 = vector.load %arg9[%swap3A_74, %swap3A_75] : memref<1280x64xf32, #tpu.memory_space<vmem>>, vector<1280x64xf32>
    tpu.vector_store %arg9[%swap3A_74, %swap3A_75], %add3A_73 {strides = array<i32>} : memref<1280x64xf32, #tpu.memory_space<vmem>>, vector<1280x64xf32>,
    return
  }
  func.func @transform_0(%arg0: i32) -> (i32, i32, i32) {
    %c0_i32 = arith.constant 0 : i32
    %c0_i32_0 = arith.constant 0 : i32
    %c0_i32_1 = arith.constant 0 : i32
    return %c0_i32, %arg0, %c0_i32_0 : i32, i32, i32
  }
  func.func @transform_1(%arg0: i32) -> (i32, i32, i32) {
    %c0_i32 = arith.constant 0 : i32
    %c0_i32_0 = arith.constant 0 : i32
    %c0_i32_1 = arith.constant 0 : i32
    return %c0_i32, %arg0, %c0_i32_0 : i32, i32, i32
  }
  func.func @transform_2(%arg0: i32) -> (i32, i32, i32) {
    %c0_i32 = arith.constant 0 : i32
    %c0_i32_0 = arith.constant 0 : i32
    %c0_i32_1 = arith.constant 0 : i32
    return %c0_i32, %arg0, %c0_i32_0 : i32, i32, i32
  }
  func.func @transform_3(%arg0: i32) -> (i32, i32) {
    %c0_i32 = arith.constant 0 : i32
    %c0_i32_0 = arith.constant 0 : i32
    return %arg0, %c0_i32 : i32, i32
  }
  func.func @transform_4(%arg0: i32) -> (i32, i32) {
    %c0_i32 = arith.constant 0 : i32
    %c0_i32_0 = arith.constant 0 : i32
    %c0_i32_1 = arith.constant 0 : i32
    return %c0_i32, %c0_i32_0 : i32, i32
  }
  func.func @transform_5(%arg0: i32) -> (i32, i32) {
    %c0_i32 = arith.constant 0 : i32
    %c0_i32_0 = arith.constant 0 : i32
    %c0_i32_1 = arith.constant 0 : i32
    return %c0_i32, %c0_i32_0 : i32, i32
  }
  func.func @transform_6(%arg0: i32) -> (i32, i32) {
    %c0_i32 = arith.constant 0 : i32
    %c0_i32_0 = arith.constant 0 : i32
    %c0_i32_1 = arith.constant 0 : i32
    return %c0_i32, %c0_i32_0 : i32, i32
  }
  func.func @transform_7(%arg0: i32) -> (i32, i32) {
    %c0_i32 = arith.constant 0 : i32
    %c0_i32_0 = arith.constant 0 : i32
    return %arg0, %c0_i32 : i32, i32
  }
  func.func @transform_8(%arg0: i32) -> (i32, i32) {
    %c0_i32 = arith.constant 0 : i32
    %c0_i32_0 = arith.constant 0 : i32
    return %arg0, %c0_i32 : i32, i32
  }
}

module attributes {stable_mosaic.version = 14 : i64} {
  func.func @body(%arg0: i32, %arg1: memref<2x1000x128xf32, #tpu.memory_space<vmem>>, %arg2: memref<2x2000x16xf32, #tpu.memory_space<vmem>>, %arg3: memref<2000x64xf32, #tpu.memory_space<vmem>>, %arg4: memref<2000x64xf32, #tpu.memory_space<vmem>>) attributes {dimension_semantics = [#tpu.dimension_semantics<arbitrary>], iteration_bounds = array<i64: 5>, scalar_prefetch = 0 : i64, scratch_operands = 0 : i64, tpu.core_type = #tpu.core_type<tc>, window_params = [{transform_indices = @transform_0, window_bounds = array<i64: 2, 1000, 128>}, {transform_indices = @transform_1, window_bounds = array<i64: 2, 2000, 16>}, {transform_indices = @transform_2, window_bounds = array<i64: 2000, 64>}, {transform_indices = @transform_3, window_bounds = array<i64: 2000, 64>}]} {
    %get3A = arith.constant 0 : index
    %get3A_0 = arith.constant 0 : index
    %get3A_1 = arith.constant 0 : index
    %get3A_2 = vector.load %arg2[%get3A, %get3A_0, %get3A_1] : memref<2x2000x16xf32, #tpu.memory_space<vmem>>, vector<1x2000x16xf32>
    %get3A_3 = vector.shape_cast %get3A_2 : vector<1x2000x16xf32> to vector<2000x16xf32>
    %get3A_4 = arith.constant 1 : index
    %get3A_5 = arith.constant 0 : index
    %get3A_6 = arith.constant 0 : index
    %get3A_7 = vector.load %arg2[%get3A_4, %get3A_5, %get3A_6] : memref<2x2000x16xf32, #tpu.memory_space<vmem>>, vector<1x2000x16xf32>
    %get3A_8 = vector.shape_cast %get3A_7 : vector<1x2000x16xf32> to vector<2000x16xf32>
    %add3A = arith.addf %get3A_3, %get3A_8 : vector<2000x16xf32>
    %slice3A = vector.extract_strided_slice %add3A {offsets = [0, 0], sizes = [2000, 1], strides = [1, 1]} : vector<2000x16xf32> to vector<2000x1xf32>
    %max3A = arith.constant 1.000000e+00 : f32
    %max3A_9 = vector.broadcast %max3A : f32 to vector<2000x1xf32>
    %max3A_10 = arith.maximumf %slice3A, %max3A_9 : vector<2000x1xf32>
    %div3A = arith.constant 1.000000e+00 : f32
    %div3A_11 = vector.broadcast %div3A : f32 to vector<2000x1xf32>
    %div3A_12 = arith.divf %div3A_11, %max3A_10 : vector<2000x1xf32>
    %get3A_13 = arith.constant 0 : index
    %get3A_14 = arith.constant 0 : index
    %get3A_15 = arith.constant 0 : index
    %get3A_16 = vector.load %arg1[%get3A_13, %get3A_14, %get3A_15] : memref<2x1000x128xf32, #tpu.memory_space<vmem>>, vector<1x1000x128xf32>
    %get3A_17 = vector.shape_cast %get3A_16 : vector<1x1000x128xf32> to vector<1000x128xf32>
    %get3A_18 = arith.constant 1 : index
    %get3A_19 = arith.constant 0 : index
    %get3A_20 = arith.constant 0 : index
    %get3A_21 = vector.load %arg1[%get3A_18, %get3A_19, %get3A_20] : memref<2x1000x128xf32, #tpu.memory_space<vmem>>, vector<1x1000x128xf32>
    %get3A_22 = vector.shape_cast %get3A_21 : vector<1x1000x128xf32> to vector<1000x128xf32>
    %add3A_23 = arith.addf %get3A_17, %get3A_22 : vector<1000x128xf32>
    %slice3A_24 = vector.extract_strided_slice %add3A_23 {offsets = [0, 0], sizes = [1000, 64], strides = [1, 1]} : vector<1000x128xf32> to vector<1000x64xf32>
    %broadcast_in_dim3A = vector.shape_cast %slice3A_24 : vector<1000x64xf32> to vector<1000x1x64xf32>
    %slice3A_25 = vector.extract_strided_slice %add3A_23 {offsets = [0, 64], sizes = [1000, 64], strides = [1, 1]} : vector<1000x128xf32> to vector<1000x64xf32>
    %broadcast_in_dim3A_26 = vector.shape_cast %slice3A_25 : vector<1000x64xf32> to vector<1000x1x64xf32>
    %concatenate3A = tpu.concatenate %broadcast_in_dim3A, %broadcast_in_dim3A_26 in 1 : vector<1000x1x64xf32>, vector<1000x1x64xf32> -> vector<1000x2x64xf32>
    %reshape3A = vector.shape_cast %concatenate3A : vector<1000x2x64xf32> to vector<2000x64xf32>
    %mul3A = vector.broadcast %div3A_12 : vector<2000x1xf32> to vector<2000x64xf32>
    %mul3A_27 = arith.mulf %reshape3A, %mul3A : vector<2000x64xf32>
    %get3A_28 = arith.constant 0 : index
    %get3A_29 = arith.constant 0 : index
    %get3A_30 = vector.load %arg3[%get3A_28, %get3A_29] : memref<2000x64xf32, #tpu.memory_space<vmem>>, vector<2000x64xf32>
    %add3A_31 = arith.addf %mul3A_27, %get3A_30 : vector<2000x64xf32>
    %swap3A = arith.constant 0 : index
    %swap3A_32 = arith.constant 0 : index
    %swap3A_33 = vector.load %arg4[%swap3A, %swap3A_32] : memref<2000x64xf32, #tpu.memory_space<vmem>>, vector<2000x64xf32>
    tpu.vector_store %arg4[%swap3A, %swap3A_32], %add3A_31 {strides = array<i32>} : memref<2000x64xf32, #tpu.memory_space<vmem>>, vector<2000x64xf32>,
    return
  }
  func.func @transform_0(%arg0: i32) -> (i32, i32, i32) {
    %c0_i32 = arith.constant 0 : i32
    %c0_i32_0 = arith.constant 0 : i32
    %c0_i32_1 = arith.constant 0 : i32
    return %c0_i32, %arg0, %c0_i32_0 : i32, i32, i32
  }
  func.func @transform_1(%arg0: i32) -> (i32, i32, i32) {
    %c0_i32 = arith.constant 0 : i32
    %c0_i32_0 = arith.constant 0 : i32
    %c0_i32_1 = arith.constant 0 : i32
    return %c0_i32, %arg0, %c0_i32_0 : i32, i32, i32
  }
  func.func @transform_2(%arg0: i32) -> (i32, i32) {
    %c0_i32 = arith.constant 0 : i32
    %c0_i32_0 = arith.constant 0 : i32
    return %arg0, %c0_i32 : i32, i32
  }
  func.func @transform_3(%arg0: i32) -> (i32, i32) {
    %c0_i32 = arith.constant 0 : i32
    %c0_i32_0 = arith.constant 0 : i32
    return %arg0, %c0_i32 : i32, i32
  }
}

</mosaic_0001>

<sc_bundles>
// kernel: kernel.11.cloned.1.call-start
scs
__scs_entry_jumppad:
0x0: {  	(pc) =	sbr.rel $0x88, $3  }
0x1: {  	(tag) =	ssettag $0x0;
	lr =	simm.s32 $0x1  }
0x2: {  	[smem:$0x3F99] =	sst lr;
	_ =	strace $0xD0000000  }
0x3: {  	_ = 	snop  }
0x4: {  	_ = 	snop  }
0x5: {  	_ = 	snop  }
0x6: {  	_ = 	snop  }
0x7: {  	_ = 	snop  }
__scs_overlays_trampoline_lowered:
0x8: {  	[smem:$0x3FA8] =	sst s0  }
0x9: {  	[smem:$0x3FA9] =	sst s1  }
0xa: {  	[smem:$0x3FAA] =	sst s2  }
0xb: {  	[smem:$0x3FAB] =	sst s3  }
0xc: {  	[smem:$0x3FAC] =	sst s4  }
0xd: {  	[smem:$0x3FAD] =	sst s5  }
0xe: {  	[smem:$0x3FAE] =	sst s6  }
0xf: {  	[smem:$0x3FAF] =	sst s7  }
0x10: {  	[smem:$0x3FB0] =	sst s8  }
0x11: {  	[smem:$0x3FB1] =	sst s9;
	s0 =	simm.s32 @!p0 $0x0  }
0x12: {  	s1 =	sld [smem:$0x3F97];
	s0 =	simm.s32 @p0 $0x1  }
0x13: {  	[smem:$0x3FB2] =	sst s0;
	s0 =	simm.s32 @!p1 $0x0  }
0x14: {  	s2 =	sld [smem:$0x3F96];
	s0 =	simm.s32 @p1 $0x1  }
0x15: {  	[smem:$0x3FB3] =	sst s0;
	s0 =	simm.s32 @!p2 $0x0  }
0x16: {  	s3 =	sld [smem:$0x3FDB];
	s0 =	simm.s32 @p2 $0x1  }
0x17: {  	s4 =	simm.s32 $0x1BF5;
	[smem:$0x3FB5] =	sst s0  }
0x18: {  	s0 =	sld [smem:$0x3F98];
	_ =	swait.ge [sflag:s4], $0x0  }
0x19: {  	s7 =	sld [smem:$0x3F99]  }
0x1a: {  	s8 =	sadd.s32 $0xFFFFE003, lr  }
0x1b: {  	s9 =	sadd.s32 $0xFFFFFEF7, lr;
	s5 =	simm.s32 $0xFFFFFFFF;
	p2 =	slt.u32 s8, $0xFFFFF086  }
0x1c: {  	p1 =	slt.u32 s9, $0xF7A;
	s5 =	simm.s32 @!p2 $0x0  }
0x1d: {  	s5 =	simm.s32 @p1 $0x1;
	p0 =	seq.s32 s7, s2  }
0x1e: {  	s7 =	smul.u32 @!p0 $0xF7A, s2;
	p2 =	seq.s32 @!p0 s5, $0x0  }
0x1f: {  	s9 =	smul.u32 $0xF7A, s1;
	s8 =	simm.s32 @!p0 $0x1BF5;
	p2 =	por !p2, p0  }
0x20: {  	[sflag:s8] =	ssyncset.s32 @!p0 $0xFFFFF086;
	s6 =	sadd.s32 @!p0 s3, s7;
	s7 =	simm.s32 @!p0 $0x108  }
0x21: {  	s3 =	sadd.s32 s3, s9;
	s6 =	sadd.s32 @!p0 $0x88, s6;
	s7 =	simm.s32 @p2 $0x1082  }
0x22: {  	[simem:s7], [sflag:s8] =	dma.local @!p0 [hbm:s6], $0xF7A  }
0x23: {  	s9 =	sor.u32 $0xD0000000, s2;
	s6 =	simm.s32 $0x108;
	_ =	swait.ge @!p0 [sflag:s8], $0x0  }
0x24: {  	s3 =	sadd.s32 $0x88, s3;
	s6 =	simm.s32 @!p1 $0x1082;
	[sflag:s4] =	ssyncset.s32 $0xFFFFF086  }
0x25: {  	[simem:s6], [sflag:s4] =	dma.local [hbm:s3], $0xF7A  }
0x26: {  	[smem:$0x3F99] =	sst s1;
	(tag) =	ssettag s2;
	_ =	strace s9  }
0x27: {  	s1 =	sld [smem:$0x3FA9]  }
0x28: {  	s2 =	sld [smem:$0x3FAA]  }
0x29: {  	s4 =	sld [smem:$0x3FAC]  }
0x2a: {  	p0 =	seq.s32 s5, $0x0;
	s5 =	sld [smem:$0x3FAD]  }
0x2b: {  	s6 =	sld [smem:$0x3FAE]  }
0x2c: {  	s7 =	sld [smem:$0x3FAF]  }
0x2d: {  	s3 =	simm.s32 $0x108;
	s8 =	sld [smem:$0x3FB0]  }
0x2e: {  	s3 =	simm.s32 @!p0 $0x1082;
	s9 =	sld [smem:$0x3FB1]  }
0x2f: {  	lr =	sadd.s32 s0, s3;
	s0 =	sld [smem:$0x3FA8]  }
0x30: {  	s3 =	sld [smem:$0x3FAB]  }
0x31: {  	[smem:$0x3FB4] =	sst s10  }
0x32: {  	s10 =	sld [smem:$0x3FB2];
	_ =	sdelay $0x3  }
0x33: {  	p0 =	seq.s32 s10, $0x1;
	s10 =	sld [smem:$0x3FB4];
	_ =	sdelay $0x3  }
0x34: {  	[smem:$0x3FB4] =	sst s10  }
0x35: {  	s10 =	sld [smem:$0x3FB3];
	_ =	sdelay $0x3  }
0x36: {  	p1 =	seq.s32 s10, $0x1;
	s10 =	sld [smem:$0x3FB4];
	_ =	sdelay $0x3  }
0x37: {  	[smem:$0x3FB4] =	sst s10  }
0x38: {  	s10 =	sld [smem:$0x3FB5]  }
0x39: {  	_ = 	snop;
	(pc) =	sbr.ind lr, $3  }
0x3a: {  	_ = 	snop  }
0x3b: {  	_ = 	snop  }
0x3c: {  	p2 =	seq.s32 s10, $0x1;
	s10 =	sld [smem:$0x3FB4]  }
0x3d: {  	_ =	shalt  }
0x3e: {  	_ =	shalt  }
0x3f: {  	_ =	shalt  }
0x40: {  	_ =	shalt  }
0x41: {  	_ =	shalt  }
0x42: {  	_ =	shalt  }
0x43: {  	_ =	shalt  }
0x44: {  	_ =	shalt  }
0x45: {  	_ =	shalt  }
0x46: {  	_ =	shalt  }
0x47: {  	_ =	shalt  }
0x48: {  	_ =	shalt  }
0x49: {  	_ =	shalt  }
0x4a: {  	_ =	shalt  }
0x4b: {  	_ =	shalt  }
0x4c: {  	_ =	shalt  }
0x4d: {  	_ =	shalt  }
0x4e: {  	_ =	shalt  }
0x4f: {  	_ =	shalt  }
0x50: {  	_ =	shalt  }
0x51: {  	_ =	shalt  }
0x52: {  	_ =	shalt  }
0x53: {  	_ =	shalt  }
0x54: {  	_ =	shalt  }
0x55: {  	_ =	shalt  }
0x56: {  	_ =	shalt  }
0x57: {  	_ =	shalt  }
0x58: {  	_ =	shalt  }
0x59: {  	_ =	shalt  }
0x5a: {  	_ =	shalt  }
0x5b: {  	_ =	shalt  }
0x5c: {  	_ =	shalt  }
0x5d: {  	_ =	shalt  }
0x5e: {  	_ =	shalt  }
0x5f: {  	_ =	shalt  }
0x60: {  	_ =	shalt  }
0x61: {  	_ =	shalt  }
0x62: {  	_ =	shalt  }
0x63: {  	_ =	shalt  }
0x64: {  	_ =	shalt  }
0x65: {  	_ =	shalt  }
0x66: {  	_ =	shalt  }
0x67: {  	_ =	shalt  }
0x68: {  	_ =	shalt  }
0x69: {  	_ =	shalt  }
0x6a: {  	_ =	shalt  }
0x6b: {  	_ =	shalt  }
0x6c: {  	_ =	shalt  }
0x6d: {  	_ =	shalt  }
0x6e: {  	_ =	shalt  }
0x6f: {  	_ =	shalt  }
0x70: {  	_ =	shalt  }
0x71: {  	_ =	shalt  }
0x72: {  	_ =	shalt  }
0x73: {  	_ =	shalt  }
0x74: {  	_ =	shalt  }
0x75: {  	_ =	shalt  }
0x76: {  	_ =	shalt  }
0x77: {  	_ =	shalt  }
0x78: {  	_ =	shalt  }
0x79: {  	_ =	shalt  }
0x7a: {  	_ =	shalt  }
0x7b: {  	_ =	shalt  }
0x7c: {  	_ =	shalt  }
0x7d: {  	_ =	shalt  }
0x7e: {  	_ =	shalt  }
0x7f: {  	_ =	shalt  }
0x80: {  	_ =	shalt  }
0x81: {  	_ =	shalt  }
0x82: {  	_ =	shalt  }
0x83: {  	_ =	shalt  }
0x84: {  	_ =	shalt  }
0x85: {  	_ =	shalt  }
0x86: {  	_ =	shalt  }
0x87: {  	_ =	shalt  }
.Lfunc_end0:
.L_simem_size_0:
called_computation.1_lowered:
.L_overlay_start_0:
0x88: {  	s2 =	sld [smem:$0x3FD9]  }
0x89: {  	s3 =	sld [smem:$0x3FFE];
	_ =	sdelay $0x1  }
0x8a: {  	s1 =	srdreg.scid  }
0x8b: {  	s0 =	sand.u32 $0x1, s1  }
0x8c: {  	s17 =	sshll.u32 s0, $0xA;
	s2 =	sadd.s32 s3, s2  }
0x8d: {  	s2 =	sadd.s32 s2, s17  }
0x8e: {  	[smem:$0x3FC0] =	sst s2  }
0x8f: {  	_ = 	snop  }
0x90: {  	s2 =	sld [smem:$0x3FD0];
	(tm) =	ssettm $0x1  }
0x91: {  	s18 =	sld [smem:$0x3FFB];
	_ =	sdelay $0x3  }
0x92: {  	_ =	strace s18  }
0x93: {  	s3 =	sld [smem:$0x3FFC];
	_ =	sdelay $0x3  }
0x94: {  	_ =	strace s3  }
0x95: {  	s3 =	sld [smem:$0x3FFD];
	_ =	sdelay $0x3  }
0x96: {  	_ =	strace s3  }
0x97: {  	_ =	strace $0x8FFFFFFF  }
0x98: {  	s19 =	sld [smem:$0x3FDB];
	_ =	sdelay $0x1  }
0x99: {  	s4 =	simm.s32 $_scs_section_size  }
0x9a: {  	s5 =	simm.s32 $_size__tile_overlayer_lowered;
	s6 =	simm.s32 $_tile_overlayer_lowered  }
0x9b: {  	s22 =	simm.s32 $0x1BFF;
	s21 =	sshll.u32 s6, $0x1;
	s3 =	sadd.s32 s4, s19  }
0x9c: {  	s7 =	simm.s32 $0x0;
	s20 =	sshll.u32 s5, $0x1;
	s5 =	sadd.s32 s21, s3  }
0x9d: {  	[timem:s7], [sflag:s22] =	dma.local [hbm:s5], s20  }
0x9e: {  	_ =	swait.ge [sflag:s22], s20  }
0x9f: {  	s4 =	ssub.s32 $0x0, s20;
	[sflag:s22] =	ssyncset.done $0x0  }
0xa0: {  	[sflag:s22] =	ssyncadd.s32 s4;
	_ =	sdelay $0x1  }
0xa1: {  	s23 =	simm.s32 $0x1B8B  }
0xa2: {  	_ =	swait.ge [sflag:s23], $0x1  }
0xa3: {  	[sflag:s23] =	ssyncset.done $0x0  }
0xa4: {  	s25 =	simm.s32 $0x1B8E;
	s24 =	sld [smem:$0x3FFE];
	[sflag:s23] =	ssyncadd.s32 $0xFFFFFFFF  }
0xa5: {  	s26 =	simm.s32 $execute0_lowered;
	[smem:$0x3FD2] =	sst s25  }
0xa6: {  	s5 =	sshll.u32 s26, $0x1;
	_ =	strace $0x80000046;
	[dreg:$0x1] =	wrdreg $0xFFFFFFFF  }
0xa7: {  	s28 =	simm.s32 $_size_execute0_lowered;
	s3 =	sadd.s32 s3, s5;
	[dreg:$0x0] =	wrdreg $0x0  }
0xa8: {  	s5 =	sshll.u32 s28, $0x1;
	[dreg:$0x2] =	wrdreg s3  }
0xa9: {  	[dreg:$0x3] =	wrdreg s5  }
0xaa: {  	[dreg:$0x4] =	wrdreg $0xC0  }
0xab: {  	_ =	task [dreg:s7], $0x5FFFF  }
0xac: {  	[dreg:$0x1] =	wrdreg $0xFFFFFFFF  }
0xad: {  	[dreg:$0x0] =	wrdreg $0x60  }
0xae: {  	[dreg:$0x2] =	wrdreg s24  }
0xaf: {  	[dreg:$0x3] =	wrdreg s2  }
0xb0: {  	[dreg:$0x4] =	wrdreg $0xE0000  }
0xb1: {  	[dreg:$0x5] =	wrdreg $0x180000  }
0xb2: {  	[dreg:$0x6] =	wrdreg $0xA  }
0xb3: {  	_ =	task.clear_ibuf [dreg:s7], $0x7FFFF;
	_ =	strace $0x90000046  }
0xb4: {  	s29 =	simm.s32 $0xA;
	_ =	strace $0x80000048  }
0xb5: {  	_ =	swait.ge [sflag:s29], $0x1  }
0xb6: {  	[sflag:s29] =	ssyncadd.s32 $0xFFFFFFFF  }
0xb7: {  	_ =	strace $0x90000048  }
0xb8: {  	_ =	sfence  }
0xb9: {  	s30 =	sld [smem:$0x0];
	_ =	sdelay $0x2  }
0xba: {  	s31 =	sshll.u32 s1, $0xD;
	s1 =	sshrl.u32 s1, $0x2  }
0xbb: {  	s3 =	sand.u32 $0x4000, s31;
	s1 =	sadd.s32 s1, s30  }
0xbc: {  	s0 =	sor.u32 s3, s0;
	s1 =	sshll.u32 s1, $0x11  }
0xbd: {  	s0 =	sor.u32 s1, s0  }
0xbe: {  	s0 =	sadd.s32 $0x8F2B, s0  }
0xbf: {  	[sflag:s0] =	ssyncadd.remote.s32 $0x1  }
0xc0: {  	_ =	sfence.sel $0xFFFF  }
0xc1: {  	[dreg:$0x0] =	wrdreg $0xFFFFFFFF;
	(pc) =	sbr.abs _section_cstart, $3  }
0xc2: {  	[dreg:$0x1] =	wrdreg $0xFFFFFFFF  }
0xc3: {  	_ =	task.clear_ibuf [dreg:s7], $0x2FFFF;
	_ =	strace $0x9FFFFFFF  }
0xc4: {  	(tm) =	ssettm $0x7FFFFFFF  }
0xc5: {  	_ =	shalt  }
tec
execute0_lowered:
.L_overlay_start_1:
0x0: {  	(tag) =	ssettag $0x1  }
0x1: {  	s4 =	rddreg [dreg:$0x0]  }
0x2: {  	s6 =	rddreg [dreg:$0x1]  }
0x3: {  	s0 =	srdreg.scid;
	s2 =	rddreg [dreg:$0x2]  }
0x4: {  	s13 =	stileid.u32;
	s3 =	rddreg [dreg:$0x3];
	s5 =	simm.s32 $0x0  }
0x5: {  	s28 =	simm.s32 $0xD800;
	s29 =	simm.s32 $0x4;
	s7 =	smul.u32 $0xA000, s13  }
0x6: {  	s30 =	simm.s32 $0x5;
	s31 =	simm.s32 $0x6;
	s9 =	smul.u32 $0x2800, s13  }
0x7: {  	s0 =	sand.u32 $0x1, s0;
	s1 =	sshll.u32 s13, $0x1;
	s26 =	smul.u32 $0x280, s13  }
0x8: {  	[smem:$0x7FF] =	sst s5;
	s5 =	sadd.s32 $0xC800, s4;
	s8 =	smul.u32 $0xA0000, s0  }
0x9: {  	s1 =	sor.u32 s0, s1;
	s10 =	smul.u32 $0x28000, s0;
	s0 =	ssub.s32 $0x2, s0  }
0xa: {  	_ =	strace $0x80000047;
	s1 =	smul.u32 $0x500, s1;
	s25 =	sshrl.u32 s0, $0x1  }
0xb: {  	s13 =	sadd.s32 $0x80, s26;
	s15 =	sadd.s32 $0x100, s26;
	s18 =	sadd.s32 $0x180, s26  }
0xc: {  	s20 =	sadd.s32 $0x200, s26;
	s8 =	sadd.s32 s7, s8;
	s10 =	sadd.s32 s9, s10  }
0xd: {  	s0 =	ssub.s32 s0, s25;
	s9 =	sadd.s32 s9, s3;
	s14 =	sshll.u32 s13, $0x6  }
0xe: {  	s16 =	sshll.u32 s15, $0x6;
	s17 =	sshll.u32 s15, $0x4;
	s19 =	sshll.u32 s18, $0x6  }
0xf: {  	s21 =	sshll.u32 s18, $0x4;
	s22 =	sshll.u32 s20, $0x6;
	s15 =	simm.s32 $0x4E80  }
0x10: {  	s18 =	simm.s32 $0x9;
	s11 =	sadd.s32 s1, s4;
	s8 =	sshrl.u32 s8, $0x3  }
0x11: {  	s24 =	sshrl.u32 s10, $0x3;
	s1 =	sadd.s32 s6, s1;
	s6 =	sadd.s32 s14, s2  }
0x12: {  	s23 =	sadd.s32 s22, s2;
	s0 =	smax.u32 s0, $0x1;
	s22 =	simm.s32 $0x3  }
0x13: {  	s12 =	sadd.s32 s8, s4;
	s4 =	sadd.s32 s24, s4;
	[dreg:$0x5] =	wrdreg s1  }
0x14: {  	s11 =	sadd.s32 $0x2800, s11;
	s8 =	sadd.s32 s7, s2;
	[dreg:$0x7] =	wrdreg s6  }
0x15: {  	s1 =	sshll.u32 s13, $0x4;
	[dreg:$0xd] =	wrdreg s23;
	s24 =	sshll.u32 s20, $0x4  }
0x16: {  	[dreg:$0x11] =	wrdreg s0;
	s23 =	simm.s32 $0x80;
	s0 =	simm.s32 $0x9000  }
0x17: {  	s6 =	simm.s32 $0x2;
	s13 =	simm.s32 $0x8;
	s20 =	simm.s32 $0x0  }
0x18: {  	[dreg:$0x6] =	wrdreg s11;
	s1 =	sadd.s32 s1, s3;
	s25 =	sadd.s32 $0x66800, s12  }
0x19: {  	s26 =	sadd.s32 $0x5C800, s4;
	s4 =	simm.s32 $0xD000;
	[dreg:$0x8] =	wrdreg s1  }
0x1a: {  	s12 =	simm.s32 $0x7;
	s1 =	sadd.s32 s16, s2;
	[dreg:$0xf] =	wrdreg s25  }
0x1b: {  	[dreg:$0x10] =	wrdreg s26;
	s25 =	simm.s32 $0x7000;
	s26 =	simm.s32 $0xB000  }
0x1c: {  	s16 =	simm.s32 $0x4F00;
	[dreg:$0x9] =	wrdreg s1;
	s1 =	sadd.s32 s17, s3  }
0x1d: {  	s17 =	simm.s32 $0x4F80;
	[dreg:$0xa] =	wrdreg s1;
	s1 =	sadd.s32 s19, s2  }
0x1e: {  	s19 =	simm.s32 $0xA;
	[dreg:$0xb] =	wrdreg s1;
	s1 =	sadd.s32 s21, s3  }
0x1f: {  	s21 =	simm.s32 $0x2800;
	[dreg:$0xc] =	wrdreg s1;
	s1 =	sadd.s32 s24, s3  }
0x20: {  	v0 =	vimm.f32 $0.0e+00;
	v1 =	vimm.f32 $1.000000000e+00;
	s24 =	simm.s32 $0x5000;
	[dreg:$0xe] =	wrdreg s1;
	s1 =	simm.s32 $0x1  }
.LBB2_1:
0x21: {  	s7 =	simm.s32 $0x0;
	s10 =	rddreg [dreg:$0x5]  }
0x22: {  	[tilespmem:s7], [sflag:$0x3] =	stream.linear.gather [hbm4b:s10+s7], $0x2800, $0x38;
	[tilespmem:$0x1A800] =	vst v63  }
0x23: {  	s11 =	rddreg [dreg:$0x6];
	s14 =	simm.s32 $0x0  }
0x24: {  	[tilespmem:s21], [sflag:$0x4] =	stream.linear.gather [hbm4b:s11+s7], $0x2800, $0x38;
	[tilespmem:$0x1A800] =	vst v63  }
0x25: {  	[tilespmem:s14+$0xB010] =	vst v0  }
0x26: {  	[tilespmem:s14+$0xB020] =	vst v0  }
0x27: {  	[tilespmem:s14+$0xB030] =	vst v0  }
0x28: {  	[tilespmem:s14+$0xB000] =	vst v0  }
0x29: {  	s10 =	simm.s32 $0x100;
	s7 =	simm.s32 $0xD800;
	s11 =	simm.s32 $0xD000;
	[tilespmem:s4+$0x0] =	vst v1  }
.LBB2_2:
0x2a: {  	s14 =	sshra.s32 s10, $0x2;
	[tilespmem:s7+$0x0] =	vst v0;
	p0 =	sne.s32 s10, $0x7F00  }
.Ltmp0:
0x2b: {  	[tilespmem:s14+$0xB010] =	vst v0;
	(pc) =	sbr.rel @p0 .LBB2_2-.Ltmp0, $4  }
0x2c: {  	[tilespmem:s14+$0xB020] =	vst v0  }
0x2d: {  	[tilespmem:s14+$0xB030] =	vst v0  }
0x2e: {  	s11 =	sadd.s32 $0x10, s11;
	[tilespmem:s14+$0xB000] =	vst v0  }
0x2f: {  	s10 =	sadd.s32 $0x100, s10;
	s7 =	sadd.s32 $0x10, s7;
	[tilespmem:s11+$0x0] =	vst v1  }
0x30: {  	[tilespmem:s7+$0x0] =	vst v0  }
0x31: {  	_ =	swait.ge [sflag:s22], $0x2800  }
0x32: {  	[sflag:s22] =	ssyncset.done $0x0  }
0x33: {  	s11 =	simm.s32 $0x0;
	[sflag:s22] =	ssyncadd.s32 $0xFFFFD800  }
0x34: {  	[tilespmem:s24], [sflag:$0x1] =	stream.indirect.gather [hbm4b:s5+s23], $0x40, s11, s23, $0xb8;
	[tilespmem:$0x1A800] =	vst v63  }
0x35: {  	_ = 	snop  }
0x36: {  	[tilespmem:s25], [sflag:$0x2] =	stream.indirect.gather [hbm4b:s5+s23], $0x40, s23, s23, $0xb8;
	[tilespmem:$0x1A800] =	vst v63  }
0x37: {  	_ = 	snop  }
0x38: {  	[spmem:s8] =	stream.linear.scatter [tilespmem:s26], [sflag:$0x5], $0x2000, $0x38;
	[tilespmem:$0x1A800] =	vst v63  }
0x39: {  	_ = 	snop  }
0x3a: {  	[spmem:s9] =	stream.linear.scatter [tilespmem:s28], [sflag:$0x6], $0x800, $0x38;
	[tilespmem:$0x1A800] =	vst v63  }
0x3b: {  	s14 =	rddreg [dreg:$0x7]  }
0x3c: {  	[spmem:s14] =	stream.linear.scatter [tilespmem:s26], [sflag:$0x5], $0x2000, $0x38;
	[tilespmem:$0x1A800] =	vst v63  }
0x3d: {  	s10 =	rddreg [dreg:$0x8]  }
0x3e: {  	[spmem:s10] =	stream.linear.scatter [tilespmem:s28], [sflag:$0x6], $0x800, $0x38;
	[tilespmem:$0x1A800] =	vst v63  }
0x3f: {  	s11 =	rddreg [dreg:$0x9]  }
0x40: {  	[spmem:s11] =	stream.linear.scatter [tilespmem:s26], [sflag:$0x5], $0x2000, $0x38;
	[tilespmem:$0x1A800] =	vst v63  }
0x41: {  	s14 =	rddreg [dreg:$0xa]  }
0x42: {  	[spmem:s14] =	stream.linear.scatter [tilespmem:s28], [sflag:$0x6], $0x800, $0x38;
	[tilespmem:$0x1A800] =	vst v63  }
0x43: {  	s10 =	rddreg [dreg:$0xb]  }
0x44: {  	[spmem:s10] =	stream.linear.scatter [tilespmem:s26], [sflag:$0x5], $0x2000, $0x38;
	[tilespmem:$0x1A800] =	vst v63  }
0x45: {  	s11 =	rddreg [dreg:$0xc]  }
0x46: {  	[spmem:s11] =	stream.linear.scatter [tilespmem:s28], [sflag:$0x6], $0x800, $0x38;
	[tilespmem:$0x1A800] =	vst v63  }
0x47: {  	s14 =	rddreg [dreg:$0xd]  }
0x48: {  	[spmem:s14] =	stream.linear.scatter [tilespmem:s26], [sflag:$0x5], $0x2000, $0x38;
	[tilespmem:$0x1A800] =	vst v63  }
0x49: {  	s10 =	rddreg [dreg:$0xe]  }
0x4a: {  	[spmem:s10] =	stream.linear.scatter [tilespmem:s28], [sflag:$0x6], $0x800, $0x38;
	[tilespmem:$0x1A800] =	vst v63  }
0x4b: {  	_ =	swait.ge [sflag:s29], $0x2800  }
0x4c: {  	[sflag:s29] =	ssyncset.done $0x0  }
0x4d: {  	[sflag:s29] =	ssyncadd.s32 $0xFFFFD800  }
0x4e: {  	_ =	swait.ge [sflag:s30], $0x2000  }
0x4f: {  	[sflag:s30] =	ssyncset.done $0x0  }
0x50: {  	[sflag:s30] =	ssyncadd.s32 $0xFFFFE000  }
0x51: {  	_ =	swait.ge [sflag:s31], $0x800  }
0x52: {  	[sflag:s31] =	ssyncset.done $0x0  }
0x53: {  	[sflag:s31] =	ssyncadd.s32 $0xFFFFF800  }
0x54: {  	_ =	swait.ge [sflag:s30], $0x2000  }
0x55: {  	[sflag:s30] =	ssyncset.done $0x0  }
0x56: {  	[sflag:s30] =	ssyncadd.s32 $0xFFFFE000  }
0x57: {  	_ =	swait.ge [sflag:s31], $0x800  }
0x58: {  	[sflag:s31] =	ssyncset.done $0x0  }
0x59: {  	[sflag:s31] =	ssyncadd.s32 $0xFFFFF800  }
0x5a: {  	_ =	swait.ge [sflag:s30], $0x2000  }
0x5b: {  	[sflag:s30] =	ssyncset.done $0x0  }
0x5c: {  	[sflag:s30] =	ssyncadd.s32 $0xFFFFE000  }
0x5d: {  	_ =	swait.ge [sflag:s31], $0x800  }
0x5e: {  	[sflag:s31] =	ssyncset.done $0x0  }
0x5f: {  	[sflag:s31] =	ssyncadd.s32 $0xFFFFF800  }
0x60: {  	_ =	swait.ge [sflag:s30], $0x2000  }
0x61: {  	[sflag:s30] =	ssyncset.done $0x0  }
0x62: {  	[sflag:s30] =	ssyncadd.s32 $0xFFFFE000  }
0x63: {  	_ =	swait.ge [sflag:s31], $0x800  }
0x64: {  	[sflag:s31] =	ssyncset.done $0x0  }
0x65: {  	[sflag:s31] =	ssyncadd.s32 $0xFFFFF800  }
0x66: {  	_ =	swait.ge [sflag:s30], $0x2000  }
0x67: {  	[sflag:s30] =	ssyncset.done $0x0  }
0x68: {  	[sflag:s30] =	ssyncadd.s32 $0xFFFFE000  }
0x69: {  	_ =	swait.ge [sflag:s31], $0x800  }
0x6a: {  	[sflag:s31] =	ssyncset.done $0x0  }
0x6b: {  	[sflag:s31] =	ssyncadd.s32 $0xFFFFF800  }
0x6c: {  	s11 =	simm.s32 $0x100;
	[bflag:$0x0] =	sbarrier.arrive $0xFFFF  }
0x6d: {  	[tilespmem:s0], [sflag:$0x3] =	stream.indirect.gather [hbm4b:s5+s23], $0x40, s11, s23, $0xb8;
	[tilespmem:$0x1A800] =	vst v63  }
0x6e: {  	_ =	swait.ge [sflag:s1], $0x2000  }
0x6f: {  	[sflag:s1] =	ssyncset.done $0x0  }
0x70: {  	[sflag:s1] =	ssyncadd.s32 $0xFFFFE000  }
0x71: {  	[spmem:s2] =	stream.indirect.scatter.add.f32 [tilespmem:s24], [sflag:$0x5], $0x40, s21, s23, $0xb8;
	[tilespmem:$0x1A800] =	vst v63  }
0x72: {  	_ = 	snop  }
0x73: {  	[spmem:s3] =	stream.indirect.scatter.add.f32 [tilespmem:s4], [sflag:$0x9], $0x10, s21, s23, $0xb8;
	[tilespmem:$0x1A800] =	vst v63  }
0x74: {  	s14 =	simm.s32 $0x180  }
0x75: {  	[tilespmem:s26], [sflag:$0x4] =	stream.indirect.gather [hbm4b:s5+s23], $0x40, s14, s23, $0xb8;
	[tilespmem:$0x1A800] =	vst v63  }
0x76: {  	_ =	swait.ge [sflag:s6], $0x2000  }
0x77: {  	[sflag:s6] =	ssyncset.done $0x0  }
0x78: {  	s10 =	simm.s32 $0x2880;
	[sflag:s6] =	ssyncadd.s32 $0xFFFFE000  }
0x79: {  	[spmem:s2] =	stream.indirect.scatter.add.f32 [tilespmem:s25], [sflag:$0x6], $0x40, s10, s23, $0xb8;
	[tilespmem:$0x1A800] =	vst v63  }
0x7a: {  	_ = 	snop  }
0x7b: {  	[spmem:s3] =	stream.indirect.scatter.add.f32 [tilespmem:s4], [sflag:$0x9], $0x10, s10, s23, $0xb8;
	[tilespmem:$0x1A800] =	vst v63  }
0x7c: {  	_ =	swait.ge [sflag:s30], $0x2000  }
0x7d: {  	[sflag:s30] =	ssyncset.done $0x0  }
0x7e: {  	s11 =	simm.s32 $0x200;
	[sflag:s30] =	ssyncadd.s32 $0xFFFFE000  }
0x7f: {  	[tilespmem:s24], [sflag:$0x1] =	stream.indirect.gather [hbm4b:s5+s23], $0x40, s11, s23, $0xb8;
	[tilespmem:$0x1A800] =	vst v63  }
0x80: {  	_ =	swait.ge [sflag:s22], $0x2000  }
0x81: {  	[sflag:s22] =	ssyncset.done $0x0  }
0x82: {  	s14 =	simm.s32 $0x2900;
	[sflag:s22] =	ssyncadd.s32 $0xFFFFE000  }
0x83: {  	[spmem:s2] =	stream.indirect.scatter.add.f32 [tilespmem:s0], [sflag:$0x7], $0x40, s14, s23, $0xb8;
	[tilespmem:$0x1A800] =	vst v63  }
0x84: {  	_ = 	snop  }
0x85: {  	[spmem:s3] =	stream.indirect.scatter.add.f32 [tilespmem:s4], [sflag:$0x9], $0x10, s14, s23, $0xb8;
	[tilespmem:$0x1A800] =	vst v63  }
0x86: {  	_ =	swait.ge [sflag:s31], $0x2000  }
0x87: {  	[sflag:s31] =	ssyncset.done $0x0  }
0x88: {  	s10 =	simm.s32 $0x280;
	[sflag:s31] =	ssyncadd.s32 $0xFFFFE000  }
0x89: {  	[tilespmem:s25], [sflag:$0x2] =	stream.indirect.gather [hbm4b:s5+s23], $0x40, s10, s23, $0xb8;
	[tilespmem:$0x1A800] =	vst v63  }
0x8a: {  	_ =	swait.ge [sflag:s29], $0x2000  }
0x8b: {  	[sflag:s29] =	ssyncset.done $0x0  }
0x8c: {  	s11 =	simm.s32 $0x2980;
	[sflag:s29] =	ssyncadd.s32 $0xFFFFE000  }
0x8d: {  	[spmem:s2] =	stream.indirect.scatter.add.f32 [tilespmem:s26], [sflag:$0x8], $0x40, s11, s23, $0xb8;
	[tilespmem:$0x1A800] =	vst v63  }
0x8e: {  	_ = 	snop  }
0x8f: {  	[spmem:s3] =	stream.indirect.scatter.add.f32 [tilespmem:s4], [sflag:$0x9], $0x10, s11, s23, $0xb8;
	[tilespmem:$0x1A800] =	vst v63  }
0x90: {  	_ =	swait.ge [sflag:s12], $0x2000  }
0x91: {  	[sflag:s12] =	ssyncset.done $0x0  }
0x92: {  	s14 =	simm.s32 $0x300;
	[sflag:s12] =	ssyncadd.s32 $0xFFFFE000  }
0x93: {  	[tilespmem:s0], [sflag:$0x3] =	stream.indirect.gather [hbm4b:s5+s23], $0x40, s14, s23, $0xb8;
	[tilespmem:$0x1A800] =	vst v63  }
0x94: {  	_ =	swait.ge [sflag:s1], $0x2000  }
0x95: {  	[sflag:s1] =	ssyncset.done $0x0  }
0x96: {  	s10 =	simm.s32 $0x2A00;
	[sflag:s1] =	ssyncadd.s32 $0xFFFFE000  }
0x97: {  	[spmem:s2] =	stream.indirect.scatter.add.f32 [tilespmem:s24], [sflag:$0x5], $0x40, s10, s23, $0xb8;
	[tilespmem:$0x1A800] =	vst v63  }
0x98: {  	_ = 	snop  }
0x99: {  	[spmem:s3] =	stream.indirect.scatter.add.f32 [tilespmem:s4], [sflag:$0x9], $0x10, s10, s23, $0xb8;
	[tilespmem:$0x1A800] =	vst v63  }
0x9a: {  	_ =	swait.ge [sflag:s13], $0x2000  }
0x9b: {  	[sflag:s13] =	ssyncset.done $0x0  }
0x9c: {  	s11 =	simm.s32 $0x380;
	[sflag:s13] =	ssyncadd.s32 $0xFFFFE000  }
0x9d: {  	[tilespmem:s26], [sflag:$0x4] =	stream.indirect.gather [hbm4b:s5+s23], $0x40, s11, s23, $0xb8;
	[tilespmem:$0x1A800] =	vst v63  }
0x9e: {  	_ =	swait.ge [sflag:s6], $0x2000  }
0x9f: {  	[sflag:s6] =	ssyncset.done $0x0  }
0xa0: {  	s14 =	simm.s32 $0x2A80;
	[sflag:s6] =	ssyncadd.s32 $0xFFFFE000  }
0xa1: {  	[spmem:s2] =	stream.indirect.scatter.add.f32 [tilespmem:s25], [sflag:$0x6], $0x40, s14, s23, $0xb8;
	[tilespmem:$0x1A800] =	vst v63  }
0xa2: {  	_ = 	snop  }
0xa3: {  	[spmem:s3] =	stream.indirect.scatter.add.f32 [tilespmem:s4], [sflag:$0x9], $0x10, s14, s23, $0xb8;
	[tilespmem:$0x1A800] =	vst v63  }
0xa4: {  	_ =	swait.ge [sflag:s30], $0x2000  }
0xa5: {  	[sflag:s30] =	ssyncset.done $0x0  }
0xa6: {  	s10 =	simm.s32 $0x400;
	[sflag:s30] =	ssyncadd.s32 $0xFFFFE000  }
0xa7: {  	[tilespmem:s24], [sflag:$0x1] =	stream.indirect.gather [hbm4b:s5+s23], $0x40, s10, s23, $0xb8;
	[tilespmem:$0x1A800] =	vst v63  }
0xa8: {  	_ =	swait.ge [sflag:s22], $0x2000  }
0xa9: {  	[sflag:s22] =	ssyncset.done $0x0  }
0xaa: {  	s11 =	simm.s32 $0x2B00;
	[sflag:s22] =	ssyncadd.s32 $0xFFFFE000  }
0xab: {  	[spmem:s2] =	stream.indirect.scatter.add.f32 [tilespmem:s0], [sflag:$0x7], $0x40, s11, s23, $0xb8;
	[tilespmem:$0x1A800] =	vst v63  }
0xac: {  	_ = 	snop  }
0xad: {  	[spmem:s3] =	stream.indirect.scatter.add.f32 [tilespmem:s4], [sflag:$0x9], $0x10, s11, s23, $0xb8;
	[tilespmem:$0x1A800] =	vst v63  }
0xae: {  	_ =	swait.ge [sflag:s31], $0x2000  }
0xaf: {  	[sflag:s31] =	ssyncset.done $0x0  }
0xb0: {  	s14 =	simm.s32 $0x480;
	[sflag:s31] =	ssyncadd.s32 $0xFFFFE000  }
0xb1: {  	[tilespmem:s25], [sflag:$0x2] =	stream.indirect.gather [hbm4b:s5+s23], $0x40, s14, s23, $0xb8;
	[tilespmem:$0x1A800] =	vst v63  }
0xb2: {  	_ =	swait.ge [sflag:s29], $0x2000  }
0xb3: {  	[sflag:s29] =	ssyncset.done $0x0  }
0xb4: {  	s7 =	simm.s32 $0x800;
	s10 =	simm.s32 $0x2B80;
	[sflag:s29] =	ssyncadd.s32 $0xFFFFE000  }
0xb5: {  	[spmem:s2] =	stream.indirect.scatter.add.f32 [tilespmem:s26], [sflag:$0x8], $0x40, s10, s23, $0xb8;
	[tilespmem:$0x1A800] =	vst v63  }
.LBB2_4:
0xb6: {  	[spmem:s3] =	stream.indirect.scatter.add.f32 [tilespmem:s4], [sflag:$0x9], $0x10, s10, s23, $0xb8;
	[tilespmem:$0x1A800] =	vst v63  }
0xb7: {  	s10 =	smov.u32 s7  }
0xb8: {  	p0 =	sne.s32 s7, $0x8800;
	s7 =	sadd.s32 $0x800, s7;
	_ =	swait.ge [sflag:s12], $0x2000  }
0xb9: {  	s10 =	sshra.s32 s10, $0x2;
	[sflag:s12] =	ssyncset.done $0x0  }
0xba: {  	s11 =	sadd.s32 $0x300, s10;
	[sflag:s12] =	ssyncadd.s32 $0xFFFFE000  }
0xbb: {  	[tilespmem:s0], [sflag:$0x3] =	stream.indirect.gather [hbm4b:s5+s23], $0x40, s11, s23, $0xb8;
	[tilespmem:$0x1A800] =	vst v63  }
0xbc: {  	_ =	swait.ge [sflag:s1], $0x2000  }
0xbd: {  	[sflag:s1] =	ssyncset.done $0x0  }
0xbe: {  	s11 =	sadd.s32 $0x2A00, s10;
	[sflag:s1] =	ssyncadd.s32 $0xFFFFE000  }
0xbf: {  	[spmem:s2] =	stream.indirect.scatter.add.f32 [tilespmem:s24], [sflag:$0x5], $0x40, s11, s23, $0xb8;
	[tilespmem:$0x1A800] =	vst v63  }
0xc0: {  	_ = 	snop  }
0xc1: {  	[spmem:s3] =	stream.indirect.scatter.add.f32 [tilespmem:s4], [sflag:$0x9], $0x10, s11, s23, $0xb8;
	[tilespmem:$0x1A800] =	vst v63  }
0xc2: {  	_ =	swait.ge [sflag:s13], $0x2000  }
0xc3: {  	[sflag:s13] =	ssyncset.done $0x0  }
0xc4: {  	s11 =	sadd.s32 $0x380, s10;
	[sflag:s13] =	ssyncadd.s32 $0xFFFFE000  }
0xc5: {  	[tilespmem:s26], [sflag:$0x4] =	stream.indirect.gather [hbm4b:s5+s23], $0x40, s11, s23, $0xb8;
	[tilespmem:$0x1A800] =	vst v63  }
0xc6: {  	_ =	swait.ge [sflag:s6], $0x2000  }
0xc7: {  	[sflag:s6] =	ssyncset.done $0x0  }
0xc8: {  	s11 =	sadd.s32 $0x2A80, s10;
	[sflag:s6] =	ssyncadd.s32 $0xFFFFE000  }
0xc9: {  	[spmem:s2] =	stream.indirect.scatter.add.f32 [tilespmem:s25], [sflag:$0x6], $0x40, s11, s23, $0xb8;
	[tilespmem:$0x1A800] =	vst v63  }
0xca: {  	_ = 	snop  }
0xcb: {  	[spmem:s3] =	stream.indirect.scatter.add.f32 [tilespmem:s4], [sflag:$0x9], $0x10, s11, s23, $0xb8;
	[tilespmem:$0x1A800] =	vst v63  }
0xcc: {  	_ =	swait.ge [sflag:s30], $0x2000  }
0xcd: {  	[sflag:s30] =	ssyncset.done $0x0  }
0xce: {  	s11 =	sadd.s32 $0x400, s10;
	[sflag:s30] =	ssyncadd.s32 $0xFFFFE000  }
0xcf: {  	[tilespmem:s24], [sflag:$0x1] =	stream.indirect.gather [hbm4b:s5+s23], $0x40, s11, s23, $0xb8;
	[tilespmem:$0x1A800] =	vst v63  }
0xd0: {  	_ =	swait.ge [sflag:s22], $0x2000  }
0xd1: {  	[sflag:s22] =	ssyncset.done $0x0  }
0xd2: {  	s11 =	sadd.s32 $0x2B00, s10;
	[sflag:s22] =	ssyncadd.s32 $0xFFFFE000  }
0xd3: {  	[spmem:s2] =	stream.indirect.scatter.add.f32 [tilespmem:s0], [sflag:$0x7], $0x40, s11, s23, $0xb8;
	[tilespmem:$0x1A800] =	vst v63  }
0xd4: {  	_ = 	snop  }
0xd5: {  	[spmem:s3] =	stream.indirect.scatter.add.f32 [tilespmem:s4], [sflag:$0x9], $0x10, s11, s23, $0xb8;
	[tilespmem:$0x1A800] =	vst v63  }
0xd6: {  	_ =	swait.ge [sflag:s31], $0x2000  }
0xd7: {  	[sflag:s31] =	ssyncset.done $0x0  }
0xd8: {  	s11 =	sadd.s32 $0x480, s10;
	[sflag:s31] =	ssyncadd.s32 $0xFFFFE000  }
0xd9: {  	[tilespmem:s25], [sflag:$0x2] =	stream.indirect.gather [hbm4b:s5+s23], $0x40, s11, s23, $0xb8;
	[tilespmem:$0x1A800] =	vst v63  }
.Ltmp1:
0xda: {  	_ = 	snop;
	(pc) =	sbr.rel @p0 .LBB2_4-.Ltmp1, $4  }
0xdb: {  	_ =	swait.ge [sflag:s29], $0x2000  }
0xdc: {  	[sflag:s29] =	ssyncset.done $0x0  }
0xdd: {  	s10 =	sadd.s32 $0x2B80, s10;
	[sflag:s29] =	ssyncadd.s32 $0xFFFFE000  }
0xde: {  	[spmem:s2] =	stream.indirect.scatter.add.f32 [tilespmem:s26], [sflag:$0x8], $0x40, s10, s23, $0xb8;
	[tilespmem:$0x1A800] =	vst v63  }
0xdf: {  	[spmem:s3] =	stream.indirect.scatter.add.f32 [tilespmem:s4], [sflag:$0x9], $0x10, s10, s23, $0xb8;
	[tilespmem:$0x1A800] =	vst v63  }
0xe0: {  	_ =	swait.ge [sflag:s12], $0x2000  }
0xe1: {  	[sflag:s12] =	ssyncset.done $0x0  }
0xe2: {  	s7 =	simm.s32 $0x2700;
	[sflag:s12] =	ssyncadd.s32 $0xFFFFE000  }
0xe3: {  	[tilespmem:s0], [sflag:$0x3] =	stream.indirect.gather [hbm4b:s5+s23], $0x40, s7, s23, $0xb8;
	[tilespmem:$0x1A800] =	vst v63  }
0xe4: {  	_ =	swait.ge [sflag:s1], $0x2000  }
0xe5: {  	[sflag:s1] =	ssyncset.done $0x0  }
0xe6: {  	s11 =	simm.s32 $0x4E00;
	[sflag:s1] =	ssyncadd.s32 $0xFFFFE000  }
0xe7: {  	[spmem:s2] =	stream.indirect.scatter.add.f32 [tilespmem:s24], [sflag:$0x5], $0x40, s11, s23, $0xb8;
	[tilespmem:$0x1A800] =	vst v63  }
0xe8: {  	_ = 	snop  }
0xe9: {  	[spmem:s3] =	stream.indirect.scatter.add.f32 [tilespmem:s4], [sflag:$0x9], $0x10, s11, s23, $0xb8;
	[tilespmem:$0x1A800] =	vst v63  }
0xea: {  	_ =	swait.ge [sflag:s13], $0x2000  }
0xeb: {  	[sflag:s13] =	ssyncset.done $0x0  }
0xec: {  	s14 =	simm.s32 $0x2780;
	[sflag:s13] =	ssyncadd.s32 $0xFFFFE000  }
0xed: {  	[tilespmem:s26], [sflag:$0x4] =	stream.indirect.gather [hbm4b:s5+s23], $0x40, s14, s23, $0xb8;
	[tilespmem:$0x1A800] =	vst v63  }
0xee: {  	_ =	swait.ge [sflag:s6], $0x2000  }
0xef: {  	[sflag:s6] =	ssyncset.done $0x0  }
0xf0: {  	[sflag:s6] =	ssyncadd.s32 $0xFFFFE000  }
0xf1: {  	[spmem:s2] =	stream.indirect.scatter.add.f32 [tilespmem:s25], [sflag:$0x6], $0x40, s15, s23, $0xb8;
	[tilespmem:$0x1A800] =	vst v63  }
0xf2: {  	_ = 	snop  }
0xf3: {  	[spmem:s3] =	stream.indirect.scatter.add.f32 [tilespmem:s4], [sflag:$0x9], $0x10, s15, s23, $0xb8;
	[tilespmem:$0x1A800] =	vst v63  }
0xf4: {  	_ =	swait.ge [sflag:s22], $0x2000  }
0xf5: {  	[sflag:s22] =	ssyncset.done $0x0  }
0xf6: {  	[sflag:s22] =	ssyncadd.s32 $0xFFFFE000  }
0xf7: {  	[spmem:s2] =	stream.indirect.scatter.add.f32 [tilespmem:s0], [sflag:$0x7], $0x40, s16, s23, $0xb8;
	[tilespmem:$0x1A800] =	vst v63  }
0xf8: {  	_ = 	snop  }
0xf9: {  	[spmem:s3] =	stream.indirect.scatter.add.f32 [tilespmem:s4], [sflag:$0x9], $0x10, s16, s23, $0xb8;
	[tilespmem:$0x1A800] =	vst v63  }
0xfa: {  	_ =	swait.ge [sflag:s29], $0x2000  }
0xfb: {  	[sflag:s29] =	ssyncset.done $0x0  }
0xfc: {  	[sflag:s29] =	ssyncadd.s32 $0xFFFFE000  }
0xfd: {  	[spmem:s2] =	stream.indirect.scatter.add.f32 [tilespmem:s26], [sflag:$0x8], $0x40, s17, s23, $0xb8;
	[tilespmem:$0x1A800] =	vst v63  }
0xfe: {  	_ = 	snop  }
0xff: {  	[spmem:s3] =	stream.indirect.scatter.add.f32 [tilespmem:s4], [sflag:$0x9], $0x10, s17, s23, $0xb8;
	[tilespmem:$0x1A800] =	vst v63  }
0x100: {  	_ =	swait.ge [sflag:s30], $0x2000  }
0x101: {  	[sflag:s30] =	ssyncset.done $0x0  }
0x102: {  	[sflag:s30] =	ssyncadd.s32 $0xFFFFE000  }
0x103: {  	_ =	swait.ge [sflag:s31], $0x2000  }
0x104: {  	[sflag:s31] =	ssyncset.done $0x0  }
0x105: {  	[sflag:s31] =	ssyncadd.s32 $0xFFFFE000  }
0x106: {  	_ =	swait.ge [sflag:s12], $0x2000  }
0x107: {  	[sflag:s12] =	ssyncset.done $0x0  }
0x108: {  	[sflag:s12] =	ssyncadd.s32 $0xFFFFE000  }
0x109: {  	_ =	swait.ge [sflag:s13], $0x2000  }
0x10a: {  	[sflag:s13] =	ssyncset.done $0x0  }
0x10b: {  	[sflag:s13] =	ssyncadd.s32 $0xFFFFE000  }
0x10c: {  	_ =	swait.ge [sflag:s18], $0x800  }
0x10d: {  	s7 =	simm.s32 $0x4F;
	[sflag:s18] =	ssyncset.done $0x0  }
.LBB2_6:
0x10e: {  	p0 =	sne.s32 s7, $0x1;
	s7 =	sadd.s32 $0xFFFFFFFF, s7;
	[sflag:s18] =	ssyncadd.s32 $0xFFFFF800  }
.Ltmp2:
0x10f: {  	(pc) =	sbr.rel @p0 .LBB2_6-.Ltmp2, $3  }
0x110: {  	_ =	sdelay $0x1  }
0x111: {  	_ =	swait.ge [sflag:s18], $0x800  }
0x112: {  	[sflag:s18] =	ssyncset.done $0x0  }
0x113: {  	[sflag:s18] =	ssyncadd.s32 $0xFFFFF800;
	s7 =	stileid.u32  }
0x114: {  	s7 =	sshll.u32 s7, $0x6;
	[bflag:$0x0] =	sbarrier.arrive $0xFFFF  }
0x115: {  	s10 =	sshrl.u32 s8, $0x3;
	s7 =	sor.u32 $0x1C0A, s7;
	s11 =	rddreg [dreg:$0xf]  }
0x116: {  	[hbm:s11], [sflag:s7] =	dma.local [spmem:s10], $0x1400  }
0x117: {  	_ =	swait.ge [sflag:s19], $0x1400  }
0x118: {  	[sflag:s19] =	ssyncset.done $0x0  }
0x119: {  	s11 =	sshrl.u32 s9, $0x3;
	s14 =	rddreg [dreg:$0x10];
	[sflag:s19] =	ssyncadd.s32 $0xFFFFEC00  }
0x11a: {  	[hbm:s14], [sflag:s7] =	dma.local [spmem:s11], $0x500  }
0x11b: {  	_ =	swait.ge [sflag:s19], $0x500  }
0x11c: {  	s20 =	sadd.s32 $0x1, s20;
	s14 =	rddreg [dreg:$0x11]  }
0x11d: {  	p0 =	sne.s32 s20, s14  }
.Ltmp3:
0x11e: {  	_ = 	snop;
	(pc) =	sbr.rel @p0 .LBB2_1-.Ltmp3, $3  }
0x11f: {  	_ =	sdelay $0x1  }
0x120: {  	[sflag:s19] =	ssyncset.done $0x0  }
0x121: {  	[sflag:s19] =	ssyncadd.s32 $0xFFFFFB00  }
0x122: {  	_ =	sfence.sel $0x180000  }
0x123: {  	[bflag:$0x0] =	sbarrier.arrive $0xFFFF  }
0x124: {  	_ =	strace $0x90000047  }
0x125: {  	s0 =	stileid.u32;
	[bflag:$0x2] =	sbarrier.arrive $0xFFFF  }
0x126: {  	p0 =	sne.s32 s0, $0x0;
	s0 =	rddreg [dreg:$0x4]  }
0x127: {  	s0 =	sadd.s32 @!p0 $0x100000, s0  }
0x128: {  	[sflag:s0] =	ssyncadd.tile.s32 @!p0 $0x1;
	_ =	shalt  }
.Lfunc_end2:
_tile_overlayer_lowered:
.L_overlay_start_2:
0x129: {  	(tag) =	ssettag $0x2  }
0x12a: {  	s0 =	rddreg [dreg:$0x0];
	s2 =	stileid.u32  }
0x12b: {  	s1 =	rddreg [dreg:$0x1];
	p0 =	sne.s32 s2, $0x0  }
0x12c: {  	s3 =	rddreg [dreg:$0x2];
	[bflag:$0x3] =	sbarrier.arrive $0xFFFF;
	s2 =	simm.s32 @!p0 $0x1C0A  }
0x12d: {  	[timem:s3], [sflag:s2] =	dma.local @!p0 [hbm:s0], s1  }
0x12e: {  	s0 =	simm.s32 @!p0 $0xA  }
0x12f: {  	_ =	swait.ge @!p0 [sflag:s0], s1  }
0x130: {  	s1 =	ssub.s32 @!p0 $0x0, s1;
	[sflag:s0] =	ssyncset.done @!p0 $0x0  }
0x131: {  	[sflag:s0] =	ssyncadd.s32 @!p0 s1  }
0x132: {  	[bflag:$0x3] =	sbarrier.arrive $0xFFFF  }
0x133: {  	_ =	shalt  }

// kernel: kernel.14.cloned.1.call-start
scs
__scs_entry_jumppad:
0x0: {  	(pc) =	sbr.rel $0x88, $3  }
0x1: {  	(tag) =	ssettag $0x0;
	lr =	simm.s32 $0x1  }
0x2: {  	[smem:$0x3F99] =	sst lr;
	_ =	strace $0xD0000000  }
0x3: {  	_ = 	snop  }
0x4: {  	_ = 	snop  }
0x5: {  	_ = 	snop  }
0x6: {  	_ = 	snop  }
0x7: {  	_ = 	snop  }
__scs_overlays_trampoline_lowered:
0x8: {  	[smem:$0x3FA8] =	sst s0  }
0x9: {  	[smem:$0x3FA9] =	sst s1  }
0xa: {  	[smem:$0x3FAA] =	sst s2  }
0xb: {  	[smem:$0x3FAB] =	sst s3  }
0xc: {  	[smem:$0x3FAC] =	sst s4  }
0xd: {  	[smem:$0x3FAD] =	sst s5  }
0xe: {  	[smem:$0x3FAE] =	sst s6  }
0xf: {  	[smem:$0x3FAF] =	sst s7  }
0x10: {  	[smem:$0x3FB0] =	sst s8  }
0x11: {  	[smem:$0x3FB1] =	sst s9;
	s0 =	simm.s32 @!p0 $0x0  }
0x12: {  	s1 =	sld [smem:$0x3F97];
	s0 =	simm.s32 @p0 $0x1  }
0x13: {  	[smem:$0x3FB2] =	sst s0;
	s0 =	simm.s32 @!p1 $0x0  }
0x14: {  	s2 =	sld [smem:$0x3F96];
	s0 =	simm.s32 @p1 $0x1  }
0x15: {  	[smem:$0x3FB3] =	sst s0;
	s0 =	simm.s32 @!p2 $0x0  }
0x16: {  	s3 =	sld [smem:$0x3FDB];
	s0 =	simm.s32 @p2 $0x1  }
0x17: {  	s4 =	simm.s32 $0x1BF5;
	[smem:$0x3FB5] =	sst s0  }
0x18: {  	s0 =	sld [smem:$0x3F98];
	_ =	swait.ge [sflag:s4], $0x0  }
0x19: {  	s7 =	sld [smem:$0x3F99]  }
0x1a: {  	s8 =	sadd.s32 $0xFFFFE003, lr  }
0x1b: {  	s9 =	sadd.s32 $0xFFFFFEF7, lr;
	s5 =	simm.s32 $0xFFFFFFFF;
	p2 =	slt.u32 s8, $0xFFFFF086  }
0x1c: {  	p1 =	slt.u32 s9, $0xF7A;
	s5 =	simm.s32 @!p2 $0x0  }
0x1d: {  	s5 =	simm.s32 @p1 $0x1;
	p0 =	seq.s32 s7, s2  }
0x1e: {  	s7 =	smul.u32 @!p0 $0xF7A, s2;
	p2 =	seq.s32 @!p0 s5, $0x0  }
0x1f: {  	s9 =	smul.u32 $0xF7A, s1;
	s8 =	simm.s32 @!p0 $0x1BF5;
	p2 =	por !p2, p0  }
0x20: {  	[sflag:s8] =	ssyncset.s32 @!p0 $0xFFFFF086;
	s6 =	sadd.s32 @!p0 s3, s7;
	s7 =	simm.s32 @!p0 $0x108  }
0x21: {  	s3 =	sadd.s32 s3, s9;
	s6 =	sadd.s32 @!p0 $0x88, s6;
	s7 =	simm.s32 @p2 $0x1082  }
0x22: {  	[simem:s7], [sflag:s8] =	dma.local @!p0 [hbm:s6], $0xF7A  }
0x23: {  	s9 =	sor.u32 $0xD0000000, s2;
	s6 =	simm.s32 $0x108;
	_ =	swait.ge @!p0 [sflag:s8], $0x0  }
0x24: {  	s3 =	sadd.s32 $0x88, s3;
	s6 =	simm.s32 @!p1 $0x1082;
	[sflag:s4] =	ssyncset.s32 $0xFFFFF086  }
0x25: {  	[simem:s6], [sflag:s4] =	dma.local [hbm:s3], $0xF7A  }
0x26: {  	[smem:$0x3F99] =	sst s1;
	(tag) =	ssettag s2;
	_ =	strace s9  }
0x27: {  	s1 =	sld [smem:$0x3FA9]  }
0x28: {  	s2 =	sld [smem:$0x3FAA]  }
0x29: {  	s4 =	sld [smem:$0x3FAC]  }
0x2a: {  	p0 =	seq.s32 s5, $0x0;
	s5 =	sld [smem:$0x3FAD]  }
0x2b: {  	s6 =	sld [smem:$0x3FAE]  }
0x2c: {  	s7 =	sld [smem:$0x3FAF]  }
0x2d: {  	s3 =	simm.s32 $0x108;
	s8 =	sld [smem:$0x3FB0]  }
0x2e: {  	s3 =	simm.s32 @!p0 $0x1082;
	s9 =	sld [smem:$0x3FB1]  }
0x2f: {  	lr =	sadd.s32 s0, s3;
	s0 =	sld [smem:$0x3FA8]  }
0x30: {  	s3 =	sld [smem:$0x3FAB]  }
0x31: {  	[smem:$0x3FB4] =	sst s10  }
0x32: {  	s10 =	sld [smem:$0x3FB2];
	_ =	sdelay $0x3  }
0x33: {  	p0 =	seq.s32 s10, $0x1;
	s10 =	sld [smem:$0x3FB4];
	_ =	sdelay $0x3  }
0x34: {  	[smem:$0x3FB4] =	sst s10  }
0x35: {  	s10 =	sld [smem:$0x3FB3];
	_ =	sdelay $0x3  }
0x36: {  	p1 =	seq.s32 s10, $0x1;
	s10 =	sld [smem:$0x3FB4];
	_ =	sdelay $0x3  }
0x37: {  	[smem:$0x3FB4] =	sst s10  }
0x38: {  	s10 =	sld [smem:$0x3FB5]  }
0x39: {  	_ = 	snop;
	(pc) =	sbr.ind lr, $3  }
0x3a: {  	_ = 	snop  }
0x3b: {  	_ = 	snop  }
0x3c: {  	p2 =	seq.s32 s10, $0x1;
	s10 =	sld [smem:$0x3FB4]  }
0x3d: {  	_ =	shalt  }
0x3e: {  	_ =	shalt  }
0x3f: {  	_ =	shalt  }
0x40: {  	_ =	shalt  }
0x41: {  	_ =	shalt  }
0x42: {  	_ =	shalt  }
0x43: {  	_ =	shalt  }
0x44: {  	_ =	shalt  }
0x45: {  	_ =	shalt  }
0x46: {  	_ =	shalt  }
0x47: {  	_ =	shalt  }
0x48: {  	_ =	shalt  }
0x49: {  	_ =	shalt  }
0x4a: {  	_ =	shalt  }
0x4b: {  	_ =	shalt  }
0x4c: {  	_ =	shalt  }
0x4d: {  	_ =	shalt  }
0x4e: {  	_ =	shalt  }
0x4f: {  	_ =	shalt  }
0x50: {  	_ =	shalt  }
0x51: {  	_ =	shalt  }
0x52: {  	_ =	shalt  }
0x53: {  	_ =	shalt  }
0x54: {  	_ =	shalt  }
0x55: {  	_ =	shalt  }
0x56: {  	_ =	shalt  }
0x57: {  	_ =	shalt  }
0x58: {  	_ =	shalt  }
0x59: {  	_ =	shalt  }
0x5a: {  	_ =	shalt  }
0x5b: {  	_ =	shalt  }
0x5c: {  	_ =	shalt  }
0x5d: {  	_ =	shalt  }
0x5e: {  	_ =	shalt  }
0x5f: {  	_ =	shalt  }
0x60: {  	_ =	shalt  }
0x61: {  	_ =	shalt  }
0x62: {  	_ =	shalt  }
0x63: {  	_ =	shalt  }
0x64: {  	_ =	shalt  }
0x65: {  	_ =	shalt  }
0x66: {  	_ =	shalt  }
0x67: {  	_ =	shalt  }
0x68: {  	_ =	shalt  }
0x69: {  	_ =	shalt  }
0x6a: {  	_ =	shalt  }
0x6b: {  	_ =	shalt  }
0x6c: {  	_ =	shalt  }
0x6d: {  	_ =	shalt  }
0x6e: {  	_ =	shalt  }
0x6f: {  	_ =	shalt  }
0x70: {  	_ =	shalt  }
0x71: {  	_ =	shalt  }
0x72: {  	_ =	shalt  }
0x73: {  	_ =	shalt  }
0x74: {  	_ =	shalt  }
0x75: {  	_ =	shalt  }
0x76: {  	_ =	shalt  }
0x77: {  	_ =	shalt  }
0x78: {  	_ =	shalt  }
0x79: {  	_ =	shalt  }
0x7a: {  	_ =	shalt  }
0x7b: {  	_ =	shalt  }
0x7c: {  	_ =	shalt  }
0x7d: {  	_ =	shalt  }
0x7e: {  	_ =	shalt  }
0x7f: {  	_ =	shalt  }
0x80: {  	_ =	shalt  }
0x81: {  	_ =	shalt  }
0x82: {  	_ =	shalt  }
0x83: {  	_ =	shalt  }
0x84: {  	_ =	shalt  }
0x85: {  	_ =	shalt  }
0x86: {  	_ =	shalt  }
0x87: {  	_ =	shalt  }
.Lfunc_end0:
.L_simem_size_0:
called_computation.2_lowered:
.L_overlay_start_0:
0x88: {  	s2 =	sld [smem:$0x3FD9]  }
0x89: {  	s3 =	sld [smem:$0x3FFE];
	_ =	sdelay $0x1  }
0x8a: {  	s1 =	srdreg.scid  }
0x8b: {  	s0 =	sand.u32 $0x1, s1  }
0x8c: {  	s17 =	sshll.u32 s0, $0xA;
	s2 =	sadd.s32 s3, s2  }
0x8d: {  	s2 =	sadd.s32 s2, s17  }
0x8e: {  	[smem:$0x3FC0] =	sst s2  }
0x8f: {  	_ = 	snop  }
0x90: {  	s2 =	sld [smem:$0x3FD0];
	(tm) =	ssettm $0x1  }
0x91: {  	s18 =	sld [smem:$0x3FFB];
	_ =	sdelay $0x3  }
0x92: {  	_ =	strace s18  }
0x93: {  	s3 =	sld [smem:$0x3FFC];
	_ =	sdelay $0x3  }
0x94: {  	_ =	strace s3  }
0x95: {  	s3 =	sld [smem:$0x3FFD];
	_ =	sdelay $0x3  }
0x96: {  	_ =	strace s3  }
0x97: {  	_ =	strace $0x8FFFFFFF  }
0x98: {  	s19 =	sld [smem:$0x3FDB];
	_ =	sdelay $0x1  }
0x99: {  	s4 =	simm.s32 $_scs_section_size  }
0x9a: {  	s5 =	simm.s32 $_size__tile_overlayer_lowered;
	s6 =	simm.s32 $_tile_overlayer_lowered  }
0x9b: {  	s22 =	simm.s32 $0x1BFF;
	s21 =	sshll.u32 s6, $0x1;
	s3 =	sadd.s32 s4, s19  }
0x9c: {  	s7 =	simm.s32 $0x0;
	s20 =	sshll.u32 s5, $0x1;
	s5 =	sadd.s32 s21, s3  }
0x9d: {  	[timem:s7], [sflag:s22] =	dma.local [hbm:s5], s20  }
0x9e: {  	_ =	swait.ge [sflag:s22], s20  }
0x9f: {  	s4 =	ssub.s32 $0x0, s20;
	[sflag:s22] =	ssyncset.done $0x0  }
0xa0: {  	[sflag:s22] =	ssyncadd.s32 s4;
	_ =	sdelay $0x1  }
0xa1: {  	s23 =	simm.s32 $0x1B8B  }
0xa2: {  	_ =	swait.ge [sflag:s23], $0x1  }
0xa3: {  	[sflag:s23] =	ssyncset.done $0x0  }
0xa4: {  	s25 =	simm.s32 $0x1B8E;
	s24 =	sld [smem:$0x3FFE];
	[sflag:s23] =	ssyncadd.s32 $0xFFFFFFFF  }
0xa5: {  	s26 =	simm.s32 $execute0_lowered;
	[smem:$0x3FD2] =	sst s25  }
0xa6: {  	s5 =	sshll.u32 s26, $0x1;
	_ =	strace $0x8000004C;
	[dreg:$0x1] =	wrdreg $0xFFFFFFFF  }
0xa7: {  	s28 =	simm.s32 $_size_execute0_lowered;
	s3 =	sadd.s32 s3, s5;
	[dreg:$0x0] =	wrdreg $0x0  }
0xa8: {  	s5 =	sshll.u32 s28, $0x1;
	[dreg:$0x2] =	wrdreg s3  }
0xa9: {  	[dreg:$0x3] =	wrdreg s5  }
0xaa: {  	[dreg:$0x4] =	wrdreg $0xC0  }
0xab: {  	_ =	task [dreg:s7], $0x5FFFF  }
0xac: {  	[dreg:$0x1] =	wrdreg $0xFFFFFFFF  }
0xad: {  	[dreg:$0x0] =	wrdreg $0x60  }
0xae: {  	[dreg:$0x2] =	wrdreg s24  }
0xaf: {  	[dreg:$0x3] =	wrdreg s2  }
0xb0: {  	[dreg:$0x4] =	wrdreg $0xE0000  }
0xb1: {  	[dreg:$0x5] =	wrdreg $0x9  }
0xb2: {  	_ =	task.clear_ibuf [dreg:s7], $0x6FFFF;
	_ =	strace $0x9000004C  }
0xb3: {  	s29 =	simm.s32 $0x9;
	_ =	strace $0x8000004E  }
0xb4: {  	_ =	swait.ge [sflag:s29], $0x1  }
0xb5: {  	[sflag:s29] =	ssyncadd.s32 $0xFFFFFFFF  }
0xb6: {  	_ =	strace $0x9000004E  }
0xb7: {  	_ =	sfence  }
0xb8: {  	s30 =	sld [smem:$0x0];
	_ =	sdelay $0x2  }
0xb9: {  	s31 =	sshll.u32 s1, $0xD;
	s1 =	sshrl.u32 s1, $0x2  }
0xba: {  	s3 =	sand.u32 $0x4000, s31;
	s1 =	sadd.s32 s1, s30  }
0xbb: {  	s0 =	sor.u32 s3, s0;
	s1 =	sshll.u32 s1, $0x11  }
0xbc: {  	s0 =	sor.u32 s1, s0  }
0xbd: {  	s0 =	sadd.s32 $0x8F2B, s0  }
0xbe: {  	[sflag:s0] =	ssyncadd.remote.s32 $0x1  }
0xbf: {  	_ =	sfence.sel $0xFFFF  }
0xc0: {  	[dreg:$0x0] =	wrdreg $0xFFFFFFFF;
	(pc) =	sbr.abs _section_cstart, $3  }
0xc1: {  	[dreg:$0x1] =	wrdreg $0xFFFFFFFF  }
0xc2: {  	_ =	task.clear_ibuf [dreg:s7], $0x2FFFF;
	_ =	strace $0x9FFFFFFF  }
0xc3: {  	(tm) =	ssettm $0x7FFFFFFF  }
tec
execute0_lowered:
.L_overlay_start_1:
0x0: {  	(tag) =	ssettag $0x1  }
0x1: {  	s0 =	rddreg [dreg:$0x0]  }
0x2: {  	s1 =	rddreg [dreg:$0x1]  }
0x3: {  	s2 =	rddreg [dreg:$0x2];
	s6 =	simm.s32 $0x0;
	s4 =	srdreg.scid  }
0x4: {  	s3 =	stileid.u32;
	s14 =	simm.s32 $0x2800;
	s15 =	simm.s32 $0x3  }
0x5: {  	s16 =	simm.s32 $0x80;
	s17 =	simm.s32 $0x5000;
	s18 =	simm.s32 $0x7000  }
0x6: {  	s19 =	simm.s32 $0xB000;
	s20 =	simm.s32 $0x4;
	s21 =	simm.s32 $0x5  }
0x7: {  	s23 =	simm.s32 $0x9000;
	s31 =	simm.s32 $0x6;
	s22 =	simm.s32 $0x7  }
0x8: {  	s29 =	simm.s32 $0x9;
	s30 =	simm.s32 $0x0;
	s5 =	sand.u32 $0x1, s4  }
0x9: {  	s24 =	sshll.u32 s3, $0x1;
	s7 =	smul.u32 $0xA000, s3;
	[smem:$0x7FF] =	sst s6  }
0xa: {  	s4 =	sadd.s32 $0xC800, s0;
	s9 =	smul.u32 $0x28000, s3;
	s25 =	sor.u32 s5, s24  }
0xb: {  	s8 =	smul.u32 $0xA0000, s5;
	_ =	strace $0x8000004D;
	s5 =	ssub.s32 $0x2, s5  }
0xc: {  	s24 =	simm.s32 $0x1;
	s6 =	smul.u32 $0x500, s25;
	s11 =	sshrl.u32 s5, $0x1  }
0xd: {  	s26 =	sshrl.u32 s9, $0x2;
	s25 =	simm.s32 $0x8;
	s8 =	sadd.s32 s7, s8  }
0xe: {  	s13 =	ssub.s32 s5, s11;
	s28 =	sadd.s32 s26, s2;
	s7 =	sadd.s32 s7, s2  }
0xf: {  	s26 =	simm.s32 $0x2;
	s10 =	sadd.s32 s6, s0;
	s8 =	sshrl.u32 s8, $0x3  }
0x10: {  	s5 =	sadd.s32 s1, s6;
	s9 =	sadd.s32 $0x4000, s28;
	s11 =	sadd.s32 $0x8000, s28  }
0x11: {  	s13 =	smax.u32 s13, $0x1;
	s0 =	sadd.s32 s8, s0;
	s6 =	sadd.s32 $0x2800, s10  }
0x12: {  	v0 =	vimm.f32 $0.0e+00;
	v1 =	vimm.f32 $1.000000000e+00;
	s8 =	sadd.s32 $0x2000, s28;
	s10 =	sadd.s32 $0x6000, s28;
	s12 =	sadd.s32 $0x20800, s0  }
.LBB2_1:
0x13: {  	s0 =	simm.s32 $0x0  }
0x14: {  	[tilespmem:s0], [sflag:$0x3] =	stream.linear.gather [hbm4b:s5+s0], $0x2800, $0x38;
	[tilespmem:$0x18000] =	vst v63  }
0x15: {  	s1 =	simm.s32 $0x0  }
0x16: {  	[tilespmem:s14], [sflag:$0x4] =	stream.linear.gather [hbm4b:s6+s0], $0x2800, $0x38;
	[tilespmem:$0x18000] =	vst v63  }
0x17: {  	[tilespmem:s1+$0xB010] =	vst v0  }
0x18: {  	[tilespmem:s1+$0xB020] =	vst v0  }
0x19: {  	[tilespmem:s1+$0xB030] =	vst v0  }
0x1a: {  	s0 =	simm.s32 $0xD000;
	[tilespmem:s1+$0xB000] =	vst v0  }
0x1b: {  	s28 =	simm.s32 $0x100;
	s1 =	simm.s32 $0xD800;
	[tilespmem:s0+$0x0] =	vst v1  }
.LBB2_2:
0x1c: {  	s3 =	sshra.s32 s28, $0x2;
	[tilespmem:s1+$0x0] =	vst v0;
	p0 =	sne.s32 s28, $0x7F00  }
.Ltmp0:
0x1d: {  	[tilespmem:s3+$0xB010] =	vst v0;
	(pc) =	sbr.rel @p0 .LBB2_2-.Ltmp0, $4  }
0x1e: {  	[tilespmem:s3+$0xB020] =	vst v0  }
0x1f: {  	[tilespmem:s3+$0xB030] =	vst v0  }
0x20: {  	s0 =	sadd.s32 $0x10, s0;
	[tilespmem:s3+$0xB000] =	vst v0  }
0x21: {  	s28 =	sadd.s32 $0x100, s28;
	s1 =	sadd.s32 $0x10, s1;
	[tilespmem:s0+$0x0] =	vst v1  }
0x22: {  	[tilespmem:s1+$0x0] =	vst v0  }
0x23: {  	_ =	swait.ge [sflag:s15], $0x2800  }
0x24: {  	[sflag:s15] =	ssyncset.done $0x0  }
0x25: {  	s0 =	simm.s32 $0x0;
	[sflag:s15] =	ssyncadd.s32 $0xFFFFD800  }
0x26: {  	[tilespmem:s17], [sflag:$0x1] =	stream.indirect.gather [hbm4b:s4+s16], $0x40, s0, s16, $0xb8;
	[tilespmem:$0x18000] =	vst v63  }
0x27: {  	_ = 	snop  }
0x28: {  	[tilespmem:s18], [sflag:$0x2] =	stream.indirect.gather [hbm4b:s4+s16], $0x40, s16, s16, $0xb8;
	[tilespmem:$0x18000] =	vst v63  }
0x29: {  	_ = 	snop  }
0x2a: {  	[spmem:s7] =	stream.linear.scatter [tilespmem:s19], [sflag:$0x5], $0x2000, $0x38;
	[tilespmem:$0x18000] =	vst v63  }
0x2b: {  	_ = 	snop  }
0x2c: {  	[spmem:s8] =	stream.linear.scatter [tilespmem:s19], [sflag:$0x5], $0x2000, $0x38;
	[tilespmem:$0x18000] =	vst v63  }
0x2d: {  	_ = 	snop  }
0x2e: {  	[spmem:s9] =	stream.linear.scatter [tilespmem:s19], [sflag:$0x5], $0x2000, $0x38;
	[tilespmem:$0x18000] =	vst v63  }
0x2f: {  	_ = 	snop  }
0x30: {  	[spmem:s10] =	stream.linear.scatter [tilespmem:s19], [sflag:$0x5], $0x2000, $0x38;
	[tilespmem:$0x18000] =	vst v63  }
0x31: {  	_ = 	snop  }
0x32: {  	[spmem:s11] =	stream.linear.scatter [tilespmem:s19], [sflag:$0x5], $0x2000, $0x38;
	[tilespmem:$0x18000] =	vst v63  }
0x33: {  	_ =	swait.ge [sflag:s20], $0x2800  }
0x34: {  	[sflag:s20] =	ssyncset.done $0x0  }
0x35: {  	[sflag:s20] =	ssyncadd.s32 $0xFFFFD800  }
0x36: {  	_ =	swait.ge [sflag:s21], $0x2000  }
0x37: {  	[sflag:s21] =	ssyncset.done $0x0  }
0x38: {  	[sflag:s21] =	ssyncadd.s32 $0xFFFFE000  }
0x39: {  	_ =	swait.ge [sflag:s21], $0x2000  }
0x3a: {  	[sflag:s21] =	ssyncset.done $0x0  }
0x3b: {  	[sflag:s21] =	ssyncadd.s32 $0xFFFFE000  }
0x3c: {  	_ =	swait.ge [sflag:s21], $0x2000  }
0x3d: {  	[sflag:s21] =	ssyncset.done $0x0  }
0x3e: {  	[sflag:s21] =	ssyncadd.s32 $0xFFFFE000  }
0x3f: {  	_ =	swait.ge [sflag:s21], $0x2000  }
0x40: {  	[sflag:s21] =	ssyncset.done $0x0  }
0x41: {  	[sflag:s21] =	ssyncadd.s32 $0xFFFFE000  }
0x42: {  	_ =	swait.ge [sflag:s21], $0x2000  }
0x43: {  	[sflag:s21] =	ssyncset.done $0x0  }
0x44: {  	[sflag:s21] =	ssyncadd.s32 $0xFFFFE000  }
0x45: {  	s3 =	simm.s32 $0x100;
	[bflag:$0x0] =	sbarrier.arrive $0xFFFF  }
0x46: {  	[tilespmem:s23], [sflag:$0x3] =	stream.indirect.gather [hbm4b:s4+s16], $0x40, s3, s16, $0xb8;
	[tilespmem:$0x18000] =	vst v63  }
0x47: {  	_ =	swait.ge [sflag:s24], $0x2000  }
0x48: {  	[sflag:s24] =	ssyncset.done $0x0  }
0x49: {  	[sflag:s24] =	ssyncadd.s32 $0xFFFFE000  }
0x4a: {  	[spmem:s2] =	stream.indirect.scatter.add.f32 [tilespmem:s17], [sflag:$0x5], $0x40, s14, s16, $0xb8;
	[tilespmem:$0x18000] =	vst v63  }
0x4b: {  	s28 =	simm.s32 $0x180  }
0x4c: {  	[tilespmem:s19], [sflag:$0x4] =	stream.indirect.gather [hbm4b:s4+s16], $0x40, s28, s16, $0xb8;
	[tilespmem:$0x18000] =	vst v63  }
0x4d: {  	_ =	swait.ge [sflag:s26], $0x2000  }
0x4e: {  	[sflag:s26] =	ssyncset.done $0x0  }
0x4f: {  	s1 =	simm.s32 $0x2880;
	[sflag:s26] =	ssyncadd.s32 $0xFFFFE000  }
0x50: {  	[spmem:s2] =	stream.indirect.scatter.add.f32 [tilespmem:s18], [sflag:$0x6], $0x40, s1, s16, $0xb8;
	[tilespmem:$0x18000] =	vst v63  }
0x51: {  	_ =	swait.ge [sflag:s21], $0x2000  }
0x52: {  	[sflag:s21] =	ssyncset.done $0x0  }
0x53: {  	s3 =	simm.s32 $0x200;
	[sflag:s21] =	ssyncadd.s32 $0xFFFFE000  }
0x54: {  	[tilespmem:s17], [sflag:$0x1] =	stream.indirect.gather [hbm4b:s4+s16], $0x40, s3, s16, $0xb8;
	[tilespmem:$0x18000] =	vst v63  }
0x55: {  	_ =	swait.ge [sflag:s15], $0x2000  }
0x56: {  	[sflag:s15] =	ssyncset.done $0x0  }
0x57: {  	s28 =	simm.s32 $0x2900;
	[sflag:s15] =	ssyncadd.s32 $0xFFFFE000  }
0x58: {  	[spmem:s2] =	stream.indirect.scatter.add.f32 [tilespmem:s23], [sflag:$0x7], $0x40, s28, s16, $0xb8;
	[tilespmem:$0x18000] =	vst v63  }
0x59: {  	_ =	swait.ge [sflag:s31], $0x2000  }
0x5a: {  	[sflag:s31] =	ssyncset.done $0x0  }
0x5b: {  	s1 =	simm.s32 $0x280;
	[sflag:s31] =	ssyncadd.s32 $0xFFFFE000  }
0x5c: {  	[tilespmem:s18], [sflag:$0x2] =	stream.indirect.gather [hbm4b:s4+s16], $0x40, s1, s16, $0xb8;
	[tilespmem:$0x18000] =	vst v63  }
0x5d: {  	_ =	swait.ge [sflag:s20], $0x2000  }
0x5e: {  	[sflag:s20] =	ssyncset.done $0x0  }
0x5f: {  	s3 =	simm.s32 $0x2980;
	[sflag:s20] =	ssyncadd.s32 $0xFFFFE000  }
0x60: {  	[spmem:s2] =	stream.indirect.scatter.add.f32 [tilespmem:s19], [sflag:$0x8], $0x40, s3, s16, $0xb8;
	[tilespmem:$0x18000] =	vst v63  }
0x61: {  	_ =	swait.ge [sflag:s22], $0x2000  }
0x62: {  	[sflag:s22] =	ssyncset.done $0x0  }
0x63: {  	s28 =	simm.s32 $0x300;
	[sflag:s22] =	ssyncadd.s32 $0xFFFFE000  }
0x64: {  	[tilespmem:s23], [sflag:$0x3] =	stream.indirect.gather [hbm4b:s4+s16], $0x40, s28, s16, $0xb8;
	[tilespmem:$0x18000] =	vst v63  }
0x65: {  	_ =	swait.ge [sflag:s24], $0x2000  }
0x66: {  	[sflag:s24] =	ssyncset.done $0x0  }
0x67: {  	s1 =	simm.s32 $0x2A00;
	[sflag:s24] =	ssyncadd.s32 $0xFFFFE000  }
0x68: {  	[spmem:s2] =	stream.indirect.scatter.add.f32 [tilespmem:s17], [sflag:$0x5], $0x40, s1, s16, $0xb8;
	[tilespmem:$0x18000] =	vst v63  }
0x69: {  	_ =	swait.ge [sflag:s25], $0x2000  }
0x6a: {  	[sflag:s25] =	ssyncset.done $0x0  }
0x6b: {  	s3 =	simm.s32 $0x380;
	[sflag:s25] =	ssyncadd.s32 $0xFFFFE000  }
0x6c: {  	[tilespmem:s19], [sflag:$0x4] =	stream.indirect.gather [hbm4b:s4+s16], $0x40, s3, s16, $0xb8;
	[tilespmem:$0x18000] =	vst v63  }
0x6d: {  	_ =	swait.ge [sflag:s26], $0x2000  }
0x6e: {  	[sflag:s26] =	ssyncset.done $0x0  }
0x6f: {  	s28 =	simm.s32 $0x2A80;
	[sflag:s26] =	ssyncadd.s32 $0xFFFFE000  }
0x70: {  	[spmem:s2] =	stream.indirect.scatter.add.f32 [tilespmem:s18], [sflag:$0x6], $0x40, s28, s16, $0xb8;
	[tilespmem:$0x18000] =	vst v63  }
0x71: {  	_ =	swait.ge [sflag:s21], $0x2000  }
0x72: {  	[sflag:s21] =	ssyncset.done $0x0  }
0x73: {  	s1 =	simm.s32 $0x400;
	[sflag:s21] =	ssyncadd.s32 $0xFFFFE000  }
0x74: {  	[tilespmem:s17], [sflag:$0x1] =	stream.indirect.gather [hbm4b:s4+s16], $0x40, s1, s16, $0xb8;
	[tilespmem:$0x18000] =	vst v63  }
0x75: {  	_ =	swait.ge [sflag:s15], $0x2000  }
0x76: {  	[sflag:s15] =	ssyncset.done $0x0  }
0x77: {  	s3 =	simm.s32 $0x2B00;
	[sflag:s15] =	ssyncadd.s32 $0xFFFFE000  }
0x78: {  	[spmem:s2] =	stream.indirect.scatter.add.f32 [tilespmem:s23], [sflag:$0x7], $0x40, s3, s16, $0xb8;
	[tilespmem:$0x18000] =	vst v63  }
0x79: {  	_ =	swait.ge [sflag:s31], $0x2000  }
0x7a: {  	[sflag:s31] =	ssyncset.done $0x0  }
0x7b: {  	s28 =	simm.s32 $0x480;
	[sflag:s31] =	ssyncadd.s32 $0xFFFFE000  }
0x7c: {  	[tilespmem:s18], [sflag:$0x2] =	stream.indirect.gather [hbm4b:s4+s16], $0x40, s28, s16, $0xb8;
	[tilespmem:$0x18000] =	vst v63  }
0x7d: {  	_ =	swait.ge [sflag:s20], $0x2000  }
0x7e: {  	[sflag:s20] =	ssyncset.done $0x0  }
0x7f: {  	s0 =	simm.s32 $0x800;
	s1 =	simm.s32 $0x2B80;
	[sflag:s20] =	ssyncadd.s32 $0xFFFFE000  }
.LBB2_4:
0x80: {  	[spmem:s2] =	stream.indirect.scatter.add.f32 [tilespmem:s19], [sflag:$0x8], $0x40, s1, s16, $0xb8;
	[tilespmem:$0x18000] =	vst v63  }
0x81: {  	s1 =	smov.u32 s0  }
0x82: {  	p0 =	sne.s32 s0, $0x8800;
	s0 =	sadd.s32 $0x800, s0;
	_ =	swait.ge [sflag:s22], $0x2000  }
0x83: {  	s1 =	sshra.s32 s1, $0x2;
	[sflag:s22] =	ssyncset.done $0x0  }
0x84: {  	s3 =	sadd.s32 $0x300, s1;
	[sflag:s22] =	ssyncadd.s32 $0xFFFFE000  }
0x85: {  	[tilespmem:s23], [sflag:$0x3] =	stream.indirect.gather [hbm4b:s4+s16], $0x40, s3, s16, $0xb8;
	[tilespmem:$0x18000] =	vst v63  }
0x86: {  	_ =	swait.ge [sflag:s24], $0x2000  }
0x87: {  	[sflag:s24] =	ssyncset.done $0x0  }
0x88: {  	s3 =	sadd.s32 $0x2A00, s1;
	[sflag:s24] =	ssyncadd.s32 $0xFFFFE000  }
0x89: {  	[spmem:s2] =	stream.indirect.scatter.add.f32 [tilespmem:s17], [sflag:$0x5], $0x40, s3, s16, $0xb8;
	[tilespmem:$0x18000] =	vst v63  }
0x8a: {  	_ =	swait.ge [sflag:s25], $0x2000  }
0x8b: {  	[sflag:s25] =	ssyncset.done $0x0  }
0x8c: {  	s3 =	sadd.s32 $0x380, s1;
	[sflag:s25] =	ssyncadd.s32 $0xFFFFE000  }
0x8d: {  	[tilespmem:s19], [sflag:$0x4] =	stream.indirect.gather [hbm4b:s4+s16], $0x40, s3, s16, $0xb8;
	[tilespmem:$0x18000] =	vst v63  }
0x8e: {  	_ =	swait.ge [sflag:s26], $0x2000  }
0x8f: {  	[sflag:s26] =	ssyncset.done $0x0  }
0x90: {  	s3 =	sadd.s32 $0x2A80, s1;
	[sflag:s26] =	ssyncadd.s32 $0xFFFFE000  }
0x91: {  	[spmem:s2] =	stream.indirect.scatter.add.f32 [tilespmem:s18], [sflag:$0x6], $0x40, s3, s16, $0xb8;
	[tilespmem:$0x18000] =	vst v63  }
0x92: {  	_ =	swait.ge [sflag:s21], $0x2000  }
0x93: {  	[sflag:s21] =	ssyncset.done $0x0  }
0x94: {  	s3 =	sadd.s32 $0x400, s1;
	[sflag:s21] =	ssyncadd.s32 $0xFFFFE000  }
0x95: {  	[tilespmem:s17], [sflag:$0x1] =	stream.indirect.gather [hbm4b:s4+s16], $0x40, s3, s16, $0xb8;
	[tilespmem:$0x18000] =	vst v63  }
0x96: {  	_ =	swait.ge [sflag:s15], $0x2000  }
0x97: {  	[sflag:s15] =	ssyncset.done $0x0  }
0x98: {  	s3 =	sadd.s32 $0x2B00, s1;
	[sflag:s15] =	ssyncadd.s32 $0xFFFFE000  }
0x99: {  	[spmem:s2] =	stream.indirect.scatter.add.f32 [tilespmem:s23], [sflag:$0x7], $0x40, s3, s16, $0xb8;
	[tilespmem:$0x18000] =	vst v63  }
0x9a: {  	_ =	swait.ge [sflag:s31], $0x2000  }
0x9b: {  	[sflag:s31] =	ssyncset.done $0x0  }
.Ltmp1:
0x9c: {  	s3 =	sadd.s32 $0x480, s1;
	[sflag:s31] =	ssyncadd.s32 $0xFFFFE000;
	(pc) =	sbr.rel @p0 .LBB2_4-.Ltmp1, $4  }
0x9d: {  	[tilespmem:s18], [sflag:$0x2] =	stream.indirect.gather [hbm4b:s4+s16], $0x40, s3, s16, $0xb8;
	[tilespmem:$0x18000] =	vst v63  }
0x9e: {  	_ =	swait.ge [sflag:s20], $0x2000  }
0x9f: {  	[sflag:s20] =	ssyncset.done $0x0  }
0xa0: {  	s1 =	sadd.s32 $0x2B80, s1;
	[sflag:s20] =	ssyncadd.s32 $0xFFFFE000  }
0xa1: {  	[spmem:s2] =	stream.indirect.scatter.add.f32 [tilespmem:s19], [sflag:$0x8], $0x40, s1, s16, $0xb8;
	[tilespmem:$0x18000] =	vst v63  }
0xa2: {  	_ =	swait.ge [sflag:s22], $0x2000  }
0xa3: {  	[sflag:s22] =	ssyncset.done $0x0  }
0xa4: {  	s0 =	simm.s32 $0x2700;
	[sflag:s22] =	ssyncadd.s32 $0xFFFFE000  }
0xa5: {  	[tilespmem:s23], [sflag:$0x3] =	stream.indirect.gather [hbm4b:s4+s16], $0x40, s0, s16, $0xb8;
	[tilespmem:$0x18000] =	vst v63  }
0xa6: {  	_ =	swait.ge [sflag:s24], $0x2000  }
0xa7: {  	[sflag:s24] =	ssyncset.done $0x0  }
0xa8: {  	s28 =	simm.s32 $0x4E00;
	[sflag:s24] =	ssyncadd.s32 $0xFFFFE000  }
0xa9: {  	[spmem:s2] =	stream.indirect.scatter.add.f32 [tilespmem:s17], [sflag:$0x5], $0x40, s28, s16, $0xb8;
	[tilespmem:$0x18000] =	vst v63  }
0xaa: {  	_ =	swait.ge [sflag:s25], $0x2000  }
0xab: {  	[sflag:s25] =	ssyncset.done $0x0  }
0xac: {  	s1 =	simm.s32 $0x2780;
	[sflag:s25] =	ssyncadd.s32 $0xFFFFE000  }
0xad: {  	[tilespmem:s19], [sflag:$0x4] =	stream.indirect.gather [hbm4b:s4+s16], $0x40, s1, s16, $0xb8;
	[tilespmem:$0x18000] =	vst v63  }
0xae: {  	_ =	swait.ge [sflag:s26], $0x2000  }
0xaf: {  	[sflag:s26] =	ssyncset.done $0x0  }
0xb0: {  	s3 =	simm.s32 $0x4E80;
	[sflag:s26] =	ssyncadd.s32 $0xFFFFE000  }
0xb1: {  	[spmem:s2] =	stream.indirect.scatter.add.f32 [tilespmem:s18], [sflag:$0x6], $0x40, s3, s16, $0xb8;
	[tilespmem:$0x18000] =	vst v63  }
0xb2: {  	_ =	swait.ge [sflag:s15], $0x2000  }
0xb3: {  	[sflag:s15] =	ssyncset.done $0x0  }
0xb4: {  	s28 =	simm.s32 $0x4F00;
	[sflag:s15] =	ssyncadd.s32 $0xFFFFE000  }
0xb5: {  	[spmem:s2] =	stream.indirect.scatter.add.f32 [tilespmem:s23], [sflag:$0x7], $0x40, s28, s16, $0xb8;
	[tilespmem:$0x18000] =	vst v63  }
0xb6: {  	_ =	swait.ge [sflag:s20], $0x2000  }
0xb7: {  	[sflag:s20] =	ssyncset.done $0x0  }
0xb8: {  	s1 =	simm.s32 $0x4F80;
	[sflag:s20] =	ssyncadd.s32 $0xFFFFE000  }
0xb9: {  	[spmem:s2] =	stream.indirect.scatter.add.f32 [tilespmem:s19], [sflag:$0x8], $0x40, s1, s16, $0xb8;
	[tilespmem:$0x18000] =	vst v63  }
0xba: {  	_ =	swait.ge [sflag:s21], $0x2000  }
0xbb: {  	[sflag:s21] =	ssyncset.done $0x0  }
0xbc: {  	[sflag:s21] =	ssyncadd.s32 $0xFFFFE000  }
0xbd: {  	_ =	swait.ge [sflag:s31], $0x2000  }
0xbe: {  	[sflag:s31] =	ssyncset.done $0x0  }
0xbf: {  	[sflag:s31] =	ssyncadd.s32 $0xFFFFE000  }
0xc0: {  	_ =	swait.ge [sflag:s22], $0x2000  }
0xc1: {  	[sflag:s22] =	ssyncset.done $0x0  }
0xc2: {  	[sflag:s22] =	ssyncadd.s32 $0xFFFFE000  }
0xc3: {  	s3 =	stileid.u32;
	_ =	swait.ge [sflag:s25], $0x2000  }
0xc4: {  	s30 =	sadd.s32 $0x1, s30;
	s0 =	sshll.u32 s3, $0x6;
	[sflag:s25] =	ssyncset.done $0x0  }
0xc5: {  	p0 =	sne.s32 s30, s13;
	s0 =	sor.u32 $0x1C09, s0;
	[sflag:s25] =	ssyncadd.s32 $0xFFFFE000  }
.Ltmp2:
0xc6: {  	s28 =	sshrl.u32 s7, $0x3;
	[bflag:$0x0] =	sbarrier.arrive $0xFFFF;
	(pc) =	sbr.rel @p0 .LBB2_1-.Ltmp2, $4  }
0xc7: {  	[hbm:s12], [sflag:s0] =	dma.local [spmem:s28], $0x1400  }
0xc8: {  	_ =	swait.ge [sflag:s29], $0x1400  }
0xc9: {  	[sflag:s29] =	ssyncset.done $0x0  }
0xca: {  	[sflag:s29] =	ssyncadd.s32 $0xFFFFEC00  }
0xcb: {  	_ =	sfence.sel $0x180000  }
0xcc: {  	[bflag:$0x0] =	sbarrier.arrive $0xFFFF  }
0xcd: {  	_ =	strace $0x9000004D  }
0xce: {  	s0 =	stileid.u32;
	[bflag:$0x2] =	sbarrier.arrive $0xFFFF  }
0xcf: {  	p0 =	sne.s32 s0, $0x0;
	s0 =	rddreg [dreg:$0x3]  }
0xd0: {  	s0 =	sadd.s32 @!p0 $0x100000, s0  }
0xd1: {  	[sflag:s0] =	ssyncadd.tile.s32 @!p0 $0x1;
	_ =	shalt  }
.Lfunc_end2:
_tile_overlayer_lowered:
.L_overlay_start_2:
0xd2: {  	(tag) =	ssettag $0x2  }
0xd3: {  	s0 =	rddreg [dreg:$0x0];
	s2 =	stileid.u32  }
0xd4: {  	s1 =	rddreg [dreg:$0x1];
	p0 =	sne.s32 s2, $0x0  }
0xd5: {  	s3 =	rddreg [dreg:$0x2];
	[bflag:$0x3] =	sbarrier.arrive $0xFFFF;
	s2 =	simm.s32 @!p0 $0x1C09  }
0xd6: {  	[timem:s3], [sflag:s2] =	dma.local @!p0 [hbm:s0], s1  }
0xd7: {  	s0 =	simm.s32 @!p0 $0x9  }
0xd8: {  	_ =	swait.ge @!p0 [sflag:s0], s1  }
0xd9: {  	s1 =	ssub.s32 @!p0 $0x0, s1;
	[sflag:s0] =	ssyncset.done @!p0 $0x0  }
0xda: {  	[sflag:s0] =	ssyncadd.s32 @!p0 s1  }
0xdb: {  	[bflag:$0x3] =	sbarrier.arrive $0xFFFF  }
0xdc: {  	_ =	shalt  }

// kernel: kernel.8.cloned.1.call-start
scs
__scs_entry_jumppad:
0x0: {  	(pc) =	sbr.rel $0x88, $3  }
0x1: {  	(tag) =	ssettag $0x0;
	lr =	simm.s32 $0x1  }
0x2: {  	[smem:$0x3F99] =	sst lr;
	_ =	strace $0xD0000000  }
0x3: {  	_ = 	snop  }
0x4: {  	_ = 	snop  }
0x5: {  	_ = 	snop  }
0x6: {  	_ = 	snop  }
0x7: {  	_ = 	snop  }
__scs_overlays_trampoline_lowered:
0x8: {  	[smem:$0x3FA8] =	sst s0  }
0x9: {  	[smem:$0x3FA9] =	sst s1  }
0xa: {  	[smem:$0x3FAA] =	sst s2  }
0xb: {  	[smem:$0x3FAB] =	sst s3  }
0xc: {  	[smem:$0x3FAC] =	sst s4  }
0xd: {  	[smem:$0x3FAD] =	sst s5  }
0xe: {  	[smem:$0x3FAE] =	sst s6  }
0xf: {  	[smem:$0x3FAF] =	sst s7  }
0x10: {  	[smem:$0x3FB0] =	sst s8  }
0x11: {  	[smem:$0x3FB1] =	sst s9;
	s0 =	simm.s32 @!p0 $0x0  }
0x12: {  	s1 =	sld [smem:$0x3F97];
	s0 =	simm.s32 @p0 $0x1  }
0x13: {  	[smem:$0x3FB2] =	sst s0;
	s0 =	simm.s32 @!p1 $0x0  }
0x14: {  	s2 =	sld [smem:$0x3F96];
	s0 =	simm.s32 @p1 $0x1  }
0x15: {  	[smem:$0x3FB3] =	sst s0;
	s0 =	simm.s32 @!p2 $0x0  }
0x16: {  	s3 =	sld [smem:$0x3FDB];
	s0 =	simm.s32 @p2 $0x1  }
0x17: {  	s4 =	simm.s32 $0x1BF5;
	[smem:$0x3FB5] =	sst s0  }
0x18: {  	s0 =	sld [smem:$0x3F98];
	_ =	swait.ge [sflag:s4], $0x0  }
0x19: {  	s7 =	sld [smem:$0x3F99]  }
0x1a: {  	s8 =	sadd.s32 $0xFFFFE003, lr  }
0x1b: {  	s9 =	sadd.s32 $0xFFFFFEF7, lr;
	s5 =	simm.s32 $0xFFFFFFFF;
	p2 =	slt.u32 s8, $0xFFFFF086  }
0x1c: {  	p1 =	slt.u32 s9, $0xF7A;
	s5 =	simm.s32 @!p2 $0x0  }
0x1d: {  	s5 =	simm.s32 @p1 $0x1;
	p0 =	seq.s32 s7, s2  }
0x1e: {  	s7 =	smul.u32 @!p0 $0xF7A, s2;
	p2 =	seq.s32 @!p0 s5, $0x0  }
0x1f: {  	s9 =	smul.u32 $0xF7A, s1;
	s8 =	simm.s32 @!p0 $0x1BF5;
	p2 =	por !p2, p0  }
0x20: {  	[sflag:s8] =	ssyncset.s32 @!p0 $0xFFFFF086;
	s6 =	sadd.s32 @!p0 s3, s7;
	s7 =	simm.s32 @!p0 $0x108  }
0x21: {  	s3 =	sadd.s32 s3, s9;
	s6 =	sadd.s32 @!p0 $0x88, s6;
	s7 =	simm.s32 @p2 $0x1082  }
0x22: {  	[simem:s7], [sflag:s8] =	dma.local @!p0 [hbm:s6], $0xF7A  }
0x23: {  	s9 =	sor.u32 $0xD0000000, s2;
	s6 =	simm.s32 $0x108;
	_ =	swait.ge @!p0 [sflag:s8], $0x0  }
0x24: {  	s3 =	sadd.s32 $0x88, s3;
	s6 =	simm.s32 @!p1 $0x1082;
	[sflag:s4] =	ssyncset.s32 $0xFFFFF086  }
0x25: {  	[simem:s6], [sflag:s4] =	dma.local [hbm:s3], $0xF7A  }
0x26: {  	[smem:$0x3F99] =	sst s1;
	(tag) =	ssettag s2;
	_ =	strace s9  }
0x27: {  	s1 =	sld [smem:$0x3FA9]  }
0x28: {  	s2 =	sld [smem:$0x3FAA]  }
0x29: {  	s4 =	sld [smem:$0x3FAC]  }
0x2a: {  	p0 =	seq.s32 s5, $0x0;
	s5 =	sld [smem:$0x3FAD]  }
0x2b: {  	s6 =	sld [smem:$0x3FAE]  }
0x2c: {  	s7 =	sld [smem:$0x3FAF]  }
0x2d: {  	s3 =	simm.s32 $0x108;
	s8 =	sld [smem:$0x3FB0]  }
0x2e: {  	s3 =	simm.s32 @!p0 $0x1082;
	s9 =	sld [smem:$0x3FB1]  }
0x2f: {  	lr =	sadd.s32 s0, s3;
	s0 =	sld [smem:$0x3FA8]  }
0x30: {  	s3 =	sld [smem:$0x3FAB]  }
0x31: {  	[smem:$0x3FB4] =	sst s10  }
0x32: {  	s10 =	sld [smem:$0x3FB2];
	_ =	sdelay $0x3  }
0x33: {  	p0 =	seq.s32 s10, $0x1;
	s10 =	sld [smem:$0x3FB4];
	_ =	sdelay $0x3  }
0x34: {  	[smem:$0x3FB4] =	sst s10  }
0x35: {  	s10 =	sld [smem:$0x3FB3];
	_ =	sdelay $0x3  }
0x36: {  	p1 =	seq.s32 s10, $0x1;
	s10 =	sld [smem:$0x3FB4];
	_ =	sdelay $0x3  }
0x37: {  	[smem:$0x3FB4] =	sst s10  }
0x38: {  	s10 =	sld [smem:$0x3FB5]  }
0x39: {  	_ = 	snop;
	(pc) =	sbr.ind lr, $3  }
0x3a: {  	_ = 	snop  }
0x3b: {  	_ = 	snop  }
0x3c: {  	p2 =	seq.s32 s10, $0x1;
	s10 =	sld [smem:$0x3FB4]  }
0x3d: {  	_ =	shalt  }
0x3e: {  	_ =	shalt  }
0x3f: {  	_ =	shalt  }
0x40: {  	_ =	shalt  }
0x41: {  	_ =	shalt  }
0x42: {  	_ =	shalt  }
0x43: {  	_ =	shalt  }
0x44: {  	_ =	shalt  }
0x45: {  	_ =	shalt  }
0x46: {  	_ =	shalt  }
0x47: {  	_ =	shalt  }
0x48: {  	_ =	shalt  }
0x49: {  	_ =	shalt  }
0x4a: {  	_ =	shalt  }
0x4b: {  	_ =	shalt  }
0x4c: {  	_ =	shalt  }
0x4d: {  	_ =	shalt  }
0x4e: {  	_ =	shalt  }
0x4f: {  	_ =	shalt  }
0x50: {  	_ =	shalt  }
0x51: {  	_ =	shalt  }
0x52: {  	_ =	shalt  }
0x53: {  	_ =	shalt  }
0x54: {  	_ =	shalt  }
0x55: {  	_ =	shalt  }
0x56: {  	_ =	shalt  }
0x57: {  	_ =	shalt  }
0x58: {  	_ =	shalt  }
0x59: {  	_ =	shalt  }
0x5a: {  	_ =	shalt  }
0x5b: {  	_ =	shalt  }
0x5c: {  	_ =	shalt  }
0x5d: {  	_ =	shalt  }
0x5e: {  	_ =	shalt  }
0x5f: {  	_ =	shalt  }
0x60: {  	_ =	shalt  }
0x61: {  	_ =	shalt  }
0x62: {  	_ =	shalt  }
0x63: {  	_ =	shalt  }
0x64: {  	_ =	shalt  }
0x65: {  	_ =	shalt  }
0x66: {  	_ =	shalt  }
0x67: {  	_ =	shalt  }
0x68: {  	_ =	shalt  }
0x69: {  	_ =	shalt  }
0x6a: {  	_ =	shalt  }
0x6b: {  	_ =	shalt  }
0x6c: {  	_ =	shalt  }
0x6d: {  	_ =	shalt  }
0x6e: {  	_ =	shalt  }
0x6f: {  	_ =	shalt  }
0x70: {  	_ =	shalt  }
0x71: {  	_ =	shalt  }
0x72: {  	_ =	shalt  }
0x73: {  	_ =	shalt  }
0x74: {  	_ =	shalt  }
0x75: {  	_ =	shalt  }
0x76: {  	_ =	shalt  }
0x77: {  	_ =	shalt  }
0x78: {  	_ =	shalt  }
0x79: {  	_ =	shalt  }
0x7a: {  	_ =	shalt  }
0x7b: {  	_ =	shalt  }
0x7c: {  	_ =	shalt  }
0x7d: {  	_ =	shalt  }
0x7e: {  	_ =	shalt  }
0x7f: {  	_ =	shalt  }
0x80: {  	_ =	shalt  }
0x81: {  	_ =	shalt  }
0x82: {  	_ =	shalt  }
0x83: {  	_ =	shalt  }
0x84: {  	_ =	shalt  }
0x85: {  	_ =	shalt  }
0x86: {  	_ =	shalt  }
0x87: {  	_ =	shalt  }
.Lfunc_end0:
.L_simem_size_0:
called_computation_lowered:
.L_overlay_start_0:
0x88: {  	s2 =	sld [smem:$0x3FD9]  }
0x89: {  	s3 =	sld [smem:$0x3FFE];
	_ =	sdelay $0x1  }
0x8a: {  	s1 =	srdreg.scid  }
0x8b: {  	s0 =	sand.u32 $0x1, s1  }
0x8c: {  	s17 =	sshll.u32 s0, $0xA;
	s2 =	sadd.s32 s3, s2  }
0x8d: {  	s2 =	sadd.s32 s2, s17  }
0x8e: {  	[smem:$0x3FC0] =	sst s2  }
0x8f: {  	_ = 	snop  }
0x90: {  	s18 =	sld [smem:$0x3FD0];
	(tm) =	ssettm $0x1  }
0x91: {  	s19 =	sld [smem:$0x3FFB];
	_ =	sdelay $0x3  }
0x92: {  	_ =	strace s19  }
0x93: {  	s2 =	sld [smem:$0x3FFC];
	_ =	sdelay $0x3  }
0x94: {  	_ =	strace s2  }
0x95: {  	s2 =	sld [smem:$0x3FFD];
	_ =	sdelay $0x3  }
0x96: {  	_ =	strace s2  }
0x97: {  	_ =	strace $0x8FFFFFFF  }
0x98: {  	s20 =	sld [smem:$0x3FDB];
	_ =	sdelay $0x1  }
0x99: {  	s4 =	simm.s32 $_scs_section_size  }
0x9a: {  	s5 =	simm.s32 $_size__tile_overlayer_lowered;
	s6 =	simm.s32 $_tile_overlayer_lowered  }
0x9b: {  	s7 =	simm.s32 $0x1BFF;
	s21 =	sshll.u32 s6, $0x1;
	s4 =	sadd.s32 s4, s20  }
0x9c: {  	s22 =	simm.s32 $0x0;
	s5 =	sshll.u32 s5, $0x1;
	s6 =	sadd.s32 s21, s4  }
0x9d: {  	[timem:s22], [sflag:s7] =	dma.local [hbm:s6], s5  }
0x9e: {  	_ =	swait.ge [sflag:s7], s5  }
0x9f: {  	s5 =	ssub.s32 $0x0, s5;
	[sflag:s7] =	ssyncset.done $0x0  }
0xa0: {  	[sflag:s7] =	ssyncadd.s32 s5;
	_ =	sdelay $0x1  }
0xa1: {  	s23 =	simm.s32 $0x1B8B  }
0xa2: {  	_ =	swait.ge [sflag:s23], $0x1  }
0xa3: {  	[sflag:s23] =	ssyncset.done $0x0  }
0xa4: {  	[sflag:s23] =	ssyncadd.s32 $0xFFFFFFFF  }
0xa5: {  	s5 =	sld [smem:$0x0]  }
0xa6: {  	s6 =	sand.u32 $0xFFFFFFFE, s1  }
0xa7: {  	p0 =	sne.s32 s1, s6  }
0xa8: {  	s6 =	sshll.u32 @p0 s6, $0xE  }
0xa9: {  	s6 =	sadd.s32 @p0 $0x11B8D, s6;
	s7 =	sshll.u32 @p0 s5, $0x11  }
0xaa: {  	s6 =	sor.u32 @p0 s7, s6  }
0xab: {  	[sflag:s6] =	ssyncadd.remote.s32 @p0 $0x1;
	_ =	sdelay $0x1  }
0xac: {  	s6 =	simm.s32 @p0 $0x1B8D  }
0xad: {  	_ =	swait.eq @p0 [sflag:s6], $0x1  }
0xae: {  	[sflag:s6] =	ssyncadd.s32 @p0 $0xFFFFFFFF  }
0xaf: {  	s7 =	sshll.u32 @!p0 s1, $0xE  }
0xb0: {  	s7 =	sor.u32 @!p0 $0x4000, s7;
	s6 =	simm.s32 @!p0 $0x1B8D  }
0xb1: {  	s5 =	sshll.u32 @!p0 s5, $0x11;
	s7 =	sadd.s32 @!p0 $0x11B8D, s7;
	_ =	swait.eq @!p0 [sflag:s6], $0x1  }
0xb2: {  	s5 =	sor.u32 @!p0 s5, s7;
	[sflag:s6] =	ssyncadd.s32 @!p0 $0xFFFFFFFF  }
0xb3: {  	s25 =	simm.s32 $0x1B8E;
	s24 =	sld [smem:$0x3FFE];
	[sflag:s5] =	ssyncadd.remote.s32 @!p0 $0x1  }
0xb4: {  	s26 =	simm.s32 $execute0_lowered;
	[smem:$0x3FD2] =	sst s25  }
0xb5: {  	s6 =	sshll.u32 s26, $0x1;
	_ =	strace $0x80000049;
	[dreg:$0x1] =	wrdreg $0xFFFFFFFF  }
0xb6: {  	s28 =	simm.s32 $_size_execute0_lowered;
	s4 =	sadd.s32 s4, s6;
	[dreg:$0x0] =	wrdreg $0x0  }
0xb7: {  	s6 =	sshll.u32 s28, $0x1;
	[dreg:$0x2] =	wrdreg s4  }
0xb8: {  	[dreg:$0x3] =	wrdreg s6  }
0xb9: {  	[dreg:$0x4] =	wrdreg $0xC0  }
0xba: {  	_ =	task [dreg:s22], $0x5FFFF  }
0xbb: {  	[dreg:$0x1] =	wrdreg $0xFFFFFFFF  }
0xbc: {  	[dreg:$0x0] =	wrdreg $0x60  }
0xbd: {  	[dreg:$0x2] =	wrdreg s24  }
0xbe: {  	[dreg:$0x3] =	wrdreg s18  }
0xbf: {  	[dreg:$0x4] =	wrdreg $0xE0000  }
0xc0: {  	[dreg:$0x5] =	wrdreg $0x9  }
0xc1: {  	_ =	task.clear_ibuf [dreg:s22], $0x6FFFF;
	_ =	strace $0x90000049  }
0xc2: {  	s29 =	simm.s32 $0x9;
	_ =	strace $0x8000004B  }
0xc3: {  	_ =	swait.ge [sflag:s29], $0x1  }
0xc4: {  	[sflag:s29] =	ssyncadd.s32 $0xFFFFFFFF  }
0xc5: {  	_ =	strace $0x9000004B  }
0xc6: {  	_ =	sfence  }
0xc7: {  	s30 =	sld [smem:$0x0];
	_ =	sdelay $0x2  }
0xc8: {  	s31 =	sshll.u32 s1, $0xD;
	s1 =	sshrl.u32 s1, $0x2  }
0xc9: {  	s4 =	sand.u32 $0x4000, s31;
	s1 =	sadd.s32 s1, s30  }
0xca: {  	s0 =	sor.u32 s4, s0;
	s1 =	sshll.u32 s1, $0x11  }
0xcb: {  	s0 =	sor.u32 s1, s0  }
0xcc: {  	s0 =	sadd.s32 $0x8F2B, s0  }
0xcd: {  	[sflag:s0] =	ssyncadd.remote.s32 $0x1  }
0xce: {  	_ =	sfence.sel $0xFFFF  }
0xcf: {  	[dreg:$0x0] =	wrdreg $0xFFFFFFFF;
	(pc) =	sbr.abs _section_cstart, $3  }
0xd0: {  	[dreg:$0x1] =	wrdreg $0xFFFFFFFF  }
0xd1: {  	_ =	task.clear_ibuf [dreg:s22], $0x2FFFF;
	_ =	strace $0x9FFFFFFF  }
0xd2: {  	(tm) =	ssettm $0x7FFFFFFF  }
0xd3: {  	_ =	shalt  }
tec
execute0_lowered:
.L_overlay_start_1:
0x0: {  	(tag) =	ssettag $0x1  }
0x1: {  	s0 =	rddreg [dreg:$0x0]  }
0x2: {  	s1 =	rddreg [dreg:$0x1]  }
0x3: {  	s2 =	rddreg [dreg:$0x2];
	s6 =	simm.s32 $0x0;
	s4 =	srdreg.scid  }
0x4: {  	s3 =	stileid.u32;
	s14 =	simm.s32 $0x2800;
	s15 =	simm.s32 $0x3  }
0x5: {  	s16 =	simm.s32 $0x80;
	s17 =	simm.s32 $0x5000;
	s18 =	simm.s32 $0x7000  }
0x6: {  	s19 =	simm.s32 $0xB000;
	s20 =	simm.s32 $0x4;
	s21 =	simm.s32 $0x5  }
0x7: {  	s23 =	simm.s32 $0x9000;
	s31 =	simm.s32 $0x6;
	s22 =	simm.s32 $0x7  }
0x8: {  	s29 =	simm.s32 $0x9;
	s30 =	simm.s32 $0x0;
	s5 =	sand.u32 $0x1, s4  }
0x9: {  	s24 =	sshll.u32 s3, $0x1;
	s7 =	smul.u32 $0xA000, s3;
	[smem:$0x7FF] =	sst s6  }
0xa: {  	s4 =	sadd.s32 $0x48800, s0;
	s9 =	smul.u32 $0x28000, s3;
	s25 =	sor.u32 s5, s24  }
0xb: {  	s8 =	smul.u32 $0xA0000, s5;
	_ =	strace $0x8000004A;
	s5 =	ssub.s32 $0x2, s5  }
0xc: {  	s24 =	simm.s32 $0x1;
	s6 =	smul.u32 $0x500, s25;
	s11 =	sshrl.u32 s5, $0x1  }
0xd: {  	s26 =	sshrl.u32 s9, $0x2;
	s25 =	simm.s32 $0x8;
	s8 =	sadd.s32 s7, s8  }
0xe: {  	s13 =	ssub.s32 s5, s11;
	s28 =	sadd.s32 s26, s2;
	s7 =	sadd.s32 s7, s2  }
0xf: {  	s26 =	simm.s32 $0x2;
	s10 =	sadd.s32 s6, s0;
	s8 =	sshrl.u32 s8, $0x3  }
0x10: {  	s5 =	sadd.s32 s1, s6;
	s9 =	sadd.s32 $0x4000, s28;
	s11 =	sadd.s32 $0x8000, s28  }
0x11: {  	s13 =	smax.u32 s13, $0x1;
	s0 =	sadd.s32 s8, s0;
	s6 =	sadd.s32 $0x2800, s10  }
0x12: {  	v0 =	vimm.f32 $0.0e+00;
	v1 =	vimm.f32 $1.000000000e+00;
	s8 =	sadd.s32 $0x2000, s28;
	s10 =	sadd.s32 $0x6000, s28;
	s12 =	sadd.s32 $0x8E800, s0  }
.LBB2_1:
0x13: {  	s0 =	simm.s32 $0x0  }
0x14: {  	[tilespmem:s0], [sflag:$0x3] =	stream.linear.gather [hbm4b:s5+s0], $0x2800, $0x38;
	[tilespmem:$0x18000] =	vst v63  }
0x15: {  	s1 =	simm.s32 $0x0  }
0x16: {  	[tilespmem:s14], [sflag:$0x4] =	stream.linear.gather [hbm4b:s6+s0], $0x2800, $0x38;
	[tilespmem:$0x18000] =	vst v63  }
0x17: {  	[tilespmem:s1+$0xB010] =	vst v0  }
0x18: {  	[tilespmem:s1+$0xB020] =	vst v0  }
0x19: {  	[tilespmem:s1+$0xB030] =	vst v0  }
0x1a: {  	s0 =	simm.s32 $0xD000;
	[tilespmem:s1+$0xB000] =	vst v0  }
0x1b: {  	s28 =	simm.s32 $0x100;
	s1 =	simm.s32 $0xD800;
	[tilespmem:s0+$0x0] =	vst v1  }
.LBB2_2:
0x1c: {  	s3 =	sshra.s32 s28, $0x2;
	[tilespmem:s1+$0x0] =	vst v0;
	p0 =	sne.s32 s28, $0x7F00  }
.Ltmp0:
0x1d: {  	[tilespmem:s3+$0xB010] =	vst v0;
	(pc) =	sbr.rel @p0 .LBB2_2-.Ltmp0, $4  }
0x1e: {  	[tilespmem:s3+$0xB020] =	vst v0  }
0x1f: {  	[tilespmem:s3+$0xB030] =	vst v0  }
0x20: {  	s0 =	sadd.s32 $0x10, s0;
	[tilespmem:s3+$0xB000] =	vst v0  }
0x21: {  	s28 =	sadd.s32 $0x100, s28;
	s1 =	sadd.s32 $0x10, s1;
	[tilespmem:s0+$0x0] =	vst v1  }
0x22: {  	[tilespmem:s1+$0x0] =	vst v0  }
0x23: {  	_ =	swait.ge [sflag:s15], $0x2800  }
0x24: {  	[sflag:s15] =	ssyncset.done $0x0  }
0x25: {  	s0 =	simm.s32 $0x0;
	[sflag:s15] =	ssyncadd.s32 $0xFFFFD800  }
0x26: {  	[tilespmem:s17], [sflag:$0x1] =	stream.indirect.gather [hbm4b:s4+s16], $0x40, s0, s16, $0xb8;
	[tilespmem:$0x18000] =	vst v63  }
0x27: {  	_ = 	snop  }
0x28: {  	[tilespmem:s18], [sflag:$0x2] =	stream.indirect.gather [hbm4b:s4+s16], $0x40, s16, s16, $0xb8;
	[tilespmem:$0x18000] =	vst v63  }
0x29: {  	_ = 	snop  }
0x2a: {  	[spmem:s7] =	stream.linear.scatter [tilespmem:s19], [sflag:$0x5], $0x2000, $0x38;
	[tilespmem:$0x18000] =	vst v63  }
0x2b: {  	_ = 	snop  }
0x2c: {  	[spmem:s8] =	stream.linear.scatter [tilespmem:s19], [sflag:$0x5], $0x2000, $0x38;
	[tilespmem:$0x18000] =	vst v63  }
0x2d: {  	_ = 	snop  }
0x2e: {  	[spmem:s9] =	stream.linear.scatter [tilespmem:s19], [sflag:$0x5], $0x2000, $0x38;
	[tilespmem:$0x18000] =	vst v63  }
0x2f: {  	_ = 	snop  }
0x30: {  	[spmem:s10] =	stream.linear.scatter [tilespmem:s19], [sflag:$0x5], $0x2000, $0x38;
	[tilespmem:$0x18000] =	vst v63  }
0x31: {  	_ = 	snop  }
0x32: {  	[spmem:s11] =	stream.linear.scatter [tilespmem:s19], [sflag:$0x5], $0x2000, $0x38;
	[tilespmem:$0x18000] =	vst v63  }
0x33: {  	_ =	swait.ge [sflag:s20], $0x2800  }
0x34: {  	[sflag:s20] =	ssyncset.done $0x0  }
0x35: {  	[sflag:s20] =	ssyncadd.s32 $0xFFFFD800  }
0x36: {  	_ =	swait.ge [sflag:s21], $0x2000  }
0x37: {  	[sflag:s21] =	ssyncset.done $0x0  }
0x38: {  	[sflag:s21] =	ssyncadd.s32 $0xFFFFE000  }
0x39: {  	_ =	swait.ge [sflag:s21], $0x2000  }
0x3a: {  	[sflag:s21] =	ssyncset.done $0x0  }
0x3b: {  	[sflag:s21] =	ssyncadd.s32 $0xFFFFE000  }
0x3c: {  	_ =	swait.ge [sflag:s21], $0x2000  }
0x3d: {  	[sflag:s21] =	ssyncset.done $0x0  }
0x3e: {  	[sflag:s21] =	ssyncadd.s32 $0xFFFFE000  }
0x3f: {  	_ =	swait.ge [sflag:s21], $0x2000  }
0x40: {  	[sflag:s21] =	ssyncset.done $0x0  }
0x41: {  	[sflag:s21] =	ssyncadd.s32 $0xFFFFE000  }
0x42: {  	_ =	swait.ge [sflag:s21], $0x2000  }
0x43: {  	[sflag:s21] =	ssyncset.done $0x0  }
0x44: {  	[sflag:s21] =	ssyncadd.s32 $0xFFFFE000  }
0x45: {  	s3 =	simm.s32 $0x100;
	[bflag:$0x0] =	sbarrier.arrive $0xFFFF  }
0x46: {  	[tilespmem:s23], [sflag:$0x3] =	stream.indirect.gather [hbm4b:s4+s16], $0x40, s3, s16, $0xb8;
	[tilespmem:$0x18000] =	vst v63  }
0x47: {  	_ =	swait.ge [sflag:s24], $0x2000  }
0x48: {  	[sflag:s24] =	ssyncset.done $0x0  }
0x49: {  	[sflag:s24] =	ssyncadd.s32 $0xFFFFE000  }
0x4a: {  	[spmem:s2] =	stream.indirect.scatter.add.f32 [tilespmem:s17], [sflag:$0x5], $0x40, s14, s16, $0xb8;
	[tilespmem:$0x18000] =	vst v63  }
0x4b: {  	s28 =	simm.s32 $0x180  }
0x4c: {  	[tilespmem:s19], [sflag:$0x4] =	stream.indirect.gather [hbm4b:s4+s16], $0x40, s28, s16, $0xb8;
	[tilespmem:$0x18000] =	vst v63  }
0x4d: {  	_ =	swait.ge [sflag:s26], $0x2000  }
0x4e: {  	[sflag:s26] =	ssyncset.done $0x0  }
0x4f: {  	s1 =	simm.s32 $0x2880;
	[sflag:s26] =	ssyncadd.s32 $0xFFFFE000  }
0x50: {  	[spmem:s2] =	stream.indirect.scatter.add.f32 [tilespmem:s18], [sflag:$0x6], $0x40, s1, s16, $0xb8;
	[tilespmem:$0x18000] =	vst v63  }
0x51: {  	_ =	swait.ge [sflag:s21], $0x2000  }
0x52: {  	[sflag:s21] =	ssyncset.done $0x0  }
0x53: {  	s3 =	simm.s32 $0x200;
	[sflag:s21] =	ssyncadd.s32 $0xFFFFE000  }
0x54: {  	[tilespmem:s17], [sflag:$0x1] =	stream.indirect.gather [hbm4b:s4+s16], $0x40, s3, s16, $0xb8;
	[tilespmem:$0x18000] =	vst v63  }
0x55: {  	_ =	swait.ge [sflag:s15], $0x2000  }
0x56: {  	[sflag:s15] =	ssyncset.done $0x0  }
0x57: {  	s28 =	simm.s32 $0x2900;
	[sflag:s15] =	ssyncadd.s32 $0xFFFFE000  }
0x58: {  	[spmem:s2] =	stream.indirect.scatter.add.f32 [tilespmem:s23], [sflag:$0x7], $0x40, s28, s16, $0xb8;
	[tilespmem:$0x18000] =	vst v63  }
0x59: {  	_ =	swait.ge [sflag:s31], $0x2000  }
0x5a: {  	[sflag:s31] =	ssyncset.done $0x0  }
0x5b: {  	s1 =	simm.s32 $0x280;
	[sflag:s31] =	ssyncadd.s32 $0xFFFFE000  }
0x5c: {  	[tilespmem:s18], [sflag:$0x2] =	stream.indirect.gather [hbm4b:s4+s16], $0x40, s1, s16, $0xb8;
	[tilespmem:$0x18000] =	vst v63  }
0x5d: {  	_ =	swait.ge [sflag:s20], $0x2000  }
0x5e: {  	[sflag:s20] =	ssyncset.done $0x0  }
0x5f: {  	s3 =	simm.s32 $0x2980;
	[sflag:s20] =	ssyncadd.s32 $0xFFFFE000  }
0x60: {  	[spmem:s2] =	stream.indirect.scatter.add.f32 [tilespmem:s19], [sflag:$0x8], $0x40, s3, s16, $0xb8;
	[tilespmem:$0x18000] =	vst v63  }
0x61: {  	_ =	swait.ge [sflag:s22], $0x2000  }
0x62: {  	[sflag:s22] =	ssyncset.done $0x0  }
0x63: {  	s28 =	simm.s32 $0x300;
	[sflag:s22] =	ssyncadd.s32 $0xFFFFE000  }
0x64: {  	[tilespmem:s23], [sflag:$0x3] =	stream.indirect.gather [hbm4b:s4+s16], $0x40, s28, s16, $0xb8;
	[tilespmem:$0x18000] =	vst v63  }
0x65: {  	_ =	swait.ge [sflag:s24], $0x2000  }
0x66: {  	[sflag:s24] =	ssyncset.done $0x0  }
0x67: {  	s1 =	simm.s32 $0x2A00;
	[sflag:s24] =	ssyncadd.s32 $0xFFFFE000  }
0x68: {  	[spmem:s2] =	stream.indirect.scatter.add.f32 [tilespmem:s17], [sflag:$0x5], $0x40, s1, s16, $0xb8;
	[tilespmem:$0x18000] =	vst v63  }
0x69: {  	_ =	swait.ge [sflag:s25], $0x2000  }
0x6a: {  	[sflag:s25] =	ssyncset.done $0x0  }
0x6b: {  	s3 =	simm.s32 $0x380;
	[sflag:s25] =	ssyncadd.s32 $0xFFFFE000  }
0x6c: {  	[tilespmem:s19], [sflag:$0x4] =	stream.indirect.gather [hbm4b:s4+s16], $0x40, s3, s16, $0xb8;
	[tilespmem:$0x18000] =	vst v63  }
0x6d: {  	_ =	swait.ge [sflag:s26], $0x2000  }
0x6e: {  	[sflag:s26] =	ssyncset.done $0x0  }
0x6f: {  	s28 =	simm.s32 $0x2A80;
	[sflag:s26] =	ssyncadd.s32 $0xFFFFE000  }
0x70: {  	[spmem:s2] =	stream.indirect.scatter.add.f32 [tilespmem:s18], [sflag:$0x6], $0x40, s28, s16, $0xb8;
	[tilespmem:$0x18000] =	vst v63  }
0x71: {  	_ =	swait.ge [sflag:s21], $0x2000  }
0x72: {  	[sflag:s21] =	ssyncset.done $0x0  }
0x73: {  	s1 =	simm.s32 $0x400;
	[sflag:s21] =	ssyncadd.s32 $0xFFFFE000  }
0x74: {  	[tilespmem:s17], [sflag:$0x1] =	stream.indirect.gather [hbm4b:s4+s16], $0x40, s1, s16, $0xb8;
	[tilespmem:$0x18000] =	vst v63  }
0x75: {  	_ =	swait.ge [sflag:s15], $0x2000  }
0x76: {  	[sflag:s15] =	ssyncset.done $0x0  }
0x77: {  	s3 =	simm.s32 $0x2B00;
	[sflag:s15] =	ssyncadd.s32 $0xFFFFE000  }
0x78: {  	[spmem:s2] =	stream.indirect.scatter.add.f32 [tilespmem:s23], [sflag:$0x7], $0x40, s3, s16, $0xb8;
	[tilespmem:$0x18000] =	vst v63  }
0x79: {  	_ =	swait.ge [sflag:s31], $0x2000  }
0x7a: {  	[sflag:s31] =	ssyncset.done $0x0  }
0x7b: {  	s28 =	simm.s32 $0x480;
	[sflag:s31] =	ssyncadd.s32 $0xFFFFE000  }
0x7c: {  	[tilespmem:s18], [sflag:$0x2] =	stream.indirect.gather [hbm4b:s4+s16], $0x40, s28, s16, $0xb8;
	[tilespmem:$0x18000] =	vst v63  }
0x7d: {  	_ =	swait.ge [sflag:s20], $0x2000  }
0x7e: {  	[sflag:s20] =	ssyncset.done $0x0  }
0x7f: {  	s0 =	simm.s32 $0x800;
	s1 =	simm.s32 $0x2B80;
	[sflag:s20] =	ssyncadd.s32 $0xFFFFE000  }
.LBB2_4:
0x80: {  	[spmem:s2] =	stream.indirect.scatter.add.f32 [tilespmem:s19], [sflag:$0x8], $0x40, s1, s16, $0xb8;
	[tilespmem:$0x18000] =	vst v63  }
0x81: {  	s1 =	smov.u32 s0  }
0x82: {  	p0 =	sne.s32 s0, $0x8800;
	s0 =	sadd.s32 $0x800, s0;
	_ =	swait.ge [sflag:s22], $0x2000  }
0x83: {  	s1 =	sshra.s32 s1, $0x2;
	[sflag:s22] =	ssyncset.done $0x0  }
0x84: {  	s3 =	sadd.s32 $0x300, s1;
	[sflag:s22] =	ssyncadd.s32 $0xFFFFE000  }
0x85: {  	[tilespmem:s23], [sflag:$0x3] =	stream.indirect.gather [hbm4b:s4+s16], $0x40, s3, s16, $0xb8;
	[tilespmem:$0x18000] =	vst v63  }
0x86: {  	_ =	swait.ge [sflag:s24], $0x2000  }
0x87: {  	[sflag:s24] =	ssyncset.done $0x0  }
0x88: {  	s3 =	sadd.s32 $0x2A00, s1;
	[sflag:s24] =	ssyncadd.s32 $0xFFFFE000  }
0x89: {  	[spmem:s2] =	stream.indirect.scatter.add.f32 [tilespmem:s17], [sflag:$0x5], $0x40, s3, s16, $0xb8;
	[tilespmem:$0x18000] =	vst v63  }
0x8a: {  	_ =	swait.ge [sflag:s25], $0x2000  }
0x8b: {  	[sflag:s25] =	ssyncset.done $0x0  }
0x8c: {  	s3 =	sadd.s32 $0x380, s1;
	[sflag:s25] =	ssyncadd.s32 $0xFFFFE000  }
0x8d: {  	[tilespmem:s19], [sflag:$0x4] =	stream.indirect.gather [hbm4b:s4+s16], $0x40, s3, s16, $0xb8;
	[tilespmem:$0x18000] =	vst v63  }
0x8e: {  	_ =	swait.ge [sflag:s26], $0x2000  }
0x8f: {  	[sflag:s26] =	ssyncset.done $0x0  }
0x90: {  	s3 =	sadd.s32 $0x2A80, s1;
	[sflag:s26] =	ssyncadd.s32 $0xFFFFE000  }
0x91: {  	[spmem:s2] =	stream.indirect.scatter.add.f32 [tilespmem:s18], [sflag:$0x6], $0x40, s3, s16, $0xb8;
	[tilespmem:$0x18000] =	vst v63  }
0x92: {  	_ =	swait.ge [sflag:s21], $0x2000  }
0x93: {  	[sflag:s21] =	ssyncset.done $0x0  }
0x94: {  	s3 =	sadd.s32 $0x400, s1;
	[sflag:s21] =	ssyncadd.s32 $0xFFFFE000  }
0x95: {  	[tilespmem:s17], [sflag:$0x1] =	stream.indirect.gather [hbm4b:s4+s16], $0x40, s3, s16, $0xb8;
	[tilespmem:$0x18000] =	vst v63  }
0x96: {  	_ =	swait.ge [sflag:s15], $0x2000  }
0x97: {  	[sflag:s15] =	ssyncset.done $0x0  }
0x98: {  	s3 =	sadd.s32 $0x2B00, s1;
	[sflag:s15] =	ssyncadd.s32 $0xFFFFE000  }
0x99: {  	[spmem:s2] =	stream.indirect.scatter.add.f32 [tilespmem:s23], [sflag:$0x7], $0x40, s3, s16, $0xb8;
	[tilespmem:$0x18000] =	vst v63  }
0x9a: {  	_ =	swait.ge [sflag:s31], $0x2000  }
0x9b: {  	[sflag:s31] =	ssyncset.done $0x0  }
.Ltmp1:
0x9c: {  	s3 =	sadd.s32 $0x480, s1;
	[sflag:s31] =	ssyncadd.s32 $0xFFFFE000;
	(pc) =	sbr.rel @p0 .LBB2_4-.Ltmp1, $4  }
0x9d: {  	[tilespmem:s18], [sflag:$0x2] =	stream.indirect.gather [hbm4b:s4+s16], $0x40, s3, s16, $0xb8;
	[tilespmem:$0x18000] =	vst v63  }
0x9e: {  	_ =	swait.ge [sflag:s20], $0x2000  }
0x9f: {  	[sflag:s20] =	ssyncset.done $0x0  }
0xa0: {  	s1 =	sadd.s32 $0x2B80, s1;
	[sflag:s20] =	ssyncadd.s32 $0xFFFFE000  }
0xa1: {  	[spmem:s2] =	stream.indirect.scatter.add.f32 [tilespmem:s19], [sflag:$0x8], $0x40, s1, s16, $0xb8;
	[tilespmem:$0x18000] =	vst v63  }
0xa2: {  	_ =	swait.ge [sflag:s22], $0x2000  }
0xa3: {  	[sflag:s22] =	ssyncset.done $0x0  }
0xa4: {  	s0 =	simm.s32 $0x2700;
	[sflag:s22] =	ssyncadd.s32 $0xFFFFE000  }
0xa5: {  	[tilespmem:s23], [sflag:$0x3] =	stream.indirect.gather [hbm4b:s4+s16], $0x40, s0, s16, $0xb8;
	[tilespmem:$0x18000] =	vst v63  }
0xa6: {  	_ =	swait.ge [sflag:s24], $0x2000  }
0xa7: {  	[sflag:s24] =	ssyncset.done $0x0  }
0xa8: {  	s28 =	simm.s32 $0x4E00;
	[sflag:s24] =	ssyncadd.s32 $0xFFFFE000  }
0xa9: {  	[spmem:s2] =	stream.indirect.scatter.add.f32 [tilespmem:s17], [sflag:$0x5], $0x40, s28, s16, $0xb8;
	[tilespmem:$0x18000] =	vst v63  }
0xaa: {  	_ =	swait.ge [sflag:s25], $0x2000  }
0xab: {  	[sflag:s25] =	ssyncset.done $0x0  }
0xac: {  	s1 =	simm.s32 $0x2780;
	[sflag:s25] =	ssyncadd.s32 $0xFFFFE000  }
0xad: {  	[tilespmem:s19], [sflag:$0x4] =	stream.indirect.gather [hbm4b:s4+s16], $0x40, s1, s16, $0xb8;
	[tilespmem:$0x18000] =	vst v63  }
0xae: {  	_ =	swait.ge [sflag:s26], $0x2000  }
0xaf: {  	[sflag:s26] =	ssyncset.done $0x0  }
0xb0: {  	s3 =	simm.s32 $0x4E80;
	[sflag:s26] =	ssyncadd.s32 $0xFFFFE000  }
0xb1: {  	[spmem:s2] =	stream.indirect.scatter.add.f32 [tilespmem:s18], [sflag:$0x6], $0x40, s3, s16, $0xb8;
	[tilespmem:$0x18000] =	vst v63  }
0xb2: {  	_ =	swait.ge [sflag:s15], $0x2000  }
0xb3: {  	[sflag:s15] =	ssyncset.done $0x0  }
0xb4: {  	s28 =	simm.s32 $0x4F00;
	[sflag:s15] =	ssyncadd.s32 $0xFFFFE000  }
0xb5: {  	[spmem:s2] =	stream.indirect.scatter.add.f32 [tilespmem:s23], [sflag:$0x7], $0x40, s28, s16, $0xb8;
	[tilespmem:$0x18000] =	vst v63  }
0xb6: {  	_ =	swait.ge [sflag:s20], $0x2000  }
0xb7: {  	[sflag:s20] =	ssyncset.done $0x0  }
0xb8: {  	s1 =	simm.s32 $0x4F80;
	[sflag:s20] =	ssyncadd.s32 $0xFFFFE000  }
0xb9: {  	[spmem:s2] =	stream.indirect.scatter.add.f32 [tilespmem:s19], [sflag:$0x8], $0x40, s1, s16, $0xb8;
	[tilespmem:$0x18000] =	vst v63  }
0xba: {  	_ =	swait.ge [sflag:s21], $0x2000  }
0xbb: {  	[sflag:s21] =	ssyncset.done $0x0  }
0xbc: {  	[sflag:s21] =	ssyncadd.s32 $0xFFFFE000  }
0xbd: {  	_ =	swait.ge [sflag:s31], $0x2000  }
0xbe: {  	[sflag:s31] =	ssyncset.done $0x0  }
0xbf: {  	[sflag:s31] =	ssyncadd.s32 $0xFFFFE000  }
0xc0: {  	_ =	swait.ge [sflag:s22], $0x2000  }
0xc1: {  	[sflag:s22] =	ssyncset.done $0x0  }
0xc2: {  	[sflag:s22] =	ssyncadd.s32 $0xFFFFE000  }
0xc3: {  	s3 =	stileid.u32;
	_ =	swait.ge [sflag:s25], $0x2000  }
0xc4: {  	s30 =	sadd.s32 $0x1, s30;
	s0 =	sshll.u32 s3, $0x6;
	[sflag:s25] =	ssyncset.done $0x0  }
0xc5: {  	p0 =	sne.s32 s30, s13;
	s0 =	sor.u32 $0x1C09, s0;
	[sflag:s25] =	ssyncadd.s32 $0xFFFFE000  }
.Ltmp2:
0xc6: {  	s28 =	sshrl.u32 s7, $0x3;
	[bflag:$0x0] =	sbarrier.arrive $0xFFFF;
	(pc) =	sbr.rel @p0 .LBB2_1-.Ltmp2, $4  }
0xc7: {  	[hbm:s12], [sflag:s0] =	dma.local [spmem:s28], $0x1400  }
0xc8: {  	_ =	swait.ge [sflag:s29], $0x1400  }
0xc9: {  	[sflag:s29] =	ssyncset.done $0x0  }
0xca: {  	[sflag:s29] =	ssyncadd.s32 $0xFFFFEC00  }
0xcb: {  	_ =	sfence.sel $0x180000  }
0xcc: {  	[bflag:$0x0] =	sbarrier.arrive $0xFFFF  }
0xcd: {  	_ =	strace $0x9000004A  }
0xce: {  	s0 =	stileid.u32;
	[bflag:$0x2] =	sbarrier.arrive $0xFFFF  }
0xcf: {  	p0 =	sne.s32 s0, $0x0;
	s0 =	rddreg [dreg:$0x3]  }
0xd0: {  	s0 =	sadd.s32 @!p0 $0x100000, s0  }
0xd1: {  	[sflag:s0] =	ssyncadd.tile.s32 @!p0 $0x1;
	_ =	shalt  }
.Lfunc_end2:
_tile_overlayer_lowered:
.L_overlay_start_2:
0xd2: {  	(tag) =	ssettag $0x2  }
0xd3: {  	s0 =	rddreg [dreg:$0x0];
	s2 =	stileid.u32  }
0xd4: {  	s1 =	rddreg [dreg:$0x1];
	p0 =	sne.s32 s2, $0x0  }
0xd5: {  	s3 =	rddreg [dreg:$0x2];
	[bflag:$0x3] =	sbarrier.arrive $0xFFFF;
	s2 =	simm.s32 @!p0 $0x1C09  }
0xd6: {  	[timem:s3], [sflag:s2] =	dma.local @!p0 [hbm:s0], s1  }
0xd7: {  	s0 =	simm.s32 @!p0 $0x9  }
0xd8: {  	_ =	swait.ge @!p0 [sflag:s0], s1  }
0xd9: {  	s1 =	ssub.s32 @!p0 $0x0, s1;
	[sflag:s0] =	ssyncset.done @!p0 $0x0  }
0xda: {  	[sflag:s0] =	ssyncadd.s32 @!p0 s1  }
0xdb: {  	[bflag:$0x3] =	sbarrier.arrive $0xFFFF  }
0xdc: {  	_ =	shalt  }

</sc_bundles>
